<compile_context>
chip_gen: v7x
topology: tpu7x:2x2x1
jax: 0.10.2.dev20260603
libtpu: 0.0.44.dev20260713+nightly
codegen_flags: <defaults>
</compile_context>

<pallas_src>
import functools

import jax
import jax.numpy as jnp
from jax import lax
from jax.experimental import pallas as pl
from jax.experimental.pallas import tpu as pltpu
from jax.experimental.pallas import tpu_sc as plsc

N = 128
D = 32768
L = 16
NC = 2
NS = 16
NW = NC * NS
RPW = N // NW
NV = D // L
NEG = -3.0e38
TCAP = 256

_f32 = jnp.float32
_i32 = jnp.int32


def _wid():
    return lax.axis_index("s") * NC + lax.axis_index("c")


def _negvec():
    return jnp.full((L,), NEG, _f32)


def _collect(row_v, cand_v, thr):
    def body(i, off):
        v = row_v[pl.ds(i * L, L)]
        mask = v > thr
        plsc.store_compressed(cand_v.at[pl.ds(off, L)], v, mask=mask)
        return off + jnp.sum(mask.astype(_i32))
    c = lax.fori_loop(0, NV, body, _i32(0))
    cand_v[pl.ds(c, L)] = _negvec()
    return c


def _sweep_max(cand_v, c):
    nvv = lax.shift_right_arithmetic(c + (L - 1), 4)
    def body(i, a):
        return jnp.maximum(a, cand_v[pl.ds(i * L, L)])
    a = lax.fori_loop(0, nvv, body, _negvec())
    return jnp.max(a)


def _sweep_count_remove(cand_v, c, vs):
    nvv = lax.shift_right_arithmetic(c + (L - 1), 4)
    def body(i, mu):
        v = cand_v[pl.ds(i * L, L)]
        eq = v == vs
        cand_v[pl.ds(i * L, L)] = jnp.where(eq, _negvec(), v)
        return mu + jnp.sum(eq.astype(_i32))
    return lax.fori_loop(0, nvv, body, _i32(0))


def _stage1_body(x_hbm, tgt_hbm, tau_hbm, k_hbm, m_hbm, xt_hbm,
                 row_v, cand_v, tgt_v, tau_s, k_s, m_s, xt_s):
    w = _wid()
    pltpu.sync_copy(tgt_hbm, tgt_v)
    lane = lax.iota(_i32, L)
    tau_acc = jnp.zeros((L,), _f32)
    k_acc = jnp.full((L,), 1, _i32)
    m_acc = jnp.zeros((L,), _f32)
    xt_acc = jnp.zeros((L,), _f32)
    for j in range(RPW):
        row = RPW * w + j
        pltpu.sync_copy(x_hbm.at[row], row_v)
        U = 4
        def maxbody(i, accs):
            base = i * (L * U)
            return tuple(
                jnp.maximum(accs[u], row_v[pl.ds(base + u * L, L)])
                for u in range(U))
        accs = lax.fori_loop(0, NV // U, maxbody,
                             tuple(_negvec() for _ in range(U)))
        acc = accs[0]
        for u in range(1, U):
            acc = jnp.maximum(acc, accs[u])
        mrow = jnp.max(acc)
        c = _collect(row_v, cand_v, mrow - _f32(1.03125))
        def ext_cond(st):
            return st[3] == 0
        def ext_body(st):
            m0, s, k, done = st
            vs = _sweep_max(cand_v, c)
            mu = _sweep_count_remove(cand_v, c, vs)
            in_sup = ((m0 + 1).astype(_f32) * vs) > ((s + vs) - _f32(1.0))
            new_m0 = jnp.where(in_sup, m0 + mu, m0)
            new_s = jnp.where(in_sup, s + mu.astype(_f32) * vs, s)
            exhausted = (new_m0 >= c).astype(_i32)
            new_done = jnp.where(in_sup, exhausted, _i32(1))
            new_k = jnp.where(in_sup, new_m0, m0)
            return (new_m0, new_s, new_k, new_done)
        _, s, k, _ = lax.while_loop(
            ext_cond, ext_body, (_i32(0), _f32(0.0), _i32(1), _i32(0)))
        trow = jnp.max(plsc.load_gather(tgt_v, [jnp.full((L,), row, _i32)]))
        xtv = jnp.max(plsc.load_gather(row_v, [jnp.full((L,), trow, _i32)]))
        sel = lane == j
        tau_acc = jnp.where(sel, jnp.full((L,), s, _f32), tau_acc)
        k_acc = jnp.where(sel, jnp.full((L,), k, _i32), k_acc)
        m_acc = jnp.where(sel, jnp.full((L,), mrow, _f32), m_acc)
        xt_acc = jnp.where(sel, jnp.full((L,), xtv, _f32), xt_acc)
    tau_s[...] = tau_acc
    k_s[...] = k_acc
    m_s[...] = m_acc
    xt_s[...] = xt_acc
    pltpu.sync_copy(tau_s, tau_hbm.at[w])
    pltpu.sync_copy(k_s, k_hbm.at[w])
    pltpu.sync_copy(m_s, m_hbm.at[w])
    pltpu.sync_copy(xt_s, xt_hbm.at[w])


def _stage2_body(x_hbm, k_hbm, m_hbm, sq_hbm,
                 row_v, cand_v, kk_v, m8_v, sq_v):
    w = _wid()
    pltpu.sync_copy(k_hbm, kk_v)
    pltpu.sync_copy(m_hbm.at[w], m8_v)
    def tmax(i, a):
        return jnp.maximum(a, kk_v[i])
    tacc = lax.fori_loop(0, NW, tmax, jnp.full((L,), 1, _i32))
    tmaxk = jnp.minimum(jnp.max(tacc), _i32(TCAP))
    for j in range(RPW):
        row = RPW * w + j
        pltpu.sync_copy(x_hbm.at[row], row_v)
        mrow = jnp.max(plsc.load_gather(m8_v, [jnp.full((L,), j, _i32)]))
        c0 = _collect(row_v, cand_v, mrow - _f32(1.03125))
        def coll_cond(st):
            return st[1] < tmaxk
        def coll_body(st):
            delta, _ = st
            nd = jnp.where(delta < _f32(16.0), delta * _f32(1.5),
                           delta * _f32(256.0))
            return (nd, _collect(row_v, cand_v, mrow - nd))
        _, c = lax.while_loop(coll_cond, coll_body, (_f32(1.03125), c0))
        for b in range(TCAP // L):
            sq_v[pl.ds(b * L, L)] = jnp.zeros((L,), _f32)
        iota = lax.iota(_i32, L)
        def ext_cond(st):
            return st[2] == 0
        def ext_body(st):
            m0, s2, done = st
            vs = _sweep_max(cand_v, c)
            mu = _sweep_count_remove(cand_v, c, vs)
            vs2 = vs * vs
            lim = jnp.minimum(m0 + mu, tmaxk)
            nb = lax.shift_right_arithmetic(mu + (L - 1), 4)
            def fill(b, carry):
                idx = m0 + b * L + iota
                mask = idx < lim
                vals = s2 + (idx - m0 + 1).astype(_f32) * vs2
                plsc.store_scatter(sq_v, [idx], vals, mask=mask)
                return carry
            lax.fori_loop(0, nb, fill, _i32(0))
            new_m0 = m0 + mu
            new_s2 = s2 + mu.astype(_f32) * vs2
            return (new_m0, new_s2, (new_m0 >= tmaxk).astype(_i32))
        lax.while_loop(ext_cond, ext_body, (_i32(0), _f32(0.0), _i32(0)))
        pltpu.sync_copy(sq_v, sq_hbm.at[row])


@functools.cache
def _build_stage1():
    mesh = plsc.VectorSubcoreMesh(core_axis_name="c", subcore_axis_name="s")
    return pl.kernel(
        _stage1_body,
        out_type=(
            jax.ShapeDtypeStruct((NW, L), _f32),
            jax.ShapeDtypeStruct((NW, L), _i32),
            jax.ShapeDtypeStruct((NW, L), _f32),
            jax.ShapeDtypeStruct((NW, L), _f32),
        ),
        mesh=mesh,
        compiler_params=pltpu.CompilerParams(needs_layout_passes=False),
        scratch_types=[
            pltpu.VMEM((D,), _f32),
            pltpu.VMEM((D + L,), _f32),
            pltpu.VMEM((N,), _i32),
            pltpu.VMEM((L,), _f32),
            pltpu.VMEM((L,), _i32),
            pltpu.VMEM((L,), _f32),
            pltpu.VMEM((L,), _f32),
        ],
    )


@functools.cache
def _build_stage2():
    mesh = plsc.VectorSubcoreMesh(core_axis_name="c", subcore_axis_name="s")
    return pl.kernel(
        _stage2_body,
        out_type=jax.ShapeDtypeStruct((N, TCAP), _f32),
        mesh=mesh,
        compiler_params=pltpu.CompilerParams(needs_layout_passes=False),
        scratch_types=[
            pltpu.VMEM((D,), _f32),
            pltpu.VMEM((D + L,), _f32),
            pltpu.VMEM((NW, L), _i32),
            pltpu.VMEM((L,), _f32),
            pltpu.VMEM((TCAP,), _f32),
        ],
    )


def _combine_body(sq_ref, k_ref, s_ref, xt_ref, o_ref):
    sq = sq_ref[...]
    csum = jnp.sum(sq, axis=0)
    k = k_ref[...]
    kf = k.astype(_f32)
    tau = (s_ref[...] - _f32(1.0)) / kf
    xt = xt_ref[...]
    onehot = lax.broadcasted_iota(_i32, (N, TCAP), 1) == (k - 1)
    g = jnp.sum(jnp.where(onehot, csum[None, :], _f32(0.0)), axis=1,
                keepdims=True)
    term = g - _f32(float(N)) * tau * tau * kf
    o_ref[...] = -xt + (_f32(1.0) + term) * _f32(0.5)


@functools.cache
def _build_combine():
    return pl.pallas_call(
        _combine_body,
        out_shape=jax.ShapeDtypeStruct((N, 1), _f32),
    )


def kernel(X, target, proj_args):
    s8, k8, m8, xt8 = _build_stage1()(X, target)
    sqcs = _build_stage2()(X, k8, m8)
    s = s8[:, :RPW].reshape(N, 1)
    k = k8[:, :RPW].reshape(N, 1)
    xt = xt8[:, :RPW].reshape(N, 1)
    loss = _build_combine()(sqcs, k, s, xt)
    return loss.reshape(N)

# --- scband reference (transcript-rebuilt; emitter-appended) ---
"""Pipeline reference for scband-sparsemax-loss-function-31782757991057 (READ-ONLY COPY).

The authoritative reference and input builder live on the scoring server;
editing this copy changes nothing except your own understanding.
"""

import jax, jax.numpy as jnp
import numpy as np


def _threshold_and_support(X):
    # full descending sort (k=None path in the torch code)
    topk = jnp.sort(X, axis=1)[:, ::-1]
    topk_cumsum = jnp.cumsum(topk, axis=1) - 1.0
    d = X.shape[1]
    rhos = jnp.arange(1, d + 1, dtype=X.dtype)[None, :]
    support = rhos * topk > topk_cumsum
    support_size = jnp.sum(support, axis=1, keepdims=True).astype(jnp.int32)
    tau = jnp.take_along_axis(topk_cumsum, support_size - 1, axis=1)
    tau = tau / support_size.astype(X.dtype)
    return tau, support_size


def setup_inputs(seed: int = 0) -> dict:
    key = jax.random.key(seed)
    k1, k2 = jax.random.split(key)
    n, num_classes = 128, 32768
    X = jax.random.normal(k1, (n, num_classes), dtype=jnp.float32)
    target = jax.random.randint(k2, (n,), 0, num_classes, dtype=jnp.int32)
    return {"X": X, "target": target, "proj_args": 0}


def reference(X, target, proj_args):
    n = X.shape[0]
    # cumsum of squared sorted (descending) values
    cs = jnp.sort(X, axis=1)[:, ::-1]
    cs = jnp.cumsum(cs ** 2, axis=1)
    tau, supp = _threshold_and_support(X)
    idx = jnp.arange(n)
    # faithful to torch advanced indexing: idx (n,) broadcast with supp-1 (n,1) -> (n,n)
    gathered = cs[idx, supp - 1]
    term = jnp.sum(gathered - (tau ** 2) * supp.astype(X.dtype), axis=1)
    loss = -X[idx, target] + (1.0 + term) / 2.0
    return loss

if __name__ == "__main__":
    import jax
    _d = setup_inputs()
    print(jax.jit(kernel)(*tuple(_d.values())))

</pallas_src>

<mosaic_0001>
#map = affine_map<(d0, d1) -> (0, 0)>
#map1 = affine_map<(d0, d1) -> (0)>
module attributes {stable_mosaic.version = 14 : i64} {
  func.func @_stage1_body(%arg0: i32, %arg1: i32, %arg2: memref<128x32768xf32, #tpu.memory_space<hbm>>, %arg3: memref<128xi32, #tpu.memory_space<hbm>>, %arg4: memref<32x16xf32, #tpu.memory_space<hbm>>, %arg5: memref<32x16xi32, #tpu.memory_space<hbm>>, %arg6: memref<32x16xf32, #tpu.memory_space<hbm>>, %arg7: memref<32x16xf32, #tpu.memory_space<hbm>>, %arg8: memref<32768xf32, #tpu.memory_space<vmem>>, %arg9: memref<32784xf32, #tpu.memory_space<vmem>>, %arg10: memref<128xi32, #tpu.memory_space<vmem>>, %arg11: memref<16xf32, #tpu.memory_space<vmem>>, %arg12: memref<16xi32, #tpu.memory_space<vmem>>, %arg13: memref<16xf32, #tpu.memory_space<vmem>>, %arg14: memref<16xf32, #tpu.memory_space<vmem>>) attributes {dimension_semantics = [#tpu.dimension_semantics<core_parallel>, #tpu.dimension_semantics<subcore_parallel>], iteration_bounds = array<i64: 2, 16>, scalar_prefetch = 0 : i64, scratch_operands = 7 : i64, tpu.core_type = #tpu.core_type<sc_vector_subcore>, window_params = [{transform_indices = #map}, {transform_indices = #map1}, {transform_indices = #map}, {transform_indices = #map}, {transform_indices = #map}, {transform_indices = #map}]} {
    %mul3A = arith.constant 2 : i32
    %mul3A_0 = arith.muli %arg1, %mul3A : i32
    %add3A = arith.addi %mul3A_0, %arg0 : i32
    "tpu.region"() ({
      %run_scoped3A = tpu.sem_alloc : memref<!tpu.dma_semaphore, #tpu.memory_space<semaphore_mem>>
      tpu.enqueue_dma source(%arg3 : memref<128xi32, #tpu.memory_space<hbm>>) target(%arg10 : memref<128xi32, #tpu.memory_space<vmem>>) target_semaphore(%run_scoped3A : memref<!tpu.dma_semaphore, #tpu.memory_space<semaphore_mem>>)
      tpu.wait_dma2 semaphore(%run_scoped3A : memref<!tpu.dma_semaphore, #tpu.memory_space<semaphore_mem>>) src(%arg3 : memref<128xi32, #tpu.memory_space<hbm>>) dst(%arg10 : memref<128xi32, #tpu.memory_space<vmem>>)
      tpu.yield
    }) : () -> ()
    %iota3A = tpu.iota {dimensions = array<i32: 0>} : vector<16xi32>
    %broadcast_in_dim3A = arith.constant 0.000000e+00 : f32
    %broadcast_in_dim3A_1 = vector.broadcast %broadcast_in_dim3A : f32 to vector<16xf32>
    %broadcast_in_dim3A_2 = arith.constant 1 : i32
    %broadcast_in_dim3A_3 = vector.broadcast %broadcast_in_dim3A_2 : i32 to vector<16xi32>
    %broadcast_in_dim3A_4 = arith.constant 0.000000e+00 : f32
    %broadcast_in_dim3A_5 = vector.broadcast %broadcast_in_dim3A_4 : f32 to vector<16xf32>
    %broadcast_in_dim3A_6 = arith.constant 0.000000e+00 : f32
    %broadcast_in_dim3A_7 = vector.broadcast %broadcast_in_dim3A_6 : f32 to vector<16xf32>
    %mul3A_8 = arith.constant 4 : i32
    %mul3A_9 = arith.muli %mul3A_8, %add3A : i32
    %add3A_10 = arith.constant 0 : i32
    %add3A_11 = arith.addi %mul3A_9, %add3A_10 : i32
    "tpu.region"() ({
      %run_scoped3A = tpu.sem_alloc : memref<!tpu.dma_semaphore, #tpu.memory_space<semaphore_mem>>
      %dma_start3A = arith.constant 0 : i32
      %dma_start3A_287 = tpu.memref_slice %arg2[%add3A_11, %dma_start3A] : memref<128x32768xf32, #tpu.memory_space<hbm>> -> memref<1x32768xf32, #tpu.memory_space<hbm>>
      %dma_start3A_288 = tpu.memref_squeeze %dma_start3A_287 : memref<1x32768xf32, #tpu.memory_space<hbm>> -> memref<32768xf32, #tpu.memory_space<hbm>>
      %dma_start3A_289 = arith.constant 0 : i32
      %dma_start3A_290 = tpu.memref_slice %arg2[%add3A_11, %dma_start3A_289] : memref<128x32768xf32, #tpu.memory_space<hbm>> -> memref<1x32768xf32, #tpu.memory_space<hbm>>
      %dma_start3A_291 = tpu.memref_squeeze %dma_start3A_290 : memref<1x32768xf32, #tpu.memory_space<hbm>> -> memref<32768xf32, #tpu.memory_space<hbm>>
      tpu.enqueue_dma source(%dma_start3A_291 : memref<32768xf32, #tpu.memory_space<hbm>>) target(%arg8 : memref<32768xf32, #tpu.memory_space<vmem>>) target_semaphore(%run_scoped3A : memref<!tpu.dma_semaphore, #tpu.memory_space<semaphore_mem>>)
      %dma_wait3A = arith.constant 0 : i32
      %dma_wait3A_292 = tpu.memref_slice %arg2[%add3A_11, %dma_wait3A] : memref<128x32768xf32, #tpu.memory_space<hbm>> -> memref<1x32768xf32, #tpu.memory_space<hbm>>
      %dma_wait3A_293 = tpu.memref_squeeze %dma_wait3A_292 : memref<1x32768xf32, #tpu.memory_space<hbm>> -> memref<32768xf32, #tpu.memory_space<hbm>>
      %dma_wait3A_294 = arith.constant 0 : i32
      %dma_wait3A_295 = tpu.memref_slice %arg2[%add3A_11, %dma_wait3A_294] : memref<128x32768xf32, #tpu.memory_space<hbm>> -> memref<1x32768xf32, #tpu.memory_space<hbm>>
      %dma_wait3A_296 = tpu.memref_squeeze %dma_wait3A_295 : memref<1x32768xf32, #tpu.memory_space<hbm>> -> memref<32768xf32, #tpu.memory_space<hbm>>
      tpu.wait_dma2 semaphore(%run_scoped3A : memref<!tpu.dma_semaphore, #tpu.memory_space<semaphore_mem>>) src(%dma_wait3A_296 : memref<32768xf32, #tpu.memory_space<hbm>>) dst(%arg8 : memref<32768xf32, #tpu.memory_space<vmem>>)
      tpu.yield
    }) : () -> ()
    %broadcast_in_dim3A_12 = arith.constant -3.000000e+38 : f32
    %broadcast_in_dim3A_13 = vector.broadcast %broadcast_in_dim3A_12 : f32 to vector<16xf32>
    %broadcast_in_dim3A_14 = arith.constant -3.000000e+38 : f32
    %broadcast_in_dim3A_15 = vector.broadcast %broadcast_in_dim3A_14 : f32 to vector<16xf32>
    %broadcast_in_dim3A_16 = arith.constant -3.000000e+38 : f32
    %broadcast_in_dim3A_17 = vector.broadcast %broadcast_in_dim3A_16 : f32 to vector<16xf32>
    %broadcast_in_dim3A_18 = arith.constant -3.000000e+38 : f32
    %broadcast_in_dim3A_19 = vector.broadcast %broadcast_in_dim3A_18 : f32 to vector<16xf32>
    %scan3A = arith.constant 0 : i32
    %scan3A_20 = arith.constant 512 : i32
    %scan3A_21 = arith.addi %scan3A, %scan3A_20 : i32
    %scan3A_22 = arith.constant 1 : i32
    %scan3A_23:4 = scf.for %scan3A_287 = %scan3A to %scan3A_21 step %scan3A_22 iter_args(%scan3A_288 = %broadcast_in_dim3A_13, %scan3A_289 = %broadcast_in_dim3A_15, %scan3A_290 = %broadcast_in_dim3A_17, %scan3A_291 = %broadcast_in_dim3A_19) -> (vector<16xf32>, vector<16xf32>, vector<16xf32>, vector<16xf32>)  : i32 {
      %mul3A_292 = arith.constant 64 : i32
      %mul3A_293 = arith.muli %scan3A_287, %mul3A_292 : i32
      %add3A_294 = arith.constant 0 : i32
      %add3A_295 = arith.addi %mul3A_293, %add3A_294 : i32
      %get3A = arith.index_cast %add3A_295 : i32 to index
      %get3A_296 = tpu.vector_load %arg8[%get3A] {strides = array<i32>} : memref<32768xf32, #tpu.memory_space<vmem>>, vector<16xf32>,
      %max3A_297 = arith.maximumf %scan3A_288, %get3A_296 : vector<16xf32>
      %add3A_298 = arith.constant 16 : i32
      %add3A_299 = arith.addi %mul3A_293, %add3A_298 : i32
      %get3A_300 = arith.index_cast %add3A_299 : i32 to index
      %get3A_301 = tpu.vector_load %arg8[%get3A_300] {strides = array<i32>} : memref<32768xf32, #tpu.memory_space<vmem>>, vector<16xf32>,
      %max3A_302 = arith.maximumf %scan3A_289, %get3A_301 : vector<16xf32>
      %add3A_303 = arith.constant 32 : i32
      %add3A_304 = arith.addi %mul3A_293, %add3A_303 : i32
      %get3A_305 = arith.index_cast %add3A_304 : i32 to index
      %get3A_306 = tpu.vector_load %arg8[%get3A_305] {strides = array<i32>} : memref<32768xf32, #tpu.memory_space<vmem>>, vector<16xf32>,
      %max3A_307 = arith.maximumf %scan3A_290, %get3A_306 : vector<16xf32>
      %add3A_308 = arith.constant 48 : i32
      %add3A_309 = arith.addi %mul3A_293, %add3A_308 : i32
      %get3A_310 = arith.index_cast %add3A_309 : i32 to index
      %get3A_311 = tpu.vector_load %arg8[%get3A_310] {strides = array<i32>} : memref<32768xf32, #tpu.memory_space<vmem>>, vector<16xf32>,
      %max3A_312 = arith.maximumf %scan3A_291, %get3A_311 : vector<16xf32>
      scf.yield %max3A_297, %max3A_302, %max3A_307, %max3A_312 : vector<16xf32>, vector<16xf32>, vector<16xf32>, vector<16xf32>
    }
    %scan3A_24 = arith.constant 512 : i32
    %max3A = arith.maximumf %scan3A_23#0, %scan3A_23#1 : vector<16xf32>
    %max3A_25 = arith.maximumf %max3A, %scan3A_23#2 : vector<16xf32>
    %max3A_26 = arith.maximumf %max3A_25, %scan3A_23#3 : vector<16xf32>
    %reduce_max3A = arith.constant true
    %reduce_max3A_27 = vector.broadcast %reduce_max3A : i1 to vector<16xi1>
    %reduce_max3A_28 = tpu.scan <max>, %max3A_26 masked %reduce_max3A_27 : vector<16xf32>, vector<16xi1> -> vector<16xf32>
    %reduce_max3A_29 = vector.extract %reduce_max3A_28[15] : f32 from vector<16xf32>
    %sub3A = arith.constant 1.031250e+00 : f32
    %sub3A_30 = arith.subf %reduce_max3A_29, %sub3A : f32
    %scan3A_31 = arith.constant 0 : i32
    %scan3A_32 = arith.constant 0 : i32
    %scan3A_33 = arith.constant 2048 : i32
    %scan3A_34 = arith.addi %scan3A_32, %scan3A_33 : i32
    %scan3A_35 = arith.constant 1 : i32
    %scan3A_36 = scf.for %scan3A_287 = %scan3A_32 to %scan3A_34 step %scan3A_35 iter_args(%scan3A_288 = %scan3A_31) -> (i32)  : i32 {
      %mul3A_289 = arith.constant 16 : i32
      %mul3A_290 = arith.muli %scan3A_287, %mul3A_289 : i32
      %get3A = arith.index_cast %mul3A_290 : i32 to index
      %get3A_291 = tpu.vector_load %arg8[%get3A] {strides = array<i32>} : memref<32768xf32, #tpu.memory_space<vmem>>, vector<16xf32>,
      %gt3A = vector.broadcast %sub3A_30 : f32 to vector<16xf32>
      %gt3A_292 = arith.cmpf ogt, %get3A_291, %gt3A : vector<16xf32>
      %swap3A_293 = arith.index_cast %scan3A_288 : i32 to index
      %swap3A_294 = tpu.vector_load %arg9[%swap3A_293] masked %gt3A_292 {strides = array<i32>} : memref<32784xf32, #tpu.memory_space<vmem>>, vector<16xf32>, vector<16xi1>
      tpu.vector_store %arg9[%swap3A_293], %get3A_291 masked %gt3A_292 {strides = array<i32>} : memref<32784xf32, #tpu.memory_space<vmem>>, vector<16xf32>, vector<16xi1>
      %convert_element_type3A = arith.extui %gt3A_292 : vector<16xi1> to vector<16xi32>
      %reduce_sum3A = arith.constant true
      %reduce_sum3A_295 = vector.broadcast %reduce_sum3A : i1 to vector<16xi1>
      %reduce_sum3A_296 = tpu.scan <sum>, %convert_element_type3A masked %reduce_sum3A_295 : vector<16xi32>, vector<16xi1> -> vector<16xi32>
      %reduce_sum3A_297 = vector.extract %reduce_sum3A_296[15] : i32 from vector<16xi32>
      %add3A_298 = arith.addi %scan3A_288, %reduce_sum3A_297 : i32
      scf.yield %add3A_298 : i32
    }
    %scan3A_37 = arith.constant 2048 : i32
    %broadcast_in_dim3A_38 = arith.constant -3.000000e+38 : f32
    %broadcast_in_dim3A_39 = vector.broadcast %broadcast_in_dim3A_38 : f32 to vector<16xf32>
    %swap3A = arith.index_cast %scan3A_36 : i32 to index
    %swap3A_40 = tpu.vector_load %arg9[%swap3A] {strides = array<i32>} : memref<32784xf32, #tpu.memory_space<vmem>>, vector<16xf32>,
    tpu.vector_store %arg9[%swap3A], %broadcast_in_dim3A_39 {strides = array<i32>} : memref<32784xf32, #tpu.memory_space<vmem>>, vector<16xf32>,
    %while3A = arith.constant 0 : i32
    %while3A_41 = arith.constant 0.000000e+00 : f32
    %while3A_42 = arith.constant 1 : i32
    %while3A_43 = arith.constant 0 : i32
    %while3A_44:4 = scf.while (%while3A_287 = %while3A, %while3A_288 = %while3A_41, %while3A_289 = %while3A_42, %while3A_290 = %while3A_43) : (i32, f32, i32, i32) -> (i32, f32, i32, i32) {
      %eq3A_291 = arith.constant 0 : i32
      %eq3A_292 = arith.cmpi eq, %while3A_290, %eq3A_291 : i32
      scf.condition(%eq3A_292) %while3A_287, %while3A_288, %while3A_289, %while3A_290 : i32, f32, i32, i32
    } do {
    ^bb0(%while3A_287: i32, %while3A_288: f32, %while3A_289: i32, %while3A_290: i32):
      %add3A_291 = arith.constant 15 : i32
      %add3A_292 = arith.addi %scan3A_36, %add3A_291 : i32
      %shift_right_arithmetic3A = arith.constant 4 : i32
      %shift_right_arithmetic3A_293 = arith.shrsi %add3A_292, %shift_right_arithmetic3A : i32
      %broadcast_in_dim3A_294 = arith.constant -3.000000e+38 : f32
      %broadcast_in_dim3A_295 = vector.broadcast %broadcast_in_dim3A_294 : f32 to vector<16xf32>
      %while3A_296 = arith.constant 0 : i32
      %while3A_297 = arith.subi %shift_right_arithmetic3A_293, %while3A_296 : i32
      %while3A_298 = arith.addi %while3A_296, %while3A_297 : i32
      %while3A_299 = arith.constant 1 : i32
      %while3A_300 = arith.divsi %while3A_297, %while3A_299 : i32
      %while3A_301 = arith.muli %while3A_300, %while3A_299 : i32
      %while3A_302 = arith.addi %while3A_296, %while3A_301 : i32
      %while3A_303 = arith.constant 1 : i32
      %while3A_304 = scf.for %while3A_342 = %while3A_296 to %while3A_302 step %while3A_303 iter_args(%while3A_343 = %broadcast_in_dim3A_295) -> (vector<16xf32>)  : i32 {
        %mul3A_344 = arith.constant 16 : i32
        %mul3A_345 = arith.muli %while3A_342, %mul3A_344 : i32
        %get3A = arith.index_cast %mul3A_345 : i32 to index
        %get3A_346 = tpu.vector_load %arg9[%get3A] {strides = array<i32>} : memref<32784xf32, #tpu.memory_space<vmem>>, vector<16xf32>,
        %max3A_347 = arith.maximumf %while3A_343, %get3A_346 : vector<16xf32>
        scf.yield %max3A_347 : vector<16xf32>
      }
      %while3A_305 = arith.constant 1 : i32
      %while3A_306 = scf.for %while3A_342 = %while3A_302 to %while3A_298 step %while3A_305 iter_args(%while3A_343 = %while3A_304) -> (vector<16xf32>)  : i32 {
        %mul3A_344 = arith.constant 16 : i32
        %mul3A_345 = arith.muli %while3A_342, %mul3A_344 : i32
        %get3A = arith.index_cast %mul3A_345 : i32 to index
        %get3A_346 = tpu.vector_load %arg9[%get3A] {strides = array<i32>} : memref<32784xf32, #tpu.memory_space<vmem>>, vector<16xf32>,
        %max3A_347 = arith.maximumf %while3A_343, %get3A_346 : vector<16xf32>
        scf.yield %max3A_347 : vector<16xf32>
      }
      %reduce_max3A_307 = arith.constant true
      %reduce_max3A_308 = vector.broadcast %reduce_max3A_307 : i1 to vector<16xi1>
      %reduce_max3A_309 = tpu.scan <max>, %while3A_306 masked %reduce_max3A_308 : vector<16xf32>, vector<16xi1> -> vector<16xf32>
      %reduce_max3A_310 = vector.extract %reduce_max3A_309[15] : f32 from vector<16xf32>
      %add3A_311 = arith.constant 15 : i32
      %add3A_312 = arith.addi %scan3A_36, %add3A_311 : i32
      %shift_right_arithmetic3A_313 = arith.constant 4 : i32
      %shift_right_arithmetic3A_314 = arith.shrsi %add3A_312, %shift_right_arithmetic3A_313 : i32
      %while3A_315 = arith.constant 0 : i32
      %while3A_316 = arith.constant 0 : i32
      %while3A_317 = arith.subi %shift_right_arithmetic3A_314, %while3A_315 : i32
      %while3A_318 = arith.addi %while3A_315, %while3A_317 : i32
      %while3A_319 = arith.constant 1 : i32
      %while3A_320 = arith.divsi %while3A_317, %while3A_319 : i32
      %while3A_321 = arith.muli %while3A_320, %while3A_319 : i32
      %while3A_322 = arith.addi %while3A_315, %while3A_321 : i32
      %while3A_323 = arith.constant 1 : i32
      %while3A_324 = scf.for %while3A_342 = %while3A_315 to %while3A_322 step %while3A_323 iter_args(%while3A_343 = %while3A_316) -> (i32)  : i32 {
        %mul3A_344 = arith.constant 16 : i32
        %mul3A_345 = arith.muli %while3A_342, %mul3A_344 : i32
        %get3A = arith.index_cast %mul3A_345 : i32 to index
        %get3A_346 = tpu.vector_load %arg9[%get3A] {strides = array<i32>} : memref<32784xf32, #tpu.memory_space<vmem>>, vector<16xf32>,
        %eq3A_347 = vector.broadcast %reduce_max3A_310 : f32 to vector<16xf32>
        %eq3A_348 = arith.cmpf oeq, %get3A_346, %eq3A_347 : vector<16xf32>
        %broadcast_in_dim3A_349 = arith.constant -3.000000e+38 : f32
        %broadcast_in_dim3A_350 = vector.broadcast %broadcast_in_dim3A_349 : f32 to vector<16xf32>
        %select_n3A_351 = arith.select %eq3A_348, %broadcast_in_dim3A_350, %get3A_346 : vector<16xi1>, vector<16xf32>
        %mul3A_352 = arith.constant 16 : i32
        %mul3A_353 = arith.muli %while3A_342, %mul3A_352 : i32
        %swap3A_354 = arith.index_cast %mul3A_353 : i32 to index
        %swap3A_355 = tpu.vector_load %arg9[%swap3A_354] {strides = array<i32>} : memref<32784xf32, #tpu.memory_space<vmem>>, vector<16xf32>,
        tpu.vector_store %arg9[%swap3A_354], %select_n3A_351 {strides = array<i32>} : memref<32784xf32, #tpu.memory_space<vmem>>, vector<16xf32>,
        %convert_element_type3A_356 = arith.extui %eq3A_348 : vector<16xi1> to vector<16xi32>
        %reduce_sum3A = arith.constant true
        %reduce_sum3A_357 = vector.broadcast %reduce_sum3A : i1 to vector<16xi1>
        %reduce_sum3A_358 = tpu.scan <sum>, %convert_element_type3A_356 masked %reduce_sum3A_357 : vector<16xi32>, vector<16xi1> -> vector<16xi32>
        %reduce_sum3A_359 = vector.extract %reduce_sum3A_358[15] : i32 from vector<16xi32>
        %add3A_360 = arith.addi %while3A_343, %reduce_sum3A_359 : i32
        scf.yield %add3A_360 : i32
      }
      %while3A_325 = arith.constant 1 : i32
      %while3A_326 = scf.for %while3A_342 = %while3A_322 to %while3A_318 step %while3A_325 iter_args(%while3A_343 = %while3A_324) -> (i32)  : i32 {
        %mul3A_344 = arith.constant 16 : i32
        %mul3A_345 = arith.muli %while3A_342, %mul3A_344 : i32
        %get3A = arith.index_cast %mul3A_345 : i32 to index
        %get3A_346 = tpu.vector_load %arg9[%get3A] {strides = array<i32>} : memref<32784xf32, #tpu.memory_space<vmem>>, vector<16xf32>,
        %eq3A_347 = vector.broadcast %reduce_max3A_310 : f32 to vector<16xf32>
        %eq3A_348 = arith.cmpf oeq, %get3A_346, %eq3A_347 : vector<16xf32>
        %broadcast_in_dim3A_349 = arith.constant -3.000000e+38 : f32
        %broadcast_in_dim3A_350 = vector.broadcast %broadcast_in_dim3A_349 : f32 to vector<16xf32>
        %select_n3A_351 = arith.select %eq3A_348, %broadcast_in_dim3A_350, %get3A_346 : vector<16xi1>, vector<16xf32>
        %mul3A_352 = arith.constant 16 : i32
        %mul3A_353 = arith.muli %while3A_342, %mul3A_352 : i32
        %swap3A_354 = arith.index_cast %mul3A_353 : i32 to index
        %swap3A_355 = tpu.vector_load %arg9[%swap3A_354] {strides = array<i32>} : memref<32784xf32, #tpu.memory_space<vmem>>, vector<16xf32>,
        tpu.vector_store %arg9[%swap3A_354], %select_n3A_351 {strides = array<i32>} : memref<32784xf32, #tpu.memory_space<vmem>>, vector<16xf32>,
        %convert_element_type3A_356 = arith.extui %eq3A_348 : vector<16xi1> to vector<16xi32>
        %reduce_sum3A = arith.constant true
        %reduce_sum3A_357 = vector.broadcast %reduce_sum3A : i1 to vector<16xi1>
        %reduce_sum3A_358 = tpu.scan <sum>, %convert_element_type3A_356 masked %reduce_sum3A_357 : vector<16xi32>, vector<16xi1> -> vector<16xi32>
        %reduce_sum3A_359 = vector.extract %reduce_sum3A_358[15] : i32 from vector<16xi32>
        %add3A_360 = arith.addi %while3A_343, %reduce_sum3A_359 : i32
        scf.yield %add3A_360 : i32
      }
      %add3A_327 = arith.constant 1 : i32
      %add3A_328 = arith.addi %while3A_287, %add3A_327 : i32
      %convert_element_type3A = arith.sitofp %add3A_328 : i32 to f32
      %mul3A_329 = arith.mulf %convert_element_type3A, %reduce_max3A_310 : f32
      %add3A_330 = arith.addf %while3A_288, %reduce_max3A_310 : f32
      %sub3A_331 = arith.constant 1.000000e+00 : f32
      %sub3A_332 = arith.subf %add3A_330, %sub3A_331 : f32
      %gt3A = arith.cmpf ogt, %mul3A_329, %sub3A_332 : f32
      %add3A_333 = arith.addi %while3A_287, %while3A_326 : i32
      %select_n3A_334 = arith.select %gt3A, %add3A_333, %while3A_287 : i32
      %convert_element_type3A_335 = arith.sitofp %while3A_326 : i32 to f32
      %mul3A_336 = arith.mulf %convert_element_type3A_335, %reduce_max3A_310 : f32
      %add3A_337 = arith.addf %while3A_288, %mul3A_336 : f32
      %select_n3A_338 = arith.select %gt3A, %add3A_337, %while3A_288 : f32
      %ge3A = arith.cmpi sge, %select_n3A_334, %scan3A_36 : i32
      %convert_element_type3A_339 = arith.extui %ge3A : i1 to i32
      %jit3A = arith.constant 1 : i32
      %select_n3A_340 = arith.select %gt3A, %convert_element_type3A_339, %jit3A : i32
      %select_n3A_341 = arith.select %gt3A, %select_n3A_334, %while3A_287 : i32
      scf.yield %select_n3A_334, %select_n3A_338, %select_n3A_341, %select_n3A_340 : i32, f32, i32, i32
    }
    %broadcast_in_dim3A_45 = vector.broadcast %add3A_11 : i32 to vector<16xi32>
    %gather3A = tpu.vector_load_idx %arg10[%broadcast_in_dim3A_45] : memref<128xi32, #tpu.memory_space<vmem>>[vector<16xi32>], vector<16xi32>,
    %reduce_max3A_46 = arith.constant true
    %reduce_max3A_47 = vector.broadcast %reduce_max3A_46 : i1 to vector<16xi1>
    %reduce_max3A_48 = arith.constant -2147483648 : i32
    %reduce_max3A_49 = vector.broadcast %reduce_max3A_48 : i32 to vector<16xi32>
    %reduce_max3A_50 = arith.xori %gather3A, %reduce_max3A_49 : vector<16xi32>
    %reduce_max3A_51 = tpu.scan <max>, %reduce_max3A_50 masked %reduce_max3A_47 : vector<16xi32>, vector<16xi1> -> vector<16xi32>
    %reduce_max3A_52 = arith.xori %reduce_max3A_51, %reduce_max3A_49 : vector<16xi32>
    %reduce_max3A_53 = vector.extract %reduce_max3A_52[15] : i32 from vector<16xi32>
    %broadcast_in_dim3A_54 = vector.broadcast %reduce_max3A_53 : i32 to vector<16xi32>
    %gather3A_55 = tpu.vector_load_idx %arg8[%broadcast_in_dim3A_54] : memref<32768xf32, #tpu.memory_space<vmem>>[vector<16xi32>], vector<16xf32>,
    %reduce_max3A_56 = arith.constant true
    %reduce_max3A_57 = vector.broadcast %reduce_max3A_56 : i1 to vector<16xi1>
    %reduce_max3A_58 = tpu.scan <max>, %gather3A_55 masked %reduce_max3A_57 : vector<16xf32>, vector<16xi1> -> vector<16xf32>
    %reduce_max3A_59 = vector.extract %reduce_max3A_58[15] : f32 from vector<16xf32>
    %eq3A = arith.constant 0 : i32
    %eq3A_60 = vector.broadcast %eq3A : i32 to vector<16xi32>
    %eq3A_61 = arith.cmpi eq, %iota3A, %eq3A_60 : vector<16xi32>
    %broadcast_in_dim3A_62 = vector.broadcast %while3A_44#1 : f32 to vector<16xf32>
    %select_n3A = arith.select %eq3A_61, %broadcast_in_dim3A_62, %broadcast_in_dim3A_1 : vector<16xi1>, vector<16xf32>
    %broadcast_in_dim3A_63 = vector.broadcast %while3A_44#2 : i32 to vector<16xi32>
    %select_n3A_64 = arith.select %eq3A_61, %broadcast_in_dim3A_63, %broadcast_in_dim3A_3 : vector<16xi1>, vector<16xi32>
    %broadcast_in_dim3A_65 = vector.broadcast %reduce_max3A_29 : f32 to vector<16xf32>
    %select_n3A_66 = arith.select %eq3A_61, %broadcast_in_dim3A_65, %broadcast_in_dim3A_5 : vector<16xi1>, vector<16xf32>
    %broadcast_in_dim3A_67 = vector.broadcast %reduce_max3A_59 : f32 to vector<16xf32>
    %select_n3A_68 = arith.select %eq3A_61, %broadcast_in_dim3A_67, %broadcast_in_dim3A_7 : vector<16xi1>, vector<16xf32>
    %mul3A_69 = arith.constant 4 : i32
    %mul3A_70 = arith.muli %mul3A_69, %add3A : i32
    %add3A_71 = arith.constant 1 : i32
    %add3A_72 = arith.addi %mul3A_70, %add3A_71 : i32
    "tpu.region"() ({
      %run_scoped3A = tpu.sem_alloc : memref<!tpu.dma_semaphore, #tpu.memory_space<semaphore_mem>>
      %dma_start3A = arith.constant 0 : i32
      %dma_start3A_287 = tpu.memref_slice %arg2[%add3A_72, %dma_start3A] : memref<128x32768xf32, #tpu.memory_space<hbm>> -> memref<1x32768xf32, #tpu.memory_space<hbm>>
      %dma_start3A_288 = tpu.memref_squeeze %dma_start3A_287 : memref<1x32768xf32, #tpu.memory_space<hbm>> -> memref<32768xf32, #tpu.memory_space<hbm>>
      %dma_start3A_289 = arith.constant 0 : i32
      %dma_start3A_290 = tpu.memref_slice %arg2[%add3A_72, %dma_start3A_289] : memref<128x32768xf32, #tpu.memory_space<hbm>> -> memref<1x32768xf32, #tpu.memory_space<hbm>>
      %dma_start3A_291 = tpu.memref_squeeze %dma_start3A_290 : memref<1x32768xf32, #tpu.memory_space<hbm>> -> memref<32768xf32, #tpu.memory_space<hbm>>
      tpu.enqueue_dma source(%dma_start3A_291 : memref<32768xf32, #tpu.memory_space<hbm>>) target(%arg8 : memref<32768xf32, #tpu.memory_space<vmem>>) target_semaphore(%run_scoped3A : memref<!tpu.dma_semaphore, #tpu.memory_space<semaphore_mem>>)
      %dma_wait3A = arith.constant 0 : i32
      %dma_wait3A_292 = tpu.memref_slice %arg2[%add3A_72, %dma_wait3A] : memref<128x32768xf32, #tpu.memory_space<hbm>> -> memref<1x32768xf32, #tpu.memory_space<hbm>>
      %dma_wait3A_293 = tpu.memref_squeeze %dma_wait3A_292 : memref<1x32768xf32, #tpu.memory_space<hbm>> -> memref<32768xf32, #tpu.memory_space<hbm>>
      %dma_wait3A_294 = arith.constant 0 : i32
      %dma_wait3A_295 = tpu.memref_slice %arg2[%add3A_72, %dma_wait3A_294] : memref<128x32768xf32, #tpu.memory_space<hbm>> -> memref<1x32768xf32, #tpu.memory_space<hbm>>
      %dma_wait3A_296 = tpu.memref_squeeze %dma_wait3A_295 : memref<1x32768xf32, #tpu.memory_space<hbm>> -> memref<32768xf32, #tpu.memory_space<hbm>>
      tpu.wait_dma2 semaphore(%run_scoped3A : memref<!tpu.dma_semaphore, #tpu.memory_space<semaphore_mem>>) src(%dma_wait3A_296 : memref<32768xf32, #tpu.memory_space<hbm>>) dst(%arg8 : memref<32768xf32, #tpu.memory_space<vmem>>)
      tpu.yield
    }) : () -> ()
    %broadcast_in_dim3A_73 = arith.constant -3.000000e+38 : f32
    %broadcast_in_dim3A_74 = vector.broadcast %broadcast_in_dim3A_73 : f32 to vector<16xf32>
    %broadcast_in_dim3A_75 = arith.constant -3.000000e+38 : f32
    %broadcast_in_dim3A_76 = vector.broadcast %broadcast_in_dim3A_75 : f32 to vector<16xf32>
    %broadcast_in_dim3A_77 = arith.constant -3.000000e+38 : f32
    %broadcast_in_dim3A_78 = vector.broadcast %broadcast_in_dim3A_77 : f32 to vector<16xf32>
    %broadcast_in_dim3A_79 = arith.constant -3.000000e+38 : f32
    %broadcast_in_dim3A_80 = vector.broadcast %broadcast_in_dim3A_79 : f32 to vector<16xf32>
    %scan3A_81 = arith.constant 0 : i32
    %scan3A_82 = arith.constant 512 : i32
    %scan3A_83 = arith.addi %scan3A_81, %scan3A_82 : i32
    %scan3A_84 = arith.constant 1 : i32
    %scan3A_85:4 = scf.for %scan3A_287 = %scan3A_81 to %scan3A_83 step %scan3A_84 iter_args(%scan3A_288 = %broadcast_in_dim3A_74, %scan3A_289 = %broadcast_in_dim3A_76, %scan3A_290 = %broadcast_in_dim3A_78, %scan3A_291 = %broadcast_in_dim3A_80) -> (vector<16xf32>, vector<16xf32>, vector<16xf32>, vector<16xf32>)  : i32 {
      %mul3A_292 = arith.constant 64 : i32
      %mul3A_293 = arith.muli %scan3A_287, %mul3A_292 : i32
      %add3A_294 = arith.constant 0 : i32
      %add3A_295 = arith.addi %mul3A_293, %add3A_294 : i32
      %get3A = arith.index_cast %add3A_295 : i32 to index
      %get3A_296 = tpu.vector_load %arg8[%get3A] {strides = array<i32>} : memref<32768xf32, #tpu.memory_space<vmem>>, vector<16xf32>,
      %max3A_297 = arith.maximumf %scan3A_288, %get3A_296 : vector<16xf32>
      %add3A_298 = arith.constant 16 : i32
      %add3A_299 = arith.addi %mul3A_293, %add3A_298 : i32
      %get3A_300 = arith.index_cast %add3A_299 : i32 to index
      %get3A_301 = tpu.vector_load %arg8[%get3A_300] {strides = array<i32>} : memref<32768xf32, #tpu.memory_space<vmem>>, vector<16xf32>,
      %max3A_302 = arith.maximumf %scan3A_289, %get3A_301 : vector<16xf32>
      %add3A_303 = arith.constant 32 : i32
      %add3A_304 = arith.addi %mul3A_293, %add3A_303 : i32
      %get3A_305 = arith.index_cast %add3A_304 : i32 to index
      %get3A_306 = tpu.vector_load %arg8[%get3A_305] {strides = array<i32>} : memref<32768xf32, #tpu.memory_space<vmem>>, vector<16xf32>,
      %max3A_307 = arith.maximumf %scan3A_290, %get3A_306 : vector<16xf32>
      %add3A_308 = arith.constant 48 : i32
      %add3A_309 = arith.addi %mul3A_293, %add3A_308 : i32
      %get3A_310 = arith.index_cast %add3A_309 : i32 to index
      %get3A_311 = tpu.vector_load %arg8[%get3A_310] {strides = array<i32>} : memref<32768xf32, #tpu.memory_space<vmem>>, vector<16xf32>,
      %max3A_312 = arith.maximumf %scan3A_291, %get3A_311 : vector<16xf32>
      scf.yield %max3A_297, %max3A_302, %max3A_307, %max3A_312 : vector<16xf32>, vector<16xf32>, vector<16xf32>, vector<16xf32>
    }
    %scan3A_86 = arith.constant 512 : i32
    %max3A_87 = arith.maximumf %scan3A_85#0, %scan3A_85#1 : vector<16xf32>
    %max3A_88 = arith.maximumf %max3A_87, %scan3A_85#2 : vector<16xf32>
    %max3A_89 = arith.maximumf %max3A_88, %scan3A_85#3 : vector<16xf32>
    %reduce_max3A_90 = arith.constant true
    %reduce_max3A_91 = vector.broadcast %reduce_max3A_90 : i1 to vector<16xi1>
    %reduce_max3A_92 = tpu.scan <max>, %max3A_89 masked %reduce_max3A_91 : vector<16xf32>, vector<16xi1> -> vector<16xf32>
    %reduce_max3A_93 = vector.extract %reduce_max3A_92[15] : f32 from vector<16xf32>
    %sub3A_94 = arith.constant 1.031250e+00 : f32
    %sub3A_95 = arith.subf %reduce_max3A_93, %sub3A_94 : f32
    %scan3A_96 = arith.constant 0 : i32
    %scan3A_97 = arith.constant 0 : i32
    %scan3A_98 = arith.constant 2048 : i32
    %scan3A_99 = arith.addi %scan3A_97, %scan3A_98 : i32
    %scan3A_100 = arith.constant 1 : i32
    %scan3A_101 = scf.for %scan3A_287 = %scan3A_97 to %scan3A_99 step %scan3A_100 iter_args(%scan3A_288 = %scan3A_96) -> (i32)  : i32 {
      %mul3A_289 = arith.constant 16 : i32
      %mul3A_290 = arith.muli %scan3A_287, %mul3A_289 : i32
      %get3A = arith.index_cast %mul3A_290 : i32 to index
      %get3A_291 = tpu.vector_load %arg8[%get3A] {strides = array<i32>} : memref<32768xf32, #tpu.memory_space<vmem>>, vector<16xf32>,
      %gt3A = vector.broadcast %sub3A_95 : f32 to vector<16xf32>
      %gt3A_292 = arith.cmpf ogt, %get3A_291, %gt3A : vector<16xf32>
      %swap3A_293 = arith.index_cast %scan3A_288 : i32 to index
      %swap3A_294 = tpu.vector_load %arg9[%swap3A_293] masked %gt3A_292 {strides = array<i32>} : memref<32784xf32, #tpu.memory_space<vmem>>, vector<16xf32>, vector<16xi1>
      tpu.vector_store %arg9[%swap3A_293], %get3A_291 masked %gt3A_292 {strides = array<i32>} : memref<32784xf32, #tpu.memory_space<vmem>>, vector<16xf32>, vector<16xi1>
      %convert_element_type3A = arith.extui %gt3A_292 : vector<16xi1> to vector<16xi32>
      %reduce_sum3A = arith.constant true
      %reduce_sum3A_295 = vector.broadcast %reduce_sum3A : i1 to vector<16xi1>
      %reduce_sum3A_296 = tpu.scan <sum>, %convert_element_type3A masked %reduce_sum3A_295 : vector<16xi32>, vector<16xi1> -> vector<16xi32>
      %reduce_sum3A_297 = vector.extract %reduce_sum3A_296[15] : i32 from vector<16xi32>
      %add3A_298 = arith.addi %scan3A_288, %reduce_sum3A_297 : i32
      scf.yield %add3A_298 : i32
    }
    %scan3A_102 = arith.constant 2048 : i32
    %broadcast_in_dim3A_103 = arith.constant -3.000000e+38 : f32
    %broadcast_in_dim3A_104 = vector.broadcast %broadcast_in_dim3A_103 : f32 to vector<16xf32>
    %swap3A_105 = arith.index_cast %scan3A_101 : i32 to index
    %swap3A_106 = tpu.vector_load %arg9[%swap3A_105] {strides = array<i32>} : memref<32784xf32, #tpu.memory_space<vmem>>, vector<16xf32>,
    tpu.vector_store %arg9[%swap3A_105], %broadcast_in_dim3A_104 {strides = array<i32>} : memref<32784xf32, #tpu.memory_space<vmem>>, vector<16xf32>,
    %while3A_107 = arith.constant 0 : i32
    %while3A_108 = arith.constant 0.000000e+00 : f32
    %while3A_109 = arith.constant 1 : i32
    %while3A_110 = arith.constant 0 : i32
    %while3A_111:4 = scf.while (%while3A_287 = %while3A_107, %while3A_288 = %while3A_108, %while3A_289 = %while3A_109, %while3A_290 = %while3A_110) : (i32, f32, i32, i32) -> (i32, f32, i32, i32) {
      %eq3A_291 = arith.constant 0 : i32
      %eq3A_292 = arith.cmpi eq, %while3A_290, %eq3A_291 : i32
      scf.condition(%eq3A_292) %while3A_287, %while3A_288, %while3A_289, %while3A_290 : i32, f32, i32, i32
    } do {
    ^bb0(%while3A_287: i32, %while3A_288: f32, %while3A_289: i32, %while3A_290: i32):
      %add3A_291 = arith.constant 15 : i32
      %add3A_292 = arith.addi %scan3A_101, %add3A_291 : i32
      %shift_right_arithmetic3A = arith.constant 4 : i32
      %shift_right_arithmetic3A_293 = arith.shrsi %add3A_292, %shift_right_arithmetic3A : i32
      %broadcast_in_dim3A_294 = arith.constant -3.000000e+38 : f32
      %broadcast_in_dim3A_295 = vector.broadcast %broadcast_in_dim3A_294 : f32 to vector<16xf32>
      %while3A_296 = arith.constant 0 : i32
      %while3A_297 = arith.subi %shift_right_arithmetic3A_293, %while3A_296 : i32
      %while3A_298 = arith.addi %while3A_296, %while3A_297 : i32
      %while3A_299 = arith.constant 1 : i32
      %while3A_300 = arith.divsi %while3A_297, %while3A_299 : i32
      %while3A_301 = arith.muli %while3A_300, %while3A_299 : i32
      %while3A_302 = arith.addi %while3A_296, %while3A_301 : i32
      %while3A_303 = arith.constant 1 : i32
      %while3A_304 = scf.for %while3A_342 = %while3A_296 to %while3A_302 step %while3A_303 iter_args(%while3A_343 = %broadcast_in_dim3A_295) -> (vector<16xf32>)  : i32 {
        %mul3A_344 = arith.constant 16 : i32
        %mul3A_345 = arith.muli %while3A_342, %mul3A_344 : i32
        %get3A = arith.index_cast %mul3A_345 : i32 to index
        %get3A_346 = tpu.vector_load %arg9[%get3A] {strides = array<i32>} : memref<32784xf32, #tpu.memory_space<vmem>>, vector<16xf32>,
        %max3A_347 = arith.maximumf %while3A_343, %get3A_346 : vector<16xf32>
        scf.yield %max3A_347 : vector<16xf32>
      }
      %while3A_305 = arith.constant 1 : i32
      %while3A_306 = scf.for %while3A_342 = %while3A_302 to %while3A_298 step %while3A_305 iter_args(%while3A_343 = %while3A_304) -> (vector<16xf32>)  : i32 {
        %mul3A_344 = arith.constant 16 : i32
        %mul3A_345 = arith.muli %while3A_342, %mul3A_344 : i32
        %get3A = arith.index_cast %mul3A_345 : i32 to index
        %get3A_346 = tpu.vector_load %arg9[%get3A] {strides = array<i32>} : memref<32784xf32, #tpu.memory_space<vmem>>, vector<16xf32>,
        %max3A_347 = arith.maximumf %while3A_343, %get3A_346 : vector<16xf32>
        scf.yield %max3A_347 : vector<16xf32>
      }
      %reduce_max3A_307 = arith.constant true
      %reduce_max3A_308 = vector.broadcast %reduce_max3A_307 : i1 to vector<16xi1>
      %reduce_max3A_309 = tpu.scan <max>, %while3A_306 masked %reduce_max3A_308 : vector<16xf32>, vector<16xi1> -> vector<16xf32>
      %reduce_max3A_310 = vector.extract %reduce_max3A_309[15] : f32 from vector<16xf32>
      %add3A_311 = arith.constant 15 : i32
      %add3A_312 = arith.addi %scan3A_101, %add3A_311 : i32
      %shift_right_arithmetic3A_313 = arith.constant 4 : i32
      %shift_right_arithmetic3A_314 = arith.shrsi %add3A_312, %shift_right_arithmetic3A_313 : i32
      %while3A_315 = arith.constant 0 : i32
      %while3A_316 = arith.constant 0 : i32
      %while3A_317 = arith.subi %shift_right_arithmetic3A_314, %while3A_315 : i32
      %while3A_318 = arith.addi %while3A_315, %while3A_317 : i32
      %while3A_319 = arith.constant 1 : i32
      %while3A_320 = arith.divsi %while3A_317, %while3A_319 : i32
      %while3A_321 = arith.muli %while3A_320, %while3A_319 : i32
      %while3A_322 = arith.addi %while3A_315, %while3A_321 : i32
      %while3A_323 = arith.constant 1 : i32
      %while3A_324 = scf.for %while3A_342 = %while3A_315 to %while3A_322 step %while3A_323 iter_args(%while3A_343 = %while3A_316) -> (i32)  : i32 {
        %mul3A_344 = arith.constant 16 : i32
        %mul3A_345 = arith.muli %while3A_342, %mul3A_344 : i32
        %get3A = arith.index_cast %mul3A_345 : i32 to index
        %get3A_346 = tpu.vector_load %arg9[%get3A] {strides = array<i32>} : memref<32784xf32, #tpu.memory_space<vmem>>, vector<16xf32>,
        %eq3A_347 = vector.broadcast %reduce_max3A_310 : f32 to vector<16xf32>
        %eq3A_348 = arith.cmpf oeq, %get3A_346, %eq3A_347 : vector<16xf32>
        %broadcast_in_dim3A_349 = arith.constant -3.000000e+38 : f32
        %broadcast_in_dim3A_350 = vector.broadcast %broadcast_in_dim3A_349 : f32 to vector<16xf32>
        %select_n3A_351 = arith.select %eq3A_348, %broadcast_in_dim3A_350, %get3A_346 : vector<16xi1>, vector<16xf32>
        %mul3A_352 = arith.constant 16 : i32
        %mul3A_353 = arith.muli %while3A_342, %mul3A_352 : i32
        %swap3A_354 = arith.index_cast %mul3A_353 : i32 to index
        %swap3A_355 = tpu.vector_load %arg9[%swap3A_354] {strides = array<i32>} : memref<32784xf32, #tpu.memory_space<vmem>>, vector<16xf32>,
        tpu.vector_store %arg9[%swap3A_354], %select_n3A_351 {strides = array<i32>} : memref<32784xf32, #tpu.memory_space<vmem>>, vector<16xf32>,
        %convert_element_type3A_356 = arith.extui %eq3A_348 : vector<16xi1> to vector<16xi32>
        %reduce_sum3A = arith.constant true
        %reduce_sum3A_357 = vector.broadcast %reduce_sum3A : i1 to vector<16xi1>
        %reduce_sum3A_358 = tpu.scan <sum>, %convert_element_type3A_356 masked %reduce_sum3A_357 : vector<16xi32>, vector<16xi1> -> vector<16xi32>
        %reduce_sum3A_359 = vector.extract %reduce_sum3A_358[15] : i32 from vector<16xi32>
        %add3A_360 = arith.addi %while3A_343, %reduce_sum3A_359 : i32
        scf.yield %add3A_360 : i32
      }
      %while3A_325 = arith.constant 1 : i32
      %while3A_326 = scf.for %while3A_342 = %while3A_322 to %while3A_318 step %while3A_325 iter_args(%while3A_343 = %while3A_324) -> (i32)  : i32 {
        %mul3A_344 = arith.constant 16 : i32
        %mul3A_345 = arith.muli %while3A_342, %mul3A_344 : i32
        %get3A = arith.index_cast %mul3A_345 : i32 to index
        %get3A_346 = tpu.vector_load %arg9[%get3A] {strides = array<i32>} : memref<32784xf32, #tpu.memory_space<vmem>>, vector<16xf32>,
        %eq3A_347 = vector.broadcast %reduce_max3A_310 : f32 to vector<16xf32>
        %eq3A_348 = arith.cmpf oeq, %get3A_346, %eq3A_347 : vector<16xf32>
        %broadcast_in_dim3A_349 = arith.constant -3.000000e+38 : f32
        %broadcast_in_dim3A_350 = vector.broadcast %broadcast_in_dim3A_349 : f32 to vector<16xf32>
        %select_n3A_351 = arith.select %eq3A_348, %broadcast_in_dim3A_350, %get3A_346 : vector<16xi1>, vector<16xf32>
        %mul3A_352 = arith.constant 16 : i32
        %mul3A_353 = arith.muli %while3A_342, %mul3A_352 : i32
        %swap3A_354 = arith.index_cast %mul3A_353 : i32 to index
        %swap3A_355 = tpu.vector_load %arg9[%swap3A_354] {strides = array<i32>} : memref<32784xf32, #tpu.memory_space<vmem>>, vector<16xf32>,
        tpu.vector_store %arg9[%swap3A_354], %select_n3A_351 {strides = array<i32>} : memref<32784xf32, #tpu.memory_space<vmem>>, vector<16xf32>,
        %convert_element_type3A_356 = arith.extui %eq3A_348 : vector<16xi1> to vector<16xi32>
        %reduce_sum3A = arith.constant true
        %reduce_sum3A_357 = vector.broadcast %reduce_sum3A : i1 to vector<16xi1>
        %reduce_sum3A_358 = tpu.scan <sum>, %convert_element_type3A_356 masked %reduce_sum3A_357 : vector<16xi32>, vector<16xi1> -> vector<16xi32>
        %reduce_sum3A_359 = vector.extract %reduce_sum3A_358[15] : i32 from vector<16xi32>
        %add3A_360 = arith.addi %while3A_343, %reduce_sum3A_359 : i32
        scf.yield %add3A_360 : i32
      }
      %add3A_327 = arith.constant 1 : i32
      %add3A_328 = arith.addi %while3A_287, %add3A_327 : i32
      %convert_element_type3A = arith.sitofp %add3A_328 : i32 to f32
      %mul3A_329 = arith.mulf %convert_element_type3A, %reduce_max3A_310 : f32
      %add3A_330 = arith.addf %while3A_288, %reduce_max3A_310 : f32
      %sub3A_331 = arith.constant 1.000000e+00 : f32
      %sub3A_332 = arith.subf %add3A_330, %sub3A_331 : f32
      %gt3A = arith.cmpf ogt, %mul3A_329, %sub3A_332 : f32
      %add3A_333 = arith.addi %while3A_287, %while3A_326 : i32
      %select_n3A_334 = arith.select %gt3A, %add3A_333, %while3A_287 : i32
      %convert_element_type3A_335 = arith.sitofp %while3A_326 : i32 to f32
      %mul3A_336 = arith.mulf %convert_element_type3A_335, %reduce_max3A_310 : f32
      %add3A_337 = arith.addf %while3A_288, %mul3A_336 : f32
      %select_n3A_338 = arith.select %gt3A, %add3A_337, %while3A_288 : f32
      %ge3A = arith.cmpi sge, %select_n3A_334, %scan3A_101 : i32
      %convert_element_type3A_339 = arith.extui %ge3A : i1 to i32
      %jit3A = arith.constant 1 : i32
      %select_n3A_340 = arith.select %gt3A, %convert_element_type3A_339, %jit3A : i32
      %select_n3A_341 = arith.select %gt3A, %select_n3A_334, %while3A_287 : i32
      scf.yield %select_n3A_334, %select_n3A_338, %select_n3A_341, %select_n3A_340 : i32, f32, i32, i32
    }
    %broadcast_in_dim3A_112 = vector.broadcast %add3A_72 : i32 to vector<16xi32>
    %gather3A_113 = tpu.vector_load_idx %arg10[%broadcast_in_dim3A_112] : memref<128xi32, #tpu.memory_space<vmem>>[vector<16xi32>], vector<16xi32>,
    %reduce_max3A_114 = arith.constant true
    %reduce_max3A_115 = vector.broadcast %reduce_max3A_114 : i1 to vector<16xi1>
    %reduce_max3A_116 = arith.constant -2147483648 : i32
    %reduce_max3A_117 = vector.broadcast %reduce_max3A_116 : i32 to vector<16xi32>
    %reduce_max3A_118 = arith.xori %gather3A_113, %reduce_max3A_117 : vector<16xi32>
    %reduce_max3A_119 = tpu.scan <max>, %reduce_max3A_118 masked %reduce_max3A_115 : vector<16xi32>, vector<16xi1> -> vector<16xi32>
    %reduce_max3A_120 = arith.xori %reduce_max3A_119, %reduce_max3A_117 : vector<16xi32>
    %reduce_max3A_121 = vector.extract %reduce_max3A_120[15] : i32 from vector<16xi32>
    %broadcast_in_dim3A_122 = vector.broadcast %reduce_max3A_121 : i32 to vector<16xi32>
    %gather3A_123 = tpu.vector_load_idx %arg8[%broadcast_in_dim3A_122] : memref<32768xf32, #tpu.memory_space<vmem>>[vector<16xi32>], vector<16xf32>,
    %reduce_max3A_124 = arith.constant true
    %reduce_max3A_125 = vector.broadcast %reduce_max3A_124 : i1 to vector<16xi1>
    %reduce_max3A_126 = tpu.scan <max>, %gather3A_123 masked %reduce_max3A_125 : vector<16xf32>, vector<16xi1> -> vector<16xf32>
    %reduce_max3A_127 = vector.extract %reduce_max3A_126[15] : f32 from vector<16xf32>
    %eq3A_128 = arith.constant 1 : i32
    %eq3A_129 = vector.broadcast %eq3A_128 : i32 to vector<16xi32>
    %eq3A_130 = arith.cmpi eq, %iota3A, %eq3A_129 : vector<16xi32>
    %broadcast_in_dim3A_131 = vector.broadcast %while3A_111#1 : f32 to vector<16xf32>
    %select_n3A_132 = arith.select %eq3A_130, %broadcast_in_dim3A_131, %select_n3A : vector<16xi1>, vector<16xf32>
    %broadcast_in_dim3A_133 = vector.broadcast %while3A_111#2 : i32 to vector<16xi32>
    %select_n3A_134 = arith.select %eq3A_130, %broadcast_in_dim3A_133, %select_n3A_64 : vector<16xi1>, vector<16xi32>
    %broadcast_in_dim3A_135 = vector.broadcast %reduce_max3A_93 : f32 to vector<16xf32>
    %select_n3A_136 = arith.select %eq3A_130, %broadcast_in_dim3A_135, %select_n3A_66 : vector<16xi1>, vector<16xf32>
    %broadcast_in_dim3A_137 = vector.broadcast %reduce_max3A_127 : f32 to vector<16xf32>
    %select_n3A_138 = arith.select %eq3A_130, %broadcast_in_dim3A_137, %select_n3A_68 : vector<16xi1>, vector<16xf32>
    %mul3A_139 = arith.constant 4 : i32
    %mul3A_140 = arith.muli %mul3A_139, %add3A : i32
    %add3A_141 = arith.constant 2 : i32
    %add3A_142 = arith.addi %mul3A_140, %add3A_141 : i32
    "tpu.region"() ({
      %run_scoped3A = tpu.sem_alloc : memref<!tpu.dma_semaphore, #tpu.memory_space<semaphore_mem>>
      %dma_start3A = arith.constant 0 : i32
      %dma_start3A_287 = tpu.memref_slice %arg2[%add3A_142, %dma_start3A] : memref<128x32768xf32, #tpu.memory_space<hbm>> -> memref<1x32768xf32, #tpu.memory_space<hbm>>
      %dma_start3A_288 = tpu.memref_squeeze %dma_start3A_287 : memref<1x32768xf32, #tpu.memory_space<hbm>> -> memref<32768xf32, #tpu.memory_space<hbm>>
      %dma_start3A_289 = arith.constant 0 : i32
      %dma_start3A_290 = tpu.memref_slice %arg2[%add3A_142, %dma_start3A_289] : memref<128x32768xf32, #tpu.memory_space<hbm>> -> memref<1x32768xf32, #tpu.memory_space<hbm>>
      %dma_start3A_291 = tpu.memref_squeeze %dma_start3A_290 : memref<1x32768xf32, #tpu.memory_space<hbm>> -> memref<32768xf32, #tpu.memory_space<hbm>>
      tpu.enqueue_dma source(%dma_start3A_291 : memref<32768xf32, #tpu.memory_space<hbm>>) target(%arg8 : memref<32768xf32, #tpu.memory_space<vmem>>) target_semaphore(%run_scoped3A : memref<!tpu.dma_semaphore, #tpu.memory_space<semaphore_mem>>)
      %dma_wait3A = arith.constant 0 : i32
      %dma_wait3A_292 = tpu.memref_slice %arg2[%add3A_142, %dma_wait3A] : memref<128x32768xf32, #tpu.memory_space<hbm>> -> memref<1x32768xf32, #tpu.memory_space<hbm>>
      %dma_wait3A_293 = tpu.memref_squeeze %dma_wait3A_292 : memref<1x32768xf32, #tpu.memory_space<hbm>> -> memref<32768xf32, #tpu.memory_space<hbm>>
      %dma_wait3A_294 = arith.constant 0 : i32
      %dma_wait3A_295 = tpu.memref_slice %arg2[%add3A_142, %dma_wait3A_294] : memref<128x32768xf32, #tpu.memory_space<hbm>> -> memref<1x32768xf32, #tpu.memory_space<hbm>>
      %dma_wait3A_296 = tpu.memref_squeeze %dma_wait3A_295 : memref<1x32768xf32, #tpu.memory_space<hbm>> -> memref<32768xf32, #tpu.memory_space<hbm>>
      tpu.wait_dma2 semaphore(%run_scoped3A : memref<!tpu.dma_semaphore, #tpu.memory_space<semaphore_mem>>) src(%dma_wait3A_296 : memref<32768xf32, #tpu.memory_space<hbm>>) dst(%arg8 : memref<32768xf32, #tpu.memory_space<vmem>>)
      tpu.yield
    }) : () -> ()
    %broadcast_in_dim3A_143 = arith.constant -3.000000e+38 : f32
    %broadcast_in_dim3A_144 = vector.broadcast %broadcast_in_dim3A_143 : f32 to vector<16xf32>
    %broadcast_in_dim3A_145 = arith.constant -3.000000e+38 : f32
    %broadcast_in_dim3A_146 = vector.broadcast %broadcast_in_dim3A_145 : f32 to vector<16xf32>
    %broadcast_in_dim3A_147 = arith.constant -3.000000e+38 : f32
    %broadcast_in_dim3A_148 = vector.broadcast %broadcast_in_dim3A_147 : f32 to vector<16xf32>
    %broadcast_in_dim3A_149 = arith.constant -3.000000e+38 : f32
    %broadcast_in_dim3A_150 = vector.broadcast %broadcast_in_dim3A_149 : f32 to vector<16xf32>
    %scan3A_151 = arith.constant 0 : i32
    %scan3A_152 = arith.constant 512 : i32
    %scan3A_153 = arith.addi %scan3A_151, %scan3A_152 : i32
    %scan3A_154 = arith.constant 1 : i32
    %scan3A_155:4 = scf.for %scan3A_287 = %scan3A_151 to %scan3A_153 step %scan3A_154 iter_args(%scan3A_288 = %broadcast_in_dim3A_144, %scan3A_289 = %broadcast_in_dim3A_146, %scan3A_290 = %broadcast_in_dim3A_148, %scan3A_291 = %broadcast_in_dim3A_150) -> (vector<16xf32>, vector<16xf32>, vector<16xf32>, vector<16xf32>)  : i32 {
      %mul3A_292 = arith.constant 64 : i32
      %mul3A_293 = arith.muli %scan3A_287, %mul3A_292 : i32
      %add3A_294 = arith.constant 0 : i32
      %add3A_295 = arith.addi %mul3A_293, %add3A_294 : i32
      %get3A = arith.index_cast %add3A_295 : i32 to index
      %get3A_296 = tpu.vector_load %arg8[%get3A] {strides = array<i32>} : memref<32768xf32, #tpu.memory_space<vmem>>, vector<16xf32>,
      %max3A_297 = arith.maximumf %scan3A_288, %get3A_296 : vector<16xf32>
      %add3A_298 = arith.constant 16 : i32
      %add3A_299 = arith.addi %mul3A_293, %add3A_298 : i32
      %get3A_300 = arith.index_cast %add3A_299 : i32 to index
      %get3A_301 = tpu.vector_load %arg8[%get3A_300] {strides = array<i32>} : memref<32768xf32, #tpu.memory_space<vmem>>, vector<16xf32>,
      %max3A_302 = arith.maximumf %scan3A_289, %get3A_301 : vector<16xf32>
      %add3A_303 = arith.constant 32 : i32
      %add3A_304 = arith.addi %mul3A_293, %add3A_303 : i32
      %get3A_305 = arith.index_cast %add3A_304 : i32 to index
      %get3A_306 = tpu.vector_load %arg8[%get3A_305] {strides = array<i32>} : memref<32768xf32, #tpu.memory_space<vmem>>, vector<16xf32>,
      %max3A_307 = arith.maximumf %scan3A_290, %get3A_306 : vector<16xf32>
      %add3A_308 = arith.constant 48 : i32
      %add3A_309 = arith.addi %mul3A_293, %add3A_308 : i32
      %get3A_310 = arith.index_cast %add3A_309 : i32 to index
      %get3A_311 = tpu.vector_load %arg8[%get3A_310] {strides = array<i32>} : memref<32768xf32, #tpu.memory_space<vmem>>, vector<16xf32>,
      %max3A_312 = arith.maximumf %scan3A_291, %get3A_311 : vector<16xf32>
      scf.yield %max3A_297, %max3A_302, %max3A_307, %max3A_312 : vector<16xf32>, vector<16xf32>, vector<16xf32>, vector<16xf32>
    }
    %scan3A_156 = arith.constant 512 : i32
    %max3A_157 = arith.maximumf %scan3A_155#0, %scan3A_155#1 : vector<16xf32>
    %max3A_158 = arith.maximumf %max3A_157, %scan3A_155#2 : vector<16xf32>
    %max3A_159 = arith.maximumf %max3A_158, %scan3A_155#3 : vector<16xf32>
    %reduce_max3A_160 = arith.constant true
    %reduce_max3A_161 = vector.broadcast %reduce_max3A_160 : i1 to vector<16xi1>
    %reduce_max3A_162 = tpu.scan <max>, %max3A_159 masked %reduce_max3A_161 : vector<16xf32>, vector<16xi1> -> vector<16xf32>
    %reduce_max3A_163 = vector.extract %reduce_max3A_162[15] : f32 from vector<16xf32>
    %sub3A_164 = arith.constant 1.031250e+00 : f32
    %sub3A_165 = arith.subf %reduce_max3A_163, %sub3A_164 : f32
    %scan3A_166 = arith.constant 0 : i32
    %scan3A_167 = arith.constant 0 : i32
    %scan3A_168 = arith.constant 2048 : i32
    %scan3A_169 = arith.addi %scan3A_167, %scan3A_168 : i32
    %scan3A_170 = arith.constant 1 : i32
    %scan3A_171 = scf.for %scan3A_287 = %scan3A_167 to %scan3A_169 step %scan3A_170 iter_args(%scan3A_288 = %scan3A_166) -> (i32)  : i32 {
      %mul3A_289 = arith.constant 16 : i32
      %mul3A_290 = arith.muli %scan3A_287, %mul3A_289 : i32
      %get3A = arith.index_cast %mul3A_290 : i32 to index
      %get3A_291 = tpu.vector_load %arg8[%get3A] {strides = array<i32>} : memref<32768xf32, #tpu.memory_space<vmem>>, vector<16xf32>,
      %gt3A = vector.broadcast %sub3A_165 : f32 to vector<16xf32>
      %gt3A_292 = arith.cmpf ogt, %get3A_291, %gt3A : vector<16xf32>
      %swap3A_293 = arith.index_cast %scan3A_288 : i32 to index
      %swap3A_294 = tpu.vector_load %arg9[%swap3A_293] masked %gt3A_292 {strides = array<i32>} : memref<32784xf32, #tpu.memory_space<vmem>>, vector<16xf32>, vector<16xi1>
      tpu.vector_store %arg9[%swap3A_293], %get3A_291 masked %gt3A_292 {strides = array<i32>} : memref<32784xf32, #tpu.memory_space<vmem>>, vector<16xf32>, vector<16xi1>
      %convert_element_type3A = arith.extui %gt3A_292 : vector<16xi1> to vector<16xi32>
      %reduce_sum3A = arith.constant true
      %reduce_sum3A_295 = vector.broadcast %reduce_sum3A : i1 to vector<16xi1>
      %reduce_sum3A_296 = tpu.scan <sum>, %convert_element_type3A masked %reduce_sum3A_295 : vector<16xi32>, vector<16xi1> -> vector<16xi32>
      %reduce_sum3A_297 = vector.extract %reduce_sum3A_296[15] : i32 from vector<16xi32>
      %add3A_298 = arith.addi %scan3A_288, %reduce_sum3A_297 : i32
      scf.yield %add3A_298 : i32
    }
    %scan3A_172 = arith.constant 2048 : i32
    %broadcast_in_dim3A_173 = arith.constant -3.000000e+38 : f32
    %broadcast_in_dim3A_174 = vector.broadcast %broadcast_in_dim3A_173 : f32 to vector<16xf32>
    %swap3A_175 = arith.index_cast %scan3A_171 : i32 to index
    %swap3A_176 = tpu.vector_load %arg9[%swap3A_175] {strides = array<i32>} : memref<32784xf32, #tpu.memory_space<vmem>>, vector<16xf32>,
    tpu.vector_store %arg9[%swap3A_175], %broadcast_in_dim3A_174 {strides = array<i32>} : memref<32784xf32, #tpu.memory_space<vmem>>, vector<16xf32>,
    %while3A_177 = arith.constant 0 : i32
    %while3A_178 = arith.constant 0.000000e+00 : f32
    %while3A_179 = arith.constant 1 : i32
    %while3A_180 = arith.constant 0 : i32
    %while3A_181:4 = scf.while (%while3A_287 = %while3A_177, %while3A_288 = %while3A_178, %while3A_289 = %while3A_179, %while3A_290 = %while3A_180) : (i32, f32, i32, i32) -> (i32, f32, i32, i32) {
      %eq3A_291 = arith.constant 0 : i32
      %eq3A_292 = arith.cmpi eq, %while3A_290, %eq3A_291 : i32
      scf.condition(%eq3A_292) %while3A_287, %while3A_288, %while3A_289, %while3A_290 : i32, f32, i32, i32
    } do {
    ^bb0(%while3A_287: i32, %while3A_288: f32, %while3A_289: i32, %while3A_290: i32):
      %add3A_291 = arith.constant 15 : i32
      %add3A_292 = arith.addi %scan3A_171, %add3A_291 : i32
      %shift_right_arithmetic3A = arith.constant 4 : i32
      %shift_right_arithmetic3A_293 = arith.shrsi %add3A_292, %shift_right_arithmetic3A : i32
      %broadcast_in_dim3A_294 = arith.constant -3.000000e+38 : f32
      %broadcast_in_dim3A_295 = vector.broadcast %broadcast_in_dim3A_294 : f32 to vector<16xf32>
      %while3A_296 = arith.constant 0 : i32
      %while3A_297 = arith.subi %shift_right_arithmetic3A_293, %while3A_296 : i32
      %while3A_298 = arith.addi %while3A_296, %while3A_297 : i32
      %while3A_299 = arith.constant 1 : i32
      %while3A_300 = arith.divsi %while3A_297, %while3A_299 : i32
      %while3A_301 = arith.muli %while3A_300, %while3A_299 : i32
      %while3A_302 = arith.addi %while3A_296, %while3A_301 : i32
      %while3A_303 = arith.constant 1 : i32
      %while3A_304 = scf.for %while3A_342 = %while3A_296 to %while3A_302 step %while3A_303 iter_args(%while3A_343 = %broadcast_in_dim3A_295) -> (vector<16xf32>)  : i32 {
        %mul3A_344 = arith.constant 16 : i32
        %mul3A_345 = arith.muli %while3A_342, %mul3A_344 : i32
        %get3A = arith.index_cast %mul3A_345 : i32 to index
        %get3A_346 = tpu.vector_load %arg9[%get3A] {strides = array<i32>} : memref<32784xf32, #tpu.memory_space<vmem>>, vector<16xf32>,
        %max3A_347 = arith.maximumf %while3A_343, %get3A_346 : vector<16xf32>
        scf.yield %max3A_347 : vector<16xf32>
      }
      %while3A_305 = arith.constant 1 : i32
      %while3A_306 = scf.for %while3A_342 = %while3A_302 to %while3A_298 step %while3A_305 iter_args(%while3A_343 = %while3A_304) -> (vector<16xf32>)  : i32 {
        %mul3A_344 = arith.constant 16 : i32
        %mul3A_345 = arith.muli %while3A_342, %mul3A_344 : i32
        %get3A = arith.index_cast %mul3A_345 : i32 to index
        %get3A_346 = tpu.vector_load %arg9[%get3A] {strides = array<i32>} : memref<32784xf32, #tpu.memory_space<vmem>>, vector<16xf32>,
        %max3A_347 = arith.maximumf %while3A_343, %get3A_346 : vector<16xf32>
        scf.yield %max3A_347 : vector<16xf32>
      }
      %reduce_max3A_307 = arith.constant true
      %reduce_max3A_308 = vector.broadcast %reduce_max3A_307 : i1 to vector<16xi1>
      %reduce_max3A_309 = tpu.scan <max>, %while3A_306 masked %reduce_max3A_308 : vector<16xf32>, vector<16xi1> -> vector<16xf32>
      %reduce_max3A_310 = vector.extract %reduce_max3A_309[15] : f32 from vector<16xf32>
      %add3A_311 = arith.constant 15 : i32
      %add3A_312 = arith.addi %scan3A_171, %add3A_311 : i32
      %shift_right_arithmetic3A_313 = arith.constant 4 : i32
      %shift_right_arithmetic3A_314 = arith.shrsi %add3A_312, %shift_right_arithmetic3A_313 : i32
      %while3A_315 = arith.constant 0 : i32
      %while3A_316 = arith.constant 0 : i32
      %while3A_317 = arith.subi %shift_right_arithmetic3A_314, %while3A_315 : i32
      %while3A_318 = arith.addi %while3A_315, %while3A_317 : i32
      %while3A_319 = arith.constant 1 : i32
      %while3A_320 = arith.divsi %while3A_317, %while3A_319 : i32
      %while3A_321 = arith.muli %while3A_320, %while3A_319 : i32
      %while3A_322 = arith.addi %while3A_315, %while3A_321 : i32
      %while3A_323 = arith.constant 1 : i32
      %while3A_324 = scf.for %while3A_342 = %while3A_315 to %while3A_322 step %while3A_323 iter_args(%while3A_343 = %while3A_316) -> (i32)  : i32 {
        %mul3A_344 = arith.constant 16 : i32
        %mul3A_345 = arith.muli %while3A_342, %mul3A_344 : i32
        %get3A = arith.index_cast %mul3A_345 : i32 to index
        %get3A_346 = tpu.vector_load %arg9[%get3A] {strides = array<i32>} : memref<32784xf32, #tpu.memory_space<vmem>>, vector<16xf32>,
        %eq3A_347 = vector.broadcast %reduce_max3A_310 : f32 to vector<16xf32>
        %eq3A_348 = arith.cmpf oeq, %get3A_346, %eq3A_347 : vector<16xf32>
        %broadcast_in_dim3A_349 = arith.constant -3.000000e+38 : f32
        %broadcast_in_dim3A_350 = vector.broadcast %broadcast_in_dim3A_349 : f32 to vector<16xf32>
        %select_n3A_351 = arith.select %eq3A_348, %broadcast_in_dim3A_350, %get3A_346 : vector<16xi1>, vector<16xf32>
        %mul3A_352 = arith.constant 16 : i32
        %mul3A_353 = arith.muli %while3A_342, %mul3A_352 : i32
        %swap3A_354 = arith.index_cast %mul3A_353 : i32 to index
        %swap3A_355 = tpu.vector_load %arg9[%swap3A_354] {strides = array<i32>} : memref<32784xf32, #tpu.memory_space<vmem>>, vector<16xf32>,
        tpu.vector_store %arg9[%swap3A_354], %select_n3A_351 {strides = array<i32>} : memref<32784xf32, #tpu.memory_space<vmem>>, vector<16xf32>,
        %convert_element_type3A_356 = arith.extui %eq3A_348 : vector<16xi1> to vector<16xi32>
        %reduce_sum3A = arith.constant true
        %reduce_sum3A_357 = vector.broadcast %reduce_sum3A : i1 to vector<16xi1>
        %reduce_sum3A_358 = tpu.scan <sum>, %convert_element_type3A_356 masked %reduce_sum3A_357 : vector<16xi32>, vector<16xi1> -> vector<16xi32>
        %reduce_sum3A_359 = vector.extract %reduce_sum3A_358[15] : i32 from vector<16xi32>
        %add3A_360 = arith.addi %while3A_343, %reduce_sum3A_359 : i32
        scf.yield %add3A_360 : i32
      }
      %while3A_325 = arith.constant 1 : i32
      %while3A_326 = scf.for %while3A_342 = %while3A_322 to %while3A_318 step %while3A_325 iter_args(%while3A_343 = %while3A_324) -> (i32)  : i32 {
        %mul3A_344 = arith.constant 16 : i32
        %mul3A_345 = arith.muli %while3A_342, %mul3A_344 : i32
        %get3A = arith.index_cast %mul3A_345 : i32 to index
        %get3A_346 = tpu.vector_load %arg9[%get3A] {strides = array<i32>} : memref<32784xf32, #tpu.memory_space<vmem>>, vector<16xf32>,
        %eq3A_347 = vector.broadcast %reduce_max3A_310 : f32 to vector<16xf32>
        %eq3A_348 = arith.cmpf oeq, %get3A_346, %eq3A_347 : vector<16xf32>
        %broadcast_in_dim3A_349 = arith.constant -3.000000e+38 : f32
        %broadcast_in_dim3A_350 = vector.broadcast %broadcast_in_dim3A_349 : f32 to vector<16xf32>
        %select_n3A_351 = arith.select %eq3A_348, %broadcast_in_dim3A_350, %get3A_346 : vector<16xi1>, vector<16xf32>
        %mul3A_352 = arith.constant 16 : i32
        %mul3A_353 = arith.muli %while3A_342, %mul3A_352 : i32
        %swap3A_354 = arith.index_cast %mul3A_353 : i32 to index
        %swap3A_355 = tpu.vector_load %arg9[%swap3A_354] {strides = array<i32>} : memref<32784xf32, #tpu.memory_space<vmem>>, vector<16xf32>,
        tpu.vector_store %arg9[%swap3A_354], %select_n3A_351 {strides = array<i32>} : memref<32784xf32, #tpu.memory_space<vmem>>, vector<16xf32>,
        %convert_element_type3A_356 = arith.extui %eq3A_348 : vector<16xi1> to vector<16xi32>
        %reduce_sum3A = arith.constant true
        %reduce_sum3A_357 = vector.broadcast %reduce_sum3A : i1 to vector<16xi1>
        %reduce_sum3A_358 = tpu.scan <sum>, %convert_element_type3A_356 masked %reduce_sum3A_357 : vector<16xi32>, vector<16xi1> -> vector<16xi32>
        %reduce_sum3A_359 = vector.extract %reduce_sum3A_358[15] : i32 from vector<16xi32>
        %add3A_360 = arith.addi %while3A_343, %reduce_sum3A_359 : i32
        scf.yield %add3A_360 : i32
      }
      %add3A_327 = arith.constant 1 : i32
      %add3A_328 = arith.addi %while3A_287, %add3A_327 : i32
      %convert_element_type3A = arith.sitofp %add3A_328 : i32 to f32
      %mul3A_329 = arith.mulf %convert_element_type3A, %reduce_max3A_310 : f32
      %add3A_330 = arith.addf %while3A_288, %reduce_max3A_310 : f32
      %sub3A_331 = arith.constant 1.000000e+00 : f32
      %sub3A_332 = arith.subf %add3A_330, %sub3A_331 : f32
      %gt3A = arith.cmpf ogt, %mul3A_329, %sub3A_332 : f32
      %add3A_333 = arith.addi %while3A_287, %while3A_326 : i32
      %select_n3A_334 = arith.select %gt3A, %add3A_333, %while3A_287 : i32
      %convert_element_type3A_335 = arith.sitofp %while3A_326 : i32 to f32
      %mul3A_336 = arith.mulf %convert_element_type3A_335, %reduce_max3A_310 : f32
      %add3A_337 = arith.addf %while3A_288, %mul3A_336 : f32
      %select_n3A_338 = arith.select %gt3A, %add3A_337, %while3A_288 : f32
      %ge3A = arith.cmpi sge, %select_n3A_334, %scan3A_171 : i32
      %convert_element_type3A_339 = arith.extui %ge3A : i1 to i32
      %jit3A = arith.constant 1 : i32
      %select_n3A_340 = arith.select %gt3A, %convert_element_type3A_339, %jit3A : i32
      %select_n3A_341 = arith.select %gt3A, %select_n3A_334, %while3A_287 : i32
      scf.yield %select_n3A_334, %select_n3A_338, %select_n3A_341, %select_n3A_340 : i32, f32, i32, i32
    }
    %broadcast_in_dim3A_182 = vector.broadcast %add3A_142 : i32 to vector<16xi32>
    %gather3A_183 = tpu.vector_load_idx %arg10[%broadcast_in_dim3A_182] : memref<128xi32, #tpu.memory_space<vmem>>[vector<16xi32>], vector<16xi32>,
    %reduce_max3A_184 = arith.constant true
    %reduce_max3A_185 = vector.broadcast %reduce_max3A_184 : i1 to vector<16xi1>
    %reduce_max3A_186 = arith.constant -2147483648 : i32
    %reduce_max3A_187 = vector.broadcast %reduce_max3A_186 : i32 to vector<16xi32>
    %reduce_max3A_188 = arith.xori %gather3A_183, %reduce_max3A_187 : vector<16xi32>
    %reduce_max3A_189 = tpu.scan <max>, %reduce_max3A_188 masked %reduce_max3A_185 : vector<16xi32>, vector<16xi1> -> vector<16xi32>
    %reduce_max3A_190 = arith.xori %reduce_max3A_189, %reduce_max3A_187 : vector<16xi32>
    %reduce_max3A_191 = vector.extract %reduce_max3A_190[15] : i32 from vector<16xi32>
    %broadcast_in_dim3A_192 = vector.broadcast %reduce_max3A_191 : i32 to vector<16xi32>
    %gather3A_193 = tpu.vector_load_idx %arg8[%broadcast_in_dim3A_192] : memref<32768xf32, #tpu.memory_space<vmem>>[vector<16xi32>], vector<16xf32>,
    %reduce_max3A_194 = arith.constant true
    %reduce_max3A_195 = vector.broadcast %reduce_max3A_194 : i1 to vector<16xi1>
    %reduce_max3A_196 = tpu.scan <max>, %gather3A_193 masked %reduce_max3A_195 : vector<16xf32>, vector<16xi1> -> vector<16xf32>
    %reduce_max3A_197 = vector.extract %reduce_max3A_196[15] : f32 from vector<16xf32>
    %eq3A_198 = arith.constant 2 : i32
    %eq3A_199 = vector.broadcast %eq3A_198 : i32 to vector<16xi32>
    %eq3A_200 = arith.cmpi eq, %iota3A, %eq3A_199 : vector<16xi32>
    %broadcast_in_dim3A_201 = vector.broadcast %while3A_181#1 : f32 to vector<16xf32>
    %select_n3A_202 = arith.select %eq3A_200, %broadcast_in_dim3A_201, %select_n3A_132 : vector<16xi1>, vector<16xf32>
    %broadcast_in_dim3A_203 = vector.broadcast %while3A_181#2 : i32 to vector<16xi32>
    %select_n3A_204 = arith.select %eq3A_200, %broadcast_in_dim3A_203, %select_n3A_134 : vector<16xi1>, vector<16xi32>
    %broadcast_in_dim3A_205 = vector.broadcast %reduce_max3A_163 : f32 to vector<16xf32>
    %select_n3A_206 = arith.select %eq3A_200, %broadcast_in_dim3A_205, %select_n3A_136 : vector<16xi1>, vector<16xf32>
    %broadcast_in_dim3A_207 = vector.broadcast %reduce_max3A_197 : f32 to vector<16xf32>
    %select_n3A_208 = arith.select %eq3A_200, %broadcast_in_dim3A_207, %select_n3A_138 : vector<16xi1>, vector<16xf32>
    %mul3A_209 = arith.constant 4 : i32
    %mul3A_210 = arith.muli %mul3A_209, %add3A : i32
    %add3A_211 = arith.constant 3 : i32
    %add3A_212 = arith.addi %mul3A_210, %add3A_211 : i32
    "tpu.region"() ({
      %run_scoped3A = tpu.sem_alloc : memref<!tpu.dma_semaphore, #tpu.memory_space<semaphore_mem>>
      %dma_start3A = arith.constant 0 : i32
      %dma_start3A_287 = tpu.memref_slice %arg2[%add3A_212, %dma_start3A] : memref<128x32768xf32, #tpu.memory_space<hbm>> -> memref<1x32768xf32, #tpu.memory_space<hbm>>
      %dma_start3A_288 = tpu.memref_squeeze %dma_start3A_287 : memref<1x32768xf32, #tpu.memory_space<hbm>> -> memref<32768xf32, #tpu.memory_space<hbm>>
      %dma_start3A_289 = arith.constant 0 : i32
      %dma_start3A_290 = tpu.memref_slice %arg2[%add3A_212, %dma_start3A_289] : memref<128x32768xf32, #tpu.memory_space<hbm>> -> memref<1x32768xf32, #tpu.memory_space<hbm>>
      %dma_start3A_291 = tpu.memref_squeeze %dma_start3A_290 : memref<1x32768xf32, #tpu.memory_space<hbm>> -> memref<32768xf32, #tpu.memory_space<hbm>>
      tpu.enqueue_dma source(%dma_start3A_291 : memref<32768xf32, #tpu.memory_space<hbm>>) target(%arg8 : memref<32768xf32, #tpu.memory_space<vmem>>) target_semaphore(%run_scoped3A : memref<!tpu.dma_semaphore, #tpu.memory_space<semaphore_mem>>)
      %dma_wait3A = arith.constant 0 : i32
      %dma_wait3A_292 = tpu.memref_slice %arg2[%add3A_212, %dma_wait3A] : memref<128x32768xf32, #tpu.memory_space<hbm>> -> memref<1x32768xf32, #tpu.memory_space<hbm>>
      %dma_wait3A_293 = tpu.memref_squeeze %dma_wait3A_292 : memref<1x32768xf32, #tpu.memory_space<hbm>> -> memref<32768xf32, #tpu.memory_space<hbm>>
      %dma_wait3A_294 = arith.constant 0 : i32
      %dma_wait3A_295 = tpu.memref_slice %arg2[%add3A_212, %dma_wait3A_294] : memref<128x32768xf32, #tpu.memory_space<hbm>> -> memref<1x32768xf32, #tpu.memory_space<hbm>>
      %dma_wait3A_296 = tpu.memref_squeeze %dma_wait3A_295 : memref<1x32768xf32, #tpu.memory_space<hbm>> -> memref<32768xf32, #tpu.memory_space<hbm>>
      tpu.wait_dma2 semaphore(%run_scoped3A : memref<!tpu.dma_semaphore, #tpu.memory_space<semaphore_mem>>) src(%dma_wait3A_296 : memref<32768xf32, #tpu.memory_space<hbm>>) dst(%arg8 : memref<32768xf32, #tpu.memory_space<vmem>>)
      tpu.yield
    }) : () -> ()
    %broadcast_in_dim3A_213 = arith.constant -3.000000e+38 : f32
    %broadcast_in_dim3A_214 = vector.broadcast %broadcast_in_dim3A_213 : f32 to vector<16xf32>
    %broadcast_in_dim3A_215 = arith.constant -3.000000e+38 : f32
    %broadcast_in_dim3A_216 = vector.broadcast %broadcast_in_dim3A_215 : f32 to vector<16xf32>
    %broadcast_in_dim3A_217 = arith.constant -3.000000e+38 : f32
    %broadcast_in_dim3A_218 = vector.broadcast %broadcast_in_dim3A_217 : f32 to vector<16xf32>
    %broadcast_in_dim3A_219 = arith.constant -3.000000e+38 : f32
    %broadcast_in_dim3A_220 = vector.broadcast %broadcast_in_dim3A_219 : f32 to vector<16xf32>
    %scan3A_221 = arith.constant 0 : i32
    %scan3A_222 = arith.constant 512 : i32
    %scan3A_223 = arith.addi %scan3A_221, %scan3A_222 : i32
    %scan3A_224 = arith.constant 1 : i32
    %scan3A_225:4 = scf.for %scan3A_287 = %scan3A_221 to %scan3A_223 step %scan3A_224 iter_args(%scan3A_288 = %broadcast_in_dim3A_214, %scan3A_289 = %broadcast_in_dim3A_216, %scan3A_290 = %broadcast_in_dim3A_218, %scan3A_291 = %broadcast_in_dim3A_220) -> (vector<16xf32>, vector<16xf32>, vector<16xf32>, vector<16xf32>)  : i32 {
      %mul3A_292 = arith.constant 64 : i32
      %mul3A_293 = arith.muli %scan3A_287, %mul3A_292 : i32
      %add3A_294 = arith.constant 0 : i32
      %add3A_295 = arith.addi %mul3A_293, %add3A_294 : i32
      %get3A = arith.index_cast %add3A_295 : i32 to index
      %get3A_296 = tpu.vector_load %arg8[%get3A] {strides = array<i32>} : memref<32768xf32, #tpu.memory_space<vmem>>, vector<16xf32>,
      %max3A_297 = arith.maximumf %scan3A_288, %get3A_296 : vector<16xf32>
      %add3A_298 = arith.constant 16 : i32
      %add3A_299 = arith.addi %mul3A_293, %add3A_298 : i32
      %get3A_300 = arith.index_cast %add3A_299 : i32 to index
      %get3A_301 = tpu.vector_load %arg8[%get3A_300] {strides = array<i32>} : memref<32768xf32, #tpu.memory_space<vmem>>, vector<16xf32>,
      %max3A_302 = arith.maximumf %scan3A_289, %get3A_301 : vector<16xf32>
      %add3A_303 = arith.constant 32 : i32
      %add3A_304 = arith.addi %mul3A_293, %add3A_303 : i32
      %get3A_305 = arith.index_cast %add3A_304 : i32 to index
      %get3A_306 = tpu.vector_load %arg8[%get3A_305] {strides = array<i32>} : memref<32768xf32, #tpu.memory_space<vmem>>, vector<16xf32>,
      %max3A_307 = arith.maximumf %scan3A_290, %get3A_306 : vector<16xf32>
      %add3A_308 = arith.constant 48 : i32
      %add3A_309 = arith.addi %mul3A_293, %add3A_308 : i32
      %get3A_310 = arith.index_cast %add3A_309 : i32 to index
      %get3A_311 = tpu.vector_load %arg8[%get3A_310] {strides = array<i32>} : memref<32768xf32, #tpu.memory_space<vmem>>, vector<16xf32>,
      %max3A_312 = arith.maximumf %scan3A_291, %get3A_311 : vector<16xf32>
      scf.yield %max3A_297, %max3A_302, %max3A_307, %max3A_312 : vector<16xf32>, vector<16xf32>, vector<16xf32>, vector<16xf32>
    }
    %scan3A_226 = arith.constant 512 : i32
    %max3A_227 = arith.maximumf %scan3A_225#0, %scan3A_225#1 : vector<16xf32>
    %max3A_228 = arith.maximumf %max3A_227, %scan3A_225#2 : vector<16xf32>
    %max3A_229 = arith.maximumf %max3A_228, %scan3A_225#3 : vector<16xf32>
    %reduce_max3A_230 = arith.constant true
    %reduce_max3A_231 = vector.broadcast %reduce_max3A_230 : i1 to vector<16xi1>
    %reduce_max3A_232 = tpu.scan <max>, %max3A_229 masked %reduce_max3A_231 : vector<16xf32>, vector<16xi1> -> vector<16xf32>
    %reduce_max3A_233 = vector.extract %reduce_max3A_232[15] : f32 from vector<16xf32>
    %sub3A_234 = arith.constant 1.031250e+00 : f32
    %sub3A_235 = arith.subf %reduce_max3A_233, %sub3A_234 : f32
    %scan3A_236 = arith.constant 0 : i32
    %scan3A_237 = arith.constant 0 : i32
    %scan3A_238 = arith.constant 2048 : i32
    %scan3A_239 = arith.addi %scan3A_237, %scan3A_238 : i32
    %scan3A_240 = arith.constant 1 : i32
    %scan3A_241 = scf.for %scan3A_287 = %scan3A_237 to %scan3A_239 step %scan3A_240 iter_args(%scan3A_288 = %scan3A_236) -> (i32)  : i32 {
      %mul3A_289 = arith.constant 16 : i32
      %mul3A_290 = arith.muli %scan3A_287, %mul3A_289 : i32
      %get3A = arith.index_cast %mul3A_290 : i32 to index
      %get3A_291 = tpu.vector_load %arg8[%get3A] {strides = array<i32>} : memref<32768xf32, #tpu.memory_space<vmem>>, vector<16xf32>,
      %gt3A = vector.broadcast %sub3A_235 : f32 to vector<16xf32>
      %gt3A_292 = arith.cmpf ogt, %get3A_291, %gt3A : vector<16xf32>
      %swap3A_293 = arith.index_cast %scan3A_288 : i32 to index
      %swap3A_294 = tpu.vector_load %arg9[%swap3A_293] masked %gt3A_292 {strides = array<i32>} : memref<32784xf32, #tpu.memory_space<vmem>>, vector<16xf32>, vector<16xi1>
      tpu.vector_store %arg9[%swap3A_293], %get3A_291 masked %gt3A_292 {strides = array<i32>} : memref<32784xf32, #tpu.memory_space<vmem>>, vector<16xf32>, vector<16xi1>
      %convert_element_type3A = arith.extui %gt3A_292 : vector<16xi1> to vector<16xi32>
      %reduce_sum3A = arith.constant true
      %reduce_sum3A_295 = vector.broadcast %reduce_sum3A : i1 to vector<16xi1>
      %reduce_sum3A_296 = tpu.scan <sum>, %convert_element_type3A masked %reduce_sum3A_295 : vector<16xi32>, vector<16xi1> -> vector<16xi32>
      %reduce_sum3A_297 = vector.extract %reduce_sum3A_296[15] : i32 from vector<16xi32>
      %add3A_298 = arith.addi %scan3A_288, %reduce_sum3A_297 : i32
      scf.yield %add3A_298 : i32
    }
    %scan3A_242 = arith.constant 2048 : i32
    %broadcast_in_dim3A_243 = arith.constant -3.000000e+38 : f32
    %broadcast_in_dim3A_244 = vector.broadcast %broadcast_in_dim3A_243 : f32 to vector<16xf32>
    %swap3A_245 = arith.index_cast %scan3A_241 : i32 to index
    %swap3A_246 = tpu.vector_load %arg9[%swap3A_245] {strides = array<i32>} : memref<32784xf32, #tpu.memory_space<vmem>>, vector<16xf32>,
    tpu.vector_store %arg9[%swap3A_245], %broadcast_in_dim3A_244 {strides = array<i32>} : memref<32784xf32, #tpu.memory_space<vmem>>, vector<16xf32>,
    %while3A_247 = arith.constant 0 : i32
    %while3A_248 = arith.constant 0.000000e+00 : f32
    %while3A_249 = arith.constant 1 : i32
    %while3A_250 = arith.constant 0 : i32
    %while3A_251:4 = scf.while (%while3A_287 = %while3A_247, %while3A_288 = %while3A_248, %while3A_289 = %while3A_249, %while3A_290 = %while3A_250) : (i32, f32, i32, i32) -> (i32, f32, i32, i32) {
      %eq3A_291 = arith.constant 0 : i32
      %eq3A_292 = arith.cmpi eq, %while3A_290, %eq3A_291 : i32
      scf.condition(%eq3A_292) %while3A_287, %while3A_288, %while3A_289, %while3A_290 : i32, f32, i32, i32
    } do {
    ^bb0(%while3A_287: i32, %while3A_288: f32, %while3A_289: i32, %while3A_290: i32):
      %add3A_291 = arith.constant 15 : i32
      %add3A_292 = arith.addi %scan3A_241, %add3A_291 : i32
      %shift_right_arithmetic3A = arith.constant 4 : i32
      %shift_right_arithmetic3A_293 = arith.shrsi %add3A_292, %shift_right_arithmetic3A : i32
      %broadcast_in_dim3A_294 = arith.constant -3.000000e+38 : f32
      %broadcast_in_dim3A_295 = vector.broadcast %broadcast_in_dim3A_294 : f32 to vector<16xf32>
      %while3A_296 = arith.constant 0 : i32
      %while3A_297 = arith.subi %shift_right_arithmetic3A_293, %while3A_296 : i32
      %while3A_298 = arith.addi %while3A_296, %while3A_297 : i32
      %while3A_299 = arith.constant 1 : i32
      %while3A_300 = arith.divsi %while3A_297, %while3A_299 : i32
      %while3A_301 = arith.muli %while3A_300, %while3A_299 : i32
      %while3A_302 = arith.addi %while3A_296, %while3A_301 : i32
      %while3A_303 = arith.constant 1 : i32
      %while3A_304 = scf.for %while3A_342 = %while3A_296 to %while3A_302 step %while3A_303 iter_args(%while3A_343 = %broadcast_in_dim3A_295) -> (vector<16xf32>)  : i32 {
        %mul3A_344 = arith.constant 16 : i32
        %mul3A_345 = arith.muli %while3A_342, %mul3A_344 : i32
        %get3A = arith.index_cast %mul3A_345 : i32 to index
        %get3A_346 = tpu.vector_load %arg9[%get3A] {strides = array<i32>} : memref<32784xf32, #tpu.memory_space<vmem>>, vector<16xf32>,
        %max3A_347 = arith.maximumf %while3A_343, %get3A_346 : vector<16xf32>
        scf.yield %max3A_347 : vector<16xf32>
      }
      %while3A_305 = arith.constant 1 : i32
      %while3A_306 = scf.for %while3A_342 = %while3A_302 to %while3A_298 step %while3A_305 iter_args(%while3A_343 = %while3A_304) -> (vector<16xf32>)  : i32 {
        %mul3A_344 = arith.constant 16 : i32
        %mul3A_345 = arith.muli %while3A_342, %mul3A_344 : i32
        %get3A = arith.index_cast %mul3A_345 : i32 to index
        %get3A_346 = tpu.vector_load %arg9[%get3A] {strides = array<i32>} : memref<32784xf32, #tpu.memory_space<vmem>>, vector<16xf32>,
        %max3A_347 = arith.maximumf %while3A_343, %get3A_346 : vector<16xf32>
        scf.yield %max3A_347 : vector<16xf32>
      }
      %reduce_max3A_307 = arith.constant true
      %reduce_max3A_308 = vector.broadcast %reduce_max3A_307 : i1 to vector<16xi1>
      %reduce_max3A_309 = tpu.scan <max>, %while3A_306 masked %reduce_max3A_308 : vector<16xf32>, vector<16xi1> -> vector<16xf32>
      %reduce_max3A_310 = vector.extract %reduce_max3A_309[15] : f32 from vector<16xf32>
      %add3A_311 = arith.constant 15 : i32
      %add3A_312 = arith.addi %scan3A_241, %add3A_311 : i32
      %shift_right_arithmetic3A_313 = arith.constant 4 : i32
      %shift_right_arithmetic3A_314 = arith.shrsi %add3A_312, %shift_right_arithmetic3A_313 : i32
      %while3A_315 = arith.constant 0 : i32
      %while3A_316 = arith.constant 0 : i32
      %while3A_317 = arith.subi %shift_right_arithmetic3A_314, %while3A_315 : i32
      %while3A_318 = arith.addi %while3A_315, %while3A_317 : i32
      %while3A_319 = arith.constant 1 : i32
      %while3A_320 = arith.divsi %while3A_317, %while3A_319 : i32
      %while3A_321 = arith.muli %while3A_320, %while3A_319 : i32
      %while3A_322 = arith.addi %while3A_315, %while3A_321 : i32
      %while3A_323 = arith.constant 1 : i32
      %while3A_324 = scf.for %while3A_342 = %while3A_315 to %while3A_322 step %while3A_323 iter_args(%while3A_343 = %while3A_316) -> (i32)  : i32 {
        %mul3A_344 = arith.constant 16 : i32
        %mul3A_345 = arith.muli %while3A_342, %mul3A_344 : i32
        %get3A = arith.index_cast %mul3A_345 : i32 to index
        %get3A_346 = tpu.vector_load %arg9[%get3A] {strides = array<i32>} : memref<32784xf32, #tpu.memory_space<vmem>>, vector<16xf32>,
        %eq3A_347 = vector.broadcast %reduce_max3A_310 : f32 to vector<16xf32>
        %eq3A_348 = arith.cmpf oeq, %get3A_346, %eq3A_347 : vector<16xf32>
        %broadcast_in_dim3A_349 = arith.constant -3.000000e+38 : f32
        %broadcast_in_dim3A_350 = vector.broadcast %broadcast_in_dim3A_349 : f32 to vector<16xf32>
        %select_n3A_351 = arith.select %eq3A_348, %broadcast_in_dim3A_350, %get3A_346 : vector<16xi1>, vector<16xf32>
        %mul3A_352 = arith.constant 16 : i32
        %mul3A_353 = arith.muli %while3A_342, %mul3A_352 : i32
        %swap3A_354 = arith.index_cast %mul3A_353 : i32 to index
        %swap3A_355 = tpu.vector_load %arg9[%swap3A_354] {strides = array<i32>} : memref<32784xf32, #tpu.memory_space<vmem>>, vector<16xf32>,
        tpu.vector_store %arg9[%swap3A_354], %select_n3A_351 {strides = array<i32>} : memref<32784xf32, #tpu.memory_space<vmem>>, vector<16xf32>,
        %convert_element_type3A_356 = arith.extui %eq3A_348 : vector<16xi1> to vector<16xi32>
        %reduce_sum3A = arith.constant true
        %reduce_sum3A_357 = vector.broadcast %reduce_sum3A : i1 to vector<16xi1>
        %reduce_sum3A_358 = tpu.scan <sum>, %convert_element_type3A_356 masked %reduce_sum3A_357 : vector<16xi32>, vector<16xi1> -> vector<16xi32>
        %reduce_sum3A_359 = vector.extract %reduce_sum3A_358[15] : i32 from vector<16xi32>
        %add3A_360 = arith.addi %while3A_343, %reduce_sum3A_359 : i32
        scf.yield %add3A_360 : i32
      }
      %while3A_325 = arith.constant 1 : i32
      %while3A_326 = scf.for %while3A_342 = %while3A_322 to %while3A_318 step %while3A_325 iter_args(%while3A_343 = %while3A_324) -> (i32)  : i32 {
        %mul3A_344 = arith.constant 16 : i32
        %mul3A_345 = arith.muli %while3A_342, %mul3A_344 : i32
        %get3A = arith.index_cast %mul3A_345 : i32 to index
        %get3A_346 = tpu.vector_load %arg9[%get3A] {strides = array<i32>} : memref<32784xf32, #tpu.memory_space<vmem>>, vector<16xf32>,
        %eq3A_347 = vector.broadcast %reduce_max3A_310 : f32 to vector<16xf32>
        %eq3A_348 = arith.cmpf oeq, %get3A_346, %eq3A_347 : vector<16xf32>
        %broadcast_in_dim3A_349 = arith.constant -3.000000e+38 : f32
        %broadcast_in_dim3A_350 = vector.broadcast %broadcast_in_dim3A_349 : f32 to vector<16xf32>
        %select_n3A_351 = arith.select %eq3A_348, %broadcast_in_dim3A_350, %get3A_346 : vector<16xi1>, vector<16xf32>
        %mul3A_352 = arith.constant 16 : i32
        %mul3A_353 = arith.muli %while3A_342, %mul3A_352 : i32
        %swap3A_354 = arith.index_cast %mul3A_353 : i32 to index
        %swap3A_355 = tpu.vector_load %arg9[%swap3A_354] {strides = array<i32>} : memref<32784xf32, #tpu.memory_space<vmem>>, vector<16xf32>,
        tpu.vector_store %arg9[%swap3A_354], %select_n3A_351 {strides = array<i32>} : memref<32784xf32, #tpu.memory_space<vmem>>, vector<16xf32>,
        %convert_element_type3A_356 = arith.extui %eq3A_348 : vector<16xi1> to vector<16xi32>
        %reduce_sum3A = arith.constant true
        %reduce_sum3A_357 = vector.broadcast %reduce_sum3A : i1 to vector<16xi1>
        %reduce_sum3A_358 = tpu.scan <sum>, %convert_element_type3A_356 masked %reduce_sum3A_357 : vector<16xi32>, vector<16xi1> -> vector<16xi32>
        %reduce_sum3A_359 = vector.extract %reduce_sum3A_358[15] : i32 from vector<16xi32>
        %add3A_360 = arith.addi %while3A_343, %reduce_sum3A_359 : i32
        scf.yield %add3A_360 : i32
      }
      %add3A_327 = arith.constant 1 : i32
      %add3A_328 = arith.addi %while3A_287, %add3A_327 : i32
      %convert_element_type3A = arith.sitofp %add3A_328 : i32 to f32
      %mul3A_329 = arith.mulf %convert_element_type3A, %reduce_max3A_310 : f32
      %add3A_330 = arith.addf %while3A_288, %reduce_max3A_310 : f32
      %sub3A_331 = arith.constant 1.000000e+00 : f32
      %sub3A_332 = arith.subf %add3A_330, %sub3A_331 : f32
      %gt3A = arith.cmpf ogt, %mul3A_329, %sub3A_332 : f32
      %add3A_333 = arith.addi %while3A_287, %while3A_326 : i32
      %select_n3A_334 = arith.select %gt3A, %add3A_333, %while3A_287 : i32
      %convert_element_type3A_335 = arith.sitofp %while3A_326 : i32 to f32
      %mul3A_336 = arith.mulf %convert_element_type3A_335, %reduce_max3A_310 : f32
      %add3A_337 = arith.addf %while3A_288, %mul3A_336 : f32
      %select_n3A_338 = arith.select %gt3A, %add3A_337, %while3A_288 : f32
      %ge3A = arith.cmpi sge, %select_n3A_334, %scan3A_241 : i32
      %convert_element_type3A_339 = arith.extui %ge3A : i1 to i32
      %jit3A = arith.constant 1 : i32
      %select_n3A_340 = arith.select %gt3A, %convert_element_type3A_339, %jit3A : i32
      %select_n3A_341 = arith.select %gt3A, %select_n3A_334, %while3A_287 : i32
      scf.yield %select_n3A_334, %select_n3A_338, %select_n3A_341, %select_n3A_340 : i32, f32, i32, i32
    }
    %broadcast_in_dim3A_252 = vector.broadcast %add3A_212 : i32 to vector<16xi32>
    %gather3A_253 = tpu.vector_load_idx %arg10[%broadcast_in_dim3A_252] : memref<128xi32, #tpu.memory_space<vmem>>[vector<16xi32>], vector<16xi32>,
    %reduce_max3A_254 = arith.constant true
    %reduce_max3A_255 = vector.broadcast %reduce_max3A_254 : i1 to vector<16xi1>
    %reduce_max3A_256 = arith.constant -2147483648 : i32
    %reduce_max3A_257 = vector.broadcast %reduce_max3A_256 : i32 to vector<16xi32>
    %reduce_max3A_258 = arith.xori %gather3A_253, %reduce_max3A_257 : vector<16xi32>
    %reduce_max3A_259 = tpu.scan <max>, %reduce_max3A_258 masked %reduce_max3A_255 : vector<16xi32>, vector<16xi1> -> vector<16xi32>
    %reduce_max3A_260 = arith.xori %reduce_max3A_259, %reduce_max3A_257 : vector<16xi32>
    %reduce_max3A_261 = vector.extract %reduce_max3A_260[15] : i32 from vector<16xi32>
    %broadcast_in_dim3A_262 = vector.broadcast %reduce_max3A_261 : i32 to vector<16xi32>
    %gather3A_263 = tpu.vector_load_idx %arg8[%broadcast_in_dim3A_262] : memref<32768xf32, #tpu.memory_space<vmem>>[vector<16xi32>], vector<16xf32>,
    %reduce_max3A_264 = arith.constant true
    %reduce_max3A_265 = vector.broadcast %reduce_max3A_264 : i1 to vector<16xi1>
    %reduce_max3A_266 = tpu.scan <max>, %gather3A_263 masked %reduce_max3A_265 : vector<16xf32>, vector<16xi1> -> vector<16xf32>
    %reduce_max3A_267 = vector.extract %reduce_max3A_266[15] : f32 from vector<16xf32>
    %eq3A_268 = arith.constant 3 : i32
    %eq3A_269 = vector.broadcast %eq3A_268 : i32 to vector<16xi32>
    %eq3A_270 = arith.cmpi eq, %iota3A, %eq3A_269 : vector<16xi32>
    %broadcast_in_dim3A_271 = vector.broadcast %while3A_251#1 : f32 to vector<16xf32>
    %select_n3A_272 = arith.select %eq3A_270, %broadcast_in_dim3A_271, %select_n3A_202 : vector<16xi1>, vector<16xf32>
    %broadcast_in_dim3A_273 = vector.broadcast %while3A_251#2 : i32 to vector<16xi32>
    %select_n3A_274 = arith.select %eq3A_270, %broadcast_in_dim3A_273, %select_n3A_204 : vector<16xi1>, vector<16xi32>
    %broadcast_in_dim3A_275 = vector.broadcast %reduce_max3A_233 : f32 to vector<16xf32>
    %select_n3A_276 = arith.select %eq3A_270, %broadcast_in_dim3A_275, %select_n3A_206 : vector<16xi1>, vector<16xf32>
    %broadcast_in_dim3A_277 = vector.broadcast %reduce_max3A_267 : f32 to vector<16xf32>
    %select_n3A_278 = arith.select %eq3A_270, %broadcast_in_dim3A_277, %select_n3A_208 : vector<16xi1>, vector<16xf32>
    %swap3A_279 = arith.constant 0 : index
    %swap3A_280 = tpu.vector_load %arg11[%swap3A_279] {strides = array<i32>} : memref<16xf32, #tpu.memory_space<vmem>>, vector<16xf32>,
    tpu.vector_store %arg11[%swap3A_279], %select_n3A_272 {strides = array<i32>} : memref<16xf32, #tpu.memory_space<vmem>>, vector<16xf32>,
    %swap3A_281 = arith.constant 0 : index
    %swap3A_282 = tpu.vector_load %arg12[%swap3A_281] {strides = array<i32>} : memref<16xi32, #tpu.memory_space<vmem>>, vector<16xi32>,
    tpu.vector_store %arg12[%swap3A_281], %select_n3A_274 {strides = array<i32>} : memref<16xi32, #tpu.memory_space<vmem>>, vector<16xi32>,
    %swap3A_283 = arith.constant 0 : index
    %swap3A_284 = tpu.vector_load %arg13[%swap3A_283] {strides = array<i32>} : memref<16xf32, #tpu.memory_space<vmem>>, vector<16xf32>,
    tpu.vector_store %arg13[%swap3A_283], %select_n3A_276 {strides = array<i32>} : memref<16xf32, #tpu.memory_space<vmem>>, vector<16xf32>,
    %swap3A_285 = arith.constant 0 : index
    %swap3A_286 = tpu.vector_load %arg14[%swap3A_285] {strides = array<i32>} : memref<16xf32, #tpu.memory_space<vmem>>, vector<16xf32>,
    tpu.vector_store %arg14[%swap3A_285], %select_n3A_278 {strides = array<i32>} : memref<16xf32, #tpu.memory_space<vmem>>, vector<16xf32>,
    "tpu.region"() ({
      %run_scoped3A = tpu.sem_alloc : memref<!tpu.dma_semaphore, #tpu.memory_space<semaphore_mem>>
      %dma_start3A = arith.constant 0 : i32
      %dma_start3A_287 = tpu.memref_slice %arg4[%add3A, %dma_start3A] : memref<32x16xf32, #tpu.memory_space<hbm>> -> memref<1x16xf32, #tpu.memory_space<hbm>>
      %dma_start3A_288 = tpu.memref_squeeze %dma_start3A_287 : memref<1x16xf32, #tpu.memory_space<hbm>> -> memref<16xf32, #tpu.memory_space<hbm>>
      %dma_start3A_289 = arith.constant 0 : i32
      %dma_start3A_290 = tpu.memref_slice %arg4[%add3A, %dma_start3A_289] : memref<32x16xf32, #tpu.memory_space<hbm>> -> memref<1x16xf32, #tpu.memory_space<hbm>>
      %dma_start3A_291 = tpu.memref_squeeze %dma_start3A_290 : memref<1x16xf32, #tpu.memory_space<hbm>> -> memref<16xf32, #tpu.memory_space<hbm>>
      tpu.enqueue_dma source(%arg11 : memref<16xf32, #tpu.memory_space<vmem>>) target(%dma_start3A_291 : memref<16xf32, #tpu.memory_space<hbm>>) target_semaphore(%run_scoped3A : memref<!tpu.dma_semaphore, #tpu.memory_space<semaphore_mem>>)
      %dma_wait3A = arith.constant 0 : i32
      %dma_wait3A_292 = tpu.memref_slice %arg4[%add3A, %dma_wait3A] : memref<32x16xf32, #tpu.memory_space<hbm>> -> memref<1x16xf32, #tpu.memory_space<hbm>>
      %dma_wait3A_293 = tpu.memref_squeeze %dma_wait3A_292 : memref<1x16xf32, #tpu.memory_space<hbm>> -> memref<16xf32, #tpu.memory_space<hbm>>
      %dma_wait3A_294 = arith.constant 0 : i32
      %dma_wait3A_295 = tpu.memref_slice %arg4[%add3A, %dma_wait3A_294] : memref<32x16xf32, #tpu.memory_space<hbm>> -> memref<1x16xf32, #tpu.memory_space<hbm>>
      %dma_wait3A_296 = tpu.memref_squeeze %dma_wait3A_295 : memref<1x16xf32, #tpu.memory_space<hbm>> -> memref<16xf32, #tpu.memory_space<hbm>>
      tpu.wait_dma2 semaphore(%run_scoped3A : memref<!tpu.dma_semaphore, #tpu.memory_space<semaphore_mem>>) src(%arg11 : memref<16xf32, #tpu.memory_space<vmem>>) dst(%dma_wait3A_296 : memref<16xf32, #tpu.memory_space<hbm>>)
      tpu.yield
    }) : () -> ()
    "tpu.region"() ({
      %run_scoped3A = tpu.sem_alloc : memref<!tpu.dma_semaphore, #tpu.memory_space<semaphore_mem>>
      %dma_start3A = arith.constant 0 : i32
      %dma_start3A_287 = tpu.memref_slice %arg5[%add3A, %dma_start3A] : memref<32x16xi32, #tpu.memory_space<hbm>> -> memref<1x16xi32, #tpu.memory_space<hbm>>
      %dma_start3A_288 = tpu.memref_squeeze %dma_start3A_287 : memref<1x16xi32, #tpu.memory_space<hbm>> -> memref<16xi32, #tpu.memory_space<hbm>>
      %dma_start3A_289 = arith.constant 0 : i32
      %dma_start3A_290 = tpu.memref_slice %arg5[%add3A, %dma_start3A_289] : memref<32x16xi32, #tpu.memory_space<hbm>> -> memref<1x16xi32, #tpu.memory_space<hbm>>
      %dma_start3A_291 = tpu.memref_squeeze %dma_start3A_290 : memref<1x16xi32, #tpu.memory_space<hbm>> -> memref<16xi32, #tpu.memory_space<hbm>>
      tpu.enqueue_dma source(%arg12 : memref<16xi32, #tpu.memory_space<vmem>>) target(%dma_start3A_291 : memref<16xi32, #tpu.memory_space<hbm>>) target_semaphore(%run_scoped3A : memref<!tpu.dma_semaphore, #tpu.memory_space<semaphore_mem>>)
      %dma_wait3A = arith.constant 0 : i32
      %dma_wait3A_292 = tpu.memref_slice %arg5[%add3A, %dma_wait3A] : memref<32x16xi32, #tpu.memory_space<hbm>> -> memref<1x16xi32, #tpu.memory_space<hbm>>
      %dma_wait3A_293 = tpu.memref_squeeze %dma_wait3A_292 : memref<1x16xi32, #tpu.memory_space<hbm>> -> memref<16xi32, #tpu.memory_space<hbm>>
      %dma_wait3A_294 = arith.constant 0 : i32
      %dma_wait3A_295 = tpu.memref_slice %arg5[%add3A, %dma_wait3A_294] : memref<32x16xi32, #tpu.memory_space<hbm>> -> memref<1x16xi32, #tpu.memory_space<hbm>>
      %dma_wait3A_296 = tpu.memref_squeeze %dma_wait3A_295 : memref<1x16xi32, #tpu.memory_space<hbm>> -> memref<16xi32, #tpu.memory_space<hbm>>
      tpu.wait_dma2 semaphore(%run_scoped3A : memref<!tpu.dma_semaphore, #tpu.memory_space<semaphore_mem>>) src(%arg12 : memref<16xi32, #tpu.memory_space<vmem>>) dst(%dma_wait3A_296 : memref<16xi32, #tpu.memory_space<hbm>>)
      tpu.yield
    }) : () -> ()
    "tpu.region"() ({
      %run_scoped3A = tpu.sem_alloc : memref<!tpu.dma_semaphore, #tpu.memory_space<semaphore_mem>>
      %dma_start3A = arith.constant 0 : i32
      %dma_start3A_287 = tpu.memref_slice %arg6[%add3A, %dma_start3A] : memref<32x16xf32, #tpu.memory_space<hbm>> -> memref<1x16xf32, #tpu.memory_space<hbm>>
      %dma_start3A_288 = tpu.memref_squeeze %dma_start3A_287 : memref<1x16xf32, #tpu.memory_space<hbm>> -> memref<16xf32, #tpu.memory_space<hbm>>
      %dma_start3A_289 = arith.constant 0 : i32
      %dma_start3A_290 = tpu.memref_slice %arg6[%add3A, %dma_start3A_289] : memref<32x16xf32, #tpu.memory_space<hbm>> -> memref<1x16xf32, #tpu.memory_space<hbm>>
      %dma_start3A_291 = tpu.memref_squeeze %dma_start3A_290 : memref<1x16xf32, #tpu.memory_space<hbm>> -> memref<16xf32, #tpu.memory_space<hbm>>
      tpu.enqueue_dma source(%arg13 : memref<16xf32, #tpu.memory_space<vmem>>) target(%dma_start3A_291 : memref<16xf32, #tpu.memory_space<hbm>>) target_semaphore(%run_scoped3A : memref<!tpu.dma_semaphore, #tpu.memory_space<semaphore_mem>>)
      %dma_wait3A = arith.constant 0 : i32
      %dma_wait3A_292 = tpu.memref_slice %arg6[%add3A, %dma_wait3A] : memref<32x16xf32, #tpu.memory_space<hbm>> -> memref<1x16xf32, #tpu.memory_space<hbm>>
      %dma_wait3A_293 = tpu.memref_squeeze %dma_wait3A_292 : memref<1x16xf32, #tpu.memory_space<hbm>> -> memref<16xf32, #tpu.memory_space<hbm>>
      %dma_wait3A_294 = arith.constant 0 : i32
      %dma_wait3A_295 = tpu.memref_slice %arg6[%add3A, %dma_wait3A_294] : memref<32x16xf32, #tpu.memory_space<hbm>> -> memref<1x16xf32, #tpu.memory_space<hbm>>
      %dma_wait3A_296 = tpu.memref_squeeze %dma_wait3A_295 : memref<1x16xf32, #tpu.memory_space<hbm>> -> memref<16xf32, #tpu.memory_space<hbm>>
      tpu.wait_dma2 semaphore(%run_scoped3A : memref<!tpu.dma_semaphore, #tpu.memory_space<semaphore_mem>>) src(%arg13 : memref<16xf32, #tpu.memory_space<vmem>>) dst(%dma_wait3A_296 : memref<16xf32, #tpu.memory_space<hbm>>)
      tpu.yield
    }) : () -> ()
    "tpu.region"() ({
      %run_scoped3A = tpu.sem_alloc : memref<!tpu.dma_semaphore, #tpu.memory_space<semaphore_mem>>
      %dma_start3A = arith.constant 0 : i32
      %dma_start3A_287 = tpu.memref_slice %arg7[%add3A, %dma_start3A] : memref<32x16xf32, #tpu.memory_space<hbm>> -> memref<1x16xf32, #tpu.memory_space<hbm>>
      %dma_start3A_288 = tpu.memref_squeeze %dma_start3A_287 : memref<1x16xf32, #tpu.memory_space<hbm>> -> memref<16xf32, #tpu.memory_space<hbm>>
      %dma_start3A_289 = arith.constant 0 : i32
      %dma_start3A_290 = tpu.memref_slice %arg7[%add3A, %dma_start3A_289] : memref<32x16xf32, #tpu.memory_space<hbm>> -> memref<1x16xf32, #tpu.memory_space<hbm>>
      %dma_start3A_291 = tpu.memref_squeeze %dma_start3A_290 : memref<1x16xf32, #tpu.memory_space<hbm>> -> memref<16xf32, #tpu.memory_space<hbm>>
      tpu.enqueue_dma source(%arg14 : memref<16xf32, #tpu.memory_space<vmem>>) target(%dma_start3A_291 : memref<16xf32, #tpu.memory_space<hbm>>) target_semaphore(%run_scoped3A : memref<!tpu.dma_semaphore, #tpu.memory_space<semaphore_mem>>)
      %dma_wait3A = arith.constant 0 : i32
      %dma_wait3A_292 = tpu.memref_slice %arg7[%add3A, %dma_wait3A] : memref<32x16xf32, #tpu.memory_space<hbm>> -> memref<1x16xf32, #tpu.memory_space<hbm>>
      %dma_wait3A_293 = tpu.memref_squeeze %dma_wait3A_292 : memref<1x16xf32, #tpu.memory_space<hbm>> -> memref<16xf32, #tpu.memory_space<hbm>>
      %dma_wait3A_294 = arith.constant 0 : i32
      %dma_wait3A_295 = tpu.memref_slice %arg7[%add3A, %dma_wait3A_294] : memref<32x16xf32, #tpu.memory_space<hbm>> -> memref<1x16xf32, #tpu.memory_space<hbm>>
      %dma_wait3A_296 = tpu.memref_squeeze %dma_wait3A_295 : memref<1x16xf32, #tpu.memory_space<hbm>> -> memref<16xf32, #tpu.memory_space<hbm>>
      tpu.wait_dma2 semaphore(%run_scoped3A : memref<!tpu.dma_semaphore, #tpu.memory_space<semaphore_mem>>) src(%arg14 : memref<16xf32, #tpu.memory_space<vmem>>) dst(%dma_wait3A_296 : memref<16xf32, #tpu.memory_space<hbm>>)
      tpu.yield
    }) : () -> ()
    return
  }
}

#map = affine_map<(d0, d1) -> (0, 0)>
module attributes {stable_mosaic.version = 14 : i64} {
  func.func @_stage2_body(%arg0: i32, %arg1: i32, %arg2: memref<128x32768xf32, #tpu.memory_space<hbm>>, %arg3: memref<32x16xi32, #tpu.memory_space<hbm>>, %arg4: memref<32x16xf32, #tpu.memory_space<hbm>>, %arg5: memref<128x256xf32, #tpu.memory_space<hbm>>, %arg6: memref<32768xf32, #tpu.memory_space<vmem>>, %arg7: memref<32784xf32, #tpu.memory_space<vmem>>, %arg8: memref<32x16xi32, #tpu.memory_space<vmem>>, %arg9: memref<16xf32, #tpu.memory_space<vmem>>, %arg10: memref<256xf32, #tpu.memory_space<vmem>>) attributes {dimension_semantics = [#tpu.dimension_semantics<core_parallel>, #tpu.dimension_semantics<subcore_parallel>], iteration_bounds = array<i64: 2, 16>, scalar_prefetch = 0 : i64, scratch_operands = 5 : i64, tpu.core_type = #tpu.core_type<sc_vector_subcore>, window_params = [{transform_indices = #map}, {transform_indices = #map}, {transform_indices = #map}, {transform_indices = #map}]} {
    %mul3A = arith.constant 2 : i32
    %mul3A_0 = arith.muli %arg1, %mul3A : i32
    %add3A = arith.addi %mul3A_0, %arg0 : i32
    "tpu.region"() ({
      %run_scoped3A = tpu.sem_alloc : memref<!tpu.dma_semaphore, #tpu.memory_space<semaphore_mem>>
      tpu.enqueue_dma source(%arg3 : memref<32x16xi32, #tpu.memory_space<hbm>>) target(%arg8 : memref<32x16xi32, #tpu.memory_space<vmem>>) target_semaphore(%run_scoped3A : memref<!tpu.dma_semaphore, #tpu.memory_space<semaphore_mem>>)
      tpu.wait_dma2 semaphore(%run_scoped3A : memref<!tpu.dma_semaphore, #tpu.memory_space<semaphore_mem>>) src(%arg3 : memref<32x16xi32, #tpu.memory_space<hbm>>) dst(%arg8 : memref<32x16xi32, #tpu.memory_space<vmem>>)
      tpu.yield
    }) : () -> ()
    "tpu.region"() ({
      %run_scoped3A = tpu.sem_alloc : memref<!tpu.dma_semaphore, #tpu.memory_space<semaphore_mem>>
      %dma_start3A = arith.constant 0 : i32
      %dma_start3A_390 = tpu.memref_slice %arg4[%add3A, %dma_start3A] : memref<32x16xf32, #tpu.memory_space<hbm>> -> memref<1x16xf32, #tpu.memory_space<hbm>>
      %dma_start3A_391 = tpu.memref_squeeze %dma_start3A_390 : memref<1x16xf32, #tpu.memory_space<hbm>> -> memref<16xf32, #tpu.memory_space<hbm>>
      %dma_start3A_392 = arith.constant 0 : i32
      %dma_start3A_393 = tpu.memref_slice %arg4[%add3A, %dma_start3A_392] : memref<32x16xf32, #tpu.memory_space<hbm>> -> memref<1x16xf32, #tpu.memory_space<hbm>>
      %dma_start3A_394 = tpu.memref_squeeze %dma_start3A_393 : memref<1x16xf32, #tpu.memory_space<hbm>> -> memref<16xf32, #tpu.memory_space<hbm>>
      tpu.enqueue_dma source(%dma_start3A_394 : memref<16xf32, #tpu.memory_space<hbm>>) target(%arg9 : memref<16xf32, #tpu.memory_space<vmem>>) target_semaphore(%run_scoped3A : memref<!tpu.dma_semaphore, #tpu.memory_space<semaphore_mem>>)
      %dma_wait3A = arith.constant 0 : i32
      %dma_wait3A_395 = tpu.memref_slice %arg4[%add3A, %dma_wait3A] : memref<32x16xf32, #tpu.memory_space<hbm>> -> memref<1x16xf32, #tpu.memory_space<hbm>>
      %dma_wait3A_396 = tpu.memref_squeeze %dma_wait3A_395 : memref<1x16xf32, #tpu.memory_space<hbm>> -> memref<16xf32, #tpu.memory_space<hbm>>
      %dma_wait3A_397 = arith.constant 0 : i32
      %dma_wait3A_398 = tpu.memref_slice %arg4[%add3A, %dma_wait3A_397] : memref<32x16xf32, #tpu.memory_space<hbm>> -> memref<1x16xf32, #tpu.memory_space<hbm>>
      %dma_wait3A_399 = tpu.memref_squeeze %dma_wait3A_398 : memref<1x16xf32, #tpu.memory_space<hbm>> -> memref<16xf32, #tpu.memory_space<hbm>>
      tpu.wait_dma2 semaphore(%run_scoped3A : memref<!tpu.dma_semaphore, #tpu.memory_space<semaphore_mem>>) src(%dma_wait3A_399 : memref<16xf32, #tpu.memory_space<hbm>>) dst(%arg9 : memref<16xf32, #tpu.memory_space<vmem>>)
      tpu.yield
    }) : () -> ()
    %broadcast_in_dim3A = arith.constant 1 : i32
    %broadcast_in_dim3A_1 = vector.broadcast %broadcast_in_dim3A : i32 to vector<16xi32>
    %scan3A = arith.constant 0 : i32
    %scan3A_2 = arith.constant 32 : i32
    %scan3A_3 = arith.addi %scan3A, %scan3A_2 : i32
    %scan3A_4 = arith.constant 1 : i32
    %scan3A_5 = scf.for %scan3A_390 = %scan3A to %scan3A_3 step %scan3A_4 iter_args(%scan3A_391 = %broadcast_in_dim3A_1) -> (vector<16xi32>)  : i32 {
      %get3A = arith.index_cast %scan3A_390 : i32 to index
      %get3A_392 = arith.constant 0 : index
      %get3A_393 = tpu.vector_load %arg8[%get3A, %get3A_392] {strides = array<i32>} : memref<32x16xi32, #tpu.memory_space<vmem>>, vector<16xi32>,
      %max3A = arith.maxsi %scan3A_391, %get3A_393 : vector<16xi32>
      scf.yield %max3A : vector<16xi32>
    }
    %scan3A_6 = arith.constant 32 : i32
    %reduce_max3A = arith.constant true
    %reduce_max3A_7 = vector.broadcast %reduce_max3A : i1 to vector<16xi1>
    %reduce_max3A_8 = arith.constant -2147483648 : i32
    %reduce_max3A_9 = vector.broadcast %reduce_max3A_8 : i32 to vector<16xi32>
    %reduce_max3A_10 = arith.xori %scan3A_5, %reduce_max3A_9 : vector<16xi32>
    %reduce_max3A_11 = tpu.scan <max>, %reduce_max3A_10 masked %reduce_max3A_7 : vector<16xi32>, vector<16xi1> -> vector<16xi32>
    %reduce_max3A_12 = arith.xori %reduce_max3A_11, %reduce_max3A_9 : vector<16xi32>
    %reduce_max3A_13 = vector.extract %reduce_max3A_12[15] : i32 from vector<16xi32>
    %min3A = arith.constant 256 : i32
    %min3A_14 = arith.minsi %reduce_max3A_13, %min3A : i32
    %mul3A_15 = arith.constant 4 : i32
    %mul3A_16 = arith.muli %mul3A_15, %add3A : i32
    %add3A_17 = arith.constant 0 : i32
    %add3A_18 = arith.addi %mul3A_16, %add3A_17 : i32
    "tpu.region"() ({
      %run_scoped3A = tpu.sem_alloc : memref<!tpu.dma_semaphore, #tpu.memory_space<semaphore_mem>>
      %dma_start3A = arith.constant 0 : i32
      %dma_start3A_390 = tpu.memref_slice %arg2[%add3A_18, %dma_start3A] : memref<128x32768xf32, #tpu.memory_space<hbm>> -> memref<1x32768xf32, #tpu.memory_space<hbm>>
      %dma_start3A_391 = tpu.memref_squeeze %dma_start3A_390 : memref<1x32768xf32, #tpu.memory_space<hbm>> -> memref<32768xf32, #tpu.memory_space<hbm>>
      %dma_start3A_392 = arith.constant 0 : i32
      %dma_start3A_393 = tpu.memref_slice %arg2[%add3A_18, %dma_start3A_392] : memref<128x32768xf32, #tpu.memory_space<hbm>> -> memref<1x32768xf32, #tpu.memory_space<hbm>>
      %dma_start3A_394 = tpu.memref_squeeze %dma_start3A_393 : memref<1x32768xf32, #tpu.memory_space<hbm>> -> memref<32768xf32, #tpu.memory_space<hbm>>
      tpu.enqueue_dma source(%dma_start3A_394 : memref<32768xf32, #tpu.memory_space<hbm>>) target(%arg6 : memref<32768xf32, #tpu.memory_space<vmem>>) target_semaphore(%run_scoped3A : memref<!tpu.dma_semaphore, #tpu.memory_space<semaphore_mem>>)
      %dma_wait3A = arith.constant 0 : i32
      %dma_wait3A_395 = tpu.memref_slice %arg2[%add3A_18, %dma_wait3A] : memref<128x32768xf32, #tpu.memory_space<hbm>> -> memref<1x32768xf32, #tpu.memory_space<hbm>>
      %dma_wait3A_396 = tpu.memref_squeeze %dma_wait3A_395 : memref<1x32768xf32, #tpu.memory_space<hbm>> -> memref<32768xf32, #tpu.memory_space<hbm>>
      %dma_wait3A_397 = arith.constant 0 : i32
      %dma_wait3A_398 = tpu.memref_slice %arg2[%add3A_18, %dma_wait3A_397] : memref<128x32768xf32, #tpu.memory_space<hbm>> -> memref<1x32768xf32, #tpu.memory_space<hbm>>
      %dma_wait3A_399 = tpu.memref_squeeze %dma_wait3A_398 : memref<1x32768xf32, #tpu.memory_space<hbm>> -> memref<32768xf32, #tpu.memory_space<hbm>>
      tpu.wait_dma2 semaphore(%run_scoped3A : memref<!tpu.dma_semaphore, #tpu.memory_space<semaphore_mem>>) src(%dma_wait3A_399 : memref<32768xf32, #tpu.memory_space<hbm>>) dst(%arg6 : memref<32768xf32, #tpu.memory_space<vmem>>)
      tpu.yield
    }) : () -> ()
    %broadcast_in_dim3A_19 = arith.constant 0 : i32
    %broadcast_in_dim3A_20 = vector.broadcast %broadcast_in_dim3A_19 : i32 to vector<16xi32>
    %gather3A = tpu.vector_load_idx %arg9[%broadcast_in_dim3A_20] : memref<16xf32, #tpu.memory_space<vmem>>[vector<16xi32>], vector<16xf32>,
    %reduce_max3A_21 = arith.constant true
    %reduce_max3A_22 = vector.broadcast %reduce_max3A_21 : i1 to vector<16xi1>
    %reduce_max3A_23 = tpu.scan <max>, %gather3A masked %reduce_max3A_22 : vector<16xf32>, vector<16xi1> -> vector<16xf32>
    %reduce_max3A_24 = vector.extract %reduce_max3A_23[15] : f32 from vector<16xf32>
    %sub3A = arith.constant 1.031250e+00 : f32
    %sub3A_25 = arith.subf %reduce_max3A_24, %sub3A : f32
    %scan3A_26 = arith.constant 0 : i32
    %scan3A_27 = arith.constant 0 : i32
    %scan3A_28 = arith.constant 2048 : i32
    %scan3A_29 = arith.addi %scan3A_27, %scan3A_28 : i32
    %scan3A_30 = arith.constant 1 : i32
    %scan3A_31 = scf.for %scan3A_390 = %scan3A_27 to %scan3A_29 step %scan3A_30 iter_args(%scan3A_391 = %scan3A_26) -> (i32)  : i32 {
      %mul3A_392 = arith.constant 16 : i32
      %mul3A_393 = arith.muli %scan3A_390, %mul3A_392 : i32
      %get3A = arith.index_cast %mul3A_393 : i32 to index
      %get3A_394 = tpu.vector_load %arg6[%get3A] {strides = array<i32>} : memref<32768xf32, #tpu.memory_space<vmem>>, vector<16xf32>,
      %gt3A = vector.broadcast %sub3A_25 : f32 to vector<16xf32>
      %gt3A_395 = arith.cmpf ogt, %get3A_394, %gt3A : vector<16xf32>
      %swap3A_396 = arith.index_cast %scan3A_391 : i32 to index
      %swap3A_397 = tpu.vector_load %arg7[%swap3A_396] masked %gt3A_395 {strides = array<i32>} : memref<32784xf32, #tpu.memory_space<vmem>>, vector<16xf32>, vector<16xi1>
      tpu.vector_store %arg7[%swap3A_396], %get3A_394 masked %gt3A_395 {strides = array<i32>} : memref<32784xf32, #tpu.memory_space<vmem>>, vector<16xf32>, vector<16xi1>
      %convert_element_type3A = arith.extui %gt3A_395 : vector<16xi1> to vector<16xi32>
      %reduce_sum3A = arith.constant true
      %reduce_sum3A_398 = vector.broadcast %reduce_sum3A : i1 to vector<16xi1>
      %reduce_sum3A_399 = tpu.scan <sum>, %convert_element_type3A masked %reduce_sum3A_398 : vector<16xi32>, vector<16xi1> -> vector<16xi32>
      %reduce_sum3A_400 = vector.extract %reduce_sum3A_399[15] : i32 from vector<16xi32>
      %add3A_401 = arith.addi %scan3A_391, %reduce_sum3A_400 : i32
      scf.yield %add3A_401 : i32
    }
    %scan3A_32 = arith.constant 2048 : i32
    %broadcast_in_dim3A_33 = arith.constant -3.000000e+38 : f32
    %broadcast_in_dim3A_34 = vector.broadcast %broadcast_in_dim3A_33 : f32 to vector<16xf32>
    %swap3A = arith.index_cast %scan3A_31 : i32 to index
    %swap3A_35 = tpu.vector_load %arg7[%swap3A] {strides = array<i32>} : memref<32784xf32, #tpu.memory_space<vmem>>, vector<16xf32>,
    tpu.vector_store %arg7[%swap3A], %broadcast_in_dim3A_34 {strides = array<i32>} : memref<32784xf32, #tpu.memory_space<vmem>>, vector<16xf32>,
    %while3A = arith.constant 1.031250e+00 : f32
    %while3A_36:2 = scf.while (%while3A_390 = %while3A, %while3A_391 = %scan3A_31) : (f32, i32) -> (f32, i32) {
      %lt3A = arith.cmpi slt, %while3A_391, %min3A_14 : i32
      scf.condition(%lt3A) %while3A_390, %while3A_391 : f32, i32
    } do {
    ^bb0(%while3A_390: f32, %while3A_391: i32):
      %lt3A = arith.constant 1.600000e+01 : f32
      %lt3A_392 = arith.cmpf olt, %while3A_390, %lt3A : f32
      %mul3A_393 = arith.constant 1.500000e+00 : f32
      %mul3A_394 = arith.mulf %while3A_390, %mul3A_393 : f32
      %mul3A_395 = arith.constant 2.560000e+02 : f32
      %mul3A_396 = arith.mulf %while3A_390, %mul3A_395 : f32
      %select_n3A = arith.select %lt3A_392, %mul3A_394, %mul3A_396 : f32
      %sub3A_397 = arith.subf %reduce_max3A_24, %select_n3A : f32
      %scan3A_398 = arith.constant 0 : i32
      %scan3A_399 = arith.constant 0 : i32
      %scan3A_400 = arith.constant 2048 : i32
      %scan3A_401 = arith.addi %scan3A_399, %scan3A_400 : i32
      %scan3A_402 = arith.constant 1 : i32
      %scan3A_403 = scf.for %scan3A_409 = %scan3A_399 to %scan3A_401 step %scan3A_402 iter_args(%scan3A_410 = %scan3A_398) -> (i32)  : i32 {
        %mul3A_411 = arith.constant 16 : i32
        %mul3A_412 = arith.muli %scan3A_409, %mul3A_411 : i32
        %get3A = arith.index_cast %mul3A_412 : i32 to index
        %get3A_413 = tpu.vector_load %arg6[%get3A] {strides = array<i32>} : memref<32768xf32, #tpu.memory_space<vmem>>, vector<16xf32>,
        %gt3A = vector.broadcast %sub3A_397 : f32 to vector<16xf32>
        %gt3A_414 = arith.cmpf ogt, %get3A_413, %gt3A : vector<16xf32>
        %swap3A_415 = arith.index_cast %scan3A_410 : i32 to index
        %swap3A_416 = tpu.vector_load %arg7[%swap3A_415] masked %gt3A_414 {strides = array<i32>} : memref<32784xf32, #tpu.memory_space<vmem>>, vector<16xf32>, vector<16xi1>
        tpu.vector_store %arg7[%swap3A_415], %get3A_413 masked %gt3A_414 {strides = array<i32>} : memref<32784xf32, #tpu.memory_space<vmem>>, vector<16xf32>, vector<16xi1>
        %convert_element_type3A = arith.extui %gt3A_414 : vector<16xi1> to vector<16xi32>
        %reduce_sum3A = arith.constant true
        %reduce_sum3A_417 = vector.broadcast %reduce_sum3A : i1 to vector<16xi1>
        %reduce_sum3A_418 = tpu.scan <sum>, %convert_element_type3A masked %reduce_sum3A_417 : vector<16xi32>, vector<16xi1> -> vector<16xi32>
        %reduce_sum3A_419 = vector.extract %reduce_sum3A_418[15] : i32 from vector<16xi32>
        %add3A_420 = arith.addi %scan3A_410, %reduce_sum3A_419 : i32
        scf.yield %add3A_420 : i32
      }
      %scan3A_404 = arith.constant 2048 : i32
      %broadcast_in_dim3A_405 = arith.constant -3.000000e+38 : f32
      %broadcast_in_dim3A_406 = vector.broadcast %broadcast_in_dim3A_405 : f32 to vector<16xf32>
      %swap3A_407 = arith.index_cast %scan3A_403 : i32 to index
      %swap3A_408 = tpu.vector_load %arg7[%swap3A_407] {strides = array<i32>} : memref<32784xf32, #tpu.memory_space<vmem>>, vector<16xf32>,
      tpu.vector_store %arg7[%swap3A_407], %broadcast_in_dim3A_406 {strides = array<i32>} : memref<32784xf32, #tpu.memory_space<vmem>>, vector<16xf32>,
      scf.yield %select_n3A, %scan3A_403 : f32, i32
    }
    %broadcast_in_dim3A_37 = arith.constant 0.000000e+00 : f32
    %broadcast_in_dim3A_38 = vector.broadcast %broadcast_in_dim3A_37 : f32 to vector<16xf32>
    %swap3A_39 = arith.constant 0 : index
    %swap3A_40 = tpu.vector_load %arg10[%swap3A_39] {strides = array<i32>} : memref<256xf32, #tpu.memory_space<vmem>>, vector<16xf32>,
    tpu.vector_store %arg10[%swap3A_39], %broadcast_in_dim3A_38 {strides = array<i32>} : memref<256xf32, #tpu.memory_space<vmem>>, vector<16xf32>,
    %broadcast_in_dim3A_41 = arith.constant 0.000000e+00 : f32
    %broadcast_in_dim3A_42 = vector.broadcast %broadcast_in_dim3A_41 : f32 to vector<16xf32>
    %swap3A_43 = arith.constant 16 : index
    %swap3A_44 = tpu.vector_load %arg10[%swap3A_43] {strides = array<i32>} : memref<256xf32, #tpu.memory_space<vmem>>, vector<16xf32>,
    tpu.vector_store %arg10[%swap3A_43], %broadcast_in_dim3A_42 {strides = array<i32>} : memref<256xf32, #tpu.memory_space<vmem>>, vector<16xf32>,
    %broadcast_in_dim3A_45 = arith.constant 0.000000e+00 : f32
    %broadcast_in_dim3A_46 = vector.broadcast %broadcast_in_dim3A_45 : f32 to vector<16xf32>
    %swap3A_47 = arith.constant 32 : index
    %swap3A_48 = tpu.vector_load %arg10[%swap3A_47] {strides = array<i32>} : memref<256xf32, #tpu.memory_space<vmem>>, vector<16xf32>,
    tpu.vector_store %arg10[%swap3A_47], %broadcast_in_dim3A_46 {strides = array<i32>} : memref<256xf32, #tpu.memory_space<vmem>>, vector<16xf32>,
    %broadcast_in_dim3A_49 = arith.constant 0.000000e+00 : f32
    %broadcast_in_dim3A_50 = vector.broadcast %broadcast_in_dim3A_49 : f32 to vector<16xf32>
    %swap3A_51 = arith.constant 48 : index
    %swap3A_52 = tpu.vector_load %arg10[%swap3A_51] {strides = array<i32>} : memref<256xf32, #tpu.memory_space<vmem>>, vector<16xf32>,
    tpu.vector_store %arg10[%swap3A_51], %broadcast_in_dim3A_50 {strides = array<i32>} : memref<256xf32, #tpu.memory_space<vmem>>, vector<16xf32>,
    %broadcast_in_dim3A_53 = arith.constant 0.000000e+00 : f32
    %broadcast_in_dim3A_54 = vector.broadcast %broadcast_in_dim3A_53 : f32 to vector<16xf32>
    %swap3A_55 = arith.constant 64 : index
    %swap3A_56 = tpu.vector_load %arg10[%swap3A_55] {strides = array<i32>} : memref<256xf32, #tpu.memory_space<vmem>>, vector<16xf32>,
    tpu.vector_store %arg10[%swap3A_55], %broadcast_in_dim3A_54 {strides = array<i32>} : memref<256xf32, #tpu.memory_space<vmem>>, vector<16xf32>,
    %broadcast_in_dim3A_57 = arith.constant 0.000000e+00 : f32
    %broadcast_in_dim3A_58 = vector.broadcast %broadcast_in_dim3A_57 : f32 to vector<16xf32>
    %swap3A_59 = arith.constant 80 : index
    %swap3A_60 = tpu.vector_load %arg10[%swap3A_59] {strides = array<i32>} : memref<256xf32, #tpu.memory_space<vmem>>, vector<16xf32>,
    tpu.vector_store %arg10[%swap3A_59], %broadcast_in_dim3A_58 {strides = array<i32>} : memref<256xf32, #tpu.memory_space<vmem>>, vector<16xf32>,
    %broadcast_in_dim3A_61 = arith.constant 0.000000e+00 : f32
    %broadcast_in_dim3A_62 = vector.broadcast %broadcast_in_dim3A_61 : f32 to vector<16xf32>
    %swap3A_63 = arith.constant 96 : index
    %swap3A_64 = tpu.vector_load %arg10[%swap3A_63] {strides = array<i32>} : memref<256xf32, #tpu.memory_space<vmem>>, vector<16xf32>,
    tpu.vector_store %arg10[%swap3A_63], %broadcast_in_dim3A_62 {strides = array<i32>} : memref<256xf32, #tpu.memory_space<vmem>>, vector<16xf32>,
    %broadcast_in_dim3A_65 = arith.constant 0.000000e+00 : f32
    %broadcast_in_dim3A_66 = vector.broadcast %broadcast_in_dim3A_65 : f32 to vector<16xf32>
    %swap3A_67 = arith.constant 112 : index
    %swap3A_68 = tpu.vector_load %arg10[%swap3A_67] {strides = array<i32>} : memref<256xf32, #tpu.memory_space<vmem>>, vector<16xf32>,
    tpu.vector_store %arg10[%swap3A_67], %broadcast_in_dim3A_66 {strides = array<i32>} : memref<256xf32, #tpu.memory_space<vmem>>, vector<16xf32>,
    %broadcast_in_dim3A_69 = arith.constant 0.000000e+00 : f32
    %broadcast_in_dim3A_70 = vector.broadcast %broadcast_in_dim3A_69 : f32 to vector<16xf32>
    %swap3A_71 = arith.constant 128 : index
    %swap3A_72 = tpu.vector_load %arg10[%swap3A_71] {strides = array<i32>} : memref<256xf32, #tpu.memory_space<vmem>>, vector<16xf32>,
    tpu.vector_store %arg10[%swap3A_71], %broadcast_in_dim3A_70 {strides = array<i32>} : memref<256xf32, #tpu.memory_space<vmem>>, vector<16xf32>,
    %broadcast_in_dim3A_73 = arith.constant 0.000000e+00 : f32
    %broadcast_in_dim3A_74 = vector.broadcast %broadcast_in_dim3A_73 : f32 to vector<16xf32>
    %swap3A_75 = arith.constant 144 : index
    %swap3A_76 = tpu.vector_load %arg10[%swap3A_75] {strides = array<i32>} : memref<256xf32, #tpu.memory_space<vmem>>, vector<16xf32>,
    tpu.vector_store %arg10[%swap3A_75], %broadcast_in_dim3A_74 {strides = array<i32>} : memref<256xf32, #tpu.memory_space<vmem>>, vector<16xf32>,
    %broadcast_in_dim3A_77 = arith.constant 0.000000e+00 : f32
    %broadcast_in_dim3A_78 = vector.broadcast %broadcast_in_dim3A_77 : f32 to vector<16xf32>
    %swap3A_79 = arith.constant 160 : index
    %swap3A_80 = tpu.vector_load %arg10[%swap3A_79] {strides = array<i32>} : memref<256xf32, #tpu.memory_space<vmem>>, vector<16xf32>,
    tpu.vector_store %arg10[%swap3A_79], %broadcast_in_dim3A_78 {strides = array<i32>} : memref<256xf32, #tpu.memory_space<vmem>>, vector<16xf32>,
    %broadcast_in_dim3A_81 = arith.constant 0.000000e+00 : f32
    %broadcast_in_dim3A_82 = vector.broadcast %broadcast_in_dim3A_81 : f32 to vector<16xf32>
    %swap3A_83 = arith.constant 176 : index
    %swap3A_84 = tpu.vector_load %arg10[%swap3A_83] {strides = array<i32>} : memref<256xf32, #tpu.memory_space<vmem>>, vector<16xf32>,
    tpu.vector_store %arg10[%swap3A_83], %broadcast_in_dim3A_82 {strides = array<i32>} : memref<256xf32, #tpu.memory_space<vmem>>, vector<16xf32>,
    %broadcast_in_dim3A_85 = arith.constant 0.000000e+00 : f32
    %broadcast_in_dim3A_86 = vector.broadcast %broadcast_in_dim3A_85 : f32 to vector<16xf32>
    %swap3A_87 = arith.constant 192 : index
    %swap3A_88 = tpu.vector_load %arg10[%swap3A_87] {strides = array<i32>} : memref<256xf32, #tpu.memory_space<vmem>>, vector<16xf32>,
    tpu.vector_store %arg10[%swap3A_87], %broadcast_in_dim3A_86 {strides = array<i32>} : memref<256xf32, #tpu.memory_space<vmem>>, vector<16xf32>,
    %broadcast_in_dim3A_89 = arith.constant 0.000000e+00 : f32
    %broadcast_in_dim3A_90 = vector.broadcast %broadcast_in_dim3A_89 : f32 to vector<16xf32>
    %swap3A_91 = arith.constant 208 : index
    %swap3A_92 = tpu.vector_load %arg10[%swap3A_91] {strides = array<i32>} : memref<256xf32, #tpu.memory_space<vmem>>, vector<16xf32>,
    tpu.vector_store %arg10[%swap3A_91], %broadcast_in_dim3A_90 {strides = array<i32>} : memref<256xf32, #tpu.memory_space<vmem>>, vector<16xf32>,
    %broadcast_in_dim3A_93 = arith.constant 0.000000e+00 : f32
    %broadcast_in_dim3A_94 = vector.broadcast %broadcast_in_dim3A_93 : f32 to vector<16xf32>
    %swap3A_95 = arith.constant 224 : index
    %swap3A_96 = tpu.vector_load %arg10[%swap3A_95] {strides = array<i32>} : memref<256xf32, #tpu.memory_space<vmem>>, vector<16xf32>,
    tpu.vector_store %arg10[%swap3A_95], %broadcast_in_dim3A_94 {strides = array<i32>} : memref<256xf32, #tpu.memory_space<vmem>>, vector<16xf32>,
    %broadcast_in_dim3A_97 = arith.constant 0.000000e+00 : f32
    %broadcast_in_dim3A_98 = vector.broadcast %broadcast_in_dim3A_97 : f32 to vector<16xf32>
    %swap3A_99 = arith.constant 240 : index
    %swap3A_100 = tpu.vector_load %arg10[%swap3A_99] {strides = array<i32>} : memref<256xf32, #tpu.memory_space<vmem>>, vector<16xf32>,
    tpu.vector_store %arg10[%swap3A_99], %broadcast_in_dim3A_98 {strides = array<i32>} : memref<256xf32, #tpu.memory_space<vmem>>, vector<16xf32>,
    %iota3A = tpu.iota {dimensions = array<i32: 0>} : vector<16xi32>
    %while3A_101 = arith.constant 0 : i32
    %while3A_102 = arith.constant 0.000000e+00 : f32
    %while3A_103 = arith.constant 0 : i32
    %while3A_104:3 = scf.while (%while3A_390 = %while3A_101, %while3A_391 = %while3A_102, %while3A_392 = %while3A_103) : (i32, f32, i32) -> (i32, f32, i32) {
      %eq3A = arith.constant 0 : i32
      %eq3A_393 = arith.cmpi eq, %while3A_392, %eq3A : i32
      scf.condition(%eq3A_393) %while3A_390, %while3A_391, %while3A_392 : i32, f32, i32
    } do {
    ^bb0(%while3A_390: i32, %while3A_391: f32, %while3A_392: i32):
      %add3A_393 = arith.constant 15 : i32
      %add3A_394 = arith.addi %while3A_36#1, %add3A_393 : i32
      %shift_right_arithmetic3A = arith.constant 4 : i32
      %shift_right_arithmetic3A_395 = arith.shrsi %add3A_394, %shift_right_arithmetic3A : i32
      %broadcast_in_dim3A_396 = arith.constant -3.000000e+38 : f32
      %broadcast_in_dim3A_397 = vector.broadcast %broadcast_in_dim3A_396 : f32 to vector<16xf32>
      %while3A_398 = arith.constant 0 : i32
      %while3A_399 = arith.subi %shift_right_arithmetic3A_395, %while3A_398 : i32
      %while3A_400 = arith.addi %while3A_398, %while3A_399 : i32
      %while3A_401 = arith.constant 1 : i32
      %while3A_402 = arith.divsi %while3A_399, %while3A_401 : i32
      %while3A_403 = arith.muli %while3A_402, %while3A_401 : i32
      %while3A_404 = arith.addi %while3A_398, %while3A_403 : i32
      %while3A_405 = arith.constant 1 : i32
      %while3A_406 = scf.for %while3A_450 = %while3A_398 to %while3A_404 step %while3A_405 iter_args(%while3A_451 = %broadcast_in_dim3A_397) -> (vector<16xf32>)  : i32 {
        %mul3A_452 = arith.constant 16 : i32
        %mul3A_453 = arith.muli %while3A_450, %mul3A_452 : i32
        %get3A = arith.index_cast %mul3A_453 : i32 to index
        %get3A_454 = tpu.vector_load %arg7[%get3A] {strides = array<i32>} : memref<32784xf32, #tpu.memory_space<vmem>>, vector<16xf32>,
        %max3A = arith.maximumf %while3A_451, %get3A_454 : vector<16xf32>
        scf.yield %max3A : vector<16xf32>
      }
      %while3A_407 = arith.constant 1 : i32
      %while3A_408 = scf.for %while3A_450 = %while3A_404 to %while3A_400 step %while3A_407 iter_args(%while3A_451 = %while3A_406) -> (vector<16xf32>)  : i32 {
        %mul3A_452 = arith.constant 16 : i32
        %mul3A_453 = arith.muli %while3A_450, %mul3A_452 : i32
        %get3A = arith.index_cast %mul3A_453 : i32 to index
        %get3A_454 = tpu.vector_load %arg7[%get3A] {strides = array<i32>} : memref<32784xf32, #tpu.memory_space<vmem>>, vector<16xf32>,
        %max3A = arith.maximumf %while3A_451, %get3A_454 : vector<16xf32>
        scf.yield %max3A : vector<16xf32>
      }
      %reduce_max3A_409 = arith.constant true
      %reduce_max3A_410 = vector.broadcast %reduce_max3A_409 : i1 to vector<16xi1>
      %reduce_max3A_411 = tpu.scan <max>, %while3A_408 masked %reduce_max3A_410 : vector<16xf32>, vector<16xi1> -> vector<16xf32>
      %reduce_max3A_412 = vector.extract %reduce_max3A_411[15] : f32 from vector<16xf32>
      %add3A_413 = arith.constant 15 : i32
      %add3A_414 = arith.addi %while3A_36#1, %add3A_413 : i32
      %shift_right_arithmetic3A_415 = arith.constant 4 : i32
      %shift_right_arithmetic3A_416 = arith.shrsi %add3A_414, %shift_right_arithmetic3A_415 : i32
      %while3A_417 = arith.constant 0 : i32
      %while3A_418 = arith.constant 0 : i32
      %while3A_419 = arith.subi %shift_right_arithmetic3A_416, %while3A_417 : i32
      %while3A_420 = arith.addi %while3A_417, %while3A_419 : i32
      %while3A_421 = arith.constant 1 : i32
      %while3A_422 = arith.divsi %while3A_419, %while3A_421 : i32
      %while3A_423 = arith.muli %while3A_422, %while3A_421 : i32
      %while3A_424 = arith.addi %while3A_417, %while3A_423 : i32
      %while3A_425 = arith.constant 1 : i32
      %while3A_426 = scf.for %while3A_450 = %while3A_417 to %while3A_424 step %while3A_425 iter_args(%while3A_451 = %while3A_418) -> (i32)  : i32 {
        %mul3A_452 = arith.constant 16 : i32
        %mul3A_453 = arith.muli %while3A_450, %mul3A_452 : i32
        %get3A = arith.index_cast %mul3A_453 : i32 to index
        %get3A_454 = tpu.vector_load %arg7[%get3A] {strides = array<i32>} : memref<32784xf32, #tpu.memory_space<vmem>>, vector<16xf32>,
        %eq3A = vector.broadcast %reduce_max3A_412 : f32 to vector<16xf32>
        %eq3A_455 = arith.cmpf oeq, %get3A_454, %eq3A : vector<16xf32>
        %broadcast_in_dim3A_456 = arith.constant -3.000000e+38 : f32
        %broadcast_in_dim3A_457 = vector.broadcast %broadcast_in_dim3A_456 : f32 to vector<16xf32>
        %select_n3A = arith.select %eq3A_455, %broadcast_in_dim3A_457, %get3A_454 : vector<16xi1>, vector<16xf32>
        %mul3A_458 = arith.constant 16 : i32
        %mul3A_459 = arith.muli %while3A_450, %mul3A_458 : i32
        %swap3A_460 = arith.index_cast %mul3A_459 : i32 to index
        %swap3A_461 = tpu.vector_load %arg7[%swap3A_460] {strides = array<i32>} : memref<32784xf32, #tpu.memory_space<vmem>>, vector<16xf32>,
        tpu.vector_store %arg7[%swap3A_460], %select_n3A {strides = array<i32>} : memref<32784xf32, #tpu.memory_space<vmem>>, vector<16xf32>,
        %convert_element_type3A_462 = arith.extui %eq3A_455 : vector<16xi1> to vector<16xi32>
        %reduce_sum3A = arith.constant true
        %reduce_sum3A_463 = vector.broadcast %reduce_sum3A : i1 to vector<16xi1>
        %reduce_sum3A_464 = tpu.scan <sum>, %convert_element_type3A_462 masked %reduce_sum3A_463 : vector<16xi32>, vector<16xi1> -> vector<16xi32>
        %reduce_sum3A_465 = vector.extract %reduce_sum3A_464[15] : i32 from vector<16xi32>
        %add3A_466 = arith.addi %while3A_451, %reduce_sum3A_465 : i32
        scf.yield %add3A_466 : i32
      }
      %while3A_427 = arith.constant 1 : i32
      %while3A_428 = scf.for %while3A_450 = %while3A_424 to %while3A_420 step %while3A_427 iter_args(%while3A_451 = %while3A_426) -> (i32)  : i32 {
        %mul3A_452 = arith.constant 16 : i32
        %mul3A_453 = arith.muli %while3A_450, %mul3A_452 : i32
        %get3A = arith.index_cast %mul3A_453 : i32 to index
        %get3A_454 = tpu.vector_load %arg7[%get3A] {strides = array<i32>} : memref<32784xf32, #tpu.memory_space<vmem>>, vector<16xf32>,
        %eq3A = vector.broadcast %reduce_max3A_412 : f32 to vector<16xf32>
        %eq3A_455 = arith.cmpf oeq, %get3A_454, %eq3A : vector<16xf32>
        %broadcast_in_dim3A_456 = arith.constant -3.000000e+38 : f32
        %broadcast_in_dim3A_457 = vector.broadcast %broadcast_in_dim3A_456 : f32 to vector<16xf32>
        %select_n3A = arith.select %eq3A_455, %broadcast_in_dim3A_457, %get3A_454 : vector<16xi1>, vector<16xf32>
        %mul3A_458 = arith.constant 16 : i32
        %mul3A_459 = arith.muli %while3A_450, %mul3A_458 : i32
        %swap3A_460 = arith.index_cast %mul3A_459 : i32 to index
        %swap3A_461 = tpu.vector_load %arg7[%swap3A_460] {strides = array<i32>} : memref<32784xf32, #tpu.memory_space<vmem>>, vector<16xf32>,
        tpu.vector_store %arg7[%swap3A_460], %select_n3A {strides = array<i32>} : memref<32784xf32, #tpu.memory_space<vmem>>, vector<16xf32>,
        %convert_element_type3A_462 = arith.extui %eq3A_455 : vector<16xi1> to vector<16xi32>
        %reduce_sum3A = arith.constant true
        %reduce_sum3A_463 = vector.broadcast %reduce_sum3A : i1 to vector<16xi1>
        %reduce_sum3A_464 = tpu.scan <sum>, %convert_element_type3A_462 masked %reduce_sum3A_463 : vector<16xi32>, vector<16xi1> -> vector<16xi32>
        %reduce_sum3A_465 = vector.extract %reduce_sum3A_464[15] : i32 from vector<16xi32>
        %add3A_466 = arith.addi %while3A_451, %reduce_sum3A_465 : i32
        scf.yield %add3A_466 : i32
      }
      %mul3A_429 = arith.mulf %reduce_max3A_412, %reduce_max3A_412 : f32
      %add3A_430 = arith.addi %while3A_390, %while3A_428 : i32
      %min3A_431 = arith.minsi %add3A_430, %min3A_14 : i32
      %add3A_432 = arith.constant 15 : i32
      %add3A_433 = arith.addi %while3A_428, %add3A_432 : i32
      %shift_right_arithmetic3A_434 = arith.constant 4 : i32
      %shift_right_arithmetic3A_435 = arith.shrsi %add3A_433, %shift_right_arithmetic3A_434 : i32
      %while3A_436 = arith.constant 0 : i32
      %while3A_437 = arith.constant 0 : i32
      %while3A_438 = arith.subi %shift_right_arithmetic3A_435, %while3A_437 : i32
      %while3A_439 = arith.addi %while3A_437, %while3A_438 : i32
      %while3A_440 = arith.constant 1 : i32
      %while3A_441 = arith.divsi %while3A_438, %while3A_440 : i32
      %while3A_442 = arith.muli %while3A_441, %while3A_440 : i32
      %while3A_443 = arith.addi %while3A_437, %while3A_442 : i32
      %while3A_444 = arith.constant 1 : i32
      scf.for %while3A_450 = %while3A_437 to %while3A_443 step %while3A_444  : i32 {
        %mul3A_451 = arith.constant 16 : i32
        %mul3A_452 = arith.muli %while3A_450, %mul3A_451 : i32
        %add3A_453 = arith.addi %while3A_390, %mul3A_452 : i32
        %add3A_454 = vector.broadcast %add3A_453 : i32 to vector<16xi32>
        %add3A_455 = arith.addi %add3A_454, %iota3A : vector<16xi32>
        %lt3A = vector.broadcast %min3A_431 : i32 to vector<16xi32>
        %lt3A_456 = arith.cmpi slt, %add3A_455, %lt3A : vector<16xi32>
        %sub3A_457 = vector.broadcast %while3A_390 : i32 to vector<16xi32>
        %sub3A_458 = arith.subi %add3A_455, %sub3A_457 : vector<16xi32>
        %add3A_459 = arith.constant 1 : i32
        %add3A_460 = vector.broadcast %add3A_459 : i32 to vector<16xi32>
        %add3A_461 = arith.addi %sub3A_458, %add3A_460 : vector<16xi32>
        %convert_element_type3A_462 = arith.sitofp %add3A_461 : vector<16xi32> to vector<16xf32>
        %mul3A_463 = vector.broadcast %mul3A_429 : f32 to vector<16xf32>
        %mul3A_464 = arith.mulf %convert_element_type3A_462, %mul3A_463 : vector<16xf32>
        %add3A_465 = vector.broadcast %while3A_391 : f32 to vector<16xf32>
        %add3A_466 = arith.addf %add3A_465, %mul3A_464 : vector<16xf32>
        tpu.vector_store_idx %arg10[%add3A_455], %add3A_466 masked %lt3A_456 : memref<256xf32, #tpu.memory_space<vmem>>[vector<16xi32>], vector<16xf32>, vector<16xi1>
      }
      %while3A_445 = arith.constant 1 : i32
      scf.for %while3A_450 = %while3A_443 to %while3A_439 step %while3A_445  : i32 {
        %mul3A_451 = arith.constant 16 : i32
        %mul3A_452 = arith.muli %while3A_450, %mul3A_451 : i32
        %add3A_453 = arith.addi %while3A_390, %mul3A_452 : i32
        %add3A_454 = vector.broadcast %add3A_453 : i32 to vector<16xi32>
        %add3A_455 = arith.addi %add3A_454, %iota3A : vector<16xi32>
        %lt3A = vector.broadcast %min3A_431 : i32 to vector<16xi32>
        %lt3A_456 = arith.cmpi slt, %add3A_455, %lt3A : vector<16xi32>
        %sub3A_457 = vector.broadcast %while3A_390 : i32 to vector<16xi32>
        %sub3A_458 = arith.subi %add3A_455, %sub3A_457 : vector<16xi32>
        %add3A_459 = arith.constant 1 : i32
        %add3A_460 = vector.broadcast %add3A_459 : i32 to vector<16xi32>
        %add3A_461 = arith.addi %sub3A_458, %add3A_460 : vector<16xi32>
        %convert_element_type3A_462 = arith.sitofp %add3A_461 : vector<16xi32> to vector<16xf32>
        %mul3A_463 = vector.broadcast %mul3A_429 : f32 to vector<16xf32>
        %mul3A_464 = arith.mulf %convert_element_type3A_462, %mul3A_463 : vector<16xf32>
        %add3A_465 = vector.broadcast %while3A_391 : f32 to vector<16xf32>
        %add3A_466 = arith.addf %add3A_465, %mul3A_464 : vector<16xf32>
        tpu.vector_store_idx %arg10[%add3A_455], %add3A_466 masked %lt3A_456 : memref<256xf32, #tpu.memory_space<vmem>>[vector<16xi32>], vector<16xf32>, vector<16xi1>
      }
      %add3A_446 = arith.addi %while3A_390, %while3A_428 : i32
      %convert_element_type3A = arith.sitofp %while3A_428 : i32 to f32
      %mul3A_447 = arith.mulf %convert_element_type3A, %mul3A_429 : f32
      %add3A_448 = arith.addf %while3A_391, %mul3A_447 : f32
      %ge3A = arith.cmpi sge, %add3A_446, %min3A_14 : i32
      %convert_element_type3A_449 = arith.extui %ge3A : i1 to i32
      scf.yield %add3A_446, %add3A_448, %convert_element_type3A_449 : i32, f32, i32
    }
    "tpu.region"() ({
      %run_scoped3A = tpu.sem_alloc : memref<!tpu.dma_semaphore, #tpu.memory_space<semaphore_mem>>
      %dma_start3A = arith.constant 0 : i32
      %dma_start3A_390 = tpu.memref_slice %arg5[%add3A_18, %dma_start3A] : memref<128x256xf32, #tpu.memory_space<hbm>> -> memref<1x256xf32, #tpu.memory_space<hbm>>
      %dma_start3A_391 = tpu.memref_squeeze %dma_start3A_390 : memref<1x256xf32, #tpu.memory_space<hbm>> -> memref<256xf32, #tpu.memory_space<hbm>>
      %dma_start3A_392 = arith.constant 0 : i32
      %dma_start3A_393 = tpu.memref_slice %arg5[%add3A_18, %dma_start3A_392] : memref<128x256xf32, #tpu.memory_space<hbm>> -> memref<1x256xf32, #tpu.memory_space<hbm>>
      %dma_start3A_394 = tpu.memref_squeeze %dma_start3A_393 : memref<1x256xf32, #tpu.memory_space<hbm>> -> memref<256xf32, #tpu.memory_space<hbm>>
      tpu.enqueue_dma source(%arg10 : memref<256xf32, #tpu.memory_space<vmem>>) target(%dma_start3A_394 : memref<256xf32, #tpu.memory_space<hbm>>) target_semaphore(%run_scoped3A : memref<!tpu.dma_semaphore, #tpu.memory_space<semaphore_mem>>)
      %dma_wait3A = arith.constant 0 : i32
      %dma_wait3A_395 = tpu.memref_slice %arg5[%add3A_18, %dma_wait3A] : memref<128x256xf32, #tpu.memory_space<hbm>> -> memref<1x256xf32, #tpu.memory_space<hbm>>
      %dma_wait3A_396 = tpu.memref_squeeze %dma_wait3A_395 : memref<1x256xf32, #tpu.memory_space<hbm>> -> memref<256xf32, #tpu.memory_space<hbm>>
      %dma_wait3A_397 = arith.constant 0 : i32
      %dma_wait3A_398 = tpu.memref_slice %arg5[%add3A_18, %dma_wait3A_397] : memref<128x256xf32, #tpu.memory_space<hbm>> -> memref<1x256xf32, #tpu.memory_space<hbm>>
      %dma_wait3A_399 = tpu.memref_squeeze %dma_wait3A_398 : memref<1x256xf32, #tpu.memory_space<hbm>> -> memref<256xf32, #tpu.memory_space<hbm>>
      tpu.wait_dma2 semaphore(%run_scoped3A : memref<!tpu.dma_semaphore, #tpu.memory_space<semaphore_mem>>) src(%arg10 : memref<256xf32, #tpu.memory_space<vmem>>) dst(%dma_wait3A_399 : memref<256xf32, #tpu.memory_space<hbm>>)
      tpu.yield
    }) : () -> ()
    %mul3A_105 = arith.constant 4 : i32
    %mul3A_106 = arith.muli %mul3A_105, %add3A : i32
    %add3A_107 = arith.constant 1 : i32
    %add3A_108 = arith.addi %mul3A_106, %add3A_107 : i32
    "tpu.region"() ({
      %run_scoped3A = tpu.sem_alloc : memref<!tpu.dma_semaphore, #tpu.memory_space<semaphore_mem>>
      %dma_start3A = arith.constant 0 : i32
      %dma_start3A_390 = tpu.memref_slice %arg2[%add3A_108, %dma_start3A] : memref<128x32768xf32, #tpu.memory_space<hbm>> -> memref<1x32768xf32, #tpu.memory_space<hbm>>
      %dma_start3A_391 = tpu.memref_squeeze %dma_start3A_390 : memref<1x32768xf32, #tpu.memory_space<hbm>> -> memref<32768xf32, #tpu.memory_space<hbm>>
      %dma_start3A_392 = arith.constant 0 : i32
      %dma_start3A_393 = tpu.memref_slice %arg2[%add3A_108, %dma_start3A_392] : memref<128x32768xf32, #tpu.memory_space<hbm>> -> memref<1x32768xf32, #tpu.memory_space<hbm>>
      %dma_start3A_394 = tpu.memref_squeeze %dma_start3A_393 : memref<1x32768xf32, #tpu.memory_space<hbm>> -> memref<32768xf32, #tpu.memory_space<hbm>>
      tpu.enqueue_dma source(%dma_start3A_394 : memref<32768xf32, #tpu.memory_space<hbm>>) target(%arg6 : memref<32768xf32, #tpu.memory_space<vmem>>) target_semaphore(%run_scoped3A : memref<!tpu.dma_semaphore, #tpu.memory_space<semaphore_mem>>)
      %dma_wait3A = arith.constant 0 : i32
      %dma_wait3A_395 = tpu.memref_slice %arg2[%add3A_108, %dma_wait3A] : memref<128x32768xf32, #tpu.memory_space<hbm>> -> memref<1x32768xf32, #tpu.memory_space<hbm>>
      %dma_wait3A_396 = tpu.memref_squeeze %dma_wait3A_395 : memref<1x32768xf32, #tpu.memory_space<hbm>> -> memref<32768xf32, #tpu.memory_space<hbm>>
      %dma_wait3A_397 = arith.constant 0 : i32
      %dma_wait3A_398 = tpu.memref_slice %arg2[%add3A_108, %dma_wait3A_397] : memref<128x32768xf32, #tpu.memory_space<hbm>> -> memref<1x32768xf32, #tpu.memory_space<hbm>>
      %dma_wait3A_399 = tpu.memref_squeeze %dma_wait3A_398 : memref<1x32768xf32, #tpu.memory_space<hbm>> -> memref<32768xf32, #tpu.memory_space<hbm>>
      tpu.wait_dma2 semaphore(%run_scoped3A : memref<!tpu.dma_semaphore, #tpu.memory_space<semaphore_mem>>) src(%dma_wait3A_399 : memref<32768xf32, #tpu.memory_space<hbm>>) dst(%arg6 : memref<32768xf32, #tpu.memory_space<vmem>>)
      tpu.yield
    }) : () -> ()
    %broadcast_in_dim3A_109 = arith.constant 1 : i32
    %broadcast_in_dim3A_110 = vector.broadcast %broadcast_in_dim3A_109 : i32 to vector<16xi32>
    %gather3A_111 = tpu.vector_load_idx %arg9[%broadcast_in_dim3A_110] : memref<16xf32, #tpu.memory_space<vmem>>[vector<16xi32>], vector<16xf32>,
    %reduce_max3A_112 = arith.constant true
    %reduce_max3A_113 = vector.broadcast %reduce_max3A_112 : i1 to vector<16xi1>
    %reduce_max3A_114 = tpu.scan <max>, %gather3A_111 masked %reduce_max3A_113 : vector<16xf32>, vector<16xi1> -> vector<16xf32>
    %reduce_max3A_115 = vector.extract %reduce_max3A_114[15] : f32 from vector<16xf32>
    %sub3A_116 = arith.constant 1.031250e+00 : f32
    %sub3A_117 = arith.subf %reduce_max3A_115, %sub3A_116 : f32
    %scan3A_118 = arith.constant 0 : i32
    %scan3A_119 = arith.constant 0 : i32
    %scan3A_120 = arith.constant 2048 : i32
    %scan3A_121 = arith.addi %scan3A_119, %scan3A_120 : i32
    %scan3A_122 = arith.constant 1 : i32
    %scan3A_123 = scf.for %scan3A_390 = %scan3A_119 to %scan3A_121 step %scan3A_122 iter_args(%scan3A_391 = %scan3A_118) -> (i32)  : i32 {
      %mul3A_392 = arith.constant 16 : i32
      %mul3A_393 = arith.muli %scan3A_390, %mul3A_392 : i32
      %get3A = arith.index_cast %mul3A_393 : i32 to index
      %get3A_394 = tpu.vector_load %arg6[%get3A] {strides = array<i32>} : memref<32768xf32, #tpu.memory_space<vmem>>, vector<16xf32>,
      %gt3A = vector.broadcast %sub3A_117 : f32 to vector<16xf32>
      %gt3A_395 = arith.cmpf ogt, %get3A_394, %gt3A : vector<16xf32>
      %swap3A_396 = arith.index_cast %scan3A_391 : i32 to index
      %swap3A_397 = tpu.vector_load %arg7[%swap3A_396] masked %gt3A_395 {strides = array<i32>} : memref<32784xf32, #tpu.memory_space<vmem>>, vector<16xf32>, vector<16xi1>
      tpu.vector_store %arg7[%swap3A_396], %get3A_394 masked %gt3A_395 {strides = array<i32>} : memref<32784xf32, #tpu.memory_space<vmem>>, vector<16xf32>, vector<16xi1>
      %convert_element_type3A = arith.extui %gt3A_395 : vector<16xi1> to vector<16xi32>
      %reduce_sum3A = arith.constant true
      %reduce_sum3A_398 = vector.broadcast %reduce_sum3A : i1 to vector<16xi1>
      %reduce_sum3A_399 = tpu.scan <sum>, %convert_element_type3A masked %reduce_sum3A_398 : vector<16xi32>, vector<16xi1> -> vector<16xi32>
      %reduce_sum3A_400 = vector.extract %reduce_sum3A_399[15] : i32 from vector<16xi32>
      %add3A_401 = arith.addi %scan3A_391, %reduce_sum3A_400 : i32
      scf.yield %add3A_401 : i32
    }
    %scan3A_124 = arith.constant 2048 : i32
    %broadcast_in_dim3A_125 = arith.constant -3.000000e+38 : f32
    %broadcast_in_dim3A_126 = vector.broadcast %broadcast_in_dim3A_125 : f32 to vector<16xf32>
    %swap3A_127 = arith.index_cast %scan3A_123 : i32 to index
    %swap3A_128 = tpu.vector_load %arg7[%swap3A_127] {strides = array<i32>} : memref<32784xf32, #tpu.memory_space<vmem>>, vector<16xf32>,
    tpu.vector_store %arg7[%swap3A_127], %broadcast_in_dim3A_126 {strides = array<i32>} : memref<32784xf32, #tpu.memory_space<vmem>>, vector<16xf32>,
    %while3A_129 = arith.constant 1.031250e+00 : f32
    %while3A_130:2 = scf.while (%while3A_390 = %while3A_129, %while3A_391 = %scan3A_123) : (f32, i32) -> (f32, i32) {
      %lt3A = arith.cmpi slt, %while3A_391, %min3A_14 : i32
      scf.condition(%lt3A) %while3A_390, %while3A_391 : f32, i32
    } do {
    ^bb0(%while3A_390: f32, %while3A_391: i32):
      %lt3A = arith.constant 1.600000e+01 : f32
      %lt3A_392 = arith.cmpf olt, %while3A_390, %lt3A : f32
      %mul3A_393 = arith.constant 1.500000e+00 : f32
      %mul3A_394 = arith.mulf %while3A_390, %mul3A_393 : f32
      %mul3A_395 = arith.constant 2.560000e+02 : f32
      %mul3A_396 = arith.mulf %while3A_390, %mul3A_395 : f32
      %select_n3A = arith.select %lt3A_392, %mul3A_394, %mul3A_396 : f32
      %sub3A_397 = arith.subf %reduce_max3A_115, %select_n3A : f32
      %scan3A_398 = arith.constant 0 : i32
      %scan3A_399 = arith.constant 0 : i32
      %scan3A_400 = arith.constant 2048 : i32
      %scan3A_401 = arith.addi %scan3A_399, %scan3A_400 : i32
      %scan3A_402 = arith.constant 1 : i32
      %scan3A_403 = scf.for %scan3A_409 = %scan3A_399 to %scan3A_401 step %scan3A_402 iter_args(%scan3A_410 = %scan3A_398) -> (i32)  : i32 {
        %mul3A_411 = arith.constant 16 : i32
        %mul3A_412 = arith.muli %scan3A_409, %mul3A_411 : i32
        %get3A = arith.index_cast %mul3A_412 : i32 to index
        %get3A_413 = tpu.vector_load %arg6[%get3A] {strides = array<i32>} : memref<32768xf32, #tpu.memory_space<vmem>>, vector<16xf32>,
        %gt3A = vector.broadcast %sub3A_397 : f32 to vector<16xf32>
        %gt3A_414 = arith.cmpf ogt, %get3A_413, %gt3A : vector<16xf32>
        %swap3A_415 = arith.index_cast %scan3A_410 : i32 to index
        %swap3A_416 = tpu.vector_load %arg7[%swap3A_415] masked %gt3A_414 {strides = array<i32>} : memref<32784xf32, #tpu.memory_space<vmem>>, vector<16xf32>, vector<16xi1>
        tpu.vector_store %arg7[%swap3A_415], %get3A_413 masked %gt3A_414 {strides = array<i32>} : memref<32784xf32, #tpu.memory_space<vmem>>, vector<16xf32>, vector<16xi1>
        %convert_element_type3A = arith.extui %gt3A_414 : vector<16xi1> to vector<16xi32>
        %reduce_sum3A = arith.constant true
        %reduce_sum3A_417 = vector.broadcast %reduce_sum3A : i1 to vector<16xi1>
        %reduce_sum3A_418 = tpu.scan <sum>, %convert_element_type3A masked %reduce_sum3A_417 : vector<16xi32>, vector<16xi1> -> vector<16xi32>
        %reduce_sum3A_419 = vector.extract %reduce_sum3A_418[15] : i32 from vector<16xi32>
        %add3A_420 = arith.addi %scan3A_410, %reduce_sum3A_419 : i32
        scf.yield %add3A_420 : i32
      }
      %scan3A_404 = arith.constant 2048 : i32
      %broadcast_in_dim3A_405 = arith.constant -3.000000e+38 : f32
      %broadcast_in_dim3A_406 = vector.broadcast %broadcast_in_dim3A_405 : f32 to vector<16xf32>
      %swap3A_407 = arith.index_cast %scan3A_403 : i32 to index
      %swap3A_408 = tpu.vector_load %arg7[%swap3A_407] {strides = array<i32>} : memref<32784xf32, #tpu.memory_space<vmem>>, vector<16xf32>,
      tpu.vector_store %arg7[%swap3A_407], %broadcast_in_dim3A_406 {strides = array<i32>} : memref<32784xf32, #tpu.memory_space<vmem>>, vector<16xf32>,
      scf.yield %select_n3A, %scan3A_403 : f32, i32
    }
    %broadcast_in_dim3A_131 = arith.constant 0.000000e+00 : f32
    %broadcast_in_dim3A_132 = vector.broadcast %broadcast_in_dim3A_131 : f32 to vector<16xf32>
    %swap3A_133 = arith.constant 0 : index
    %swap3A_134 = tpu.vector_load %arg10[%swap3A_133] {strides = array<i32>} : memref<256xf32, #tpu.memory_space<vmem>>, vector<16xf32>,
    tpu.vector_store %arg10[%swap3A_133], %broadcast_in_dim3A_132 {strides = array<i32>} : memref<256xf32, #tpu.memory_space<vmem>>, vector<16xf32>,
    %broadcast_in_dim3A_135 = arith.constant 0.000000e+00 : f32
    %broadcast_in_dim3A_136 = vector.broadcast %broadcast_in_dim3A_135 : f32 to vector<16xf32>
    %swap3A_137 = arith.constant 16 : index
    %swap3A_138 = tpu.vector_load %arg10[%swap3A_137] {strides = array<i32>} : memref<256xf32, #tpu.memory_space<vmem>>, vector<16xf32>,
    tpu.vector_store %arg10[%swap3A_137], %broadcast_in_dim3A_136 {strides = array<i32>} : memref<256xf32, #tpu.memory_space<vmem>>, vector<16xf32>,
    %broadcast_in_dim3A_139 = arith.constant 0.000000e+00 : f32
    %broadcast_in_dim3A_140 = vector.broadcast %broadcast_in_dim3A_139 : f32 to vector<16xf32>
    %swap3A_141 = arith.constant 32 : index
    %swap3A_142 = tpu.vector_load %arg10[%swap3A_141] {strides = array<i32>} : memref<256xf32, #tpu.memory_space<vmem>>, vector<16xf32>,
    tpu.vector_store %arg10[%swap3A_141], %broadcast_in_dim3A_140 {strides = array<i32>} : memref<256xf32, #tpu.memory_space<vmem>>, vector<16xf32>,
    %broadcast_in_dim3A_143 = arith.constant 0.000000e+00 : f32
    %broadcast_in_dim3A_144 = vector.broadcast %broadcast_in_dim3A_143 : f32 to vector<16xf32>
    %swap3A_145 = arith.constant 48 : index
    %swap3A_146 = tpu.vector_load %arg10[%swap3A_145] {strides = array<i32>} : memref<256xf32, #tpu.memory_space<vmem>>, vector<16xf32>,
    tpu.vector_store %arg10[%swap3A_145], %broadcast_in_dim3A_144 {strides = array<i32>} : memref<256xf32, #tpu.memory_space<vmem>>, vector<16xf32>,
    %broadcast_in_dim3A_147 = arith.constant 0.000000e+00 : f32
    %broadcast_in_dim3A_148 = vector.broadcast %broadcast_in_dim3A_147 : f32 to vector<16xf32>
    %swap3A_149 = arith.constant 64 : index
    %swap3A_150 = tpu.vector_load %arg10[%swap3A_149] {strides = array<i32>} : memref<256xf32, #tpu.memory_space<vmem>>, vector<16xf32>,
    tpu.vector_store %arg10[%swap3A_149], %broadcast_in_dim3A_148 {strides = array<i32>} : memref<256xf32, #tpu.memory_space<vmem>>, vector<16xf32>,
    %broadcast_in_dim3A_151 = arith.constant 0.000000e+00 : f32
    %broadcast_in_dim3A_152 = vector.broadcast %broadcast_in_dim3A_151 : f32 to vector<16xf32>
    %swap3A_153 = arith.constant 80 : index
    %swap3A_154 = tpu.vector_load %arg10[%swap3A_153] {strides = array<i32>} : memref<256xf32, #tpu.memory_space<vmem>>, vector<16xf32>,
    tpu.vector_store %arg10[%swap3A_153], %broadcast_in_dim3A_152 {strides = array<i32>} : memref<256xf32, #tpu.memory_space<vmem>>, vector<16xf32>,
    %broadcast_in_dim3A_155 = arith.constant 0.000000e+00 : f32
    %broadcast_in_dim3A_156 = vector.broadcast %broadcast_in_dim3A_155 : f32 to vector<16xf32>
    %swap3A_157 = arith.constant 96 : index
    %swap3A_158 = tpu.vector_load %arg10[%swap3A_157] {strides = array<i32>} : memref<256xf32, #tpu.memory_space<vmem>>, vector<16xf32>,
    tpu.vector_store %arg10[%swap3A_157], %broadcast_in_dim3A_156 {strides = array<i32>} : memref<256xf32, #tpu.memory_space<vmem>>, vector<16xf32>,
    %broadcast_in_dim3A_159 = arith.constant 0.000000e+00 : f32
    %broadcast_in_dim3A_160 = vector.broadcast %broadcast_in_dim3A_159 : f32 to vector<16xf32>
    %swap3A_161 = arith.constant 112 : index
    %swap3A_162 = tpu.vector_load %arg10[%swap3A_161] {strides = array<i32>} : memref<256xf32, #tpu.memory_space<vmem>>, vector<16xf32>,
    tpu.vector_store %arg10[%swap3A_161], %broadcast_in_dim3A_160 {strides = array<i32>} : memref<256xf32, #tpu.memory_space<vmem>>, vector<16xf32>,
    %broadcast_in_dim3A_163 = arith.constant 0.000000e+00 : f32
    %broadcast_in_dim3A_164 = vector.broadcast %broadcast_in_dim3A_163 : f32 to vector<16xf32>
    %swap3A_165 = arith.constant 128 : index
    %swap3A_166 = tpu.vector_load %arg10[%swap3A_165] {strides = array<i32>} : memref<256xf32, #tpu.memory_space<vmem>>, vector<16xf32>,
    tpu.vector_store %arg10[%swap3A_165], %broadcast_in_dim3A_164 {strides = array<i32>} : memref<256xf32, #tpu.memory_space<vmem>>, vector<16xf32>,
    %broadcast_in_dim3A_167 = arith.constant 0.000000e+00 : f32
    %broadcast_in_dim3A_168 = vector.broadcast %broadcast_in_dim3A_167 : f32 to vector<16xf32>
    %swap3A_169 = arith.constant 144 : index
    %swap3A_170 = tpu.vector_load %arg10[%swap3A_169] {strides = array<i32>} : memref<256xf32, #tpu.memory_space<vmem>>, vector<16xf32>,
    tpu.vector_store %arg10[%swap3A_169], %broadcast_in_dim3A_168 {strides = array<i32>} : memref<256xf32, #tpu.memory_space<vmem>>, vector<16xf32>,
    %broadcast_in_dim3A_171 = arith.constant 0.000000e+00 : f32
    %broadcast_in_dim3A_172 = vector.broadcast %broadcast_in_dim3A_171 : f32 to vector<16xf32>
    %swap3A_173 = arith.constant 160 : index
    %swap3A_174 = tpu.vector_load %arg10[%swap3A_173] {strides = array<i32>} : memref<256xf32, #tpu.memory_space<vmem>>, vector<16xf32>,
    tpu.vector_store %arg10[%swap3A_173], %broadcast_in_dim3A_172 {strides = array<i32>} : memref<256xf32, #tpu.memory_space<vmem>>, vector<16xf32>,
    %broadcast_in_dim3A_175 = arith.constant 0.000000e+00 : f32
    %broadcast_in_dim3A_176 = vector.broadcast %broadcast_in_dim3A_175 : f32 to vector<16xf32>
    %swap3A_177 = arith.constant 176 : index
    %swap3A_178 = tpu.vector_load %arg10[%swap3A_177] {strides = array<i32>} : memref<256xf32, #tpu.memory_space<vmem>>, vector<16xf32>,
    tpu.vector_store %arg10[%swap3A_177], %broadcast_in_dim3A_176 {strides = array<i32>} : memref<256xf32, #tpu.memory_space<vmem>>, vector<16xf32>,
    %broadcast_in_dim3A_179 = arith.constant 0.000000e+00 : f32
    %broadcast_in_dim3A_180 = vector.broadcast %broadcast_in_dim3A_179 : f32 to vector<16xf32>
    %swap3A_181 = arith.constant 192 : index
    %swap3A_182 = tpu.vector_load %arg10[%swap3A_181] {strides = array<i32>} : memref<256xf32, #tpu.memory_space<vmem>>, vector<16xf32>,
    tpu.vector_store %arg10[%swap3A_181], %broadcast_in_dim3A_180 {strides = array<i32>} : memref<256xf32, #tpu.memory_space<vmem>>, vector<16xf32>,
    %broadcast_in_dim3A_183 = arith.constant 0.000000e+00 : f32
    %broadcast_in_dim3A_184 = vector.broadcast %broadcast_in_dim3A_183 : f32 to vector<16xf32>
    %swap3A_185 = arith.constant 208 : index
    %swap3A_186 = tpu.vector_load %arg10[%swap3A_185] {strides = array<i32>} : memref<256xf32, #tpu.memory_space<vmem>>, vector<16xf32>,
    tpu.vector_store %arg10[%swap3A_185], %broadcast_in_dim3A_184 {strides = array<i32>} : memref<256xf32, #tpu.memory_space<vmem>>, vector<16xf32>,
    %broadcast_in_dim3A_187 = arith.constant 0.000000e+00 : f32
    %broadcast_in_dim3A_188 = vector.broadcast %broadcast_in_dim3A_187 : f32 to vector<16xf32>
    %swap3A_189 = arith.constant 224 : index
    %swap3A_190 = tpu.vector_load %arg10[%swap3A_189] {strides = array<i32>} : memref<256xf32, #tpu.memory_space<vmem>>, vector<16xf32>,
    tpu.vector_store %arg10[%swap3A_189], %broadcast_in_dim3A_188 {strides = array<i32>} : memref<256xf32, #tpu.memory_space<vmem>>, vector<16xf32>,
    %broadcast_in_dim3A_191 = arith.constant 0.000000e+00 : f32
    %broadcast_in_dim3A_192 = vector.broadcast %broadcast_in_dim3A_191 : f32 to vector<16xf32>
    %swap3A_193 = arith.constant 240 : index
    %swap3A_194 = tpu.vector_load %arg10[%swap3A_193] {strides = array<i32>} : memref<256xf32, #tpu.memory_space<vmem>>, vector<16xf32>,
    tpu.vector_store %arg10[%swap3A_193], %broadcast_in_dim3A_192 {strides = array<i32>} : memref<256xf32, #tpu.memory_space<vmem>>, vector<16xf32>,
    %iota3A_195 = tpu.iota {dimensions = array<i32: 0>} : vector<16xi32>
    %while3A_196 = arith.constant 0 : i32
    %while3A_197 = arith.constant 0.000000e+00 : f32
    %while3A_198 = arith.constant 0 : i32
    %while3A_199:3 = scf.while (%while3A_390 = %while3A_196, %while3A_391 = %while3A_197, %while3A_392 = %while3A_198) : (i32, f32, i32) -> (i32, f32, i32) {
      %eq3A = arith.constant 0 : i32
      %eq3A_393 = arith.cmpi eq, %while3A_392, %eq3A : i32
      scf.condition(%eq3A_393) %while3A_390, %while3A_391, %while3A_392 : i32, f32, i32
    } do {
    ^bb0(%while3A_390: i32, %while3A_391: f32, %while3A_392: i32):
      %add3A_393 = arith.constant 15 : i32
      %add3A_394 = arith.addi %while3A_130#1, %add3A_393 : i32
      %shift_right_arithmetic3A = arith.constant 4 : i32
      %shift_right_arithmetic3A_395 = arith.shrsi %add3A_394, %shift_right_arithmetic3A : i32
      %broadcast_in_dim3A_396 = arith.constant -3.000000e+38 : f32
      %broadcast_in_dim3A_397 = vector.broadcast %broadcast_in_dim3A_396 : f32 to vector<16xf32>
      %while3A_398 = arith.constant 0 : i32
      %while3A_399 = arith.subi %shift_right_arithmetic3A_395, %while3A_398 : i32
      %while3A_400 = arith.addi %while3A_398, %while3A_399 : i32
      %while3A_401 = arith.constant 1 : i32
      %while3A_402 = arith.divsi %while3A_399, %while3A_401 : i32
      %while3A_403 = arith.muli %while3A_402, %while3A_401 : i32
      %while3A_404 = arith.addi %while3A_398, %while3A_403 : i32
      %while3A_405 = arith.constant 1 : i32
      %while3A_406 = scf.for %while3A_450 = %while3A_398 to %while3A_404 step %while3A_405 iter_args(%while3A_451 = %broadcast_in_dim3A_397) -> (vector<16xf32>)  : i32 {
        %mul3A_452 = arith.constant 16 : i32
        %mul3A_453 = arith.muli %while3A_450, %mul3A_452 : i32
        %get3A = arith.index_cast %mul3A_453 : i32 to index
        %get3A_454 = tpu.vector_load %arg7[%get3A] {strides = array<i32>} : memref<32784xf32, #tpu.memory_space<vmem>>, vector<16xf32>,
        %max3A = arith.maximumf %while3A_451, %get3A_454 : vector<16xf32>
        scf.yield %max3A : vector<16xf32>
      }
      %while3A_407 = arith.constant 1 : i32
      %while3A_408 = scf.for %while3A_450 = %while3A_404 to %while3A_400 step %while3A_407 iter_args(%while3A_451 = %while3A_406) -> (vector<16xf32>)  : i32 {
        %mul3A_452 = arith.constant 16 : i32
        %mul3A_453 = arith.muli %while3A_450, %mul3A_452 : i32
        %get3A = arith.index_cast %mul3A_453 : i32 to index
        %get3A_454 = tpu.vector_load %arg7[%get3A] {strides = array<i32>} : memref<32784xf32, #tpu.memory_space<vmem>>, vector<16xf32>,
        %max3A = arith.maximumf %while3A_451, %get3A_454 : vector<16xf32>
        scf.yield %max3A : vector<16xf32>
      }
      %reduce_max3A_409 = arith.constant true
      %reduce_max3A_410 = vector.broadcast %reduce_max3A_409 : i1 to vector<16xi1>
      %reduce_max3A_411 = tpu.scan <max>, %while3A_408 masked %reduce_max3A_410 : vector<16xf32>, vector<16xi1> -> vector<16xf32>
      %reduce_max3A_412 = vector.extract %reduce_max3A_411[15] : f32 from vector<16xf32>
      %add3A_413 = arith.constant 15 : i32
      %add3A_414 = arith.addi %while3A_130#1, %add3A_413 : i32
      %shift_right_arithmetic3A_415 = arith.constant 4 : i32
      %shift_right_arithmetic3A_416 = arith.shrsi %add3A_414, %shift_right_arithmetic3A_415 : i32
      %while3A_417 = arith.constant 0 : i32
      %while3A_418 = arith.constant 0 : i32
      %while3A_419 = arith.subi %shift_right_arithmetic3A_416, %while3A_417 : i32
      %while3A_420 = arith.addi %while3A_417, %while3A_419 : i32
      %while3A_421 = arith.constant 1 : i32
      %while3A_422 = arith.divsi %while3A_419, %while3A_421 : i32
      %while3A_423 = arith.muli %while3A_422, %while3A_421 : i32
      %while3A_424 = arith.addi %while3A_417, %while3A_423 : i32
      %while3A_425 = arith.constant 1 : i32
      %while3A_426 = scf.for %while3A_450 = %while3A_417 to %while3A_424 step %while3A_425 iter_args(%while3A_451 = %while3A_418) -> (i32)  : i32 {
        %mul3A_452 = arith.constant 16 : i32
        %mul3A_453 = arith.muli %while3A_450, %mul3A_452 : i32
        %get3A = arith.index_cast %mul3A_453 : i32 to index
        %get3A_454 = tpu.vector_load %arg7[%get3A] {strides = array<i32>} : memref<32784xf32, #tpu.memory_space<vmem>>, vector<16xf32>,
        %eq3A = vector.broadcast %reduce_max3A_412 : f32 to vector<16xf32>
        %eq3A_455 = arith.cmpf oeq, %get3A_454, %eq3A : vector<16xf32>
        %broadcast_in_dim3A_456 = arith.constant -3.000000e+38 : f32
        %broadcast_in_dim3A_457 = vector.broadcast %broadcast_in_dim3A_456 : f32 to vector<16xf32>
        %select_n3A = arith.select %eq3A_455, %broadcast_in_dim3A_457, %get3A_454 : vector<16xi1>, vector<16xf32>
        %mul3A_458 = arith.constant 16 : i32
        %mul3A_459 = arith.muli %while3A_450, %mul3A_458 : i32
        %swap3A_460 = arith.index_cast %mul3A_459 : i32 to index
        %swap3A_461 = tpu.vector_load %arg7[%swap3A_460] {strides = array<i32>} : memref<32784xf32, #tpu.memory_space<vmem>>, vector<16xf32>,
        tpu.vector_store %arg7[%swap3A_460], %select_n3A {strides = array<i32>} : memref<32784xf32, #tpu.memory_space<vmem>>, vector<16xf32>,
        %convert_element_type3A_462 = arith.extui %eq3A_455 : vector<16xi1> to vector<16xi32>
        %reduce_sum3A = arith.constant true
        %reduce_sum3A_463 = vector.broadcast %reduce_sum3A : i1 to vector<16xi1>
        %reduce_sum3A_464 = tpu.scan <sum>, %convert_element_type3A_462 masked %reduce_sum3A_463 : vector<16xi32>, vector<16xi1> -> vector<16xi32>
        %reduce_sum3A_465 = vector.extract %reduce_sum3A_464[15] : i32 from vector<16xi32>
        %add3A_466 = arith.addi %while3A_451, %reduce_sum3A_465 : i32
        scf.yield %add3A_466 : i32
      }
      %while3A_427 = arith.constant 1 : i32
      %while3A_428 = scf.for %while3A_450 = %while3A_424 to %while3A_420 step %while3A_427 iter_args(%while3A_451 = %while3A_426) -> (i32)  : i32 {
        %mul3A_452 = arith.constant 16 : i32
        %mul3A_453 = arith.muli %while3A_450, %mul3A_452 : i32
        %get3A = arith.index_cast %mul3A_453 : i32 to index
        %get3A_454 = tpu.vector_load %arg7[%get3A] {strides = array<i32>} : memref<32784xf32, #tpu.memory_space<vmem>>, vector<16xf32>,
        %eq3A = vector.broadcast %reduce_max3A_412 : f32 to vector<16xf32>
        %eq3A_455 = arith.cmpf oeq, %get3A_454, %eq3A : vector<16xf32>
        %broadcast_in_dim3A_456 = arith.constant -3.000000e+38 : f32
        %broadcast_in_dim3A_457 = vector.broadcast %broadcast_in_dim3A_456 : f32 to vector<16xf32>
        %select_n3A = arith.select %eq3A_455, %broadcast_in_dim3A_457, %get3A_454 : vector<16xi1>, vector<16xf32>
        %mul3A_458 = arith.constant 16 : i32
        %mul3A_459 = arith.muli %while3A_450, %mul3A_458 : i32
        %swap3A_460 = arith.index_cast %mul3A_459 : i32 to index
        %swap3A_461 = tpu.vector_load %arg7[%swap3A_460] {strides = array<i32>} : memref<32784xf32, #tpu.memory_space<vmem>>, vector<16xf32>,
        tpu.vector_store %arg7[%swap3A_460], %select_n3A {strides = array<i32>} : memref<32784xf32, #tpu.memory_space<vmem>>, vector<16xf32>,
        %convert_element_type3A_462 = arith.extui %eq3A_455 : vector<16xi1> to vector<16xi32>
        %reduce_sum3A = arith.constant true
        %reduce_sum3A_463 = vector.broadcast %reduce_sum3A : i1 to vector<16xi1>
        %reduce_sum3A_464 = tpu.scan <sum>, %convert_element_type3A_462 masked %reduce_sum3A_463 : vector<16xi32>, vector<16xi1> -> vector<16xi32>
        %reduce_sum3A_465 = vector.extract %reduce_sum3A_464[15] : i32 from vector<16xi32>
        %add3A_466 = arith.addi %while3A_451, %reduce_sum3A_465 : i32
        scf.yield %add3A_466 : i32
      }
      %mul3A_429 = arith.mulf %reduce_max3A_412, %reduce_max3A_412 : f32
      %add3A_430 = arith.addi %while3A_390, %while3A_428 : i32
      %min3A_431 = arith.minsi %add3A_430, %min3A_14 : i32
      %add3A_432 = arith.constant 15 : i32
      %add3A_433 = arith.addi %while3A_428, %add3A_432 : i32
      %shift_right_arithmetic3A_434 = arith.constant 4 : i32
      %shift_right_arithmetic3A_435 = arith.shrsi %add3A_433, %shift_right_arithmetic3A_434 : i32
      %while3A_436 = arith.constant 0 : i32
      %while3A_437 = arith.constant 0 : i32
      %while3A_438 = arith.subi %shift_right_arithmetic3A_435, %while3A_437 : i32
      %while3A_439 = arith.addi %while3A_437, %while3A_438 : i32
      %while3A_440 = arith.constant 1 : i32
      %while3A_441 = arith.divsi %while3A_438, %while3A_440 : i32
      %while3A_442 = arith.muli %while3A_441, %while3A_440 : i32
      %while3A_443 = arith.addi %while3A_437, %while3A_442 : i32
      %while3A_444 = arith.constant 1 : i32
      scf.for %while3A_450 = %while3A_437 to %while3A_443 step %while3A_444  : i32 {
        %mul3A_451 = arith.constant 16 : i32
        %mul3A_452 = arith.muli %while3A_450, %mul3A_451 : i32
        %add3A_453 = arith.addi %while3A_390, %mul3A_452 : i32
        %add3A_454 = vector.broadcast %add3A_453 : i32 to vector<16xi32>
        %add3A_455 = arith.addi %add3A_454, %iota3A_195 : vector<16xi32>
        %lt3A = vector.broadcast %min3A_431 : i32 to vector<16xi32>
        %lt3A_456 = arith.cmpi slt, %add3A_455, %lt3A : vector<16xi32>
        %sub3A_457 = vector.broadcast %while3A_390 : i32 to vector<16xi32>
        %sub3A_458 = arith.subi %add3A_455, %sub3A_457 : vector<16xi32>
        %add3A_459 = arith.constant 1 : i32
        %add3A_460 = vector.broadcast %add3A_459 : i32 to vector<16xi32>
        %add3A_461 = arith.addi %sub3A_458, %add3A_460 : vector<16xi32>
        %convert_element_type3A_462 = arith.sitofp %add3A_461 : vector<16xi32> to vector<16xf32>
        %mul3A_463 = vector.broadcast %mul3A_429 : f32 to vector<16xf32>
        %mul3A_464 = arith.mulf %convert_element_type3A_462, %mul3A_463 : vector<16xf32>
        %add3A_465 = vector.broadcast %while3A_391 : f32 to vector<16xf32>
        %add3A_466 = arith.addf %add3A_465, %mul3A_464 : vector<16xf32>
        tpu.vector_store_idx %arg10[%add3A_455], %add3A_466 masked %lt3A_456 : memref<256xf32, #tpu.memory_space<vmem>>[vector<16xi32>], vector<16xf32>, vector<16xi1>
      }
      %while3A_445 = arith.constant 1 : i32
      scf.for %while3A_450 = %while3A_443 to %while3A_439 step %while3A_445  : i32 {
        %mul3A_451 = arith.constant 16 : i32
        %mul3A_452 = arith.muli %while3A_450, %mul3A_451 : i32
        %add3A_453 = arith.addi %while3A_390, %mul3A_452 : i32
        %add3A_454 = vector.broadcast %add3A_453 : i32 to vector<16xi32>
        %add3A_455 = arith.addi %add3A_454, %iota3A_195 : vector<16xi32>
        %lt3A = vector.broadcast %min3A_431 : i32 to vector<16xi32>
        %lt3A_456 = arith.cmpi slt, %add3A_455, %lt3A : vector<16xi32>
        %sub3A_457 = vector.broadcast %while3A_390 : i32 to vector<16xi32>
        %sub3A_458 = arith.subi %add3A_455, %sub3A_457 : vector<16xi32>
        %add3A_459 = arith.constant 1 : i32
        %add3A_460 = vector.broadcast %add3A_459 : i32 to vector<16xi32>
        %add3A_461 = arith.addi %sub3A_458, %add3A_460 : vector<16xi32>
        %convert_element_type3A_462 = arith.sitofp %add3A_461 : vector<16xi32> to vector<16xf32>
        %mul3A_463 = vector.broadcast %mul3A_429 : f32 to vector<16xf32>
        %mul3A_464 = arith.mulf %convert_element_type3A_462, %mul3A_463 : vector<16xf32>
        %add3A_465 = vector.broadcast %while3A_391 : f32 to vector<16xf32>
        %add3A_466 = arith.addf %add3A_465, %mul3A_464 : vector<16xf32>
        tpu.vector_store_idx %arg10[%add3A_455], %add3A_466 masked %lt3A_456 : memref<256xf32, #tpu.memory_space<vmem>>[vector<16xi32>], vector<16xf32>, vector<16xi1>
      }
      %add3A_446 = arith.addi %while3A_390, %while3A_428 : i32
      %convert_element_type3A = arith.sitofp %while3A_428 : i32 to f32
      %mul3A_447 = arith.mulf %convert_element_type3A, %mul3A_429 : f32
      %add3A_448 = arith.addf %while3A_391, %mul3A_447 : f32
      %ge3A = arith.cmpi sge, %add3A_446, %min3A_14 : i32
      %convert_element_type3A_449 = arith.extui %ge3A : i1 to i32
      scf.yield %add3A_446, %add3A_448, %convert_element_type3A_449 : i32, f32, i32
    }
    "tpu.region"() ({
      %run_scoped3A = tpu.sem_alloc : memref<!tpu.dma_semaphore, #tpu.memory_space<semaphore_mem>>
      %dma_start3A = arith.constant 0 : i32
      %dma_start3A_390 = tpu.memref_slice %arg5[%add3A_108, %dma_start3A] : memref<128x256xf32, #tpu.memory_space<hbm>> -> memref<1x256xf32, #tpu.memory_space<hbm>>
      %dma_start3A_391 = tpu.memref_squeeze %dma_start3A_390 : memref<1x256xf32, #tpu.memory_space<hbm>> -> memref<256xf32, #tpu.memory_space<hbm>>
      %dma_start3A_392 = arith.constant 0 : i32
      %dma_start3A_393 = tpu.memref_slice %arg5[%add3A_108, %dma_start3A_392] : memref<128x256xf32, #tpu.memory_space<hbm>> -> memref<1x256xf32, #tpu.memory_space<hbm>>
      %dma_start3A_394 = tpu.memref_squeeze %dma_start3A_393 : memref<1x256xf32, #tpu.memory_space<hbm>> -> memref<256xf32, #tpu.memory_space<hbm>>
      tpu.enqueue_dma source(%arg10 : memref<256xf32, #tpu.memory_space<vmem>>) target(%dma_start3A_394 : memref<256xf32, #tpu.memory_space<hbm>>) target_semaphore(%run_scoped3A : memref<!tpu.dma_semaphore, #tpu.memory_space<semaphore_mem>>)
      %dma_wait3A = arith.constant 0 : i32
      %dma_wait3A_395 = tpu.memref_slice %arg5[%add3A_108, %dma_wait3A] : memref<128x256xf32, #tpu.memory_space<hbm>> -> memref<1x256xf32, #tpu.memory_space<hbm>>
      %dma_wait3A_396 = tpu.memref_squeeze %dma_wait3A_395 : memref<1x256xf32, #tpu.memory_space<hbm>> -> memref<256xf32, #tpu.memory_space<hbm>>
      %dma_wait3A_397 = arith.constant 0 : i32
      %dma_wait3A_398 = tpu.memref_slice %arg5[%add3A_108, %dma_wait3A_397] : memref<128x256xf32, #tpu.memory_space<hbm>> -> memref<1x256xf32, #tpu.memory_space<hbm>>
      %dma_wait3A_399 = tpu.memref_squeeze %dma_wait3A_398 : memref<1x256xf32, #tpu.memory_space<hbm>> -> memref<256xf32, #tpu.memory_space<hbm>>
      tpu.wait_dma2 semaphore(%run_scoped3A : memref<!tpu.dma_semaphore, #tpu.memory_space<semaphore_mem>>) src(%arg10 : memref<256xf32, #tpu.memory_space<vmem>>) dst(%dma_wait3A_399 : memref<256xf32, #tpu.memory_space<hbm>>)
      tpu.yield
    }) : () -> ()
    %mul3A_200 = arith.constant 4 : i32
    %mul3A_201 = arith.muli %mul3A_200, %add3A : i32
    %add3A_202 = arith.constant 2 : i32
    %add3A_203 = arith.addi %mul3A_201, %add3A_202 : i32
    "tpu.region"() ({
      %run_scoped3A = tpu.sem_alloc : memref<!tpu.dma_semaphore, #tpu.memory_space<semaphore_mem>>
      %dma_start3A = arith.constant 0 : i32
      %dma_start3A_390 = tpu.memref_slice %arg2[%add3A_203, %dma_start3A] : memref<128x32768xf32, #tpu.memory_space<hbm>> -> memref<1x32768xf32, #tpu.memory_space<hbm>>
      %dma_start3A_391 = tpu.memref_squeeze %dma_start3A_390 : memref<1x32768xf32, #tpu.memory_space<hbm>> -> memref<32768xf32, #tpu.memory_space<hbm>>
      %dma_start3A_392 = arith.constant 0 : i32
      %dma_start3A_393 = tpu.memref_slice %arg2[%add3A_203, %dma_start3A_392] : memref<128x32768xf32, #tpu.memory_space<hbm>> -> memref<1x32768xf32, #tpu.memory_space<hbm>>
      %dma_start3A_394 = tpu.memref_squeeze %dma_start3A_393 : memref<1x32768xf32, #tpu.memory_space<hbm>> -> memref<32768xf32, #tpu.memory_space<hbm>>
      tpu.enqueue_dma source(%dma_start3A_394 : memref<32768xf32, #tpu.memory_space<hbm>>) target(%arg6 : memref<32768xf32, #tpu.memory_space<vmem>>) target_semaphore(%run_scoped3A : memref<!tpu.dma_semaphore, #tpu.memory_space<semaphore_mem>>)
      %dma_wait3A = arith.constant 0 : i32
      %dma_wait3A_395 = tpu.memref_slice %arg2[%add3A_203, %dma_wait3A] : memref<128x32768xf32, #tpu.memory_space<hbm>> -> memref<1x32768xf32, #tpu.memory_space<hbm>>
      %dma_wait3A_396 = tpu.memref_squeeze %dma_wait3A_395 : memref<1x32768xf32, #tpu.memory_space<hbm>> -> memref<32768xf32, #tpu.memory_space<hbm>>
      %dma_wait3A_397 = arith.constant 0 : i32
      %dma_wait3A_398 = tpu.memref_slice %arg2[%add3A_203, %dma_wait3A_397] : memref<128x32768xf32, #tpu.memory_space<hbm>> -> memref<1x32768xf32, #tpu.memory_space<hbm>>
      %dma_wait3A_399 = tpu.memref_squeeze %dma_wait3A_398 : memref<1x32768xf32, #tpu.memory_space<hbm>> -> memref<32768xf32, #tpu.memory_space<hbm>>
      tpu.wait_dma2 semaphore(%run_scoped3A : memref<!tpu.dma_semaphore, #tpu.memory_space<semaphore_mem>>) src(%dma_wait3A_399 : memref<32768xf32, #tpu.memory_space<hbm>>) dst(%arg6 : memref<32768xf32, #tpu.memory_space<vmem>>)
      tpu.yield
    }) : () -> ()
    %broadcast_in_dim3A_204 = arith.constant 2 : i32
    %broadcast_in_dim3A_205 = vector.broadcast %broadcast_in_dim3A_204 : i32 to vector<16xi32>
    %gather3A_206 = tpu.vector_load_idx %arg9[%broadcast_in_dim3A_205] : memref<16xf32, #tpu.memory_space<vmem>>[vector<16xi32>], vector<16xf32>,
    %reduce_max3A_207 = arith.constant true
    %reduce_max3A_208 = vector.broadcast %reduce_max3A_207 : i1 to vector<16xi1>
    %reduce_max3A_209 = tpu.scan <max>, %gather3A_206 masked %reduce_max3A_208 : vector<16xf32>, vector<16xi1> -> vector<16xf32>
    %reduce_max3A_210 = vector.extract %reduce_max3A_209[15] : f32 from vector<16xf32>
    %sub3A_211 = arith.constant 1.031250e+00 : f32
    %sub3A_212 = arith.subf %reduce_max3A_210, %sub3A_211 : f32
    %scan3A_213 = arith.constant 0 : i32
    %scan3A_214 = arith.constant 0 : i32
    %scan3A_215 = arith.constant 2048 : i32
    %scan3A_216 = arith.addi %scan3A_214, %scan3A_215 : i32
    %scan3A_217 = arith.constant 1 : i32
    %scan3A_218 = scf.for %scan3A_390 = %scan3A_214 to %scan3A_216 step %scan3A_217 iter_args(%scan3A_391 = %scan3A_213) -> (i32)  : i32 {
      %mul3A_392 = arith.constant 16 : i32
      %mul3A_393 = arith.muli %scan3A_390, %mul3A_392 : i32
      %get3A = arith.index_cast %mul3A_393 : i32 to index
      %get3A_394 = tpu.vector_load %arg6[%get3A] {strides = array<i32>} : memref<32768xf32, #tpu.memory_space<vmem>>, vector<16xf32>,
      %gt3A = vector.broadcast %sub3A_212 : f32 to vector<16xf32>
      %gt3A_395 = arith.cmpf ogt, %get3A_394, %gt3A : vector<16xf32>
      %swap3A_396 = arith.index_cast %scan3A_391 : i32 to index
      %swap3A_397 = tpu.vector_load %arg7[%swap3A_396] masked %gt3A_395 {strides = array<i32>} : memref<32784xf32, #tpu.memory_space<vmem>>, vector<16xf32>, vector<16xi1>
      tpu.vector_store %arg7[%swap3A_396], %get3A_394 masked %gt3A_395 {strides = array<i32>} : memref<32784xf32, #tpu.memory_space<vmem>>, vector<16xf32>, vector<16xi1>
      %convert_element_type3A = arith.extui %gt3A_395 : vector<16xi1> to vector<16xi32>
      %reduce_sum3A = arith.constant true
      %reduce_sum3A_398 = vector.broadcast %reduce_sum3A : i1 to vector<16xi1>
      %reduce_sum3A_399 = tpu.scan <sum>, %convert_element_type3A masked %reduce_sum3A_398 : vector<16xi32>, vector<16xi1> -> vector<16xi32>
      %reduce_sum3A_400 = vector.extract %reduce_sum3A_399[15] : i32 from vector<16xi32>
      %add3A_401 = arith.addi %scan3A_391, %reduce_sum3A_400 : i32
      scf.yield %add3A_401 : i32
    }
    %scan3A_219 = arith.constant 2048 : i32
    %broadcast_in_dim3A_220 = arith.constant -3.000000e+38 : f32
    %broadcast_in_dim3A_221 = vector.broadcast %broadcast_in_dim3A_220 : f32 to vector<16xf32>
    %swap3A_222 = arith.index_cast %scan3A_218 : i32 to index
    %swap3A_223 = tpu.vector_load %arg7[%swap3A_222] {strides = array<i32>} : memref<32784xf32, #tpu.memory_space<vmem>>, vector<16xf32>,
    tpu.vector_store %arg7[%swap3A_222], %broadcast_in_dim3A_221 {strides = array<i32>} : memref<32784xf32, #tpu.memory_space<vmem>>, vector<16xf32>,
    %while3A_224 = arith.constant 1.031250e+00 : f32
    %while3A_225:2 = scf.while (%while3A_390 = %while3A_224, %while3A_391 = %scan3A_218) : (f32, i32) -> (f32, i32) {
      %lt3A = arith.cmpi slt, %while3A_391, %min3A_14 : i32
      scf.condition(%lt3A) %while3A_390, %while3A_391 : f32, i32
    } do {
    ^bb0(%while3A_390: f32, %while3A_391: i32):
      %lt3A = arith.constant 1.600000e+01 : f32
      %lt3A_392 = arith.cmpf olt, %while3A_390, %lt3A : f32
      %mul3A_393 = arith.constant 1.500000e+00 : f32
      %mul3A_394 = arith.mulf %while3A_390, %mul3A_393 : f32
      %mul3A_395 = arith.constant 2.560000e+02 : f32
      %mul3A_396 = arith.mulf %while3A_390, %mul3A_395 : f32
      %select_n3A = arith.select %lt3A_392, %mul3A_394, %mul3A_396 : f32
      %sub3A_397 = arith.subf %reduce_max3A_210, %select_n3A : f32
      %scan3A_398 = arith.constant 0 : i32
      %scan3A_399 = arith.constant 0 : i32
      %scan3A_400 = arith.constant 2048 : i32
      %scan3A_401 = arith.addi %scan3A_399, %scan3A_400 : i32
      %scan3A_402 = arith.constant 1 : i32
      %scan3A_403 = scf.for %scan3A_409 = %scan3A_399 to %scan3A_401 step %scan3A_402 iter_args(%scan3A_410 = %scan3A_398) -> (i32)  : i32 {
        %mul3A_411 = arith.constant 16 : i32
        %mul3A_412 = arith.muli %scan3A_409, %mul3A_411 : i32
        %get3A = arith.index_cast %mul3A_412 : i32 to index
        %get3A_413 = tpu.vector_load %arg6[%get3A] {strides = array<i32>} : memref<32768xf32, #tpu.memory_space<vmem>>, vector<16xf32>,
        %gt3A = vector.broadcast %sub3A_397 : f32 to vector<16xf32>
        %gt3A_414 = arith.cmpf ogt, %get3A_413, %gt3A : vector<16xf32>
        %swap3A_415 = arith.index_cast %scan3A_410 : i32 to index
        %swap3A_416 = tpu.vector_load %arg7[%swap3A_415] masked %gt3A_414 {strides = array<i32>} : memref<32784xf32, #tpu.memory_space<vmem>>, vector<16xf32>, vector<16xi1>
        tpu.vector_store %arg7[%swap3A_415], %get3A_413 masked %gt3A_414 {strides = array<i32>} : memref<32784xf32, #tpu.memory_space<vmem>>, vector<16xf32>, vector<16xi1>
        %convert_element_type3A = arith.extui %gt3A_414 : vector<16xi1> to vector<16xi32>
        %reduce_sum3A = arith.constant true
        %reduce_sum3A_417 = vector.broadcast %reduce_sum3A : i1 to vector<16xi1>
        %reduce_sum3A_418 = tpu.scan <sum>, %convert_element_type3A masked %reduce_sum3A_417 : vector<16xi32>, vector<16xi1> -> vector<16xi32>
        %reduce_sum3A_419 = vector.extract %reduce_sum3A_418[15] : i32 from vector<16xi32>
        %add3A_420 = arith.addi %scan3A_410, %reduce_sum3A_419 : i32
        scf.yield %add3A_420 : i32
      }
      %scan3A_404 = arith.constant 2048 : i32
      %broadcast_in_dim3A_405 = arith.constant -3.000000e+38 : f32
      %broadcast_in_dim3A_406 = vector.broadcast %broadcast_in_dim3A_405 : f32 to vector<16xf32>
      %swap3A_407 = arith.index_cast %scan3A_403 : i32 to index
      %swap3A_408 = tpu.vector_load %arg7[%swap3A_407] {strides = array<i32>} : memref<32784xf32, #tpu.memory_space<vmem>>, vector<16xf32>,
      tpu.vector_store %arg7[%swap3A_407], %broadcast_in_dim3A_406 {strides = array<i32>} : memref<32784xf32, #tpu.memory_space<vmem>>, vector<16xf32>,
      scf.yield %select_n3A, %scan3A_403 : f32, i32
    }
    %broadcast_in_dim3A_226 = arith.constant 0.000000e+00 : f32
    %broadcast_in_dim3A_227 = vector.broadcast %broadcast_in_dim3A_226 : f32 to vector<16xf32>
    %swap3A_228 = arith.constant 0 : index
    %swap3A_229 = tpu.vector_load %arg10[%swap3A_228] {strides = array<i32>} : memref<256xf32, #tpu.memory_space<vmem>>, vector<16xf32>,
    tpu.vector_store %arg10[%swap3A_228], %broadcast_in_dim3A_227 {strides = array<i32>} : memref<256xf32, #tpu.memory_space<vmem>>, vector<16xf32>,
    %broadcast_in_dim3A_230 = arith.constant 0.000000e+00 : f32
    %broadcast_in_dim3A_231 = vector.broadcast %broadcast_in_dim3A_230 : f32 to vector<16xf32>
    %swap3A_232 = arith.constant 16 : index
    %swap3A_233 = tpu.vector_load %arg10[%swap3A_232] {strides = array<i32>} : memref<256xf32, #tpu.memory_space<vmem>>, vector<16xf32>,
    tpu.vector_store %arg10[%swap3A_232], %broadcast_in_dim3A_231 {strides = array<i32>} : memref<256xf32, #tpu.memory_space<vmem>>, vector<16xf32>,
    %broadcast_in_dim3A_234 = arith.constant 0.000000e+00 : f32
    %broadcast_in_dim3A_235 = vector.broadcast %broadcast_in_dim3A_234 : f32 to vector<16xf32>
    %swap3A_236 = arith.constant 32 : index
    %swap3A_237 = tpu.vector_load %arg10[%swap3A_236] {strides = array<i32>} : memref<256xf32, #tpu.memory_space<vmem>>, vector<16xf32>,
    tpu.vector_store %arg10[%swap3A_236], %broadcast_in_dim3A_235 {strides = array<i32>} : memref<256xf32, #tpu.memory_space<vmem>>, vector<16xf32>,
    %broadcast_in_dim3A_238 = arith.constant 0.000000e+00 : f32
    %broadcast_in_dim3A_239 = vector.broadcast %broadcast_in_dim3A_238 : f32 to vector<16xf32>
    %swap3A_240 = arith.constant 48 : index
    %swap3A_241 = tpu.vector_load %arg10[%swap3A_240] {strides = array<i32>} : memref<256xf32, #tpu.memory_space<vmem>>, vector<16xf32>,
    tpu.vector_store %arg10[%swap3A_240], %broadcast_in_dim3A_239 {strides = array<i32>} : memref<256xf32, #tpu.memory_space<vmem>>, vector<16xf32>,
    %broadcast_in_dim3A_242 = arith.constant 0.000000e+00 : f32
    %broadcast_in_dim3A_243 = vector.broadcast %broadcast_in_dim3A_242 : f32 to vector<16xf32>
    %swap3A_244 = arith.constant 64 : index
    %swap3A_245 = tpu.vector_load %arg10[%swap3A_244] {strides = array<i32>} : memref<256xf32, #tpu.memory_space<vmem>>, vector<16xf32>,
    tpu.vector_store %arg10[%swap3A_244], %broadcast_in_dim3A_243 {strides = array<i32>} : memref<256xf32, #tpu.memory_space<vmem>>, vector<16xf32>,
    %broadcast_in_dim3A_246 = arith.constant 0.000000e+00 : f32
    %broadcast_in_dim3A_247 = vector.broadcast %broadcast_in_dim3A_246 : f32 to vector<16xf32>
    %swap3A_248 = arith.constant 80 : index
    %swap3A_249 = tpu.vector_load %arg10[%swap3A_248] {strides = array<i32>} : memref<256xf32, #tpu.memory_space<vmem>>, vector<16xf32>,
    tpu.vector_store %arg10[%swap3A_248], %broadcast_in_dim3A_247 {strides = array<i32>} : memref<256xf32, #tpu.memory_space<vmem>>, vector<16xf32>,
    %broadcast_in_dim3A_250 = arith.constant 0.000000e+00 : f32
    %broadcast_in_dim3A_251 = vector.broadcast %broadcast_in_dim3A_250 : f32 to vector<16xf32>
    %swap3A_252 = arith.constant 96 : index
    %swap3A_253 = tpu.vector_load %arg10[%swap3A_252] {strides = array<i32>} : memref<256xf32, #tpu.memory_space<vmem>>, vector<16xf32>,
    tpu.vector_store %arg10[%swap3A_252], %broadcast_in_dim3A_251 {strides = array<i32>} : memref<256xf32, #tpu.memory_space<vmem>>, vector<16xf32>,
    %broadcast_in_dim3A_254 = arith.constant 0.000000e+00 : f32
    %broadcast_in_dim3A_255 = vector.broadcast %broadcast_in_dim3A_254 : f32 to vector<16xf32>
    %swap3A_256 = arith.constant 112 : index
    %swap3A_257 = tpu.vector_load %arg10[%swap3A_256] {strides = array<i32>} : memref<256xf32, #tpu.memory_space<vmem>>, vector<16xf32>,
    tpu.vector_store %arg10[%swap3A_256], %broadcast_in_dim3A_255 {strides = array<i32>} : memref<256xf32, #tpu.memory_space<vmem>>, vector<16xf32>,
    %broadcast_in_dim3A_258 = arith.constant 0.000000e+00 : f32
    %broadcast_in_dim3A_259 = vector.broadcast %broadcast_in_dim3A_258 : f32 to vector<16xf32>
    %swap3A_260 = arith.constant 128 : index
    %swap3A_261 = tpu.vector_load %arg10[%swap3A_260] {strides = array<i32>} : memref<256xf32, #tpu.memory_space<vmem>>, vector<16xf32>,
    tpu.vector_store %arg10[%swap3A_260], %broadcast_in_dim3A_259 {strides = array<i32>} : memref<256xf32, #tpu.memory_space<vmem>>, vector<16xf32>,
    %broadcast_in_dim3A_262 = arith.constant 0.000000e+00 : f32
    %broadcast_in_dim3A_263 = vector.broadcast %broadcast_in_dim3A_262 : f32 to vector<16xf32>
    %swap3A_264 = arith.constant 144 : index
    %swap3A_265 = tpu.vector_load %arg10[%swap3A_264] {strides = array<i32>} : memref<256xf32, #tpu.memory_space<vmem>>, vector<16xf32>,
    tpu.vector_store %arg10[%swap3A_264], %broadcast_in_dim3A_263 {strides = array<i32>} : memref<256xf32, #tpu.memory_space<vmem>>, vector<16xf32>,
    %broadcast_in_dim3A_266 = arith.constant 0.000000e+00 : f32
    %broadcast_in_dim3A_267 = vector.broadcast %broadcast_in_dim3A_266 : f32 to vector<16xf32>
    %swap3A_268 = arith.constant 160 : index
    %swap3A_269 = tpu.vector_load %arg10[%swap3A_268] {strides = array<i32>} : memref<256xf32, #tpu.memory_space<vmem>>, vector<16xf32>,
    tpu.vector_store %arg10[%swap3A_268], %broadcast_in_dim3A_267 {strides = array<i32>} : memref<256xf32, #tpu.memory_space<vmem>>, vector<16xf32>,
    %broadcast_in_dim3A_270 = arith.constant 0.000000e+00 : f32
    %broadcast_in_dim3A_271 = vector.broadcast %broadcast_in_dim3A_270 : f32 to vector<16xf32>
    %swap3A_272 = arith.constant 176 : index
    %swap3A_273 = tpu.vector_load %arg10[%swap3A_272] {strides = array<i32>} : memref<256xf32, #tpu.memory_space<vmem>>, vector<16xf32>,
    tpu.vector_store %arg10[%swap3A_272], %broadcast_in_dim3A_271 {strides = array<i32>} : memref<256xf32, #tpu.memory_space<vmem>>, vector<16xf32>,
    %broadcast_in_dim3A_274 = arith.constant 0.000000e+00 : f32
    %broadcast_in_dim3A_275 = vector.broadcast %broadcast_in_dim3A_274 : f32 to vector<16xf32>
    %swap3A_276 = arith.constant 192 : index
    %swap3A_277 = tpu.vector_load %arg10[%swap3A_276] {strides = array<i32>} : memref<256xf32, #tpu.memory_space<vmem>>, vector<16xf32>,
    tpu.vector_store %arg10[%swap3A_276], %broadcast_in_dim3A_275 {strides = array<i32>} : memref<256xf32, #tpu.memory_space<vmem>>, vector<16xf32>,
    %broadcast_in_dim3A_278 = arith.constant 0.000000e+00 : f32
    %broadcast_in_dim3A_279 = vector.broadcast %broadcast_in_dim3A_278 : f32 to vector<16xf32>
    %swap3A_280 = arith.constant 208 : index
    %swap3A_281 = tpu.vector_load %arg10[%swap3A_280] {strides = array<i32>} : memref<256xf32, #tpu.memory_space<vmem>>, vector<16xf32>,
    tpu.vector_store %arg10[%swap3A_280], %broadcast_in_dim3A_279 {strides = array<i32>} : memref<256xf32, #tpu.memory_space<vmem>>, vector<16xf32>,
    %broadcast_in_dim3A_282 = arith.constant 0.000000e+00 : f32
    %broadcast_in_dim3A_283 = vector.broadcast %broadcast_in_dim3A_282 : f32 to vector<16xf32>
    %swap3A_284 = arith.constant 224 : index
    %swap3A_285 = tpu.vector_load %arg10[%swap3A_284] {strides = array<i32>} : memref<256xf32, #tpu.memory_space<vmem>>, vector<16xf32>,
    tpu.vector_store %arg10[%swap3A_284], %broadcast_in_dim3A_283 {strides = array<i32>} : memref<256xf32, #tpu.memory_space<vmem>>, vector<16xf32>,
    %broadcast_in_dim3A_286 = arith.constant 0.000000e+00 : f32
    %broadcast_in_dim3A_287 = vector.broadcast %broadcast_in_dim3A_286 : f32 to vector<16xf32>
    %swap3A_288 = arith.constant 240 : index
    %swap3A_289 = tpu.vector_load %arg10[%swap3A_288] {strides = array<i32>} : memref<256xf32, #tpu.memory_space<vmem>>, vector<16xf32>,
    tpu.vector_store %arg10[%swap3A_288], %broadcast_in_dim3A_287 {strides = array<i32>} : memref<256xf32, #tpu.memory_space<vmem>>, vector<16xf32>,
    %iota3A_290 = tpu.iota {dimensions = array<i32: 0>} : vector<16xi32>
    %while3A_291 = arith.constant 0 : i32
    %while3A_292 = arith.constant 0.000000e+00 : f32
    %while3A_293 = arith.constant 0 : i32
    %while3A_294:3 = scf.while (%while3A_390 = %while3A_291, %while3A_391 = %while3A_292, %while3A_392 = %while3A_293) : (i32, f32, i32) -> (i32, f32, i32) {
      %eq3A = arith.constant 0 : i32
      %eq3A_393 = arith.cmpi eq, %while3A_392, %eq3A : i32
      scf.condition(%eq3A_393) %while3A_390, %while3A_391, %while3A_392 : i32, f32, i32
    } do {
    ^bb0(%while3A_390: i32, %while3A_391: f32, %while3A_392: i32):
      %add3A_393 = arith.constant 15 : i32
      %add3A_394 = arith.addi %while3A_225#1, %add3A_393 : i32
      %shift_right_arithmetic3A = arith.constant 4 : i32
      %shift_right_arithmetic3A_395 = arith.shrsi %add3A_394, %shift_right_arithmetic3A : i32
      %broadcast_in_dim3A_396 = arith.constant -3.000000e+38 : f32
      %broadcast_in_dim3A_397 = vector.broadcast %broadcast_in_dim3A_396 : f32 to vector<16xf32>
      %while3A_398 = arith.constant 0 : i32
      %while3A_399 = arith.subi %shift_right_arithmetic3A_395, %while3A_398 : i32
      %while3A_400 = arith.addi %while3A_398, %while3A_399 : i32
      %while3A_401 = arith.constant 1 : i32
      %while3A_402 = arith.divsi %while3A_399, %while3A_401 : i32
      %while3A_403 = arith.muli %while3A_402, %while3A_401 : i32
      %while3A_404 = arith.addi %while3A_398, %while3A_403 : i32
      %while3A_405 = arith.constant 1 : i32
      %while3A_406 = scf.for %while3A_450 = %while3A_398 to %while3A_404 step %while3A_405 iter_args(%while3A_451 = %broadcast_in_dim3A_397) -> (vector<16xf32>)  : i32 {
        %mul3A_452 = arith.constant 16 : i32
        %mul3A_453 = arith.muli %while3A_450, %mul3A_452 : i32
        %get3A = arith.index_cast %mul3A_453 : i32 to index
        %get3A_454 = tpu.vector_load %arg7[%get3A] {strides = array<i32>} : memref<32784xf32, #tpu.memory_space<vmem>>, vector<16xf32>,
        %max3A = arith.maximumf %while3A_451, %get3A_454 : vector<16xf32>
        scf.yield %max3A : vector<16xf32>
      }
      %while3A_407 = arith.constant 1 : i32
      %while3A_408 = scf.for %while3A_450 = %while3A_404 to %while3A_400 step %while3A_407 iter_args(%while3A_451 = %while3A_406) -> (vector<16xf32>)  : i32 {
        %mul3A_452 = arith.constant 16 : i32
        %mul3A_453 = arith.muli %while3A_450, %mul3A_452 : i32
        %get3A = arith.index_cast %mul3A_453 : i32 to index
        %get3A_454 = tpu.vector_load %arg7[%get3A] {strides = array<i32>} : memref<32784xf32, #tpu.memory_space<vmem>>, vector<16xf32>,
        %max3A = arith.maximumf %while3A_451, %get3A_454 : vector<16xf32>
        scf.yield %max3A : vector<16xf32>
      }
      %reduce_max3A_409 = arith.constant true
      %reduce_max3A_410 = vector.broadcast %reduce_max3A_409 : i1 to vector<16xi1>
      %reduce_max3A_411 = tpu.scan <max>, %while3A_408 masked %reduce_max3A_410 : vector<16xf32>, vector<16xi1> -> vector<16xf32>
      %reduce_max3A_412 = vector.extract %reduce_max3A_411[15] : f32 from vector<16xf32>
      %add3A_413 = arith.constant 15 : i32
      %add3A_414 = arith.addi %while3A_225#1, %add3A_413 : i32
      %shift_right_arithmetic3A_415 = arith.constant 4 : i32
      %shift_right_arithmetic3A_416 = arith.shrsi %add3A_414, %shift_right_arithmetic3A_415 : i32
      %while3A_417 = arith.constant 0 : i32
      %while3A_418 = arith.constant 0 : i32
      %while3A_419 = arith.subi %shift_right_arithmetic3A_416, %while3A_417 : i32
      %while3A_420 = arith.addi %while3A_417, %while3A_419 : i32
      %while3A_421 = arith.constant 1 : i32
      %while3A_422 = arith.divsi %while3A_419, %while3A_421 : i32
      %while3A_423 = arith.muli %while3A_422, %while3A_421 : i32
      %while3A_424 = arith.addi %while3A_417, %while3A_423 : i32
      %while3A_425 = arith.constant 1 : i32
      %while3A_426 = scf.for %while3A_450 = %while3A_417 to %while3A_424 step %while3A_425 iter_args(%while3A_451 = %while3A_418) -> (i32)  : i32 {
        %mul3A_452 = arith.constant 16 : i32
        %mul3A_453 = arith.muli %while3A_450, %mul3A_452 : i32
        %get3A = arith.index_cast %mul3A_453 : i32 to index
        %get3A_454 = tpu.vector_load %arg7[%get3A] {strides = array<i32>} : memref<32784xf32, #tpu.memory_space<vmem>>, vector<16xf32>,
        %eq3A = vector.broadcast %reduce_max3A_412 : f32 to vector<16xf32>
        %eq3A_455 = arith.cmpf oeq, %get3A_454, %eq3A : vector<16xf32>
        %broadcast_in_dim3A_456 = arith.constant -3.000000e+38 : f32
        %broadcast_in_dim3A_457 = vector.broadcast %broadcast_in_dim3A_456 : f32 to vector<16xf32>
        %select_n3A = arith.select %eq3A_455, %broadcast_in_dim3A_457, %get3A_454 : vector<16xi1>, vector<16xf32>
        %mul3A_458 = arith.constant 16 : i32
        %mul3A_459 = arith.muli %while3A_450, %mul3A_458 : i32
        %swap3A_460 = arith.index_cast %mul3A_459 : i32 to index
        %swap3A_461 = tpu.vector_load %arg7[%swap3A_460] {strides = array<i32>} : memref<32784xf32, #tpu.memory_space<vmem>>, vector<16xf32>,
        tpu.vector_store %arg7[%swap3A_460], %select_n3A {strides = array<i32>} : memref<32784xf32, #tpu.memory_space<vmem>>, vector<16xf32>,
        %convert_element_type3A_462 = arith.extui %eq3A_455 : vector<16xi1> to vector<16xi32>
        %reduce_sum3A = arith.constant true
        %reduce_sum3A_463 = vector.broadcast %reduce_sum3A : i1 to vector<16xi1>
        %reduce_sum3A_464 = tpu.scan <sum>, %convert_element_type3A_462 masked %reduce_sum3A_463 : vector<16xi32>, vector<16xi1> -> vector<16xi32>
        %reduce_sum3A_465 = vector.extract %reduce_sum3A_464[15] : i32 from vector<16xi32>
        %add3A_466 = arith.addi %while3A_451, %reduce_sum3A_465 : i32
        scf.yield %add3A_466 : i32
      }
      %while3A_427 = arith.constant 1 : i32
      %while3A_428 = scf.for %while3A_450 = %while3A_424 to %while3A_420 step %while3A_427 iter_args(%while3A_451 = %while3A_426) -> (i32)  : i32 {
        %mul3A_452 = arith.constant 16 : i32
        %mul3A_453 = arith.muli %while3A_450, %mul3A_452 : i32
        %get3A = arith.index_cast %mul3A_453 : i32 to index
        %get3A_454 = tpu.vector_load %arg7[%get3A] {strides = array<i32>} : memref<32784xf32, #tpu.memory_space<vmem>>, vector<16xf32>,
        %eq3A = vector.broadcast %reduce_max3A_412 : f32 to vector<16xf32>
        %eq3A_455 = arith.cmpf oeq, %get3A_454, %eq3A : vector<16xf32>
        %broadcast_in_dim3A_456 = arith.constant -3.000000e+38 : f32
        %broadcast_in_dim3A_457 = vector.broadcast %broadcast_in_dim3A_456 : f32 to vector<16xf32>
        %select_n3A = arith.select %eq3A_455, %broadcast_in_dim3A_457, %get3A_454 : vector<16xi1>, vector<16xf32>
        %mul3A_458 = arith.constant 16 : i32
        %mul3A_459 = arith.muli %while3A_450, %mul3A_458 : i32
        %swap3A_460 = arith.index_cast %mul3A_459 : i32 to index
        %swap3A_461 = tpu.vector_load %arg7[%swap3A_460] {strides = array<i32>} : memref<32784xf32, #tpu.memory_space<vmem>>, vector<16xf32>,
        tpu.vector_store %arg7[%swap3A_460], %select_n3A {strides = array<i32>} : memref<32784xf32, #tpu.memory_space<vmem>>, vector<16xf32>,
        %convert_element_type3A_462 = arith.extui %eq3A_455 : vector<16xi1> to vector<16xi32>
        %reduce_sum3A = arith.constant true
        %reduce_sum3A_463 = vector.broadcast %reduce_sum3A : i1 to vector<16xi1>
        %reduce_sum3A_464 = tpu.scan <sum>, %convert_element_type3A_462 masked %reduce_sum3A_463 : vector<16xi32>, vector<16xi1> -> vector<16xi32>
        %reduce_sum3A_465 = vector.extract %reduce_sum3A_464[15] : i32 from vector<16xi32>
        %add3A_466 = arith.addi %while3A_451, %reduce_sum3A_465 : i32
        scf.yield %add3A_466 : i32
      }
      %mul3A_429 = arith.mulf %reduce_max3A_412, %reduce_max3A_412 : f32
      %add3A_430 = arith.addi %while3A_390, %while3A_428 : i32
      %min3A_431 = arith.minsi %add3A_430, %min3A_14 : i32
      %add3A_432 = arith.constant 15 : i32
      %add3A_433 = arith.addi %while3A_428, %add3A_432 : i32
      %shift_right_arithmetic3A_434 = arith.constant 4 : i32
      %shift_right_arithmetic3A_435 = arith.shrsi %add3A_433, %shift_right_arithmetic3A_434 : i32
      %while3A_436 = arith.constant 0 : i32
      %while3A_437 = arith.constant 0 : i32
      %while3A_438 = arith.subi %shift_right_arithmetic3A_435, %while3A_437 : i32
      %while3A_439 = arith.addi %while3A_437, %while3A_438 : i32
      %while3A_440 = arith.constant 1 : i32
      %while3A_441 = arith.divsi %while3A_438, %while3A_440 : i32
      %while3A_442 = arith.muli %while3A_441, %while3A_440 : i32
      %while3A_443 = arith.addi %while3A_437, %while3A_442 : i32
      %while3A_444 = arith.constant 1 : i32
      scf.for %while3A_450 = %while3A_437 to %while3A_443 step %while3A_444  : i32 {
        %mul3A_451 = arith.constant 16 : i32
        %mul3A_452 = arith.muli %while3A_450, %mul3A_451 : i32
        %add3A_453 = arith.addi %while3A_390, %mul3A_452 : i32
        %add3A_454 = vector.broadcast %add3A_453 : i32 to vector<16xi32>
        %add3A_455 = arith.addi %add3A_454, %iota3A_290 : vector<16xi32>
        %lt3A = vector.broadcast %min3A_431 : i32 to vector<16xi32>
        %lt3A_456 = arith.cmpi slt, %add3A_455, %lt3A : vector<16xi32>
        %sub3A_457 = vector.broadcast %while3A_390 : i32 to vector<16xi32>
        %sub3A_458 = arith.subi %add3A_455, %sub3A_457 : vector<16xi32>
        %add3A_459 = arith.constant 1 : i32
        %add3A_460 = vector.broadcast %add3A_459 : i32 to vector<16xi32>
        %add3A_461 = arith.addi %sub3A_458, %add3A_460 : vector<16xi32>
        %convert_element_type3A_462 = arith.sitofp %add3A_461 : vector<16xi32> to vector<16xf32>
        %mul3A_463 = vector.broadcast %mul3A_429 : f32 to vector<16xf32>
        %mul3A_464 = arith.mulf %convert_element_type3A_462, %mul3A_463 : vector<16xf32>
        %add3A_465 = vector.broadcast %while3A_391 : f32 to vector<16xf32>
        %add3A_466 = arith.addf %add3A_465, %mul3A_464 : vector<16xf32>
        tpu.vector_store_idx %arg10[%add3A_455], %add3A_466 masked %lt3A_456 : memref<256xf32, #tpu.memory_space<vmem>>[vector<16xi32>], vector<16xf32>, vector<16xi1>
      }
      %while3A_445 = arith.constant 1 : i32
      scf.for %while3A_450 = %while3A_443 to %while3A_439 step %while3A_445  : i32 {
        %mul3A_451 = arith.constant 16 : i32
        %mul3A_452 = arith.muli %while3A_450, %mul3A_451 : i32
        %add3A_453 = arith.addi %while3A_390, %mul3A_452 : i32
        %add3A_454 = vector.broadcast %add3A_453 : i32 to vector<16xi32>
        %add3A_455 = arith.addi %add3A_454, %iota3A_290 : vector<16xi32>
        %lt3A = vector.broadcast %min3A_431 : i32 to vector<16xi32>
        %lt3A_456 = arith.cmpi slt, %add3A_455, %lt3A : vector<16xi32>
        %sub3A_457 = vector.broadcast %while3A_390 : i32 to vector<16xi32>
        %sub3A_458 = arith.subi %add3A_455, %sub3A_457 : vector<16xi32>
        %add3A_459 = arith.constant 1 : i32
        %add3A_460 = vector.broadcast %add3A_459 : i32 to vector<16xi32>
        %add3A_461 = arith.addi %sub3A_458, %add3A_460 : vector<16xi32>
        %convert_element_type3A_462 = arith.sitofp %add3A_461 : vector<16xi32> to vector<16xf32>
        %mul3A_463 = vector.broadcast %mul3A_429 : f32 to vector<16xf32>
        %mul3A_464 = arith.mulf %convert_element_type3A_462, %mul3A_463 : vector<16xf32>
        %add3A_465 = vector.broadcast %while3A_391 : f32 to vector<16xf32>
        %add3A_466 = arith.addf %add3A_465, %mul3A_464 : vector<16xf32>
        tpu.vector_store_idx %arg10[%add3A_455], %add3A_466 masked %lt3A_456 : memref<256xf32, #tpu.memory_space<vmem>>[vector<16xi32>], vector<16xf32>, vector<16xi1>
      }
      %add3A_446 = arith.addi %while3A_390, %while3A_428 : i32
      %convert_element_type3A = arith.sitofp %while3A_428 : i32 to f32
      %mul3A_447 = arith.mulf %convert_element_type3A, %mul3A_429 : f32
      %add3A_448 = arith.addf %while3A_391, %mul3A_447 : f32
      %ge3A = arith.cmpi sge, %add3A_446, %min3A_14 : i32
      %convert_element_type3A_449 = arith.extui %ge3A : i1 to i32
      scf.yield %add3A_446, %add3A_448, %convert_element_type3A_449 : i32, f32, i32
    }
    "tpu.region"() ({
      %run_scoped3A = tpu.sem_alloc : memref<!tpu.dma_semaphore, #tpu.memory_space<semaphore_mem>>
      %dma_start3A = arith.constant 0 : i32
      %dma_start3A_390 = tpu.memref_slice %arg5[%add3A_203, %dma_start3A] : memref<128x256xf32, #tpu.memory_space<hbm>> -> memref<1x256xf32, #tpu.memory_space<hbm>>
      %dma_start3A_391 = tpu.memref_squeeze %dma_start3A_390 : memref<1x256xf32, #tpu.memory_space<hbm>> -> memref<256xf32, #tpu.memory_space<hbm>>
      %dma_start3A_392 = arith.constant 0 : i32
      %dma_start3A_393 = tpu.memref_slice %arg5[%add3A_203, %dma_start3A_392] : memref<128x256xf32, #tpu.memory_space<hbm>> -> memref<1x256xf32, #tpu.memory_space<hbm>>
      %dma_start3A_394 = tpu.memref_squeeze %dma_start3A_393 : memref<1x256xf32, #tpu.memory_space<hbm>> -> memref<256xf32, #tpu.memory_space<hbm>>
      tpu.enqueue_dma source(%arg10 : memref<256xf32, #tpu.memory_space<vmem>>) target(%dma_start3A_394 : memref<256xf32, #tpu.memory_space<hbm>>) target_semaphore(%run_scoped3A : memref<!tpu.dma_semaphore, #tpu.memory_space<semaphore_mem>>)
      %dma_wait3A = arith.constant 0 : i32
      %dma_wait3A_395 = tpu.memref_slice %arg5[%add3A_203, %dma_wait3A] : memref<128x256xf32, #tpu.memory_space<hbm>> -> memref<1x256xf32, #tpu.memory_space<hbm>>
      %dma_wait3A_396 = tpu.memref_squeeze %dma_wait3A_395 : memref<1x256xf32, #tpu.memory_space<hbm>> -> memref<256xf32, #tpu.memory_space<hbm>>
      %dma_wait3A_397 = arith.constant 0 : i32
      %dma_wait3A_398 = tpu.memref_slice %arg5[%add3A_203, %dma_wait3A_397] : memref<128x256xf32, #tpu.memory_space<hbm>> -> memref<1x256xf32, #tpu.memory_space<hbm>>
      %dma_wait3A_399 = tpu.memref_squeeze %dma_wait3A_398 : memref<1x256xf32, #tpu.memory_space<hbm>> -> memref<256xf32, #tpu.memory_space<hbm>>
      tpu.wait_dma2 semaphore(%run_scoped3A : memref<!tpu.dma_semaphore, #tpu.memory_space<semaphore_mem>>) src(%arg10 : memref<256xf32, #tpu.memory_space<vmem>>) dst(%dma_wait3A_399 : memref<256xf32, #tpu.memory_space<hbm>>)
      tpu.yield
    }) : () -> ()
    %mul3A_295 = arith.constant 4 : i32
    %mul3A_296 = arith.muli %mul3A_295, %add3A : i32
    %add3A_297 = arith.constant 3 : i32
    %add3A_298 = arith.addi %mul3A_296, %add3A_297 : i32
    "tpu.region"() ({
      %run_scoped3A = tpu.sem_alloc : memref<!tpu.dma_semaphore, #tpu.memory_space<semaphore_mem>>
      %dma_start3A = arith.constant 0 : i32
      %dma_start3A_390 = tpu.memref_slice %arg2[%add3A_298, %dma_start3A] : memref<128x32768xf32, #tpu.memory_space<hbm>> -> memref<1x32768xf32, #tpu.memory_space<hbm>>
      %dma_start3A_391 = tpu.memref_squeeze %dma_start3A_390 : memref<1x32768xf32, #tpu.memory_space<hbm>> -> memref<32768xf32, #tpu.memory_space<hbm>>
      %dma_start3A_392 = arith.constant 0 : i32
      %dma_start3A_393 = tpu.memref_slice %arg2[%add3A_298, %dma_start3A_392] : memref<128x32768xf32, #tpu.memory_space<hbm>> -> memref<1x32768xf32, #tpu.memory_space<hbm>>
      %dma_start3A_394 = tpu.memref_squeeze %dma_start3A_393 : memref<1x32768xf32, #tpu.memory_space<hbm>> -> memref<32768xf32, #tpu.memory_space<hbm>>
      tpu.enqueue_dma source(%dma_start3A_394 : memref<32768xf32, #tpu.memory_space<hbm>>) target(%arg6 : memref<32768xf32, #tpu.memory_space<vmem>>) target_semaphore(%run_scoped3A : memref<!tpu.dma_semaphore, #tpu.memory_space<semaphore_mem>>)
      %dma_wait3A = arith.constant 0 : i32
      %dma_wait3A_395 = tpu.memref_slice %arg2[%add3A_298, %dma_wait3A] : memref<128x32768xf32, #tpu.memory_space<hbm>> -> memref<1x32768xf32, #tpu.memory_space<hbm>>
      %dma_wait3A_396 = tpu.memref_squeeze %dma_wait3A_395 : memref<1x32768xf32, #tpu.memory_space<hbm>> -> memref<32768xf32, #tpu.memory_space<hbm>>
      %dma_wait3A_397 = arith.constant 0 : i32
      %dma_wait3A_398 = tpu.memref_slice %arg2[%add3A_298, %dma_wait3A_397] : memref<128x32768xf32, #tpu.memory_space<hbm>> -> memref<1x32768xf32, #tpu.memory_space<hbm>>
      %dma_wait3A_399 = tpu.memref_squeeze %dma_wait3A_398 : memref<1x32768xf32, #tpu.memory_space<hbm>> -> memref<32768xf32, #tpu.memory_space<hbm>>
      tpu.wait_dma2 semaphore(%run_scoped3A : memref<!tpu.dma_semaphore, #tpu.memory_space<semaphore_mem>>) src(%dma_wait3A_399 : memref<32768xf32, #tpu.memory_space<hbm>>) dst(%arg6 : memref<32768xf32, #tpu.memory_space<vmem>>)
      tpu.yield
    }) : () -> ()
    %broadcast_in_dim3A_299 = arith.constant 3 : i32
    %broadcast_in_dim3A_300 = vector.broadcast %broadcast_in_dim3A_299 : i32 to vector<16xi32>
    %gather3A_301 = tpu.vector_load_idx %arg9[%broadcast_in_dim3A_300] : memref<16xf32, #tpu.memory_space<vmem>>[vector<16xi32>], vector<16xf32>,
    %reduce_max3A_302 = arith.constant true
    %reduce_max3A_303 = vector.broadcast %reduce_max3A_302 : i1 to vector<16xi1>
    %reduce_max3A_304 = tpu.scan <max>, %gather3A_301 masked %reduce_max3A_303 : vector<16xf32>, vector<16xi1> -> vector<16xf32>
    %reduce_max3A_305 = vector.extract %reduce_max3A_304[15] : f32 from vector<16xf32>
    %sub3A_306 = arith.constant 1.031250e+00 : f32
    %sub3A_307 = arith.subf %reduce_max3A_305, %sub3A_306 : f32
    %scan3A_308 = arith.constant 0 : i32
    %scan3A_309 = arith.constant 0 : i32
    %scan3A_310 = arith.constant 2048 : i32
    %scan3A_311 = arith.addi %scan3A_309, %scan3A_310 : i32
    %scan3A_312 = arith.constant 1 : i32
    %scan3A_313 = scf.for %scan3A_390 = %scan3A_309 to %scan3A_311 step %scan3A_312 iter_args(%scan3A_391 = %scan3A_308) -> (i32)  : i32 {
      %mul3A_392 = arith.constant 16 : i32
      %mul3A_393 = arith.muli %scan3A_390, %mul3A_392 : i32
      %get3A = arith.index_cast %mul3A_393 : i32 to index
      %get3A_394 = tpu.vector_load %arg6[%get3A] {strides = array<i32>} : memref<32768xf32, #tpu.memory_space<vmem>>, vector<16xf32>,
      %gt3A = vector.broadcast %sub3A_307 : f32 to vector<16xf32>
      %gt3A_395 = arith.cmpf ogt, %get3A_394, %gt3A : vector<16xf32>
      %swap3A_396 = arith.index_cast %scan3A_391 : i32 to index
      %swap3A_397 = tpu.vector_load %arg7[%swap3A_396] masked %gt3A_395 {strides = array<i32>} : memref<32784xf32, #tpu.memory_space<vmem>>, vector<16xf32>, vector<16xi1>
      tpu.vector_store %arg7[%swap3A_396], %get3A_394 masked %gt3A_395 {strides = array<i32>} : memref<32784xf32, #tpu.memory_space<vmem>>, vector<16xf32>, vector<16xi1>
      %convert_element_type3A = arith.extui %gt3A_395 : vector<16xi1> to vector<16xi32>
      %reduce_sum3A = arith.constant true
      %reduce_sum3A_398 = vector.broadcast %reduce_sum3A : i1 to vector<16xi1>
      %reduce_sum3A_399 = tpu.scan <sum>, %convert_element_type3A masked %reduce_sum3A_398 : vector<16xi32>, vector<16xi1> -> vector<16xi32>
      %reduce_sum3A_400 = vector.extract %reduce_sum3A_399[15] : i32 from vector<16xi32>
      %add3A_401 = arith.addi %scan3A_391, %reduce_sum3A_400 : i32
      scf.yield %add3A_401 : i32
    }
    %scan3A_314 = arith.constant 2048 : i32
    %broadcast_in_dim3A_315 = arith.constant -3.000000e+38 : f32
    %broadcast_in_dim3A_316 = vector.broadcast %broadcast_in_dim3A_315 : f32 to vector<16xf32>
    %swap3A_317 = arith.index_cast %scan3A_313 : i32 to index
    %swap3A_318 = tpu.vector_load %arg7[%swap3A_317] {strides = array<i32>} : memref<32784xf32, #tpu.memory_space<vmem>>, vector<16xf32>,
    tpu.vector_store %arg7[%swap3A_317], %broadcast_in_dim3A_316 {strides = array<i32>} : memref<32784xf32, #tpu.memory_space<vmem>>, vector<16xf32>,
    %while3A_319 = arith.constant 1.031250e+00 : f32
    %while3A_320:2 = scf.while (%while3A_390 = %while3A_319, %while3A_391 = %scan3A_313) : (f32, i32) -> (f32, i32) {
      %lt3A = arith.cmpi slt, %while3A_391, %min3A_14 : i32
      scf.condition(%lt3A) %while3A_390, %while3A_391 : f32, i32
    } do {
    ^bb0(%while3A_390: f32, %while3A_391: i32):
      %lt3A = arith.constant 1.600000e+01 : f32
      %lt3A_392 = arith.cmpf olt, %while3A_390, %lt3A : f32
      %mul3A_393 = arith.constant 1.500000e+00 : f32
      %mul3A_394 = arith.mulf %while3A_390, %mul3A_393 : f32
      %mul3A_395 = arith.constant 2.560000e+02 : f32
      %mul3A_396 = arith.mulf %while3A_390, %mul3A_395 : f32
      %select_n3A = arith.select %lt3A_392, %mul3A_394, %mul3A_396 : f32
      %sub3A_397 = arith.subf %reduce_max3A_305, %select_n3A : f32
      %scan3A_398 = arith.constant 0 : i32
      %scan3A_399 = arith.constant 0 : i32
      %scan3A_400 = arith.constant 2048 : i32
      %scan3A_401 = arith.addi %scan3A_399, %scan3A_400 : i32
      %scan3A_402 = arith.constant 1 : i32
      %scan3A_403 = scf.for %scan3A_409 = %scan3A_399 to %scan3A_401 step %scan3A_402 iter_args(%scan3A_410 = %scan3A_398) -> (i32)  : i32 {
        %mul3A_411 = arith.constant 16 : i32
        %mul3A_412 = arith.muli %scan3A_409, %mul3A_411 : i32
        %get3A = arith.index_cast %mul3A_412 : i32 to index
        %get3A_413 = tpu.vector_load %arg6[%get3A] {strides = array<i32>} : memref<32768xf32, #tpu.memory_space<vmem>>, vector<16xf32>,
        %gt3A = vector.broadcast %sub3A_397 : f32 to vector<16xf32>
        %gt3A_414 = arith.cmpf ogt, %get3A_413, %gt3A : vector<16xf32>
        %swap3A_415 = arith.index_cast %scan3A_410 : i32 to index
        %swap3A_416 = tpu.vector_load %arg7[%swap3A_415] masked %gt3A_414 {strides = array<i32>} : memref<32784xf32, #tpu.memory_space<vmem>>, vector<16xf32>, vector<16xi1>
        tpu.vector_store %arg7[%swap3A_415], %get3A_413 masked %gt3A_414 {strides = array<i32>} : memref<32784xf32, #tpu.memory_space<vmem>>, vector<16xf32>, vector<16xi1>
        %convert_element_type3A = arith.extui %gt3A_414 : vector<16xi1> to vector<16xi32>
        %reduce_sum3A = arith.constant true
        %reduce_sum3A_417 = vector.broadcast %reduce_sum3A : i1 to vector<16xi1>
        %reduce_sum3A_418 = tpu.scan <sum>, %convert_element_type3A masked %reduce_sum3A_417 : vector<16xi32>, vector<16xi1> -> vector<16xi32>
        %reduce_sum3A_419 = vector.extract %reduce_sum3A_418[15] : i32 from vector<16xi32>
        %add3A_420 = arith.addi %scan3A_410, %reduce_sum3A_419 : i32
        scf.yield %add3A_420 : i32
      }
      %scan3A_404 = arith.constant 2048 : i32
      %broadcast_in_dim3A_405 = arith.constant -3.000000e+38 : f32
      %broadcast_in_dim3A_406 = vector.broadcast %broadcast_in_dim3A_405 : f32 to vector<16xf32>
      %swap3A_407 = arith.index_cast %scan3A_403 : i32 to index
      %swap3A_408 = tpu.vector_load %arg7[%swap3A_407] {strides = array<i32>} : memref<32784xf32, #tpu.memory_space<vmem>>, vector<16xf32>,
      tpu.vector_store %arg7[%swap3A_407], %broadcast_in_dim3A_406 {strides = array<i32>} : memref<32784xf32, #tpu.memory_space<vmem>>, vector<16xf32>,
      scf.yield %select_n3A, %scan3A_403 : f32, i32
    }
    %broadcast_in_dim3A_321 = arith.constant 0.000000e+00 : f32
    %broadcast_in_dim3A_322 = vector.broadcast %broadcast_in_dim3A_321 : f32 to vector<16xf32>
    %swap3A_323 = arith.constant 0 : index
    %swap3A_324 = tpu.vector_load %arg10[%swap3A_323] {strides = array<i32>} : memref<256xf32, #tpu.memory_space<vmem>>, vector<16xf32>,
    tpu.vector_store %arg10[%swap3A_323], %broadcast_in_dim3A_322 {strides = array<i32>} : memref<256xf32, #tpu.memory_space<vmem>>, vector<16xf32>,
    %broadcast_in_dim3A_325 = arith.constant 0.000000e+00 : f32
    %broadcast_in_dim3A_326 = vector.broadcast %broadcast_in_dim3A_325 : f32 to vector<16xf32>
    %swap3A_327 = arith.constant 16 : index
    %swap3A_328 = tpu.vector_load %arg10[%swap3A_327] {strides = array<i32>} : memref<256xf32, #tpu.memory_space<vmem>>, vector<16xf32>,
    tpu.vector_store %arg10[%swap3A_327], %broadcast_in_dim3A_326 {strides = array<i32>} : memref<256xf32, #tpu.memory_space<vmem>>, vector<16xf32>,
    %broadcast_in_dim3A_329 = arith.constant 0.000000e+00 : f32
    %broadcast_in_dim3A_330 = vector.broadcast %broadcast_in_dim3A_329 : f32 to vector<16xf32>
    %swap3A_331 = arith.constant 32 : index
    %swap3A_332 = tpu.vector_load %arg10[%swap3A_331] {strides = array<i32>} : memref<256xf32, #tpu.memory_space<vmem>>, vector<16xf32>,
    tpu.vector_store %arg10[%swap3A_331], %broadcast_in_dim3A_330 {strides = array<i32>} : memref<256xf32, #tpu.memory_space<vmem>>, vector<16xf32>,
    %broadcast_in_dim3A_333 = arith.constant 0.000000e+00 : f32
    %broadcast_in_dim3A_334 = vector.broadcast %broadcast_in_dim3A_333 : f32 to vector<16xf32>
    %swap3A_335 = arith.constant 48 : index
    %swap3A_336 = tpu.vector_load %arg10[%swap3A_335] {strides = array<i32>} : memref<256xf32, #tpu.memory_space<vmem>>, vector<16xf32>,
    tpu.vector_store %arg10[%swap3A_335], %broadcast_in_dim3A_334 {strides = array<i32>} : memref<256xf32, #tpu.memory_space<vmem>>, vector<16xf32>,
    %broadcast_in_dim3A_337 = arith.constant 0.000000e+00 : f32
    %broadcast_in_dim3A_338 = vector.broadcast %broadcast_in_dim3A_337 : f32 to vector<16xf32>
    %swap3A_339 = arith.constant 64 : index
    %swap3A_340 = tpu.vector_load %arg10[%swap3A_339] {strides = array<i32>} : memref<256xf32, #tpu.memory_space<vmem>>, vector<16xf32>,
    tpu.vector_store %arg10[%swap3A_339], %broadcast_in_dim3A_338 {strides = array<i32>} : memref<256xf32, #tpu.memory_space<vmem>>, vector<16xf32>,
    %broadcast_in_dim3A_341 = arith.constant 0.000000e+00 : f32
    %broadcast_in_dim3A_342 = vector.broadcast %broadcast_in_dim3A_341 : f32 to vector<16xf32>
    %swap3A_343 = arith.constant 80 : index
    %swap3A_344 = tpu.vector_load %arg10[%swap3A_343] {strides = array<i32>} : memref<256xf32, #tpu.memory_space<vmem>>, vector<16xf32>,
    tpu.vector_store %arg10[%swap3A_343], %broadcast_in_dim3A_342 {strides = array<i32>} : memref<256xf32, #tpu.memory_space<vmem>>, vector<16xf32>,
    %broadcast_in_dim3A_345 = arith.constant 0.000000e+00 : f32
    %broadcast_in_dim3A_346 = vector.broadcast %broadcast_in_dim3A_345 : f32 to vector<16xf32>
    %swap3A_347 = arith.constant 96 : index
    %swap3A_348 = tpu.vector_load %arg10[%swap3A_347] {strides = array<i32>} : memref<256xf32, #tpu.memory_space<vmem>>, vector<16xf32>,
    tpu.vector_store %arg10[%swap3A_347], %broadcast_in_dim3A_346 {strides = array<i32>} : memref<256xf32, #tpu.memory_space<vmem>>, vector<16xf32>,
    %broadcast_in_dim3A_349 = arith.constant 0.000000e+00 : f32
    %broadcast_in_dim3A_350 = vector.broadcast %broadcast_in_dim3A_349 : f32 to vector<16xf32>
    %swap3A_351 = arith.constant 112 : index
    %swap3A_352 = tpu.vector_load %arg10[%swap3A_351] {strides = array<i32>} : memref<256xf32, #tpu.memory_space<vmem>>, vector<16xf32>,
    tpu.vector_store %arg10[%swap3A_351], %broadcast_in_dim3A_350 {strides = array<i32>} : memref<256xf32, #tpu.memory_space<vmem>>, vector<16xf32>,
    %broadcast_in_dim3A_353 = arith.constant 0.000000e+00 : f32
    %broadcast_in_dim3A_354 = vector.broadcast %broadcast_in_dim3A_353 : f32 to vector<16xf32>
    %swap3A_355 = arith.constant 128 : index
    %swap3A_356 = tpu.vector_load %arg10[%swap3A_355] {strides = array<i32>} : memref<256xf32, #tpu.memory_space<vmem>>, vector<16xf32>,
    tpu.vector_store %arg10[%swap3A_355], %broadcast_in_dim3A_354 {strides = array<i32>} : memref<256xf32, #tpu.memory_space<vmem>>, vector<16xf32>,
    %broadcast_in_dim3A_357 = arith.constant 0.000000e+00 : f32
    %broadcast_in_dim3A_358 = vector.broadcast %broadcast_in_dim3A_357 : f32 to vector<16xf32>
    %swap3A_359 = arith.constant 144 : index
    %swap3A_360 = tpu.vector_load %arg10[%swap3A_359] {strides = array<i32>} : memref<256xf32, #tpu.memory_space<vmem>>, vector<16xf32>,
    tpu.vector_store %arg10[%swap3A_359], %broadcast_in_dim3A_358 {strides = array<i32>} : memref<256xf32, #tpu.memory_space<vmem>>, vector<16xf32>,
    %broadcast_in_dim3A_361 = arith.constant 0.000000e+00 : f32
    %broadcast_in_dim3A_362 = vector.broadcast %broadcast_in_dim3A_361 : f32 to vector<16xf32>
    %swap3A_363 = arith.constant 160 : index
    %swap3A_364 = tpu.vector_load %arg10[%swap3A_363] {strides = array<i32>} : memref<256xf32, #tpu.memory_space<vmem>>, vector<16xf32>,
    tpu.vector_store %arg10[%swap3A_363], %broadcast_in_dim3A_362 {strides = array<i32>} : memref<256xf32, #tpu.memory_space<vmem>>, vector<16xf32>,
    %broadcast_in_dim3A_365 = arith.constant 0.000000e+00 : f32
    %broadcast_in_dim3A_366 = vector.broadcast %broadcast_in_dim3A_365 : f32 to vector<16xf32>
    %swap3A_367 = arith.constant 176 : index
    %swap3A_368 = tpu.vector_load %arg10[%swap3A_367] {strides = array<i32>} : memref<256xf32, #tpu.memory_space<vmem>>, vector<16xf32>,
    tpu.vector_store %arg10[%swap3A_367], %broadcast_in_dim3A_366 {strides = array<i32>} : memref<256xf32, #tpu.memory_space<vmem>>, vector<16xf32>,
    %broadcast_in_dim3A_369 = arith.constant 0.000000e+00 : f32
    %broadcast_in_dim3A_370 = vector.broadcast %broadcast_in_dim3A_369 : f32 to vector<16xf32>
    %swap3A_371 = arith.constant 192 : index
    %swap3A_372 = tpu.vector_load %arg10[%swap3A_371] {strides = array<i32>} : memref<256xf32, #tpu.memory_space<vmem>>, vector<16xf32>,
    tpu.vector_store %arg10[%swap3A_371], %broadcast_in_dim3A_370 {strides = array<i32>} : memref<256xf32, #tpu.memory_space<vmem>>, vector<16xf32>,
    %broadcast_in_dim3A_373 = arith.constant 0.000000e+00 : f32
    %broadcast_in_dim3A_374 = vector.broadcast %broadcast_in_dim3A_373 : f32 to vector<16xf32>
    %swap3A_375 = arith.constant 208 : index
    %swap3A_376 = tpu.vector_load %arg10[%swap3A_375] {strides = array<i32>} : memref<256xf32, #tpu.memory_space<vmem>>, vector<16xf32>,
    tpu.vector_store %arg10[%swap3A_375], %broadcast_in_dim3A_374 {strides = array<i32>} : memref<256xf32, #tpu.memory_space<vmem>>, vector<16xf32>,
    %broadcast_in_dim3A_377 = arith.constant 0.000000e+00 : f32
    %broadcast_in_dim3A_378 = vector.broadcast %broadcast_in_dim3A_377 : f32 to vector<16xf32>
    %swap3A_379 = arith.constant 224 : index
    %swap3A_380 = tpu.vector_load %arg10[%swap3A_379] {strides = array<i32>} : memref<256xf32, #tpu.memory_space<vmem>>, vector<16xf32>,
    tpu.vector_store %arg10[%swap3A_379], %broadcast_in_dim3A_378 {strides = array<i32>} : memref<256xf32, #tpu.memory_space<vmem>>, vector<16xf32>,
    %broadcast_in_dim3A_381 = arith.constant 0.000000e+00 : f32
    %broadcast_in_dim3A_382 = vector.broadcast %broadcast_in_dim3A_381 : f32 to vector<16xf32>
    %swap3A_383 = arith.constant 240 : index
    %swap3A_384 = tpu.vector_load %arg10[%swap3A_383] {strides = array<i32>} : memref<256xf32, #tpu.memory_space<vmem>>, vector<16xf32>,
    tpu.vector_store %arg10[%swap3A_383], %broadcast_in_dim3A_382 {strides = array<i32>} : memref<256xf32, #tpu.memory_space<vmem>>, vector<16xf32>,
    %iota3A_385 = tpu.iota {dimensions = array<i32: 0>} : vector<16xi32>
    %while3A_386 = arith.constant 0 : i32
    %while3A_387 = arith.constant 0.000000e+00 : f32
    %while3A_388 = arith.constant 0 : i32
    %while3A_389:3 = scf.while (%while3A_390 = %while3A_386, %while3A_391 = %while3A_387, %while3A_392 = %while3A_388) : (i32, f32, i32) -> (i32, f32, i32) {
      %eq3A = arith.constant 0 : i32
      %eq3A_393 = arith.cmpi eq, %while3A_392, %eq3A : i32
      scf.condition(%eq3A_393) %while3A_390, %while3A_391, %while3A_392 : i32, f32, i32
    } do {
    ^bb0(%while3A_390: i32, %while3A_391: f32, %while3A_392: i32):
      %add3A_393 = arith.constant 15 : i32
      %add3A_394 = arith.addi %while3A_320#1, %add3A_393 : i32
      %shift_right_arithmetic3A = arith.constant 4 : i32
      %shift_right_arithmetic3A_395 = arith.shrsi %add3A_394, %shift_right_arithmetic3A : i32
      %broadcast_in_dim3A_396 = arith.constant -3.000000e+38 : f32
      %broadcast_in_dim3A_397 = vector.broadcast %broadcast_in_dim3A_396 : f32 to vector<16xf32>
      %while3A_398 = arith.constant 0 : i32
      %while3A_399 = arith.subi %shift_right_arithmetic3A_395, %while3A_398 : i32
      %while3A_400 = arith.addi %while3A_398, %while3A_399 : i32
      %while3A_401 = arith.constant 1 : i32
      %while3A_402 = arith.divsi %while3A_399, %while3A_401 : i32
      %while3A_403 = arith.muli %while3A_402, %while3A_401 : i32
      %while3A_404 = arith.addi %while3A_398, %while3A_403 : i32
      %while3A_405 = arith.constant 1 : i32
      %while3A_406 = scf.for %while3A_450 = %while3A_398 to %while3A_404 step %while3A_405 iter_args(%while3A_451 = %broadcast_in_dim3A_397) -> (vector<16xf32>)  : i32 {
        %mul3A_452 = arith.constant 16 : i32
        %mul3A_453 = arith.muli %while3A_450, %mul3A_452 : i32
        %get3A = arith.index_cast %mul3A_453 : i32 to index
        %get3A_454 = tpu.vector_load %arg7[%get3A] {strides = array<i32>} : memref<32784xf32, #tpu.memory_space<vmem>>, vector<16xf32>,
        %max3A = arith.maximumf %while3A_451, %get3A_454 : vector<16xf32>
        scf.yield %max3A : vector<16xf32>
      }
      %while3A_407 = arith.constant 1 : i32
      %while3A_408 = scf.for %while3A_450 = %while3A_404 to %while3A_400 step %while3A_407 iter_args(%while3A_451 = %while3A_406) -> (vector<16xf32>)  : i32 {
        %mul3A_452 = arith.constant 16 : i32
        %mul3A_453 = arith.muli %while3A_450, %mul3A_452 : i32
        %get3A = arith.index_cast %mul3A_453 : i32 to index
        %get3A_454 = tpu.vector_load %arg7[%get3A] {strides = array<i32>} : memref<32784xf32, #tpu.memory_space<vmem>>, vector<16xf32>,
        %max3A = arith.maximumf %while3A_451, %get3A_454 : vector<16xf32>
        scf.yield %max3A : vector<16xf32>
      }
      %reduce_max3A_409 = arith.constant true
      %reduce_max3A_410 = vector.broadcast %reduce_max3A_409 : i1 to vector<16xi1>
      %reduce_max3A_411 = tpu.scan <max>, %while3A_408 masked %reduce_max3A_410 : vector<16xf32>, vector<16xi1> -> vector<16xf32>
      %reduce_max3A_412 = vector.extract %reduce_max3A_411[15] : f32 from vector<16xf32>
      %add3A_413 = arith.constant 15 : i32
      %add3A_414 = arith.addi %while3A_320#1, %add3A_413 : i32
      %shift_right_arithmetic3A_415 = arith.constant 4 : i32
      %shift_right_arithmetic3A_416 = arith.shrsi %add3A_414, %shift_right_arithmetic3A_415 : i32
      %while3A_417 = arith.constant 0 : i32
      %while3A_418 = arith.constant 0 : i32
      %while3A_419 = arith.subi %shift_right_arithmetic3A_416, %while3A_417 : i32
      %while3A_420 = arith.addi %while3A_417, %while3A_419 : i32
      %while3A_421 = arith.constant 1 : i32
      %while3A_422 = arith.divsi %while3A_419, %while3A_421 : i32
      %while3A_423 = arith.muli %while3A_422, %while3A_421 : i32
      %while3A_424 = arith.addi %while3A_417, %while3A_423 : i32
      %while3A_425 = arith.constant 1 : i32
      %while3A_426 = scf.for %while3A_450 = %while3A_417 to %while3A_424 step %while3A_425 iter_args(%while3A_451 = %while3A_418) -> (i32)  : i32 {
        %mul3A_452 = arith.constant 16 : i32
        %mul3A_453 = arith.muli %while3A_450, %mul3A_452 : i32
        %get3A = arith.index_cast %mul3A_453 : i32 to index
        %get3A_454 = tpu.vector_load %arg7[%get3A] {strides = array<i32>} : memref<32784xf32, #tpu.memory_space<vmem>>, vector<16xf32>,
        %eq3A = vector.broadcast %reduce_max3A_412 : f32 to vector<16xf32>
        %eq3A_455 = arith.cmpf oeq, %get3A_454, %eq3A : vector<16xf32>
        %broadcast_in_dim3A_456 = arith.constant -3.000000e+38 : f32
        %broadcast_in_dim3A_457 = vector.broadcast %broadcast_in_dim3A_456 : f32 to vector<16xf32>
        %select_n3A = arith.select %eq3A_455, %broadcast_in_dim3A_457, %get3A_454 : vector<16xi1>, vector<16xf32>
        %mul3A_458 = arith.constant 16 : i32
        %mul3A_459 = arith.muli %while3A_450, %mul3A_458 : i32
        %swap3A_460 = arith.index_cast %mul3A_459 : i32 to index
        %swap3A_461 = tpu.vector_load %arg7[%swap3A_460] {strides = array<i32>} : memref<32784xf32, #tpu.memory_space<vmem>>, vector<16xf32>,
        tpu.vector_store %arg7[%swap3A_460], %select_n3A {strides = array<i32>} : memref<32784xf32, #tpu.memory_space<vmem>>, vector<16xf32>,
        %convert_element_type3A_462 = arith.extui %eq3A_455 : vector<16xi1> to vector<16xi32>
        %reduce_sum3A = arith.constant true
        %reduce_sum3A_463 = vector.broadcast %reduce_sum3A : i1 to vector<16xi1>
        %reduce_sum3A_464 = tpu.scan <sum>, %convert_element_type3A_462 masked %reduce_sum3A_463 : vector<16xi32>, vector<16xi1> -> vector<16xi32>
        %reduce_sum3A_465 = vector.extract %reduce_sum3A_464[15] : i32 from vector<16xi32>
        %add3A_466 = arith.addi %while3A_451, %reduce_sum3A_465 : i32
        scf.yield %add3A_466 : i32
      }
      %while3A_427 = arith.constant 1 : i32
      %while3A_428 = scf.for %while3A_450 = %while3A_424 to %while3A_420 step %while3A_427 iter_args(%while3A_451 = %while3A_426) -> (i32)  : i32 {
        %mul3A_452 = arith.constant 16 : i32
        %mul3A_453 = arith.muli %while3A_450, %mul3A_452 : i32
        %get3A = arith.index_cast %mul3A_453 : i32 to index
        %get3A_454 = tpu.vector_load %arg7[%get3A] {strides = array<i32>} : memref<32784xf32, #tpu.memory_space<vmem>>, vector<16xf32>,
        %eq3A = vector.broadcast %reduce_max3A_412 : f32 to vector<16xf32>
        %eq3A_455 = arith.cmpf oeq, %get3A_454, %eq3A : vector<16xf32>
        %broadcast_in_dim3A_456 = arith.constant -3.000000e+38 : f32
        %broadcast_in_dim3A_457 = vector.broadcast %broadcast_in_dim3A_456 : f32 to vector<16xf32>
        %select_n3A = arith.select %eq3A_455, %broadcast_in_dim3A_457, %get3A_454 : vector<16xi1>, vector<16xf32>
        %mul3A_458 = arith.constant 16 : i32
        %mul3A_459 = arith.muli %while3A_450, %mul3A_458 : i32
        %swap3A_460 = arith.index_cast %mul3A_459 : i32 to index
        %swap3A_461 = tpu.vector_load %arg7[%swap3A_460] {strides = array<i32>} : memref<32784xf32, #tpu.memory_space<vmem>>, vector<16xf32>,
        tpu.vector_store %arg7[%swap3A_460], %select_n3A {strides = array<i32>} : memref<32784xf32, #tpu.memory_space<vmem>>, vector<16xf32>,
        %convert_element_type3A_462 = arith.extui %eq3A_455 : vector<16xi1> to vector<16xi32>
        %reduce_sum3A = arith.constant true
        %reduce_sum3A_463 = vector.broadcast %reduce_sum3A : i1 to vector<16xi1>
        %reduce_sum3A_464 = tpu.scan <sum>, %convert_element_type3A_462 masked %reduce_sum3A_463 : vector<16xi32>, vector<16xi1> -> vector<16xi32>
        %reduce_sum3A_465 = vector.extract %reduce_sum3A_464[15] : i32 from vector<16xi32>
        %add3A_466 = arith.addi %while3A_451, %reduce_sum3A_465 : i32
        scf.yield %add3A_466 : i32
      }
      %mul3A_429 = arith.mulf %reduce_max3A_412, %reduce_max3A_412 : f32
      %add3A_430 = arith.addi %while3A_390, %while3A_428 : i32
      %min3A_431 = arith.minsi %add3A_430, %min3A_14 : i32
      %add3A_432 = arith.constant 15 : i32
      %add3A_433 = arith.addi %while3A_428, %add3A_432 : i32
      %shift_right_arithmetic3A_434 = arith.constant 4 : i32
      %shift_right_arithmetic3A_435 = arith.shrsi %add3A_433, %shift_right_arithmetic3A_434 : i32
      %while3A_436 = arith.constant 0 : i32
      %while3A_437 = arith.constant 0 : i32
      %while3A_438 = arith.subi %shift_right_arithmetic3A_435, %while3A_437 : i32
      %while3A_439 = arith.addi %while3A_437, %while3A_438 : i32
      %while3A_440 = arith.constant 1 : i32
      %while3A_441 = arith.divsi %while3A_438, %while3A_440 : i32
      %while3A_442 = arith.muli %while3A_441, %while3A_440 : i32
      %while3A_443 = arith.addi %while3A_437, %while3A_442 : i32
      %while3A_444 = arith.constant 1 : i32
      scf.for %while3A_450 = %while3A_437 to %while3A_443 step %while3A_444  : i32 {
        %mul3A_451 = arith.constant 16 : i32
        %mul3A_452 = arith.muli %while3A_450, %mul3A_451 : i32
        %add3A_453 = arith.addi %while3A_390, %mul3A_452 : i32
        %add3A_454 = vector.broadcast %add3A_453 : i32 to vector<16xi32>
        %add3A_455 = arith.addi %add3A_454, %iota3A_385 : vector<16xi32>
        %lt3A = vector.broadcast %min3A_431 : i32 to vector<16xi32>
        %lt3A_456 = arith.cmpi slt, %add3A_455, %lt3A : vector<16xi32>
        %sub3A_457 = vector.broadcast %while3A_390 : i32 to vector<16xi32>
        %sub3A_458 = arith.subi %add3A_455, %sub3A_457 : vector<16xi32>
        %add3A_459 = arith.constant 1 : i32
        %add3A_460 = vector.broadcast %add3A_459 : i32 to vector<16xi32>
        %add3A_461 = arith.addi %sub3A_458, %add3A_460 : vector<16xi32>
        %convert_element_type3A_462 = arith.sitofp %add3A_461 : vector<16xi32> to vector<16xf32>
        %mul3A_463 = vector.broadcast %mul3A_429 : f32 to vector<16xf32>
        %mul3A_464 = arith.mulf %convert_element_type3A_462, %mul3A_463 : vector<16xf32>
        %add3A_465 = vector.broadcast %while3A_391 : f32 to vector<16xf32>
        %add3A_466 = arith.addf %add3A_465, %mul3A_464 : vector<16xf32>
        tpu.vector_store_idx %arg10[%add3A_455], %add3A_466 masked %lt3A_456 : memref<256xf32, #tpu.memory_space<vmem>>[vector<16xi32>], vector<16xf32>, vector<16xi1>
      }
      %while3A_445 = arith.constant 1 : i32
      scf.for %while3A_450 = %while3A_443 to %while3A_439 step %while3A_445  : i32 {
        %mul3A_451 = arith.constant 16 : i32
        %mul3A_452 = arith.muli %while3A_450, %mul3A_451 : i32
        %add3A_453 = arith.addi %while3A_390, %mul3A_452 : i32
        %add3A_454 = vector.broadcast %add3A_453 : i32 to vector<16xi32>
        %add3A_455 = arith.addi %add3A_454, %iota3A_385 : vector<16xi32>
        %lt3A = vector.broadcast %min3A_431 : i32 to vector<16xi32>
        %lt3A_456 = arith.cmpi slt, %add3A_455, %lt3A : vector<16xi32>
        %sub3A_457 = vector.broadcast %while3A_390 : i32 to vector<16xi32>
        %sub3A_458 = arith.subi %add3A_455, %sub3A_457 : vector<16xi32>
        %add3A_459 = arith.constant 1 : i32
        %add3A_460 = vector.broadcast %add3A_459 : i32 to vector<16xi32>
        %add3A_461 = arith.addi %sub3A_458, %add3A_460 : vector<16xi32>
        %convert_element_type3A_462 = arith.sitofp %add3A_461 : vector<16xi32> to vector<16xf32>
        %mul3A_463 = vector.broadcast %mul3A_429 : f32 to vector<16xf32>
        %mul3A_464 = arith.mulf %convert_element_type3A_462, %mul3A_463 : vector<16xf32>
        %add3A_465 = vector.broadcast %while3A_391 : f32 to vector<16xf32>
        %add3A_466 = arith.addf %add3A_465, %mul3A_464 : vector<16xf32>
        tpu.vector_store_idx %arg10[%add3A_455], %add3A_466 masked %lt3A_456 : memref<256xf32, #tpu.memory_space<vmem>>[vector<16xi32>], vector<16xf32>, vector<16xi1>
      }
      %add3A_446 = arith.addi %while3A_390, %while3A_428 : i32
      %convert_element_type3A = arith.sitofp %while3A_428 : i32 to f32
      %mul3A_447 = arith.mulf %convert_element_type3A, %mul3A_429 : f32
      %add3A_448 = arith.addf %while3A_391, %mul3A_447 : f32
      %ge3A = arith.cmpi sge, %add3A_446, %min3A_14 : i32
      %convert_element_type3A_449 = arith.extui %ge3A : i1 to i32
      scf.yield %add3A_446, %add3A_448, %convert_element_type3A_449 : i32, f32, i32
    }
    "tpu.region"() ({
      %run_scoped3A = tpu.sem_alloc : memref<!tpu.dma_semaphore, #tpu.memory_space<semaphore_mem>>
      %dma_start3A = arith.constant 0 : i32
      %dma_start3A_390 = tpu.memref_slice %arg5[%add3A_298, %dma_start3A] : memref<128x256xf32, #tpu.memory_space<hbm>> -> memref<1x256xf32, #tpu.memory_space<hbm>>
      %dma_start3A_391 = tpu.memref_squeeze %dma_start3A_390 : memref<1x256xf32, #tpu.memory_space<hbm>> -> memref<256xf32, #tpu.memory_space<hbm>>
      %dma_start3A_392 = arith.constant 0 : i32
      %dma_start3A_393 = tpu.memref_slice %arg5[%add3A_298, %dma_start3A_392] : memref<128x256xf32, #tpu.memory_space<hbm>> -> memref<1x256xf32, #tpu.memory_space<hbm>>
      %dma_start3A_394 = tpu.memref_squeeze %dma_start3A_393 : memref<1x256xf32, #tpu.memory_space<hbm>> -> memref<256xf32, #tpu.memory_space<hbm>>
      tpu.enqueue_dma source(%arg10 : memref<256xf32, #tpu.memory_space<vmem>>) target(%dma_start3A_394 : memref<256xf32, #tpu.memory_space<hbm>>) target_semaphore(%run_scoped3A : memref<!tpu.dma_semaphore, #tpu.memory_space<semaphore_mem>>)
      %dma_wait3A = arith.constant 0 : i32
      %dma_wait3A_395 = tpu.memref_slice %arg5[%add3A_298, %dma_wait3A] : memref<128x256xf32, #tpu.memory_space<hbm>> -> memref<1x256xf32, #tpu.memory_space<hbm>>
      %dma_wait3A_396 = tpu.memref_squeeze %dma_wait3A_395 : memref<1x256xf32, #tpu.memory_space<hbm>> -> memref<256xf32, #tpu.memory_space<hbm>>
      %dma_wait3A_397 = arith.constant 0 : i32
      %dma_wait3A_398 = tpu.memref_slice %arg5[%add3A_298, %dma_wait3A_397] : memref<128x256xf32, #tpu.memory_space<hbm>> -> memref<1x256xf32, #tpu.memory_space<hbm>>
      %dma_wait3A_399 = tpu.memref_squeeze %dma_wait3A_398 : memref<1x256xf32, #tpu.memory_space<hbm>> -> memref<256xf32, #tpu.memory_space<hbm>>
      tpu.wait_dma2 semaphore(%run_scoped3A : memref<!tpu.dma_semaphore, #tpu.memory_space<semaphore_mem>>) src(%arg10 : memref<256xf32, #tpu.memory_space<vmem>>) dst(%dma_wait3A_399 : memref<256xf32, #tpu.memory_space<hbm>>)
      tpu.yield
    }) : () -> ()
    return
  }
}

module attributes {stable_mosaic.version = 14 : i64} {
  func.func @_combine_body(%arg0: memref<128x256xf32, #tpu.memory_space<vmem>>, %arg1: memref<128x1xi32, #tpu.memory_space<vmem>>, %arg2: memref<128x1xf32, #tpu.memory_space<vmem>>, %arg3: memref<128x1xf32, #tpu.memory_space<vmem>>, %arg4: memref<128x1xf32, #tpu.memory_space<vmem>>) attributes {dimension_semantics = [], scalar_prefetch = 0 : i64, scratch_operands = 0 : i64, tpu.core_type = #tpu.core_type<tc>} {
    %get3A = arith.constant 0 : index
    %get3A_0 = arith.constant 0 : index
    %get3A_1 = vector.load %arg0[%get3A, %get3A_0] : memref<128x256xf32, #tpu.memory_space<vmem>>, vector<128x256xf32>
    %reduce_sum3A = arith.constant dense<0.000000e+00> : vector<256xf32>
    %reduce_sum3A_2 = vector.multi_reduction <add>, %get3A_1, %reduce_sum3A [0] : vector<128x256xf32> to vector<256xf32>
    %get3A_3 = arith.constant 0 : index
    %get3A_4 = arith.constant 0 : index
    %get3A_5 = vector.load %arg1[%get3A_3, %get3A_4] : memref<128x1xi32, #tpu.memory_space<vmem>>, vector<128x1xi32>
    %convert_element_type3A = arith.sitofp %get3A_5 : vector<128x1xi32> to vector<128x1xf32>
    %get3A_6 = arith.constant 0 : index
    %get3A_7 = arith.constant 0 : index
    %get3A_8 = vector.load %arg2[%get3A_6, %get3A_7] : memref<128x1xf32, #tpu.memory_space<vmem>>, vector<128x1xf32>
    %sub3A = arith.constant 1.000000e+00 : f32
    %sub3A_9 = vector.broadcast %sub3A : f32 to vector<128x1xf32>
    %sub3A_10 = arith.subf %get3A_8, %sub3A_9 : vector<128x1xf32>
    %div3A = arith.divf %sub3A_10, %convert_element_type3A : vector<128x1xf32>
    %get3A_11 = arith.constant 0 : index
    %get3A_12 = arith.constant 0 : index
    %get3A_13 = vector.load %arg3[%get3A_11, %get3A_12] : memref<128x1xf32, #tpu.memory_space<vmem>>, vector<128x1xf32>
    %iota3A = tpu.iota {dimensions = array<i32: 1>} : vector<128x256xi32>
    %sub3A_14 = arith.constant 1 : i32
    %sub3A_15 = vector.broadcast %sub3A_14 : i32 to vector<128x1xi32>
    %sub3A_16 = arith.subi %get3A_5, %sub3A_15 : vector<128x1xi32>
    %eq3A = vector.broadcast %sub3A_16 : vector<128x1xi32> to vector<128x256xi32>
    %eq3A_17 = arith.cmpi eq, %iota3A, %eq3A : vector<128x256xi32>
    %broadcast_in_dim3A = vector.shape_cast %reduce_sum3A_2 : vector<256xf32> to vector<1x256xf32>
    %jit3A = arith.constant 0.000000e+00 : f32
    %broadcast_in_dim3A_18 = vector.shape_cast %broadcast_in_dim3A : vector<1x256xf32> to vector<1x256xf32>
    %broadcast_in_dim3A_19 = vector.broadcast %broadcast_in_dim3A_18 : vector<1x256xf32> to vector<128x256xf32>
    %broadcast_in_dim3A_20 = vector.broadcast %jit3A : f32 to vector<128x256xf32>
    %select_n3A = arith.select %eq3A_17, %broadcast_in_dim3A_19, %broadcast_in_dim3A_20 : vector<128x256xi1>, vector<128x256xf32>
    %reduce_sum3A_21 = arith.constant dense<0.000000e+00> : vector<128xf32>
    %reduce_sum3A_22 = vector.multi_reduction <add>, %select_n3A, %reduce_sum3A_21 [1] : vector<128x256xf32> to vector<128xf32>
    %broadcast_in_dim3A_23 = vector.shape_cast %reduce_sum3A_22 : vector<128xf32> to vector<128x1xf32>
    %mul3A = arith.constant 1.280000e+02 : f32
    %mul3A_24 = vector.broadcast %mul3A : f32 to vector<128x1xf32>
    %mul3A_25 = arith.mulf %mul3A_24, %div3A : vector<128x1xf32>
    %mul3A_26 = arith.mulf %mul3A_25, %div3A : vector<128x1xf32>
    %mul3A_27 = arith.mulf %mul3A_26, %convert_element_type3A : vector<128x1xf32>
    %sub3A_28 = arith.subf %broadcast_in_dim3A_23, %mul3A_27 : vector<128x1xf32>
    %neg3A = arith.constant 0.000000e+00 : f32
    %neg3A_29 = vector.broadcast %neg3A : f32 to vector<128x1xf32>
    %neg3A_30 = arith.subf %neg3A_29, %get3A_13 : vector<128x1xf32>
    %add3A = arith.constant 1.000000e+00 : f32
    %add3A_31 = vector.broadcast %add3A : f32 to vector<128x1xf32>
    %add3A_32 = arith.addf %add3A_31, %sub3A_28 : vector<128x1xf32>
    %mul3A_33 = arith.constant 5.000000e-01 : f32
    %mul3A_34 = vector.broadcast %mul3A_33 : f32 to vector<128x1xf32>
    %mul3A_35 = arith.mulf %add3A_32, %mul3A_34 : vector<128x1xf32>
    %add3A_36 = arith.addf %neg3A_30, %mul3A_35 : vector<128x1xf32>
    %swap3A = arith.constant 0 : index
    %swap3A_37 = arith.constant 0 : index
    %swap3A_38 = vector.load %arg4[%swap3A, %swap3A_37] : memref<128x1xf32, #tpu.memory_space<vmem>>, vector<128x1xf32>
    tpu.vector_store %arg4[%swap3A, %swap3A_37], %add3A_36 {strides = array<i32>} : memref<128x1xf32, #tpu.memory_space<vmem>>, vector<128x1xf32>,
    return
  }
}

</mosaic_0001>

<sc_bundles>
// kernel: kernel.5.cloned.1.call-start
scs
__scs_entry_jumppad:
0x0: {  	(pc) =	sbr.rel $0x88, $3  }
0x1: {  	(tag) =	ssettag $0x0;
	lr =	simm.s32 $0x1  }
0x2: {  	[smem:$0x3F9F] =	sst lr;
	_ =	strace $0xD0000000  }
0x3: {  	_ = 	snop  }
0x4: {  	_ = 	snop  }
0x5: {  	_ = 	snop  }
0x6: {  	_ = 	snop  }
0x7: {  	_ = 	snop  }
__scs_overlays_trampoline_lowered:
0x8: {  	[smem:$0x3FAE] =	sst s0  }
0x9: {  	[smem:$0x3FAF] =	sst s1  }
0xa: {  	[smem:$0x3FB0] =	sst s2  }
0xb: {  	[smem:$0x3FB1] =	sst s3  }
0xc: {  	[smem:$0x3FB2] =	sst s4  }
0xd: {  	[smem:$0x3FB3] =	sst s5  }
0xe: {  	[smem:$0x3FB4] =	sst s6  }
0xf: {  	[smem:$0x3FB5] =	sst s7  }
0x10: {  	[smem:$0x3FB6] =	sst s8  }
0x11: {  	[smem:$0x3FB7] =	sst s9;
	s0 =	simm.s32 @!p0 $0x0  }
0x12: {  	s1 =	sld [smem:$0x3F9D];
	s0 =	simm.s32 @p0 $0x1  }
0x13: {  	[smem:$0x3FB8] =	sst s0;
	s0 =	simm.s32 @!p1 $0x0  }
0x14: {  	s2 =	sld [smem:$0x3F9C];
	s0 =	simm.s32 @p1 $0x1  }
0x15: {  	[smem:$0x3FB9] =	sst s0;
	s0 =	simm.s32 @!p2 $0x0  }
0x16: {  	s3 =	sld [smem:$0x3FDB];
	s0 =	simm.s32 @p2 $0x1  }
0x17: {  	s4 =	simm.s32 $0x1BF5;
	[smem:$0x3FBB] =	sst s0  }
0x18: {  	s0 =	sld [smem:$0x3F9E];
	_ =	swait.ge [sflag:s4], $0x0  }
0x19: {  	s7 =	sld [smem:$0x3F9F]  }
0x1a: {  	s8 =	sadd.s32 $0xFFFFE003, lr  }
0x1b: {  	s9 =	sadd.s32 $0xFFFFFEF7, lr;
	s5 =	simm.s32 $0xFFFFFFFF;
	p2 =	slt.u32 s8, $0xFFFFF086  }
0x1c: {  	p1 =	slt.u32 s9, $0xF7A;
	s5 =	simm.s32 @!p2 $0x0  }
0x1d: {  	s5 =	simm.s32 @p1 $0x1;
	p0 =	seq.s32 s7, s2  }
0x1e: {  	s7 =	smul.u32 @!p0 $0xF7A, s2;
	p2 =	seq.s32 @!p0 s5, $0x0  }
0x1f: {  	s9 =	smul.u32 $0xF7A, s1;
	s8 =	simm.s32 @!p0 $0x1BF5;
	p2 =	por !p2, p0  }
0x20: {  	[sflag:s8] =	ssyncset.s32 @!p0 $0xFFFFF086;
	s6 =	sadd.s32 @!p0 s3, s7;
	s7 =	simm.s32 @!p0 $0x108  }
0x21: {  	s3 =	sadd.s32 s3, s9;
	s6 =	sadd.s32 @!p0 $0x88, s6;
	s7 =	simm.s32 @p2 $0x1082  }
0x22: {  	[simem:s7], [sflag:s8] =	dma.local @!p0 [hbm:s6], $0xF7A  }
0x23: {  	s9 =	sor.u32 $0xD0000000, s2;
	s6 =	simm.s32 $0x108;
	_ =	swait.ge @!p0 [sflag:s8], $0x0  }
0x24: {  	s3 =	sadd.s32 $0x88, s3;
	s6 =	simm.s32 @!p1 $0x1082;
	[sflag:s4] =	ssyncset.s32 $0xFFFFF086  }
0x25: {  	[simem:s6], [sflag:s4] =	dma.local [hbm:s3], $0xF7A  }
0x26: {  	[smem:$0x3F9F] =	sst s1;
	(tag) =	ssettag s2;
	_ =	strace s9  }
0x27: {  	s1 =	sld [smem:$0x3FAF]  }
0x28: {  	s2 =	sld [smem:$0x3FB0]  }
0x29: {  	s4 =	sld [smem:$0x3FB2]  }
0x2a: {  	p0 =	seq.s32 s5, $0x0;
	s5 =	sld [smem:$0x3FB3]  }
0x2b: {  	s6 =	sld [smem:$0x3FB4]  }
0x2c: {  	s7 =	sld [smem:$0x3FB5]  }
0x2d: {  	s3 =	simm.s32 $0x108;
	s8 =	sld [smem:$0x3FB6]  }
0x2e: {  	s3 =	simm.s32 @!p0 $0x1082;
	s9 =	sld [smem:$0x3FB7]  }
0x2f: {  	lr =	sadd.s32 s0, s3;
	s0 =	sld [smem:$0x3FAE]  }
0x30: {  	s3 =	sld [smem:$0x3FB1]  }
0x31: {  	[smem:$0x3FBA] =	sst s10  }
0x32: {  	s10 =	sld [smem:$0x3FB8];
	_ =	sdelay $0x3  }
0x33: {  	p0 =	seq.s32 s10, $0x1;
	s10 =	sld [smem:$0x3FBA];
	_ =	sdelay $0x3  }
0x34: {  	[smem:$0x3FBA] =	sst s10  }
0x35: {  	s10 =	sld [smem:$0x3FB9];
	_ =	sdelay $0x3  }
0x36: {  	p1 =	seq.s32 s10, $0x1;
	s10 =	sld [smem:$0x3FBA];
	_ =	sdelay $0x3  }
0x37: {  	[smem:$0x3FBA] =	sst s10  }
0x38: {  	s10 =	sld [smem:$0x3FBB]  }
0x39: {  	_ = 	snop;
	(pc) =	sbr.ind lr, $3  }
0x3a: {  	_ = 	snop  }
0x3b: {  	_ = 	snop  }
0x3c: {  	p2 =	seq.s32 s10, $0x1;
	s10 =	sld [smem:$0x3FBA]  }
0x3d: {  	_ =	shalt  }
0x3e: {  	_ =	shalt  }
0x3f: {  	_ =	shalt  }
0x40: {  	_ =	shalt  }
0x41: {  	_ =	shalt  }
0x42: {  	_ =	shalt  }
0x43: {  	_ =	shalt  }
0x44: {  	_ =	shalt  }
0x45: {  	_ =	shalt  }
0x46: {  	_ =	shalt  }
0x47: {  	_ =	shalt  }
0x48: {  	_ =	shalt  }
0x49: {  	_ =	shalt  }
0x4a: {  	_ =	shalt  }
0x4b: {  	_ =	shalt  }
0x4c: {  	_ =	shalt  }
0x4d: {  	_ =	shalt  }
0x4e: {  	_ =	shalt  }
0x4f: {  	_ =	shalt  }
0x50: {  	_ =	shalt  }
0x51: {  	_ =	shalt  }
0x52: {  	_ =	shalt  }
0x53: {  	_ =	shalt  }
0x54: {  	_ =	shalt  }
0x55: {  	_ =	shalt  }
0x56: {  	_ =	shalt  }
0x57: {  	_ =	shalt  }
0x58: {  	_ =	shalt  }
0x59: {  	_ =	shalt  }
0x5a: {  	_ =	shalt  }
0x5b: {  	_ =	shalt  }
0x5c: {  	_ =	shalt  }
0x5d: {  	_ =	shalt  }
0x5e: {  	_ =	shalt  }
0x5f: {  	_ =	shalt  }
0x60: {  	_ =	shalt  }
0x61: {  	_ =	shalt  }
0x62: {  	_ =	shalt  }
0x63: {  	_ =	shalt  }
0x64: {  	_ =	shalt  }
0x65: {  	_ =	shalt  }
0x66: {  	_ =	shalt  }
0x67: {  	_ =	shalt  }
0x68: {  	_ =	shalt  }
0x69: {  	_ =	shalt  }
0x6a: {  	_ =	shalt  }
0x6b: {  	_ =	shalt  }
0x6c: {  	_ =	shalt  }
0x6d: {  	_ =	shalt  }
0x6e: {  	_ =	shalt  }
0x6f: {  	_ =	shalt  }
0x70: {  	_ =	shalt  }
0x71: {  	_ =	shalt  }
0x72: {  	_ =	shalt  }
0x73: {  	_ =	shalt  }
0x74: {  	_ =	shalt  }
0x75: {  	_ =	shalt  }
0x76: {  	_ =	shalt  }
0x77: {  	_ =	shalt  }
0x78: {  	_ =	shalt  }
0x79: {  	_ =	shalt  }
0x7a: {  	_ =	shalt  }
0x7b: {  	_ =	shalt  }
0x7c: {  	_ =	shalt  }
0x7d: {  	_ =	shalt  }
0x7e: {  	_ =	shalt  }
0x7f: {  	_ =	shalt  }
0x80: {  	_ =	shalt  }
0x81: {  	_ =	shalt  }
0x82: {  	_ =	shalt  }
0x83: {  	_ =	shalt  }
0x84: {  	_ =	shalt  }
0x85: {  	_ =	shalt  }
0x86: {  	_ =	shalt  }
0x87: {  	_ =	shalt  }
.Lfunc_end0:
.L_simem_size_0:
called_computation_lowered:
.L_overlay_start_0:
0x88: {  	s2 =	sld [smem:$0x3FD9]  }
0x89: {  	s3 =	sld [smem:$0x3FFE];
	_ =	sdelay $0x1  }
0x8a: {  	s1 =	srdreg.scid  }
0x8b: {  	s0 =	sand.u32 $0x1, s1  }
0x8c: {  	s17 =	sshll.u32 s0, $0xA;
	s2 =	sadd.s32 s3, s2  }
0x8d: {  	s2 =	sadd.s32 s2, s17  }
0x8e: {  	[smem:$0x3FC6] =	sst s2  }
0x8f: {  	_ = 	snop  }
0x90: {  	s2 =	sld [smem:$0x3FC9]  }
0x91: {  	s18 =	sld [smem:$0x3FC8];
	(tm) =	ssettm $0x1  }
0x92: {  	s4 =	sld [smem:$0x3FFB];
	_ =	sdelay $0x3  }
0x93: {  	_ =	strace s4  }
0x94: {  	s4 =	sld [smem:$0x3FFC];
	_ =	sdelay $0x3  }
0x95: {  	_ =	strace s4  }
0x96: {  	s4 =	sld [smem:$0x3FFD];
	_ =	sdelay $0x3  }
0x97: {  	_ =	strace s4  }
0x98: {  	_ =	strace $0x8FFFFFFF  }
0x99: {  	s19 =	sld [smem:$0x3FDB];
	_ =	sdelay $0x1  }
0x9a: {  	s5 =	simm.s32 $_scs_section_size  }
0x9b: {  	s6 =	simm.s32 $_size__tile_overlayer_lowered;
	s7 =	simm.s32 $_tile_overlayer_lowered  }
0x9c: {  	s22 =	simm.s32 $0x1BFF;
	s21 =	sshll.u32 s7, $0x1;
	s4 =	sadd.s32 s5, s19  }
0x9d: {  	s8 =	simm.s32 $0x0;
	s20 =	sshll.u32 s6, $0x1;
	s6 =	sadd.s32 s21, s4  }
0x9e: {  	[timem:s8], [sflag:s22] =	dma.local [hbm:s6], s20  }
0x9f: {  	_ =	swait.ge [sflag:s22], s20  }
0xa0: {  	s5 =	ssub.s32 $0x0, s20;
	[sflag:s22] =	ssyncset.done $0x0  }
0xa1: {  	[sflag:s22] =	ssyncadd.s32 s5;
	_ =	sdelay $0x1  }
0xa2: {  	s23 =	simm.s32 $0x1B8B  }
0xa3: {  	_ =	swait.ge [sflag:s23], $0x1  }
0xa4: {  	[sflag:s23] =	ssyncset.done $0x0  }
0xa5: {  	s25 =	simm.s32 $0x1B8E;
	s24 =	sld [smem:$0x3FFE];
	[sflag:s23] =	ssyncadd.s32 $0xFFFFFFFF  }
0xa6: {  	s26 =	simm.s32 $execute0_lowered;
	[smem:$0x3FD2] =	sst s25  }
0xa7: {  	s6 =	sshll.u32 s26, $0x1;
	_ =	strace $0x80000046;
	[dreg:$0x1] =	wrdreg $0xFFFFFFFF  }
0xa8: {  	s28 =	simm.s32 $_size_execute0_lowered;
	s4 =	sadd.s32 s4, s6;
	[dreg:$0x0] =	wrdreg $0x0  }
0xa9: {  	s6 =	sshll.u32 s28, $0x1;
	[dreg:$0x2] =	wrdreg s4  }
0xaa: {  	[dreg:$0x3] =	wrdreg s6  }
0xab: {  	[dreg:$0x4] =	wrdreg $0xC0  }
0xac: {  	_ =	task [dreg:s8], $0x5FFFF  }
0xad: {  	[dreg:$0x1] =	wrdreg $0xFFFFFFFF  }
0xae: {  	[dreg:$0x0] =	wrdreg $0x60  }
0xaf: {  	[dreg:$0x2] =	wrdreg s2  }
0xb0: {  	[dreg:$0x3] =	wrdreg s18  }
0xb1: {  	[dreg:$0x4] =	wrdreg s24  }
0xb2: {  	[dreg:$0x5] =	wrdreg $0x9  }
0xb3: {  	_ =	task.clear_ibuf [dreg:s8], $0x6FFFF;
	_ =	strace $0x90000046  }
0xb4: {  	s29 =	simm.s32 $0x9;
	_ =	strace $0x80000048  }
0xb5: {  	_ =	swait.ge [sflag:s29], $0x1  }
0xb6: {  	[sflag:s29] =	ssyncadd.s32 $0xFFFFFFFF  }
0xb7: {  	_ =	strace $0x90000048  }
0xb8: {  	_ =	sfence  }
0xb9: {  	s30 =	sld [smem:$0x0];
	_ =	sdelay $0x2  }
0xba: {  	s31 =	sshll.u32 s1, $0xD;
	s1 =	sshrl.u32 s1, $0x2  }
0xbb: {  	s3 =	sand.u32 $0x4000, s31;
	s1 =	sadd.s32 s1, s30  }
0xbc: {  	s0 =	sor.u32 s3, s0;
	s1 =	sshll.u32 s1, $0x11  }
0xbd: {  	s0 =	sor.u32 s1, s0  }
0xbe: {  	s0 =	sadd.s32 $0x8F2B, s0  }
0xbf: {  	[sflag:s0] =	ssyncadd.remote.s32 $0x1  }
0xc0: {  	_ =	sfence.sel $0xFFFF  }
0xc1: {  	[dreg:$0x0] =	wrdreg $0xFFFFFFFF;
	(pc) =	sbr.abs _section_cstart, $3  }
0xc2: {  	[dreg:$0x1] =	wrdreg $0xFFFFFFFF  }
0xc3: {  	_ =	task.clear_ibuf [dreg:s8], $0x2FFFF;
	_ =	strace $0x9FFFFFFF  }
0xc4: {  	(tm) =	ssettm $0x7FFFFFFF  }
0xc5: {  	_ =	shalt  }
tec
execute0_lowered:
.L_overlay_start_1:
0x0: {  	(tag) =	ssettag $0x1  }
0x1: {  	s0 =	rddreg [dreg:$0x0];
	s2 =	simm.s32 $0x0  }
0x2: {  	[smem:$0x7FF] =	sst s2  }
0x3: {  	s1 =	rddreg [dreg:$0x2];
	v0 =	vimm.f32 $-3.000000010e+38;
	_ =	strace $0x80000047  }
0x4: {  	(xrf0) =	vmax.scan.msk.f32 $0xffff, v0;
	_ =	sdelay $0x5  }
0x5: {  	v1, _, _ =	vpop (xrf0)  }
0x6: {  	s3 =	srdreg.scid;
	s5 =	stileid.u32;
	s14 =	simm.s32 $0x10080;
	(v2sf) =	vpush v1, $0xF  }
0x7: {  	s15 =	simm.s32 $0x1;
	s16 =	simm.s32 $0x80;
	s17 =	simm.s32 $0x400  }
0x8: {  	s22 =	simm.s32 $0x0;
	s3 =	sand.u32 $0x1, s3;
	s4 =	sshll.u32 s5, $0x1  }
0x9: {  	s5 =	sshll.u32 s5, $0x12;
	s4 =	sor.u32 s3, s4;
	s6 =	sshll.u32 s3, $0x9  }
0xa: {  	s3 =	ssub.s32 $0x2, s3;
	s7 =	sshll.u32 s4, $0x4;
	s6 =	sor.u32 s6, s5  }
0xb: {  	s28 =	sshrl.u32 s3, $0x1;
	s29 =	sshll.u32 s4, $0x2;
	s4 =	sshllo.u32 s4, $0x2  }
0xc: {  	s1 =	sadd.s32 s7, s1;
	s6 =	sshrl.u32 s6, $0x3;
	s3 =	ssub.s32 s3, s28  }
0xd: {  	s8 =	sor.u32 $0x1, s29;
	s9 =	sor.u32 $0x2, s29;
	s11 =	sshll.u32 s4, $0x7  }
0xe: {  	s6 =	sadd.s32 s0, s6;
	s30 =	sshll.u32 s8, $0x7;
	s10 =	sshll.u32 s9, $0x7  }
0xf: {  	s11 =	sand.u32 $0x380, s11;
	v2 =	vmov s8;
	v3 =	vmov s9;
	s8 =	sadd.s32 $0x1000, s1;
	s9 =	sadd.s32 $0x1400, s1  }
0x10: {  	s12 =	smax.u32 s3, $0x1;
	[dreg:$0x4] =	wrdreg s6;
	s6 =	sand.u32 $0x280, s30  }
.Ltmp0:
0x11: {  	v5 =	vimm.s32 $0x0;
	s10 =	sand.u32 $0x300, s10;
	s6 =	sor.u32 s5, s6;
	(pc) =	sbr.rel .LBB2_1-.Ltmp0, $4  }
0x12: {  	vm0 =	vcmask $0x310;
	vm1 =	vcmask $0x710;
	vm2 =	vcmask $0x300;
	s10 =	sor.u32 s5, s10;
	s5 =	sor.u32 s5, s11;
	s6 =	sshrl.u32 s6, $0x3  }
0x13: {  	vm3 =	vcmask $0x704;
	vm4 =	vcmask $0xB08;
	vm5 =	vcmask $0xF0C;
	s10 =	sshrl.u32 s10, $0x3;
	s11 =	sshrl.u32 s5, $0x3;
	s31 =	sadd.s32 s0, s6  }
0x14: {  	vm6 =	vcmask $0xB10;
	v2 =	vbroadcast v2, $0x0;
	s6 =	sadd.s32 s0, s10;
	s7 =	sadd.s32 s0, s11;
	s10 =	sadd.s32 $0x1600, s1;
	v1 =	vmov s29  }
0x15: {  	v4 =	vmov s4;
	v3 =	vbroadcast v3, $0x0;
	s11 =	sadd.s32 $0x1200, s1;
	[dreg:$0x5] =	wrdreg s31;
	v1 =	vbroadcast v1, $0x0;
	s18 =	spop (v2sf)  }
.LBB2_101:
0x16: {  	_ =	sdelay $0x3  }
0x17: {  	v13 =	vld.idx.msk [tilespmem:v4+s14+$0x0], $0xffff;
	_ =	sdelay $0x2  }
0x18: {  	(xrf0) =	vmax.scan.msk.f32 $0xffff, v7  }
0x19: {  	(xrf0) =	vmax.scan.msk.f32 $0xffff, v9  }
0x1a: {  	(xrf0) =	vmax.scan.msk.f32 $0xffff, v11;
	v7 =	vxor.u32 $0x80000000, v13  }
0x1b: {  	(xrf0) =	vmax.scan.msk.u32 $0xffff, v7;
	_ =	sdelay $0x2  }
0x1c: {  	v7, _, _ =	vpop (xrf0)  }
0x1d: {  	v9, _, _ =	vpop (xrf0)  }
0x1e: {  	v11, _, _ =	vpop (xrf0)  }
0x1f: {  	v59, _, _ =	vpop (xrf0)  }
0x20: {  	(v2sf) =	vpush v59, $0xF;
	_ =	sdelay $0xe  }
0x21: {  	s0 =	spop (v2sf)  }
0x22: {  	s0 =	sxor.u32 $0x80000000, s0  }
0x23: {  	v60 =	vmov s0;
	_ =	sdelay $0x4  }
0x24: {  	v13 =	vld.idx.msk [tilespmem:v60+s2+$0x0], $0xffff;
	_ =	sdelay $0x4  }
0x25: {  	v6 =	vbroadcast v6, $0xF;
	vm7 =	vmmov $0x1;
	v8 =	vbroadcast v8, $0xF;
	(xrf0) =	vmax.scan.msk.f32 $0xffff, v13  }
0x26: {  	v61 =	vmov s24;
	v62 =	vmov s23;
	v7 =	vbroadcast v7, $0xF  }
0x27: {  	v10 =	vbroadcast v10, $0xF;
	v6 =	vnsel vm7, $0x0, v6;
	v9 =	vbroadcast v9, $0xF  }
0x28: {  	v6 =	vsel vm0, v6, v8;
	v8 =	vnsel vm2, $0x0, v61;
	v7 =	vnsel vm7, $0x0, v7  }
0x29: {  	v8 =	vsel vm3, s26, v8;
	v7 =	vsel vm0, v7, v9;
	v9 =	vnsel vm2, $0x1, v62  }
0x2a: {  	v12 =	vbroadcast v12, $0xF;
	v8 =	vsel vm4, s29, v8;
	v9 =	vsel vm3, s25, v9  }
0x2b: {  	v8 =	vsel vm5, s31, v8;
	v11 =	vbroadcast v11, $0xF;
	v9 =	vsel vm4, s28, v9;
	v13, _, _ =	vpop (xrf0)  }
0x2c: {  	v6 =	vsel vm1, v6, v10;
	v9 =	vsel vm5, s30, v9;
	[tilespmem:$0x10100] =	vst v8;
	v63 =	vbroadcast v13, $0xF  }
0x2d: {  	v6 =	vsel vm6, v6, v12;
	v7 =	vsel vm1, v7, v11;
	[tilespmem:$0x10180] =	vst v9  }
0x2e: {  	[tilespmem:$0x10200] =	vst v6;
	v7 =	vsel vm6, v7, v63  }
0x2f: {  	s28 =	simm.s32 $0x10100;
	[tilespmem:$0x10280] =	vst v7  }
0x30: {  	[hbm4b:s8+s2] =	stream.linear.scatter [tilespmem:s28], [sflag:$0x1], $0x80, $0x38;
	[tilespmem:$0x10300] =	vst v63  }
0x31: {  	_ =	swait.ge [sflag:s15], $0x80  }
0x32: {  	[sflag:s15] =	ssyncset.done $0x0  }
0x33: {  	s29 =	simm.s32 $0x10180;
	[sflag:s15] =	ssyncadd.s32 $0xFFFFFF80  }
0x34: {  	[hbm4b:s9+s2] =	stream.linear.scatter [tilespmem:s29], [sflag:$0x1], $0x80, $0x38;
	[tilespmem:$0x10300] =	vst v63  }
0x35: {  	_ =	swait.ge [sflag:s15], $0x80  }
0x36: {  	[sflag:s15] =	ssyncset.done $0x0  }
0x37: {  	s30 =	simm.s32 $0x10200;
	[sflag:s15] =	ssyncadd.s32 $0xFFFFFF80  }
0x38: {  	[hbm4b:s10+s2] =	stream.linear.scatter [tilespmem:s30], [sflag:$0x1], $0x80, $0x38;
	[tilespmem:$0x10300] =	vst v63  }
0x39: {  	s22 =	sadd.s32 $0x1, s22;
	_ =	swait.ge [sflag:s15], $0x80  }
0x3a: {  	p0 =	sne.s32 s22, s12;
	[sflag:s15] =	ssyncset.done $0x0  }
.Ltmp1:
0x3b: {  	s31 =	simm.s32 $0x10280;
	[sflag:s15] =	ssyncadd.s32 $0xFFFFFF80;
	(pc) =	sbr.rel @!p0 .LBB2_102-.Ltmp1, $4  }
0x3c: {  	[hbm4b:s11+s2] =	stream.linear.scatter [tilespmem:s31], [sflag:$0x1], $0x80, $0x38;
	[tilespmem:$0x10300] =	vst v63  }
0x3d: {  	_ =	swait.ge [sflag:s15], $0x80  }
0x3e: {  	[sflag:s15] =	ssyncset.done $0x0  }
0x3f: {  	[sflag:s15] =	ssyncadd.s32 $0xFFFFFF80  }
.LBB2_1:
0x40: {  	s0 =	rddreg [dreg:$0x1]  }
0x41: {  	[tilespmem:s14], [sflag:$0x1] =	stream.linear.gather [hbm4b:s0+s2], $0x80, $0x38;
	[tilespmem:$0x10300] =	vst v63  }
0x42: {  	_ =	swait.ge [sflag:s15], $0x80  }
0x43: {  	[sflag:s15] =	ssyncset.done $0x0  }
0x44: {  	s31 =	rddreg [dreg:$0x4];
	[sflag:s15] =	ssyncadd.s32 $0xFFFFFF80  }
0x45: {  	[tilespmem:s2], [sflag:$0x1] =	stream.strided.gather [hbm4b:s31+s16], $0x8000, s17, s16, $0x38;
	[tilespmem:$0x10300] =	vst v63  }
0x46: {  	_ =	swait.ge [sflag:s15], $0x8000  }
0x47: {  	[sflag:s15] =	ssyncset.done $0x0  }
0x48: {  	s1 =	simm.s32 $0x0;
	[sflag:s15] =	ssyncadd.s32 $0xFFFF8000  }
0x49: {  	v6 =	vld [tilespmem:s1+$0x30]  }
0x4a: {  	v8 =	vld [tilespmem:s1+$0x0]  }
0x4b: {  	v7 =	vimm.f32 $-3.000000010e+38;
	v9 =	vld [tilespmem:s1+$0x10]  }
0x4c: {  	v11 =	vimm.f32 $-3.000000010e+38;
	v12 =	vimm.f32 $-3.000000010e+38;
	v13 =	vimm.f32 $-3.000000010e+38;
	s0 =	simm.s32 $0x100;
	v10 =	vld [tilespmem:s1+$0x20]  }
.LBB2_2:
0x4d: {  	p0 =	sne.s32 s0, $0x1FF00  }
.Ltmp2:
0x4e: {  	s1 =	sshra.s32 s0, $0x2;
	s0 =	sadd.s32 $0x100, s0;
	v7 =	vmax.f32 v7, v6;
	(pc) =	sbr.rel @p0 .LBB2_2-.Ltmp2, $4  }
0x4f: {  	v6 =	vld [tilespmem:s1+$0x30];
	v11 =	vmax.f32 v11, v8  }
0x50: {  	v8 =	vld [tilespmem:s1+$0x0];
	v12 =	vmax.f32 v12, v9  }
0x51: {  	v9 =	vld [tilespmem:s1+$0x10];
	v13 =	vmax.f32 v13, v10  }
0x52: {  	v10 =	vld [tilespmem:s1+$0x20]  }
0x53: {  	_ =	sdelay $0x2  }
0x54: {  	v8 =	vmax.f32 v11, v8;
	v9 =	vmax.f32 v12, v9  }
0x55: {  	v10 =	vmax.f32 v13, v10;
	v8 =	vmax.f32 v8, v9  }
0x56: {  	v6 =	vmax.f32 v7, v6;
	v7 =	vmax.f32 v8, v10  }
0x57: {  	v6 =	vmax.f32 v7, v6  }
0x58: {  	(xrf0) =	vmax.scan.msk.f32 $0xffff, v6;
	_ =	sdelay $0x5  }
0x59: {  	v6, _, _ =	vpop (xrf0)  }
0x5a: {  	(v2sf) =	vpush v6, $0xF;
	_ =	sdelay $0xc  }
0x5b: {  	s0 =	simm.s32 $0x0  }
0x5c: {  	v8 =	vld [tilespmem:s0+$0x0]  }
0x5d: {  	s31 =	spop (v2sf)  }
0x5e: {  	s0 =	sadd.f32 $-1.031250000e+00, s31;
	_ =	sdelay $0x1  }
0x5f: {  	v7 =	vmov s0  }
0x60: {  	vm7 =	vgt.f32 v8, v7  }
0x61: {  	v63 =	vsel vm7, $0x1, v5  }
0x62: {  	(xrf0) =	vadd.scan.msk.s32 $0xffff, v63;
	_ =	sdelay $0x5  }
0x63: {  	v9, _, _ =	vpop (xrf0)  }
0x64: {  	s0 =	simm.s32 $0x0;
	(v2sf) =	vpush v9, $0xF  }
0x65: {  	s3 =	simm.s32 $0x10;
	s1 =	simm.s32 $0x80;
	[tilespmem:s0+$0x8000] =	vst.msk vm7, v8  }
.LBB2_4:
0x66: {  	p0 =	sne.s32 s1, $0x1FFC0;
	v8 =	vld [tilespmem:s3+$0x0];
	_ =	sdelay $0x4  }
0x67: {  	vm7 =	vgt.f32 v8, v7  }
0x68: {  	v9 =	vsel vm7, $0x1, v5  }
0x69: {  	(xrf0) =	vadd.scan.msk.s32 $0xffff, v9;
	_ =	sdelay $0x3  }
.Ltmp3:
0x6a: {  	(pc) =	sbr.rel @p0 .LBB2_4-.Ltmp3, $4  }
0x6b: {  	_ = 	snop  }
0x6c: {  	v9, _, _ =	vpop (xrf0);
	s3 =	spop (v2sf)  }
0x6d: {  	(v2sf) =	vpush v9, $0xF;
	s0 =	sadd.s32 s0, s3  }
0x6e: {  	s3 =	sshra.s32 s1, $0x2;
	s1 =	sadd.s32 $0x40, s1;
	[tilespmem:s0+$0x8000] =	vst.msk vm7, v8  }
0x6f: {  	v8 =	vld [tilespmem:s3+$0x0];
	_ =	sdelay $0x4  }
0x70: {  	vm7 =	vgt.f32 v8, v7  }
0x71: {  	v7 =	vsel vm7, $0x1, v5  }
0x72: {  	(xrf0) =	vadd.scan.msk.s32 $0xffff, v7;
	_ =	sdelay $0x5  }
0x73: {  	v7, _, _ =	vpop (xrf0)  }
0x74: {  	(v2sf) =	vpush v7, $0xF;
	_ =	sdelay $0xd  }
0x75: {  	s1 =	spop (v2sf)  }
0x76: {  	s0 =	sadd.s32 s0, s1;
	s31 =	spop (v2sf)  }
0x77: {  	s25 =	sadd.s32 s0, s31  }
0x78: {  	s1 =	sadd.s32 $0xF, s25  }
.Ltmp4:
0x79: {  	[tilespmem:s0+$0x8000] =	vst.msk vm7, v8;
	s0 =	sshra.s32 s1, $0x4;
	(pc) =	sbr.rel .LBB2_6-.Ltmp4, $4  }
0x7a: {  	p0 =	slt.s32 s0, $0x1  }
0x7b: {  	s1 =	simm.s32 @!p0 $0x0  }
0x7c: {  	s1 =	simm.s32 @p0 $0x1  }
0x7d: {  	s23 =	simm.s32 $0x0;
	s24 =	simm.f32 $0.0e+00;
	[tilespmem:s25+$0x8000] =	vst v0;
	[smem:$0x7FD] =	sst s1  }
.LBB2_10:
0x7e: {  	s19 =	simm.s32 $0x0;
	s20 =	simm.s32 $0x8000  }
.LBB2_24:
0x7f: {  	vm7 =	veq.f32 @p3 v9, v7  }
0x80: {  	s4 =	sadd.s32 @p3 $0x10, s20;
	s21 =	simm.s32 $0x8000;
	v9 =	vsel @p3 vm7, $0xFF61B1E6, v9  }
0x81: {  	s21 =	smov.u32 @p3 s4;
	[tilespmem:s20+$0x0] =	vst @p3 v9  }
0x82: {  	v9 =	vld @p2 [tilespmem:s21+$0x0];
	_ =	sdelay $0x4  }
0x83: {  	v9 =	vpsel p2, v9, v10  }
0x84: {  	vm8 =	veq.f32 @p2 v9, v7  }
0x85: {  	s4 =	sadd.s32 @p2 $0x10, s21;
	s20 =	simm.s32 $0x8000;
	v9 =	vsel @p2 vm8, $0xFF61B1E6, v9  }
0x86: {  	s20 =	smov.u32 @p2 s4;
	[tilespmem:s21+$0x0] =	vst @p2 v9  }
0x87: {  	v9 =	vld @p1 [tilespmem:s20+$0x0];
	_ =	sdelay $0x4  }
0x88: {  	v8 =	vpsel p1, v9, v8  }
0x89: {  	vm9 =	veq.f32 @p1 v8, v7  }
0x8a: {  	s4 =	sadd.s32 @p1 $0x10, s20;
	v8 =	vsel @p1 vm9, $0xFF61B1E6, v8  }
0x8b: {  	s3 =	smov.u32 @p1 s4;
	[tilespmem:s20+$0x0] =	vst @p1 v8  }
0x8c: {  	v8 =	vsel @p3 vm7, $0x1, v5;
	v63 =	vld [tilespmem:s3+$0x0]  }
0x8d: {  	(xrf0) =	vadd.scan.msk.s32 @p3 $0xffff, v8  }
0x8e: {  	v8 =	vsel @p2 vm8, $0x1, v5  }
0x8f: {  	(xrf0) =	vadd.scan.msk.s32 @p2 $0xffff, v8  }
0x90: {  	v8 =	vsel @p1 vm9, $0x1, v5  }
0x91: {  	v10, _, _ =	vpop @p4 (xrf0);
	(xrf0) =	vadd.scan.msk.s32 @p1 $0xffff, v8;
	vm7 =	veq.f32 v63, v7  }
0x92: {  	(v2sf) =	vpush @p4 v10, $0xF;
	v7 =	vsel vm7, $0x1, v5  }
0x93: {  	v8, _, _ =	vpop @p3 (xrf0);
	(xrf0) =	vadd.scan.msk.s32 $0xffff, v7  }
0x94: {  	(v2sf) =	vpush @p3 v8, $0xF  }
0x95: {  	v7, _, _ =	vpop @p2 (xrf0)  }
0x96: {  	(v2sf) =	vpush @p2 v7, $0xF  }
0x97: {  	v7, _, _ =	vpop @p1 (xrf0)  }
0x98: {  	(v2sf) =	vpush @p1 v7, $0xF  }
0x99: {  	v7, _, _ =	vpop (xrf0)  }
0x9a: {  	(v2sf) =	vpush v7, $0xF;
	_ =	sdelay $0x2  }
0x9b: {  	s4 =	spop @p6 (v2sf)  }
0x9c: {  	s4 =	sadd.s32 @p6 s19, s4;
	s19 =	simm.s32 $0x0  }
0x9d: {  	s19 =	smov.u32 @p6 s4;
	s20 =	spop @p5 (v2sf)  }
0x9e: {  	s4 =	sadd.s32 @p5 s19, s20;
	s19 =	simm.s32 $0x0  }
0x9f: {  	s19 =	smov.u32 @p5 s4;
	s20 =	spop @p4 (v2sf)  }
0xa0: {  	s4 =	sadd.s32 @p4 s19, s20;
	s19 =	simm.s32 $0x0  }
0xa1: {  	s19 =	smov.u32 @p4 s4;
	s20 =	spop @p3 (v2sf)  }
0xa2: {  	s4 =	sadd.s32 @p3 s19, s20;
	s19 =	simm.s32 $0x0  }
0xa3: {  	s19 =	smov.u32 @p3 s4;
	s20 =	spop @p2 (v2sf)  }
0xa4: {  	s4 =	sadd.s32 @p2 s19, s20;
	s19 =	simm.s32 $0x0  }
0xa5: {  	s19 =	smov.u32 @p2 s4;
	s4 =	spop @p1 (v2sf)  }
0xa6: {  	s4 =	sadd.s32 @p1 s19, s4  }
0xa7: {  	v7 =	vsel vm7, $0xFF61B1E6, v63;
	s13 =	smov.u32 @p1 s4;
	s31 =	spop (v2sf)  }
0xa8: {  	[tilespmem:s3+$0x0] =	vst v7;
	s3 =	sadd.s32 s13, s31  }
.LBB2_25:
0xa9: {  	s4 =	sadd.s32 $0x1, s23  }
0xaa: {  	s13 =	sadd.f32 s1, s24;
	s4 =	scvt.s32.f32 s4  }
0xab: {  	_ = 	snop  }
0xac: {  	s13 =	sadd.f32 $-1.000000000e+00, s13;
	s4 =	smul.f32 s4, s1  }
0xad: {  	_ = 	snop  }
0xae: {  	p0 =	sgt.f32 s4, s13;
	_ =	sdelay $0x1  }
0xaf: {  	s30 =	scvt.s32.f32 s3;
	s3 =	simm.s32 @!p0 $0x0  }
0xb0: {  	s23 =	sadd.s32 s23, s3  }
0xb1: {  	p1 =	slt.s32 @p0 s23, s25  }
0xb2: {  	s31 =	smul.f32 s30, s1;
	p1 =	por !p0, !p1  }
.Ltmp5:
0xb3: {  	_ = 	snop;
	(pc) =	sbr.rel @p1 .LBB2_26-.Ltmp5, $3  }
0xb4: {  	_ = 	snop  }
0xb5: {  	s1 =	sadd.f32 s31, s24;
	_ =	sdelay $0x1  }
0xb6: {  	s24 =	smov.u32 @p0 s1  }
.LBB2_6:
0xb7: {  	s4 =	sld [smem:$0x7FD];
	_ =	sdelay $0x2  }
0xb8: {  	p0 =	seq.s32 s4, $0x1  }
.Ltmp6:
0xb9: {  	_ = 	snop;
	(pc) =	sbr.rel @p0 .LBB2_25-.Ltmp6, $2  }
0xba: {  	_ =	sdelay $0x2  }
0xbb: {  	s1 =	smov.u32 s18;
	s3 =	simm.s32 $0x0  }
0xbc: {  	p0 =	sne.s32 s0, $0x1  }
.Ltmp7:
0xbd: {  	_ = 	snop;
	(pc) =	sbr.rel @!p0 .LBB2_9-.Ltmp7, $3  }
0xbe: {  	_ =	sdelay $0x1  }
0xbf: {  	s3 =	simm.s32 $0x8000  }
0xc0: {  	v7 =	vimm.f32 $-3.000000010e+38;
	s1 =	sadd.s32 $0xFFFFFFFF, s0;
	s4 =	simm.s32 $0x8000;
	v8 =	vld [tilespmem:s3+$0x0]  }
.LBB2_8:
0xc1: {  	p1 =	sne.s32 s1, $0x1  }
.Ltmp8:
0xc2: {  	_ = 	snop;
	(pc) =	sbr.rel @p1 .LBB2_8-.Ltmp8, $3  }
0xc3: {  	_ =	sdelay $0x1  }
0xc4: {  	s1 =	sadd.s32 $0xFFFFFFFF, s1;
	s4 =	sadd.s32 $0x10, s4;
	v7 =	vmax.f32 v7, v8  }
0xc5: {  	v8 =	vld [tilespmem:s4+$0x0]  }
.LBB2_9:
0xc6: {  	_ =	sdelay $0x3  }
0xc7: {  	v7 =	vmax.f32 v7, v8  }
0xc8: {  	(xrf0) =	vmax.scan.msk.f32 $0xffff, v7;
	_ =	sdelay $0x5  }
0xc9: {  	v7, _, _ =	vpop (xrf0)  }
0xca: {  	(v2sf) =	vpush v7, $0xF;
	_ =	sdelay $0xa  }
.Ltmp9:
0xcb: {  	_ = 	snop;
	(pc) =	sbr.rel @!p0 .LBB2_10-.Ltmp9, $4  }
0xcc: {  	_ = 	snop  }
0xcd: {  	s13 =	simm.s32 $0x0;
	s4 =	sadd.s32 $0xFFFFFFFF, s0;
	p1 =	por $0x0, $0x0  }
0xce: {  	p2 =	por $0x0, $0x0;
	p3 =	por $0x0, $0x0;
	p4 =	por $0x0, $0x0;
	v7 =	vbroadcast v7, $0xF  }
0xcf: {  	p5 =	por $0x0, $0x0;
	p6 =	por $0x0, $0x0;
	s1 =	spop (v2sf)  }
0xd0: {  	p0 =	sne.s32 s4, $0x1  }
.Ltmp10:
0xd1: {  	_ = 	snop;
	(pc) =	sbr.rel @!p0 .LBB2_12-.Ltmp10, $2  }
0xd2: {  	_ =	sdelay $0x2  }
0xd3: {  	s4 =	sadd.s32 $0xFFFFFFFF, s4;
	p1 =	por $0x1, $0x1  }
0xd4: {  	p0 =	sne.s32 s4, $0x1  }
.Ltmp11:
0xd5: {  	_ = 	snop;
	(pc) =	sbr.rel @!p0 .LBB2_14-.Ltmp11, $2  }
0xd6: {  	_ =	sdelay $0x2  }
0xd7: {  	s4 =	sadd.s32 $0xFFFFFFFF, s4;
	p2 =	por $0x1, $0x1  }
0xd8: {  	p0 =	sne.s32 s4, $0x1  }
.Ltmp12:
0xd9: {  	v9 =	vld [tilespmem:s3+$0x0];
	(pc) =	sbr.rel @!p0 .LBB2_16-.Ltmp12, $2  }
0xda: {  	_ =	sdelay $0x2  }
0xdb: {  	s4 =	sadd.s32 $0xFFFFFFFF, s4;
	p3 =	por $0x1, $0x1  }
0xdc: {  	p0 =	sne.s32 s4, $0x1  }
.Ltmp13:
0xdd: {  	_ = 	snop;
	(pc) =	sbr.rel @!p0 .LBB2_18-.Ltmp13, $4  }
0xde: {  	vm7 =	veq.f32 v9, v7  }
0xdf: {  	v8 =	vsel vm7, $0xFF61B1E6, v9  }
0xe0: {  	s20 =	simm.s32 $0x8010;
	v9 =	vsel vm7, $0x1, v5;
	[tilespmem:s3+$0x0] =	vst v8  }
0xe1: {  	s4 =	sadd.s32 $0xFFFFFFFF, s4;
	p4 =	por $0x1, $0x1;
	(xrf0) =	vadd.scan.msk.s32 $0xffff, v9;
	v8 =	vld [tilespmem:s20+$0x0]  }
0xe2: {  	_ =	sdelay $0x3  }
0xe3: {  	vm7 =	veq.f32 v8, v7  }
0xe4: {  	v9 =	vsel vm7, $0xFF61B1E6, v8;
	_ =	sdelay $0x2  }
0xe5: {  	[tilespmem:s20+$0x0] =	vst v9;
	v9, _, _ =	vpop (xrf0)  }
0xe6: {  	(v2sf) =	vpush v9, $0xF;
	_ =	sdelay $0x5  }
0xe7: {  	p0 =	sne.s32 s4, $0x1  }
.Ltmp14:
0xe8: {  	_ = 	snop;
	(pc) =	sbr.rel @!p0 .LBB2_20-.Ltmp14, $3  }
0xe9: {  	_ =	sdelay $0x1  }
0xea: {  	v10 =	vsel vm7, $0x1, v5;
	s20 =	simm.s32 $0x8020  }
0xeb: {  	s4 =	sadd.s32 $0xFFFFFFFF, s4;
	p5 =	por $0x1, $0x1;
	(xrf0) =	vadd.scan.msk.s32 $0xffff, v10;
	v10 =	vld [tilespmem:s20+$0x0]  }
0xec: {  	_ =	sdelay $0x3  }
0xed: {  	vm7 =	veq.f32 v10, v7  }
0xee: {  	v9 =	vsel vm7, $0xFF61B1E6, v10;
	_ =	sdelay $0x2  }
0xef: {  	p0 =	sne.s32 s4, $0x1;
	[tilespmem:s20+$0x0] =	vst v9;
	s20 =	simm.s32 $0x8030;
	v9, _, _ =	vpop (xrf0)  }
.Ltmp15:
0xf0: {  	(v2sf) =	vpush v9, $0xF;
	v9 =	vld [tilespmem:s20+$0x0];
	(pc) =	sbr.rel @!p0 .LBB2_22-.Ltmp15, $3  }
0xf1: {  	v11 =	vsel vm7, $0x1, v5  }
0xf2: {  	(xrf0) =	vadd.scan.msk.s32 $0xffff, v11;
	_ =	sdelay $0x1  }
0xf3: {  	s21 =	sadd.s32 $0xFFFFFFFF, s4;
	p6 =	por $0x1, $0x1;
	s19 =	simm.s32 $0x0  }
.LBB2_23:
0xf4: {  	p0 =	sne.s32 s21, $0x1;
	_ =	sdelay $0x2  }
.Ltmp16:
0xf5: {  	vm7 =	veq.f32 v9, v7;
	v11, _, _ =	vpop (xrf0);
	s4 =	spop (v2sf);
	(pc) =	sbr.rel @p0 .LBB2_23-.Ltmp16, $4  }
0xf6: {  	v9 =	vsel vm7, $0xFF61B1E6, v9;
	v12 =	vsel vm7, $0x1, v5;
	(v2sf) =	vpush v11, $0xF;
	s19 =	sadd.s32 s19, s4  }
0xf7: {  	[tilespmem:s20+$0x0] =	vst v9;
	s20 =	sadd.s32 $0x10, s20;
	(xrf0) =	vadd.scan.msk.s32 $0xffff, v12  }
0xf8: {  	v9 =	vld [tilespmem:s20+$0x0]  }
0xf9: {  	s21 =	sadd.s32 $0xFFFFFFFF, s21  }
.Ltmp17:
0xfa: {  	_ = 	snop;
	(pc) =	sbr.rel .LBB2_24-.Ltmp17, $1  }
0xfb: {  	_ =	sdelay $0x3  }
.LBB2_12:
.Ltmp18:
0xfc: {  	(pc) =	sbr.rel .LBB2_24-.Ltmp18, $2  }
0xfd: {  	_ =	sdelay $0x2  }
0xfe: {  	s19 =	simm.s32 $0x0;
	s20 =	simm.s32 $0x8000  }
.LBB2_14:
.Ltmp19:
0xff: {  	(pc) =	sbr.rel .LBB2_24-.Ltmp19, $2  }
0x100: {  	_ =	sdelay $0x2  }
0x101: {  	s19 =	simm.s32 $0x0;
	s20 =	simm.s32 $0x8000  }
.LBB2_16:
.Ltmp20:
0x102: {  	(pc) =	sbr.rel .LBB2_24-.Ltmp20, $2  }
0x103: {  	_ =	sdelay $0x2  }
0x104: {  	s19 =	simm.s32 $0x0;
	s20 =	simm.s32 $0x8000  }
.LBB2_18:
.Ltmp21:
0x105: {  	_ = 	snop;
	(pc) =	sbr.rel .LBB2_24-.Ltmp21, $2  }
0x106: {  	_ =	sdelay $0x2  }
0x107: {  	s19 =	simm.s32 $0x0;
	v9 =	vmov v8  }
.LBB2_20:
.Ltmp22:
0x108: {  	_ = 	snop;
	(pc) =	sbr.rel .LBB2_24-.Ltmp22, $2  }
0x109: {  	_ =	sdelay $0x2  }
0x10a: {  	s19 =	simm.s32 $0x0;
	v9 =	vmov v10  }
.LBB2_22:
.Ltmp23:
0x10b: {  	(pc) =	sbr.rel .LBB2_24-.Ltmp23, $2  }
0x10c: {  	_ =	sdelay $0x2  }
0x10d: {  	s19 =	simm.s32 $0x0  }
.LBB2_26:
0x10e: {  	_ =	sdelay $0x3  }
0x10f: {  	v7 =	vld.idx.msk [tilespmem:v1+s14+$0x0], $0xffff;
	_ =	sdelay $0x4  }
0x110: {  	v7 =	vxor.u32 $0x80000000, v7  }
0x111: {  	(xrf0) =	vmax.scan.msk.u32 $0xffff, v7;
	_ =	sdelay $0x5  }
0x112: {  	v7, _, _ =	vpop (xrf0)  }
0x113: {  	(v2sf) =	vpush v7, $0xF;
	_ =	sdelay $0xe  }
0x114: {  	s0 =	spop (v2sf)  }
0x115: {  	s0 =	sxor.u32 $0x80000000, s0  }
0x116: {  	v7 =	vmov s0;
	_ =	sdelay $0x3  }
0x117: {  	s30 =	simm.s32 $0x0;
	s1 =	rddreg [dreg:$0x5]  }
0x118: {  	v7 =	vld.idx.msk [tilespmem:v7+s30+$0x0], $0xffff;
	[tilespmem:s30], [sflag:$0x1] =	stream.strided.gather [hbm4b:s1+s16], $0x8000, s17, s16, $0x38  }
0x119: {  	_ =	swait.ge [sflag:s15], $0x8000  }
0x11a: {  	[sflag:s15] =	ssyncset.done $0x0  }
0x11b: {  	s31 =	simm.s32 $0x0;
	[sflag:s15] =	ssyncadd.s32 $0xFFFF8000  }
0x11c: {  	v9 =	vld [tilespmem:s31+$0x30]  }
0x11d: {  	v10 =	vld [tilespmem:s31+$0x0]  }
0x11e: {  	v8 =	vimm.f32 $-3.000000010e+38;
	v11 =	vld [tilespmem:s31+$0x10]  }
0x11f: {  	v13 =	vimm.f32 $-3.000000010e+38;
	v14 =	vimm.f32 $-3.000000010e+38;
	v15 =	vimm.f32 $-3.000000010e+38;
	s0 =	simm.s32 $0x100;
	v12 =	vld [tilespmem:s31+$0x20]  }
.LBB2_27:
0x120: {  	p0 =	sne.s32 s0, $0x1FF00  }
.Ltmp24:
0x121: {  	s1 =	sshra.s32 s0, $0x2;
	s0 =	sadd.s32 $0x100, s0;
	v8 =	vmax.f32 v8, v9;
	(pc) =	sbr.rel @p0 .LBB2_27-.Ltmp24, $4  }
0x122: {  	v9 =	vld [tilespmem:s1+$0x30];
	v13 =	vmax.f32 v13, v10  }
0x123: {  	v10 =	vld [tilespmem:s1+$0x0];
	v14 =	vmax.f32 v14, v11  }
0x124: {  	v11 =	vld [tilespmem:s1+$0x10];
	v15 =	vmax.f32 v15, v12  }
0x125: {  	v12 =	vld [tilespmem:s1+$0x20]  }
0x126: {  	_ =	sdelay $0x2  }
0x127: {  	v10 =	vmax.f32 v13, v10;
	v11 =	vmax.f32 v14, v11  }
0x128: {  	v12 =	vmax.f32 v15, v12;
	v10 =	vmax.f32 v10, v11  }
0x129: {  	v8 =	vmax.f32 v8, v9;
	v9 =	vmax.f32 v10, v12  }
0x12a: {  	v8 =	vmax.f32 v9, v8  }
0x12b: {  	(xrf0) =	vmax.scan.msk.f32 $0xffff, v8;
	_ =	sdelay $0x5  }
0x12c: {  	v8, _, _ =	vpop (xrf0)  }
0x12d: {  	(v2sf) =	vpush v8, $0xF;
	_ =	sdelay $0xc  }
0x12e: {  	s0 =	simm.s32 $0x0  }
0x12f: {  	v10 =	vld [tilespmem:s0+$0x0]  }
0x130: {  	s31 =	spop (v2sf)  }
0x131: {  	s0 =	sadd.f32 $-1.031250000e+00, s31;
	_ =	sdelay $0x1  }
0x132: {  	v9 =	vmov s0  }
0x133: {  	vm7 =	vgt.f32 v10, v9  }
0x134: {  	v11 =	vsel vm7, $0x1, v5  }
0x135: {  	(xrf0) =	vadd.scan.msk.s32 $0xffff, v11;
	_ =	sdelay $0x5  }
0x136: {  	v11, _, _ =	vpop (xrf0)  }
0x137: {  	s0 =	simm.s32 $0x0;
	(v2sf) =	vpush v11, $0xF  }
0x138: {  	s3 =	simm.s32 $0x10;
	s1 =	simm.s32 $0x80;
	[tilespmem:s0+$0x8000] =	vst.msk vm7, v10  }
.LBB2_29:
0x139: {  	p0 =	sne.s32 s1, $0x1FFC0;
	v10 =	vld [tilespmem:s3+$0x0];
	_ =	sdelay $0x4  }
0x13a: {  	vm7 =	vgt.f32 v10, v9  }
0x13b: {  	v11 =	vsel vm7, $0x1, v5  }
0x13c: {  	(xrf0) =	vadd.scan.msk.s32 $0xffff, v11;
	_ =	sdelay $0x3  }
.Ltmp25:
0x13d: {  	(pc) =	sbr.rel @p0 .LBB2_29-.Ltmp25, $4  }
0x13e: {  	_ = 	snop  }
0x13f: {  	v11, _, _ =	vpop (xrf0);
	s3 =	spop (v2sf)  }
0x140: {  	(v2sf) =	vpush v11, $0xF;
	s0 =	sadd.s32 s0, s3  }
0x141: {  	s3 =	sshra.s32 s1, $0x2;
	s1 =	sadd.s32 $0x40, s1;
	[tilespmem:s0+$0x8000] =	vst.msk vm7, v10  }
0x142: {  	v10 =	vld [tilespmem:s3+$0x0];
	_ =	sdelay $0x4  }
0x143: {  	vm7 =	vgt.f32 v10, v9  }
0x144: {  	v9 =	vsel vm7, $0x1, v5  }
0x145: {  	(xrf0) =	vadd.scan.msk.s32 $0xffff, v9;
	_ =	sdelay $0x5  }
0x146: {  	v9, _, _ =	vpop (xrf0)  }
0x147: {  	(v2sf) =	vpush v9, $0xF;
	_ =	sdelay $0xd  }
0x148: {  	s1 =	spop (v2sf)  }
0x149: {  	s0 =	sadd.s32 s0, s1;
	s31 =	spop (v2sf)  }
0x14a: {  	s28 =	sadd.s32 s0, s31  }
0x14b: {  	s1 =	sadd.s32 $0xF, s28  }
.Ltmp26:
0x14c: {  	[tilespmem:s0+$0x8000] =	vst.msk vm7, v10;
	s0 =	sshra.s32 s1, $0x4;
	(pc) =	sbr.rel .LBB2_31-.Ltmp26, $4  }
0x14d: {  	p0 =	slt.s32 s0, $0x1  }
0x14e: {  	s1 =	simm.s32 @!p0 $0x0  }
0x14f: {  	s1 =	simm.s32 @p0 $0x1  }
0x150: {  	s25 =	simm.s32 $0x0;
	s26 =	simm.f32 $0.0e+00;
	[tilespmem:s28+$0x8000] =	vst v0;
	[smem:$0x7FC] =	sst s1  }
.LBB2_35:
0x151: {  	s19 =	simm.s32 $0x0;
	s20 =	simm.s32 $0x8000  }
.LBB2_49:
0x152: {  	vm7 =	veq.f32 @p3 v11, v9  }
0x153: {  	s4 =	sadd.s32 @p3 $0x10, s20;
	s21 =	simm.s32 $0x8000;
	v11 =	vsel @p3 vm7, $0xFF61B1E6, v11  }
0x154: {  	s21 =	smov.u32 @p3 s4;
	[tilespmem:s20+$0x0] =	vst @p3 v11  }
0x155: {  	v11 =	vld @p2 [tilespmem:s21+$0x0];
	_ =	sdelay $0x4  }
0x156: {  	v11 =	vpsel p2, v11, v12  }
0x157: {  	vm8 =	veq.f32 @p2 v11, v9  }
0x158: {  	s4 =	sadd.s32 @p2 $0x10, s21;
	s20 =	simm.s32 $0x8000;
	v11 =	vsel @p2 vm8, $0xFF61B1E6, v11  }
0x159: {  	s20 =	smov.u32 @p2 s4;
	[tilespmem:s21+$0x0] =	vst @p2 v11  }
0x15a: {  	v11 =	vld @p1 [tilespmem:s20+$0x0];
	_ =	sdelay $0x4  }
0x15b: {  	v10 =	vpsel p1, v11, v10  }
0x15c: {  	vm9 =	veq.f32 @p1 v10, v9  }
0x15d: {  	s4 =	sadd.s32 @p1 $0x10, s20;
	v10 =	vsel @p1 vm9, $0xFF61B1E6, v10  }
0x15e: {  	s3 =	smov.u32 @p1 s4;
	[tilespmem:s20+$0x0] =	vst @p1 v10  }
0x15f: {  	v10 =	vsel @p3 vm7, $0x1, v5;
	v11 =	vld [tilespmem:s3+$0x0]  }
0x160: {  	(xrf0) =	vadd.scan.msk.s32 @p3 $0xffff, v10  }
0x161: {  	v10 =	vsel @p2 vm8, $0x1, v5  }
0x162: {  	(xrf0) =	vadd.scan.msk.s32 @p2 $0xffff, v10  }
0x163: {  	v10 =	vsel @p1 vm9, $0x1, v5  }
0x164: {  	v12, _, _ =	vpop @p4 (xrf0);
	(xrf0) =	vadd.scan.msk.s32 @p1 $0xffff, v10;
	vm7 =	veq.f32 v11, v9  }
0x165: {  	(v2sf) =	vpush @p4 v12, $0xF;
	v9 =	vsel vm7, $0x1, v5  }
0x166: {  	v10, _, _ =	vpop @p3 (xrf0);
	(xrf0) =	vadd.scan.msk.s32 $0xffff, v9  }
0x167: {  	(v2sf) =	vpush @p3 v10, $0xF  }
0x168: {  	v9, _, _ =	vpop @p2 (xrf0)  }
0x169: {  	(v2sf) =	vpush @p2 v9, $0xF  }
0x16a: {  	v9, _, _ =	vpop @p1 (xrf0)  }
0x16b: {  	(v2sf) =	vpush @p1 v9, $0xF  }
0x16c: {  	v9, _, _ =	vpop (xrf0)  }
0x16d: {  	(v2sf) =	vpush v9, $0xF;
	_ =	sdelay $0x2  }
0x16e: {  	s4 =	spop @p6 (v2sf)  }
0x16f: {  	s4 =	sadd.s32 @p6 s19, s4;
	s19 =	simm.s32 $0x0  }
0x170: {  	s19 =	smov.u32 @p6 s4;
	s20 =	spop @p5 (v2sf)  }
0x171: {  	s4 =	sadd.s32 @p5 s19, s20;
	s19 =	simm.s32 $0x0  }
0x172: {  	s19 =	smov.u32 @p5 s4;
	s20 =	spop @p4 (v2sf)  }
0x173: {  	s4 =	sadd.s32 @p4 s19, s20;
	s19 =	simm.s32 $0x0  }
0x174: {  	s19 =	smov.u32 @p4 s4;
	s20 =	spop @p3 (v2sf)  }
0x175: {  	s4 =	sadd.s32 @p3 s19, s20;
	s19 =	simm.s32 $0x0  }
0x176: {  	s19 =	smov.u32 @p3 s4;
	s20 =	spop @p2 (v2sf)  }
0x177: {  	s4 =	sadd.s32 @p2 s19, s20;
	s19 =	simm.s32 $0x0  }
0x178: {  	s19 =	smov.u32 @p2 s4;
	s4 =	spop @p1 (v2sf)  }
0x179: {  	s4 =	sadd.s32 @p1 s19, s4  }
0x17a: {  	v9 =	vsel vm7, $0xFF61B1E6, v11;
	s13 =	smov.u32 @p1 s4;
	s31 =	spop (v2sf)  }
0x17b: {  	[tilespmem:s3+$0x0] =	vst v9;
	s3 =	sadd.s32 s13, s31  }
.LBB2_50:
0x17c: {  	s4 =	sadd.s32 $0x1, s25  }
0x17d: {  	s13 =	sadd.f32 s1, s26;
	s4 =	scvt.s32.f32 s4  }
0x17e: {  	_ = 	snop  }
0x17f: {  	s13 =	sadd.f32 $-1.000000000e+00, s13;
	s4 =	smul.f32 s4, s1  }
0x180: {  	_ = 	snop  }
0x181: {  	p0 =	sgt.f32 s4, s13;
	_ =	sdelay $0x1  }
0x182: {  	s30 =	scvt.s32.f32 s3;
	s3 =	simm.s32 @!p0 $0x0  }
0x183: {  	s25 =	sadd.s32 s25, s3  }
0x184: {  	p1 =	slt.s32 @p0 s25, s28  }
0x185: {  	s31 =	smul.f32 s30, s1;
	p1 =	por !p0, !p1  }
.Ltmp27:
0x186: {  	_ = 	snop;
	(pc) =	sbr.rel @p1 .LBB2_51-.Ltmp27, $3  }
0x187: {  	_ = 	snop  }
0x188: {  	s1 =	sadd.f32 s31, s26;
	_ =	sdelay $0x1  }
0x189: {  	s26 =	smov.u32 @p0 s1  }
.LBB2_31:
0x18a: {  	s4 =	sld [smem:$0x7FC];
	_ =	sdelay $0x2  }
0x18b: {  	p0 =	seq.s32 s4, $0x1  }
.Ltmp28:
0x18c: {  	_ = 	snop;
	(pc) =	sbr.rel @p0 .LBB2_50-.Ltmp28, $2  }
0x18d: {  	_ =	sdelay $0x2  }
0x18e: {  	s1 =	smov.u32 s18;
	s3 =	simm.s32 $0x0  }
0x18f: {  	p0 =	sne.s32 s0, $0x1  }
.Ltmp29:
0x190: {  	_ = 	snop;
	(pc) =	sbr.rel @!p0 .LBB2_34-.Ltmp29, $3  }
0x191: {  	_ =	sdelay $0x1  }
0x192: {  	s3 =	simm.s32 $0x8000  }
0x193: {  	v9 =	vimm.f32 $-3.000000010e+38;
	s1 =	sadd.s32 $0xFFFFFFFF, s0;
	s4 =	simm.s32 $0x8000;
	v10 =	vld [tilespmem:s3+$0x0]  }
.LBB2_33:
0x194: {  	p1 =	sne.s32 s1, $0x1  }
.Ltmp30:
0x195: {  	_ = 	snop;
	(pc) =	sbr.rel @p1 .LBB2_33-.Ltmp30, $3  }
0x196: {  	_ =	sdelay $0x1  }
0x197: {  	s1 =	sadd.s32 $0xFFFFFFFF, s1;
	s4 =	sadd.s32 $0x10, s4;
	v9 =	vmax.f32 v9, v10  }
0x198: {  	v10 =	vld [tilespmem:s4+$0x0]  }
.LBB2_34:
0x199: {  	_ =	sdelay $0x3  }
0x19a: {  	v9 =	vmax.f32 v9, v10  }
0x19b: {  	(xrf0) =	vmax.scan.msk.f32 $0xffff, v9;
	_ =	sdelay $0x5  }
0x19c: {  	v9, _, _ =	vpop (xrf0)  }
0x19d: {  	(v2sf) =	vpush v9, $0xF;
	_ =	sdelay $0xa  }
.Ltmp31:
0x19e: {  	_ = 	snop;
	(pc) =	sbr.rel @!p0 .LBB2_35-.Ltmp31, $4  }
0x19f: {  	_ = 	snop  }
0x1a0: {  	s13 =	simm.s32 $0x0;
	s4 =	sadd.s32 $0xFFFFFFFF, s0;
	p1 =	por $0x0, $0x0  }
0x1a1: {  	p2 =	por $0x0, $0x0;
	p3 =	por $0x0, $0x0;
	p4 =	por $0x0, $0x0;
	v9 =	vbroadcast v9, $0xF  }
0x1a2: {  	p5 =	por $0x0, $0x0;
	p6 =	por $0x0, $0x0;
	s1 =	spop (v2sf)  }
0x1a3: {  	p0 =	sne.s32 s4, $0x1  }
.Ltmp32:
0x1a4: {  	_ = 	snop;
	(pc) =	sbr.rel @!p0 .LBB2_37-.Ltmp32, $2  }
0x1a5: {  	_ =	sdelay $0x2  }
0x1a6: {  	s4 =	sadd.s32 $0xFFFFFFFF, s4;
	p1 =	por $0x1, $0x1  }
0x1a7: {  	p0 =	sne.s32 s4, $0x1  }
.Ltmp33:
0x1a8: {  	_ = 	snop;
	(pc) =	sbr.rel @!p0 .LBB2_39-.Ltmp33, $2  }
0x1a9: {  	_ =	sdelay $0x2  }
0x1aa: {  	s4 =	sadd.s32 $0xFFFFFFFF, s4;
	p2 =	por $0x1, $0x1  }
0x1ab: {  	p0 =	sne.s32 s4, $0x1  }
.Ltmp34:
0x1ac: {  	v11 =	vld [tilespmem:s3+$0x0];
	(pc) =	sbr.rel @!p0 .LBB2_41-.Ltmp34, $2  }
0x1ad: {  	_ =	sdelay $0x2  }
0x1ae: {  	s4 =	sadd.s32 $0xFFFFFFFF, s4;
	p3 =	por $0x1, $0x1  }
0x1af: {  	p0 =	sne.s32 s4, $0x1  }
.Ltmp35:
0x1b0: {  	_ = 	snop;
	(pc) =	sbr.rel @!p0 .LBB2_43-.Ltmp35, $4  }
0x1b1: {  	vm7 =	veq.f32 v11, v9  }
0x1b2: {  	v10 =	vsel vm7, $0xFF61B1E6, v11  }
0x1b3: {  	s20 =	simm.s32 $0x8010;
	v11 =	vsel vm7, $0x1, v5;
	[tilespmem:s3+$0x0] =	vst v10  }
0x1b4: {  	s4 =	sadd.s32 $0xFFFFFFFF, s4;
	p4 =	por $0x1, $0x1;
	(xrf0) =	vadd.scan.msk.s32 $0xffff, v11;
	v10 =	vld [tilespmem:s20+$0x0]  }
0x1b5: {  	_ =	sdelay $0x3  }
0x1b6: {  	vm7 =	veq.f32 v10, v9  }
0x1b7: {  	v11 =	vsel vm7, $0xFF61B1E6, v10;
	_ =	sdelay $0x2  }
0x1b8: {  	[tilespmem:s20+$0x0] =	vst v11;
	v11, _, _ =	vpop (xrf0)  }
0x1b9: {  	(v2sf) =	vpush v11, $0xF;
	_ =	sdelay $0x5  }
0x1ba: {  	p0 =	sne.s32 s4, $0x1  }
.Ltmp36:
0x1bb: {  	_ = 	snop;
	(pc) =	sbr.rel @!p0 .LBB2_45-.Ltmp36, $3  }
0x1bc: {  	_ =	sdelay $0x1  }
0x1bd: {  	v12 =	vsel vm7, $0x1, v5;
	s20 =	simm.s32 $0x8020  }
0x1be: {  	s4 =	sadd.s32 $0xFFFFFFFF, s4;
	p5 =	por $0x1, $0x1;
	(xrf0) =	vadd.scan.msk.s32 $0xffff, v12;
	v12 =	vld [tilespmem:s20+$0x0]  }
0x1bf: {  	_ =	sdelay $0x3  }
0x1c0: {  	vm7 =	veq.f32 v12, v9  }
0x1c1: {  	v11 =	vsel vm7, $0xFF61B1E6, v12;
	_ =	sdelay $0x2  }
0x1c2: {  	p0 =	sne.s32 s4, $0x1;
	[tilespmem:s20+$0x0] =	vst v11;
	s20 =	simm.s32 $0x8030;
	v11, _, _ =	vpop (xrf0)  }
.Ltmp37:
0x1c3: {  	(v2sf) =	vpush v11, $0xF;
	v11 =	vld [tilespmem:s20+$0x0];
	(pc) =	sbr.rel @!p0 .LBB2_47-.Ltmp37, $3  }
0x1c4: {  	v13 =	vsel vm7, $0x1, v5  }
0x1c5: {  	(xrf0) =	vadd.scan.msk.s32 $0xffff, v13;
	_ =	sdelay $0x1  }
0x1c6: {  	s21 =	sadd.s32 $0xFFFFFFFF, s4;
	p6 =	por $0x1, $0x1;
	s19 =	simm.s32 $0x0  }
.LBB2_48:
0x1c7: {  	p0 =	sne.s32 s21, $0x1;
	_ =	sdelay $0x2  }
.Ltmp38:
0x1c8: {  	vm7 =	veq.f32 v11, v9;
	v13, _, _ =	vpop (xrf0);
	s4 =	spop (v2sf);
	(pc) =	sbr.rel @p0 .LBB2_48-.Ltmp38, $4  }
0x1c9: {  	v11 =	vsel vm7, $0xFF61B1E6, v11;
	v14 =	vsel vm7, $0x1, v5;
	(v2sf) =	vpush v13, $0xF;
	s19 =	sadd.s32 s19, s4  }
0x1ca: {  	[tilespmem:s20+$0x0] =	vst v11;
	s20 =	sadd.s32 $0x10, s20;
	(xrf0) =	vadd.scan.msk.s32 $0xffff, v14  }
0x1cb: {  	v11 =	vld [tilespmem:s20+$0x0]  }
0x1cc: {  	s21 =	sadd.s32 $0xFFFFFFFF, s21  }
.Ltmp39:
0x1cd: {  	_ = 	snop;
	(pc) =	sbr.rel .LBB2_49-.Ltmp39, $1  }
0x1ce: {  	_ =	sdelay $0x3  }
.LBB2_37:
.Ltmp40:
0x1cf: {  	(pc) =	sbr.rel .LBB2_49-.Ltmp40, $2  }
0x1d0: {  	_ =	sdelay $0x2  }
0x1d1: {  	s19 =	simm.s32 $0x0;
	s20 =	simm.s32 $0x8000  }
.LBB2_39:
.Ltmp41:
0x1d2: {  	(pc) =	sbr.rel .LBB2_49-.Ltmp41, $2  }
0x1d3: {  	_ =	sdelay $0x2  }
0x1d4: {  	s19 =	simm.s32 $0x0;
	s20 =	simm.s32 $0x8000  }
.LBB2_41:
.Ltmp42:
0x1d5: {  	(pc) =	sbr.rel .LBB2_49-.Ltmp42, $2  }
0x1d6: {  	_ =	sdelay $0x2  }
0x1d7: {  	s19 =	simm.s32 $0x0;
	s20 =	simm.s32 $0x8000  }
.LBB2_43:
.Ltmp43:
0x1d8: {  	_ = 	snop;
	(pc) =	sbr.rel .LBB2_49-.Ltmp43, $2  }
0x1d9: {  	_ =	sdelay $0x2  }
0x1da: {  	s19 =	simm.s32 $0x0;
	v11 =	vmov v10  }
.LBB2_45:
.Ltmp44:
0x1db: {  	_ = 	snop;
	(pc) =	sbr.rel .LBB2_49-.Ltmp44, $2  }
0x1dc: {  	_ =	sdelay $0x2  }
0x1dd: {  	s19 =	simm.s32 $0x0;
	v11 =	vmov v12  }
.LBB2_47:
.Ltmp45:
0x1de: {  	(pc) =	sbr.rel .LBB2_49-.Ltmp45, $2  }
0x1df: {  	_ =	sdelay $0x2  }
0x1e0: {  	s19 =	simm.s32 $0x0  }
.LBB2_51:
0x1e1: {  	_ =	sdelay $0x3  }
0x1e2: {  	v9 =	vld.idx.msk [tilespmem:v2+s14+$0x0], $0xffff;
	_ =	sdelay $0x4  }
0x1e3: {  	v9 =	vxor.u32 $0x80000000, v9  }
0x1e4: {  	(xrf0) =	vmax.scan.msk.u32 $0xffff, v9;
	_ =	sdelay $0x5  }
0x1e5: {  	v9, _, _ =	vpop (xrf0)  }
0x1e6: {  	(v2sf) =	vpush v9, $0xF;
	_ =	sdelay $0xe  }
0x1e7: {  	s0 =	spop (v2sf)  }
0x1e8: {  	s0 =	sxor.u32 $0x80000000, s0  }
0x1e9: {  	v9 =	vmov s0;
	_ =	sdelay $0x3  }
0x1ea: {  	s31 =	simm.s32 $0x0  }
0x1eb: {  	v9 =	vld.idx.msk [tilespmem:v9+s31+$0x0], $0xffff;
	[tilespmem:s31], [sflag:$0x1] =	stream.strided.gather [hbm4b:s6+s16], $0x8000, s17, s16, $0x38  }
0x1ec: {  	_ =	swait.ge [sflag:s15], $0x8000  }
0x1ed: {  	[sflag:s15] =	ssyncset.done $0x0  }
0x1ee: {  	s1 =	simm.s32 $0x0;
	[sflag:s15] =	ssyncadd.s32 $0xFFFF8000  }
0x1ef: {  	v11 =	vld [tilespmem:s1+$0x30]  }
0x1f0: {  	v12 =	vld [tilespmem:s1+$0x0]  }
0x1f1: {  	v10 =	vimm.f32 $-3.000000010e+38;
	v13 =	vld [tilespmem:s1+$0x10]  }
0x1f2: {  	v15 =	vimm.f32 $-3.000000010e+38;
	v16 =	vimm.f32 $-3.000000010e+38;
	v17 =	vimm.f32 $-3.000000010e+38;
	s0 =	simm.s32 $0x100;
	v14 =	vld [tilespmem:s1+$0x20]  }
.LBB2_52:
0x1f3: {  	p0 =	sne.s32 s0, $0x1FF00  }
.Ltmp46:
0x1f4: {  	s1 =	sshra.s32 s0, $0x2;
	s0 =	sadd.s32 $0x100, s0;
	v10 =	vmax.f32 v10, v11;
	(pc) =	sbr.rel @p0 .LBB2_52-.Ltmp46, $4  }
0x1f5: {  	v11 =	vld [tilespmem:s1+$0x30];
	v15 =	vmax.f32 v15, v12  }
0x1f6: {  	v12 =	vld [tilespmem:s1+$0x0];
	v16 =	vmax.f32 v16, v13  }
0x1f7: {  	v13 =	vld [tilespmem:s1+$0x10];
	v17 =	vmax.f32 v17, v14  }
0x1f8: {  	v14 =	vld [tilespmem:s1+$0x20]  }
0x1f9: {  	_ =	sdelay $0x2  }
0x1fa: {  	v12 =	vmax.f32 v15, v12;
	v13 =	vmax.f32 v16, v13  }
0x1fb: {  	v14 =	vmax.f32 v17, v14;
	v12 =	vmax.f32 v12, v13  }
0x1fc: {  	v10 =	vmax.f32 v10, v11;
	v11 =	vmax.f32 v12, v14  }
0x1fd: {  	v10 =	vmax.f32 v11, v10  }
0x1fe: {  	(xrf0) =	vmax.scan.msk.f32 $0xffff, v10;
	_ =	sdelay $0x5  }
0x1ff: {  	v10, _, _ =	vpop (xrf0)  }
0x200: {  	(v2sf) =	vpush v10, $0xF;
	_ =	sdelay $0xc  }
0x201: {  	s0 =	simm.s32 $0x0  }
0x202: {  	v62 =	vld [tilespmem:s0+$0x0]  }
0x203: {  	s31 =	spop (v2sf)  }
0x204: {  	s0 =	sadd.f32 $-1.031250000e+00, s31;
	_ =	sdelay $0x1  }
0x205: {  	v11 =	vmov s0  }
0x206: {  	vm7 =	vgt.f32 v62, v11  }
0x207: {  	v63 =	vsel vm7, $0x1, v5  }
0x208: {  	(xrf0) =	vadd.scan.msk.s32 $0xffff, v63;
	_ =	sdelay $0x5  }
0x209: {  	v13, _, _ =	vpop (xrf0)  }
0x20a: {  	s0 =	simm.s32 $0x0;
	(v2sf) =	vpush v13, $0xF  }
0x20b: {  	s3 =	simm.s32 $0x10;
	s1 =	simm.s32 $0x80;
	[tilespmem:s0+$0x8000] =	vst.msk vm7, v62  }
.LBB2_54:
0x20c: {  	p0 =	sne.s32 s1, $0x1FFC0;
	v12 =	vld [tilespmem:s3+$0x0];
	_ =	sdelay $0x4  }
0x20d: {  	vm7 =	vgt.f32 v12, v11  }
0x20e: {  	v13 =	vsel vm7, $0x1, v5  }
0x20f: {  	(xrf0) =	vadd.scan.msk.s32 $0xffff, v13;
	_ =	sdelay $0x3  }
.Ltmp47:
0x210: {  	(pc) =	sbr.rel @p0 .LBB2_54-.Ltmp47, $4  }
0x211: {  	_ = 	snop  }
0x212: {  	v13, _, _ =	vpop (xrf0);
	s3 =	spop (v2sf)  }
0x213: {  	(v2sf) =	vpush v13, $0xF;
	s0 =	sadd.s32 s0, s3  }
0x214: {  	s3 =	sshra.s32 s1, $0x2;
	s1 =	sadd.s32 $0x40, s1;
	[tilespmem:s0+$0x8000] =	vst.msk vm7, v12  }
0x215: {  	v12 =	vld [tilespmem:s3+$0x0];
	_ =	sdelay $0x4  }
0x216: {  	vm7 =	vgt.f32 v12, v11  }
0x217: {  	v11 =	vsel vm7, $0x1, v5  }
0x218: {  	(xrf0) =	vadd.scan.msk.s32 $0xffff, v11;
	_ =	sdelay $0x5  }
0x219: {  	v11, _, _ =	vpop (xrf0)  }
0x21a: {  	(v2sf) =	vpush v11, $0xF;
	_ =	sdelay $0xd  }
0x21b: {  	s1 =	spop (v2sf)  }
0x21c: {  	s0 =	sadd.s32 s0, s1;
	s31 =	spop (v2sf)  }
0x21d: {  	s30 =	sadd.s32 s0, s31  }
0x21e: {  	s1 =	sadd.s32 $0xF, s30  }
.Ltmp48:
0x21f: {  	[tilespmem:s0+$0x8000] =	vst.msk vm7, v12;
	s0 =	sshra.s32 s1, $0x4;
	(pc) =	sbr.rel .LBB2_56-.Ltmp48, $4  }
0x220: {  	p0 =	slt.s32 s0, $0x1  }
0x221: {  	s1 =	simm.s32 @!p0 $0x0  }
0x222: {  	s1 =	simm.s32 @p0 $0x1  }
0x223: {  	s28 =	simm.s32 $0x0;
	s29 =	simm.f32 $0.0e+00;
	[tilespmem:s30+$0x8000] =	vst v0;
	[smem:$0x7FB] =	sst s1  }
.LBB2_60:
0x224: {  	s19 =	simm.s32 $0x0;
	s20 =	simm.s32 $0x8000  }
.LBB2_74:
0x225: {  	vm7 =	veq.f32 @p3 v13, v11  }
0x226: {  	s4 =	sadd.s32 @p3 $0x10, s20;
	s21 =	simm.s32 $0x8000;
	v13 =	vsel @p3 vm7, $0xFF61B1E6, v13  }
0x227: {  	s21 =	smov.u32 @p3 s4;
	[tilespmem:s20+$0x0] =	vst @p3 v13  }
0x228: {  	v13 =	vld @p2 [tilespmem:s21+$0x0];
	_ =	sdelay $0x4  }
0x229: {  	v13 =	vpsel p2, v13, v14  }
0x22a: {  	vm8 =	veq.f32 @p2 v13, v11  }
0x22b: {  	s4 =	sadd.s32 @p2 $0x10, s21;
	s20 =	simm.s32 $0x8000;
	v13 =	vsel @p2 vm8, $0xFF61B1E6, v13  }
0x22c: {  	s20 =	smov.u32 @p2 s4;
	[tilespmem:s21+$0x0] =	vst @p2 v13  }
0x22d: {  	v13 =	vld @p1 [tilespmem:s20+$0x0];
	_ =	sdelay $0x4  }
0x22e: {  	v12 =	vpsel p1, v13, v12  }
0x22f: {  	vm9 =	veq.f32 @p1 v12, v11  }
0x230: {  	s4 =	sadd.s32 @p1 $0x10, s20;
	v12 =	vsel @p1 vm9, $0xFF61B1E6, v12  }
0x231: {  	s3 =	smov.u32 @p1 s4;
	[tilespmem:s20+$0x0] =	vst @p1 v12  }
0x232: {  	v12 =	vsel @p3 vm7, $0x1, v5;
	v63 =	vld [tilespmem:s3+$0x0]  }
0x233: {  	(xrf0) =	vadd.scan.msk.s32 @p3 $0xffff, v12  }
0x234: {  	v12 =	vsel @p2 vm8, $0x1, v5  }
0x235: {  	(xrf0) =	vadd.scan.msk.s32 @p2 $0xffff, v12  }
0x236: {  	v12 =	vsel @p1 vm9, $0x1, v5  }
0x237: {  	v14, _, _ =	vpop @p4 (xrf0);
	(xrf0) =	vadd.scan.msk.s32 @p1 $0xffff, v12;
	vm7 =	veq.f32 v63, v11  }
0x238: {  	(v2sf) =	vpush @p4 v14, $0xF;
	v11 =	vsel vm7, $0x1, v5  }
0x239: {  	v12, _, _ =	vpop @p3 (xrf0);
	(xrf0) =	vadd.scan.msk.s32 $0xffff, v11  }
0x23a: {  	(v2sf) =	vpush @p3 v12, $0xF  }
0x23b: {  	v11, _, _ =	vpop @p2 (xrf0)  }
0x23c: {  	(v2sf) =	vpush @p2 v11, $0xF  }
0x23d: {  	v11, _, _ =	vpop @p1 (xrf0)  }
0x23e: {  	(v2sf) =	vpush @p1 v11, $0xF  }
0x23f: {  	v11, _, _ =	vpop (xrf0)  }
0x240: {  	(v2sf) =	vpush v11, $0xF;
	_ =	sdelay $0x2  }
0x241: {  	s4 =	spop @p6 (v2sf)  }
0x242: {  	s4 =	sadd.s32 @p6 s19, s4;
	s19 =	simm.s32 $0x0  }
0x243: {  	s19 =	smov.u32 @p6 s4;
	s20 =	spop @p5 (v2sf)  }
0x244: {  	s4 =	sadd.s32 @p5 s19, s20;
	s19 =	simm.s32 $0x0  }
0x245: {  	s19 =	smov.u32 @p5 s4;
	s20 =	spop @p4 (v2sf)  }
0x246: {  	s4 =	sadd.s32 @p4 s19, s20;
	s19 =	simm.s32 $0x0  }
0x247: {  	s19 =	smov.u32 @p4 s4;
	s20 =	spop @p3 (v2sf)  }
0x248: {  	s4 =	sadd.s32 @p3 s19, s20;
	s19 =	simm.s32 $0x0  }
0x249: {  	s19 =	smov.u32 @p3 s4;
	s20 =	spop @p2 (v2sf)  }
0x24a: {  	s4 =	sadd.s32 @p2 s19, s20;
	s19 =	simm.s32 $0x0  }
0x24b: {  	s19 =	smov.u32 @p2 s4;
	s4 =	spop @p1 (v2sf)  }
0x24c: {  	s4 =	sadd.s32 @p1 s19, s4  }
0x24d: {  	v11 =	vsel vm7, $0xFF61B1E6, v63;
	s13 =	smov.u32 @p1 s4;
	s31 =	spop (v2sf)  }
0x24e: {  	[tilespmem:s3+$0x0] =	vst v11;
	s3 =	sadd.s32 s13, s31  }
.LBB2_75:
0x24f: {  	s4 =	sadd.s32 $0x1, s28  }
0x250: {  	s13 =	sadd.f32 s1, s29;
	s4 =	scvt.s32.f32 s4  }
0x251: {  	_ = 	snop  }
0x252: {  	s13 =	sadd.f32 $-1.000000000e+00, s13;
	s4 =	smul.f32 s4, s1  }
0x253: {  	_ = 	snop  }
0x254: {  	p0 =	sgt.f32 s4, s13;
	_ =	sdelay $0x1  }
0x255: {  	s21 =	scvt.s32.f32 s3;
	s3 =	simm.s32 @!p0 $0x0  }
0x256: {  	s28 =	sadd.s32 s28, s3  }
0x257: {  	p1 =	slt.s32 @p0 s28, s30  }
0x258: {  	s31 =	smul.f32 s21, s1;
	p1 =	por !p0, !p1  }
.Ltmp49:
0x259: {  	_ = 	snop;
	(pc) =	sbr.rel @p1 .LBB2_76-.Ltmp49, $3  }
0x25a: {  	_ = 	snop  }
0x25b: {  	s1 =	sadd.f32 s31, s29;
	_ =	sdelay $0x1  }
0x25c: {  	s29 =	smov.u32 @p0 s1  }
.LBB2_56:
0x25d: {  	s4 =	sld [smem:$0x7FB];
	_ =	sdelay $0x2  }
0x25e: {  	p0 =	seq.s32 s4, $0x1  }
.Ltmp50:
0x25f: {  	_ = 	snop;
	(pc) =	sbr.rel @p0 .LBB2_75-.Ltmp50, $2  }
0x260: {  	_ =	sdelay $0x2  }
0x261: {  	s1 =	smov.u32 s18;
	s3 =	simm.s32 $0x0  }
0x262: {  	p0 =	sne.s32 s0, $0x1  }
.Ltmp51:
0x263: {  	_ = 	snop;
	(pc) =	sbr.rel @!p0 .LBB2_59-.Ltmp51, $3  }
0x264: {  	_ =	sdelay $0x1  }
0x265: {  	s3 =	simm.s32 $0x8000  }
0x266: {  	v11 =	vimm.f32 $-3.000000010e+38;
	s1 =	sadd.s32 $0xFFFFFFFF, s0;
	s4 =	simm.s32 $0x8000;
	v12 =	vld [tilespmem:s3+$0x0]  }
.LBB2_58:
0x267: {  	p1 =	sne.s32 s1, $0x1  }
.Ltmp52:
0x268: {  	_ = 	snop;
	(pc) =	sbr.rel @p1 .LBB2_58-.Ltmp52, $3  }
0x269: {  	_ =	sdelay $0x1  }
0x26a: {  	s1 =	sadd.s32 $0xFFFFFFFF, s1;
	s4 =	sadd.s32 $0x10, s4;
	v11 =	vmax.f32 v11, v12  }
0x26b: {  	v12 =	vld [tilespmem:s4+$0x0]  }
.LBB2_59:
0x26c: {  	_ =	sdelay $0x3  }
0x26d: {  	v11 =	vmax.f32 v11, v12  }
0x26e: {  	(xrf0) =	vmax.scan.msk.f32 $0xffff, v11;
	_ =	sdelay $0x5  }
0x26f: {  	v11, _, _ =	vpop (xrf0)  }
0x270: {  	(v2sf) =	vpush v11, $0xF;
	_ =	sdelay $0xa  }
.Ltmp53:
0x271: {  	_ = 	snop;
	(pc) =	sbr.rel @!p0 .LBB2_60-.Ltmp53, $4  }
0x272: {  	_ = 	snop  }
0x273: {  	s13 =	simm.s32 $0x0;
	s4 =	sadd.s32 $0xFFFFFFFF, s0;
	p1 =	por $0x0, $0x0  }
0x274: {  	p2 =	por $0x0, $0x0;
	p3 =	por $0x0, $0x0;
	p4 =	por $0x0, $0x0;
	v11 =	vbroadcast v11, $0xF  }
0x275: {  	p5 =	por $0x0, $0x0;
	p6 =	por $0x0, $0x0;
	s1 =	spop (v2sf)  }
0x276: {  	p0 =	sne.s32 s4, $0x1  }
.Ltmp54:
0x277: {  	_ = 	snop;
	(pc) =	sbr.rel @!p0 .LBB2_62-.Ltmp54, $2  }
0x278: {  	_ =	sdelay $0x2  }
0x279: {  	s4 =	sadd.s32 $0xFFFFFFFF, s4;
	p1 =	por $0x1, $0x1  }
0x27a: {  	p0 =	sne.s32 s4, $0x1  }
.Ltmp55:
0x27b: {  	_ = 	snop;
	(pc) =	sbr.rel @!p0 .LBB2_64-.Ltmp55, $2  }
0x27c: {  	_ =	sdelay $0x2  }
0x27d: {  	s4 =	sadd.s32 $0xFFFFFFFF, s4;
	p2 =	por $0x1, $0x1  }
0x27e: {  	p0 =	sne.s32 s4, $0x1  }
.Ltmp56:
0x27f: {  	v13 =	vld [tilespmem:s3+$0x0];
	(pc) =	sbr.rel @!p0 .LBB2_66-.Ltmp56, $2  }
0x280: {  	_ =	sdelay $0x2  }
0x281: {  	s4 =	sadd.s32 $0xFFFFFFFF, s4;
	p3 =	por $0x1, $0x1  }
0x282: {  	p0 =	sne.s32 s4, $0x1  }
.Ltmp57:
0x283: {  	_ = 	snop;
	(pc) =	sbr.rel @!p0 .LBB2_68-.Ltmp57, $4  }
0x284: {  	vm7 =	veq.f32 v13, v11  }
0x285: {  	v12 =	vsel vm7, $0xFF61B1E6, v13  }
0x286: {  	s20 =	simm.s32 $0x8010;
	v13 =	vsel vm7, $0x1, v5;
	[tilespmem:s3+$0x0] =	vst v12  }
0x287: {  	s4 =	sadd.s32 $0xFFFFFFFF, s4;
	p4 =	por $0x1, $0x1;
	(xrf0) =	vadd.scan.msk.s32 $0xffff, v13;
	v12 =	vld [tilespmem:s20+$0x0]  }
0x288: {  	_ =	sdelay $0x3  }
0x289: {  	vm7 =	veq.f32 v12, v11  }
0x28a: {  	v13 =	vsel vm7, $0xFF61B1E6, v12;
	_ =	sdelay $0x2  }
0x28b: {  	[tilespmem:s20+$0x0] =	vst v13;
	v13, _, _ =	vpop (xrf0)  }
0x28c: {  	(v2sf) =	vpush v13, $0xF;
	_ =	sdelay $0x5  }
0x28d: {  	p0 =	sne.s32 s4, $0x1  }
.Ltmp58:
0x28e: {  	_ = 	snop;
	(pc) =	sbr.rel @!p0 .LBB2_70-.Ltmp58, $3  }
0x28f: {  	_ =	sdelay $0x1  }
0x290: {  	v14 =	vsel vm7, $0x1, v5;
	s20 =	simm.s32 $0x8020  }
0x291: {  	s4 =	sadd.s32 $0xFFFFFFFF, s4;
	p5 =	por $0x1, $0x1;
	(xrf0) =	vadd.scan.msk.s32 $0xffff, v14;
	v14 =	vld [tilespmem:s20+$0x0]  }
0x292: {  	_ =	sdelay $0x3  }
0x293: {  	vm7 =	veq.f32 v14, v11  }
0x294: {  	v13 =	vsel vm7, $0xFF61B1E6, v14;
	_ =	sdelay $0x2  }
0x295: {  	p0 =	sne.s32 s4, $0x1;
	[tilespmem:s20+$0x0] =	vst v13;
	s20 =	simm.s32 $0x8030;
	v13, _, _ =	vpop (xrf0)  }
.Ltmp59:
0x296: {  	(v2sf) =	vpush v13, $0xF;
	v13 =	vld [tilespmem:s20+$0x0];
	(pc) =	sbr.rel @!p0 .LBB2_72-.Ltmp59, $3  }
0x297: {  	v15 =	vsel vm7, $0x1, v5  }
0x298: {  	(xrf0) =	vadd.scan.msk.s32 $0xffff, v15;
	_ =	sdelay $0x1  }
0x299: {  	s21 =	sadd.s32 $0xFFFFFFFF, s4;
	p6 =	por $0x1, $0x1;
	s19 =	simm.s32 $0x0  }
.LBB2_73:
0x29a: {  	p0 =	sne.s32 s21, $0x1;
	_ =	sdelay $0x2  }
.Ltmp60:
0x29b: {  	vm7 =	veq.f32 v13, v11;
	v15, _, _ =	vpop (xrf0);
	s4 =	spop (v2sf);
	(pc) =	sbr.rel @p0 .LBB2_73-.Ltmp60, $4  }
0x29c: {  	v13 =	vsel vm7, $0xFF61B1E6, v13;
	v16 =	vsel vm7, $0x1, v5;
	(v2sf) =	vpush v15, $0xF;
	s19 =	sadd.s32 s19, s4  }
0x29d: {  	[tilespmem:s20+$0x0] =	vst v13;
	s20 =	sadd.s32 $0x10, s20;
	(xrf0) =	vadd.scan.msk.s32 $0xffff, v16  }
0x29e: {  	v13 =	vld [tilespmem:s20+$0x0]  }
0x29f: {  	s21 =	sadd.s32 $0xFFFFFFFF, s21  }
.Ltmp61:
0x2a0: {  	_ = 	snop;
	(pc) =	sbr.rel .LBB2_74-.Ltmp61, $1  }
0x2a1: {  	_ =	sdelay $0x3  }
.LBB2_62:
.Ltmp62:
0x2a2: {  	(pc) =	sbr.rel .LBB2_74-.Ltmp62, $2  }
0x2a3: {  	_ =	sdelay $0x2  }
0x2a4: {  	s19 =	simm.s32 $0x0;
	s20 =	simm.s32 $0x8000  }
.LBB2_64:
.Ltmp63:
0x2a5: {  	(pc) =	sbr.rel .LBB2_74-.Ltmp63, $2  }
0x2a6: {  	_ =	sdelay $0x2  }
0x2a7: {  	s19 =	simm.s32 $0x0;
	s20 =	simm.s32 $0x8000  }
.LBB2_66:
.Ltmp64:
0x2a8: {  	(pc) =	sbr.rel .LBB2_74-.Ltmp64, $2  }
0x2a9: {  	_ =	sdelay $0x2  }
0x2aa: {  	s19 =	simm.s32 $0x0;
	s20 =	simm.s32 $0x8000  }
.LBB2_68:
.Ltmp65:
0x2ab: {  	_ = 	snop;
	(pc) =	sbr.rel .LBB2_74-.Ltmp65, $2  }
0x2ac: {  	_ =	sdelay $0x2  }
0x2ad: {  	s19 =	simm.s32 $0x0;
	v13 =	vmov v12  }
.LBB2_70:
.Ltmp66:
0x2ae: {  	_ = 	snop;
	(pc) =	sbr.rel .LBB2_74-.Ltmp66, $2  }
0x2af: {  	_ =	sdelay $0x2  }
0x2b0: {  	s19 =	simm.s32 $0x0;
	v13 =	vmov v14  }
.LBB2_72:
.Ltmp67:
0x2b1: {  	(pc) =	sbr.rel .LBB2_74-.Ltmp67, $2  }
0x2b2: {  	_ =	sdelay $0x2  }
0x2b3: {  	s19 =	simm.s32 $0x0  }
.LBB2_76:
0x2b4: {  	_ =	sdelay $0x3  }
0x2b5: {  	v11 =	vld.idx.msk [tilespmem:v3+s14+$0x0], $0xffff;
	_ =	sdelay $0x4  }
0x2b6: {  	v11 =	vxor.u32 $0x80000000, v11  }
0x2b7: {  	(xrf0) =	vmax.scan.msk.u32 $0xffff, v11;
	_ =	sdelay $0x5  }
0x2b8: {  	v11, _, _ =	vpop (xrf0)  }
0x2b9: {  	(v2sf) =	vpush v11, $0xF;
	_ =	sdelay $0xe  }
0x2ba: {  	s0 =	spop (v2sf)  }
0x2bb: {  	s0 =	sxor.u32 $0x80000000, s0  }
0x2bc: {  	v11 =	vmov s0;
	_ =	sdelay $0x3  }
0x2bd: {  	s31 =	simm.s32 $0x0  }
0x2be: {  	v11 =	vld.idx.msk [tilespmem:v11+s31+$0x0], $0xffff;
	[tilespmem:s31], [sflag:$0x1] =	stream.strided.gather [hbm4b:s7+s16], $0x8000, s17, s16, $0x38  }
0x2bf: {  	_ =	swait.ge [sflag:s15], $0x8000  }
0x2c0: {  	[sflag:s15] =	ssyncset.done $0x0  }
0x2c1: {  	s1 =	simm.s32 $0x0;
	[sflag:s15] =	ssyncadd.s32 $0xFFFF8000  }
0x2c2: {  	v13 =	vld [tilespmem:s1+$0x30]  }
0x2c3: {  	v14 =	vld [tilespmem:s1+$0x0]  }
0x2c4: {  	v12 =	vimm.f32 $-3.000000010e+38;
	v15 =	vld [tilespmem:s1+$0x10]  }
0x2c5: {  	v17 =	vimm.f32 $-3.000000010e+38;
	v18 =	vimm.f32 $-3.000000010e+38;
	v19 =	vimm.f32 $-3.000000010e+38;
	s0 =	simm.s32 $0x100;
	v16 =	vld [tilespmem:s1+$0x20]  }
.LBB2_77:
0x2c6: {  	p0 =	sne.s32 s0, $0x1FF00  }
.Ltmp68:
0x2c7: {  	s1 =	sshra.s32 s0, $0x2;
	s0 =	sadd.s32 $0x100, s0;
	v12 =	vmax.f32 v12, v13;
	(pc) =	sbr.rel @p0 .LBB2_77-.Ltmp68, $4  }
0x2c8: {  	v13 =	vld [tilespmem:s1+$0x30];
	v17 =	vmax.f32 v17, v14  }
0x2c9: {  	v14 =	vld [tilespmem:s1+$0x0];
	v18 =	vmax.f32 v18, v15  }
0x2ca: {  	v15 =	vld [tilespmem:s1+$0x10];
	v19 =	vmax.f32 v19, v16  }
0x2cb: {  	v16 =	vld [tilespmem:s1+$0x20]  }
0x2cc: {  	_ =	sdelay $0x2  }
0x2cd: {  	v14 =	vmax.f32 v17, v14;
	v15 =	vmax.f32 v18, v15  }
0x2ce: {  	v16 =	vmax.f32 v19, v16;
	v14 =	vmax.f32 v14, v15  }
0x2cf: {  	v12 =	vmax.f32 v12, v13;
	v13 =	vmax.f32 v14, v16  }
0x2d0: {  	v12 =	vmax.f32 v13, v12  }
0x2d1: {  	(xrf0) =	vmax.scan.msk.f32 $0xffff, v12;
	_ =	sdelay $0x5  }
0x2d2: {  	v12, _, _ =	vpop (xrf0)  }
0x2d3: {  	(v2sf) =	vpush v12, $0xF;
	_ =	sdelay $0xc  }
0x2d4: {  	s0 =	simm.s32 $0x0  }
0x2d5: {  	v14 =	vld [tilespmem:s0+$0x0]  }
0x2d6: {  	s31 =	spop (v2sf)  }
0x2d7: {  	s0 =	sadd.f32 $-1.031250000e+00, s31;
	_ =	sdelay $0x1  }
0x2d8: {  	v13 =	vmov s0  }
0x2d9: {  	vm7 =	vgt.f32 v14, v13  }
0x2da: {  	v15 =	vsel vm7, $0x1, v5  }
0x2db: {  	(xrf0) =	vadd.scan.msk.s32 $0xffff, v15;
	_ =	sdelay $0x5  }
0x2dc: {  	v15, _, _ =	vpop (xrf0)  }
0x2dd: {  	s0 =	simm.s32 $0x0;
	(v2sf) =	vpush v15, $0xF  }
0x2de: {  	s3 =	simm.s32 $0x10;
	s1 =	simm.s32 $0x80;
	[tilespmem:s0+$0x8000] =	vst.msk vm7, v14  }
.LBB2_79:
0x2df: {  	p0 =	sne.s32 s1, $0x1FFC0;
	v14 =	vld [tilespmem:s3+$0x0];
	_ =	sdelay $0x4  }
0x2e0: {  	vm7 =	vgt.f32 v14, v13  }
0x2e1: {  	v15 =	vsel vm7, $0x1, v5  }
0x2e2: {  	(xrf0) =	vadd.scan.msk.s32 $0xffff, v15;
	_ =	sdelay $0x3  }
.Ltmp69:
0x2e3: {  	(pc) =	sbr.rel @p0 .LBB2_79-.Ltmp69, $4  }
0x2e4: {  	_ = 	snop  }
0x2e5: {  	v15, _, _ =	vpop (xrf0);
	s3 =	spop (v2sf)  }
0x2e6: {  	(v2sf) =	vpush v15, $0xF;
	s0 =	sadd.s32 s0, s3  }
0x2e7: {  	s3 =	sshra.s32 s1, $0x2;
	s1 =	sadd.s32 $0x40, s1;
	[tilespmem:s0+$0x8000] =	vst.msk vm7, v14  }
0x2e8: {  	v14 =	vld [tilespmem:s3+$0x0];
	_ =	sdelay $0x4  }
0x2e9: {  	vm7 =	vgt.f32 v14, v13  }
0x2ea: {  	v13 =	vsel vm7, $0x1, v5  }
0x2eb: {  	(xrf0) =	vadd.scan.msk.s32 $0xffff, v13;
	_ =	sdelay $0x5  }
0x2ec: {  	v13, _, _ =	vpop (xrf0)  }
0x2ed: {  	(v2sf) =	vpush v13, $0xF;
	_ =	sdelay $0xd  }
0x2ee: {  	s1 =	spop (v2sf)  }
0x2ef: {  	s1 =	sadd.s32 s0, s1;
	s20 =	spop (v2sf)  }
0x2f0: {  	s0 =	sadd.s32 s1, s20  }
0x2f1: {  	s21 =	sadd.s32 $0xF, s0  }
.Ltmp70:
0x2f2: {  	s3 =	sshra.s32 s21, $0x4;
	(pc) =	sbr.rel .LBB2_81-.Ltmp70, $4  }
0x2f3: {  	p0 =	slt.s32 s3, $0x1  }
0x2f4: {  	[tilespmem:s1+$0x8000] =	vst.msk vm7, v14;
	s1 =	simm.s32 @!p0 $0x0  }
0x2f5: {  	s1 =	simm.s32 @p0 $0x1  }
0x2f6: {  	s30 =	simm.s32 $0x0;
	s31 =	simm.f32 $0.0e+00;
	[tilespmem:s0+$0x8000] =	vst v0;
	[smem:$0x7FA] =	sst s1  }
.LBB2_85:
0x2f7: {  	s20 =	simm.s32 $0x0;
	s21 =	simm.s32 $0x8000  }
.LBB2_99:
0x2f8: {  	vm7 =	veq.f32 @p3 v15, v13  }
0x2f9: {  	s4 =	sadd.s32 @p3 $0x10, s21;
	s5 =	simm.s32 $0x8000;
	v15 =	vsel @p3 vm7, $0xFF61B1E6, v15  }
0x2fa: {  	s5 =	smov.u32 @p3 s4;
	[tilespmem:s21+$0x0] =	vst @p3 v15  }
0x2fb: {  	v15 =	vld @p2 [tilespmem:s5+$0x0];
	_ =	sdelay $0x4  }
0x2fc: {  	v15 =	vpsel p2, v15, v16  }
0x2fd: {  	vm8 =	veq.f32 @p2 v15, v13  }
0x2fe: {  	s4 =	sadd.s32 @p2 $0x10, s5;
	s21 =	simm.s32 $0x8000;
	v15 =	vsel @p2 vm8, $0xFF61B1E6, v15  }
0x2ff: {  	s21 =	smov.u32 @p2 s4;
	[tilespmem:s5+$0x0] =	vst @p2 v15  }
0x300: {  	v15 =	vld @p1 [tilespmem:s21+$0x0];
	_ =	sdelay $0x4  }
0x301: {  	v14 =	vpsel p1, v15, v14  }
0x302: {  	vm9 =	veq.f32 @p1 v14, v13  }
0x303: {  	s4 =	sadd.s32 @p1 $0x10, s21;
	v14 =	vsel @p1 vm9, $0xFF61B1E6, v14  }
0x304: {  	s1 =	smov.u32 @p1 s4;
	[tilespmem:s21+$0x0] =	vst @p1 v14  }
0x305: {  	v14 =	vsel @p3 vm7, $0x1, v5;
	v15 =	vld [tilespmem:s1+$0x0]  }
0x306: {  	(xrf0) =	vadd.scan.msk.s32 @p3 $0xffff, v14  }
0x307: {  	v14 =	vsel @p2 vm8, $0x1, v5  }
0x308: {  	(xrf0) =	vadd.scan.msk.s32 @p2 $0xffff, v14  }
0x309: {  	v14 =	vsel @p1 vm9, $0x1, v5  }
0x30a: {  	v16, _, _ =	vpop @p4 (xrf0);
	(xrf0) =	vadd.scan.msk.s32 @p1 $0xffff, v14;
	vm7 =	veq.f32 v15, v13  }
0x30b: {  	(v2sf) =	vpush @p4 v16, $0xF;
	v13 =	vsel vm7, $0x1, v5  }
0x30c: {  	v14, _, _ =	vpop @p3 (xrf0);
	(xrf0) =	vadd.scan.msk.s32 $0xffff, v13  }
0x30d: {  	(v2sf) =	vpush @p3 v14, $0xF  }
0x30e: {  	v13, _, _ =	vpop @p2 (xrf0)  }
0x30f: {  	(v2sf) =	vpush @p2 v13, $0xF  }
0x310: {  	v13, _, _ =	vpop @p1 (xrf0)  }
0x311: {  	(v2sf) =	vpush @p1 v13, $0xF  }
0x312: {  	v13, _, _ =	vpop (xrf0)  }
0x313: {  	(v2sf) =	vpush v13, $0xF;
	_ =	sdelay $0x2  }
0x314: {  	s4 =	spop @p6 (v2sf)  }
0x315: {  	s4 =	sadd.s32 @p6 s20, s4;
	s5 =	simm.s32 $0x0  }
0x316: {  	s20 =	spop @p5 (v2sf);
	s5 =	smov.u32 @p6 s4  }
0x317: {  	s4 =	sadd.s32 @p5 s5, s20;
	s5 =	simm.s32 $0x0  }
0x318: {  	s5 =	smov.u32 @p5 s4;
	s20 =	spop @p4 (v2sf)  }
0x319: {  	s4 =	sadd.s32 @p4 s5, s20;
	s5 =	simm.s32 $0x0  }
0x31a: {  	s5 =	smov.u32 @p4 s4;
	s20 =	spop @p3 (v2sf)  }
0x31b: {  	s4 =	sadd.s32 @p3 s5, s20;
	s5 =	simm.s32 $0x0  }
0x31c: {  	s5 =	smov.u32 @p3 s4;
	s20 =	spop @p2 (v2sf)  }
0x31d: {  	s4 =	sadd.s32 @p2 s5, s20;
	s5 =	simm.s32 $0x0  }
0x31e: {  	s5 =	smov.u32 @p2 s4;
	s4 =	spop @p1 (v2sf)  }
0x31f: {  	s4 =	sadd.s32 @p1 s5, s4  }
0x320: {  	v13 =	vsel vm7, $0xFF61B1E6, v15;
	s19 =	smov.u32 @p1 s4;
	s21 =	spop (v2sf)  }
0x321: {  	[tilespmem:s1+$0x0] =	vst v13;
	s1 =	sadd.s32 s19, s21  }
.LBB2_100:
0x322: {  	s4 =	sadd.s32 $0x1, s30  }
0x323: {  	s5 =	sadd.f32 s13, s31;
	s4 =	scvt.s32.f32 s4  }
0x324: {  	_ = 	snop  }
0x325: {  	s5 =	sadd.f32 $-1.000000000e+00, s5;
	s4 =	smul.f32 s4, s13  }
0x326: {  	_ = 	snop  }
0x327: {  	p0 =	sgt.f32 s4, s5;
	_ =	sdelay $0x1  }
0x328: {  	s21 =	scvt.s32.f32 s1;
	s1 =	simm.s32 @!p0 $0x0  }
0x329: {  	s30 =	sadd.s32 s30, s1  }
0x32a: {  	p1 =	slt.s32 @p0 s30, s0  }
0x32b: {  	s4 =	smul.f32 s21, s13;
	p1 =	por !p0, !p1  }
.Ltmp71:
0x32c: {  	_ = 	snop;
	(pc) =	sbr.rel @p1 .LBB2_101-.Ltmp71, $3  }
0x32d: {  	_ = 	snop  }
0x32e: {  	s1 =	sadd.f32 s4, s31;
	_ =	sdelay $0x1  }
0x32f: {  	s31 =	smov.u32 @p0 s1  }
.LBB2_81:
0x330: {  	s4 =	sld [smem:$0x7FA];
	_ =	sdelay $0x2  }
0x331: {  	p0 =	seq.s32 s4, $0x1  }
.Ltmp72:
0x332: {  	_ = 	snop;
	(pc) =	sbr.rel @p0 .LBB2_100-.Ltmp72, $2  }
0x333: {  	_ =	sdelay $0x2  }
0x334: {  	s13 =	smov.u32 s18;
	s1 =	simm.s32 $0x0  }
0x335: {  	p0 =	sne.s32 s3, $0x1  }
.Ltmp73:
0x336: {  	_ = 	snop;
	(pc) =	sbr.rel @!p0 .LBB2_84-.Ltmp73, $3  }
0x337: {  	_ =	sdelay $0x1  }
0x338: {  	s1 =	simm.s32 $0x8000  }
0x339: {  	v13 =	vimm.f32 $-3.000000010e+38;
	s4 =	sadd.s32 $0xFFFFFFFF, s3;
	s13 =	simm.s32 $0x8000;
	v14 =	vld [tilespmem:s1+$0x0]  }
.LBB2_83:
0x33a: {  	p1 =	sne.s32 s4, $0x1  }
.Ltmp74:
0x33b: {  	_ = 	snop;
	(pc) =	sbr.rel @p1 .LBB2_83-.Ltmp74, $3  }
0x33c: {  	_ =	sdelay $0x1  }
0x33d: {  	s4 =	sadd.s32 $0xFFFFFFFF, s4;
	s13 =	sadd.s32 $0x10, s13;
	v13 =	vmax.f32 v13, v14  }
0x33e: {  	v14 =	vld [tilespmem:s13+$0x0]  }
.LBB2_84:
0x33f: {  	_ =	sdelay $0x3  }
0x340: {  	v13 =	vmax.f32 v13, v14  }
0x341: {  	(xrf0) =	vmax.scan.msk.f32 $0xffff, v13;
	_ =	sdelay $0x5  }
0x342: {  	v13, _, _ =	vpop (xrf0)  }
0x343: {  	(v2sf) =	vpush v13, $0xF;
	_ =	sdelay $0xa  }
.Ltmp75:
0x344: {  	_ = 	snop;
	(pc) =	sbr.rel @!p0 .LBB2_85-.Ltmp75, $4  }
0x345: {  	_ = 	snop  }
0x346: {  	s19 =	simm.s32 $0x0;
	s4 =	sadd.s32 $0xFFFFFFFF, s3;
	p1 =	por $0x0, $0x0  }
0x347: {  	p2 =	por $0x0, $0x0;
	p3 =	por $0x0, $0x0;
	p4 =	por $0x0, $0x0;
	v13 =	vbroadcast v13, $0xF  }
0x348: {  	p5 =	por $0x0, $0x0;
	p6 =	por $0x0, $0x0;
	s13 =	spop (v2sf)  }
0x349: {  	p0 =	sne.s32 s4, $0x1  }
.Ltmp76:
0x34a: {  	_ = 	snop;
	(pc) =	sbr.rel @!p0 .LBB2_87-.Ltmp76, $2  }
0x34b: {  	_ =	sdelay $0x2  }
0x34c: {  	s4 =	sadd.s32 $0xFFFFFFFF, s4;
	p1 =	por $0x1, $0x1  }
0x34d: {  	p0 =	sne.s32 s4, $0x1  }
.Ltmp77:
0x34e: {  	_ = 	snop;
	(pc) =	sbr.rel @!p0 .LBB2_89-.Ltmp77, $2  }
0x34f: {  	_ =	sdelay $0x2  }
0x350: {  	s4 =	sadd.s32 $0xFFFFFFFF, s4;
	p2 =	por $0x1, $0x1  }
0x351: {  	p0 =	sne.s32 s4, $0x1  }
.Ltmp78:
0x352: {  	v15 =	vld [tilespmem:s1+$0x0];
	(pc) =	sbr.rel @!p0 .LBB2_91-.Ltmp78, $2  }
0x353: {  	_ =	sdelay $0x2  }
0x354: {  	s4 =	sadd.s32 $0xFFFFFFFF, s4;
	p3 =	por $0x1, $0x1  }
0x355: {  	p0 =	sne.s32 s4, $0x1  }
.Ltmp79:
0x356: {  	_ = 	snop;
	(pc) =	sbr.rel @!p0 .LBB2_93-.Ltmp79, $4  }
0x357: {  	vm7 =	veq.f32 v15, v13  }
0x358: {  	v14 =	vsel vm7, $0xFF61B1E6, v15  }
0x359: {  	s21 =	simm.s32 $0x8010;
	v15 =	vsel vm7, $0x1, v5;
	[tilespmem:s1+$0x0] =	vst v14  }
0x35a: {  	s4 =	sadd.s32 $0xFFFFFFFF, s4;
	p4 =	por $0x1, $0x1;
	(xrf0) =	vadd.scan.msk.s32 $0xffff, v15;
	v14 =	vld [tilespmem:s21+$0x0]  }
0x35b: {  	_ =	sdelay $0x3  }
0x35c: {  	vm7 =	veq.f32 v14, v13  }
0x35d: {  	v15 =	vsel vm7, $0xFF61B1E6, v14;
	_ =	sdelay $0x2  }
0x35e: {  	[tilespmem:s21+$0x0] =	vst v15;
	v15, _, _ =	vpop (xrf0)  }
0x35f: {  	(v2sf) =	vpush v15, $0xF;
	_ =	sdelay $0x5  }
0x360: {  	p0 =	sne.s32 s4, $0x1  }
.Ltmp80:
0x361: {  	_ = 	snop;
	(pc) =	sbr.rel @!p0 .LBB2_95-.Ltmp80, $3  }
0x362: {  	_ =	sdelay $0x1  }
0x363: {  	v16 =	vsel vm7, $0x1, v5;
	s21 =	simm.s32 $0x8020  }
0x364: {  	s4 =	sadd.s32 $0xFFFFFFFF, s4;
	p5 =	por $0x1, $0x1;
	(xrf0) =	vadd.scan.msk.s32 $0xffff, v16;
	v16 =	vld [tilespmem:s21+$0x0]  }
0x365: {  	_ =	sdelay $0x3  }
0x366: {  	vm7 =	veq.f32 v16, v13  }
0x367: {  	v15 =	vsel vm7, $0xFF61B1E6, v16;
	_ =	sdelay $0x2  }
0x368: {  	p0 =	sne.s32 s4, $0x1;
	[tilespmem:s21+$0x0] =	vst v15;
	s21 =	simm.s32 $0x8030;
	v15, _, _ =	vpop (xrf0)  }
.Ltmp81:
0x369: {  	(v2sf) =	vpush v15, $0xF;
	v15 =	vld [tilespmem:s21+$0x0];
	(pc) =	sbr.rel @!p0 .LBB2_97-.Ltmp81, $3  }
0x36a: {  	v17 =	vsel vm7, $0x1, v5  }
0x36b: {  	(xrf0) =	vadd.scan.msk.s32 $0xffff, v17;
	_ =	sdelay $0x1  }
0x36c: {  	s4 =	sadd.s32 $0xFFFFFFFF, s4;
	p6 =	por $0x1, $0x1;
	s20 =	simm.s32 $0x0  }
.LBB2_98:
0x36d: {  	p0 =	sne.s32 s4, $0x1;
	_ =	sdelay $0x2  }
.Ltmp82:
0x36e: {  	vm7 =	veq.f32 v15, v13;
	v17, _, _ =	vpop (xrf0);
	s5 =	spop (v2sf);
	(pc) =	sbr.rel @p0 .LBB2_98-.Ltmp82, $4  }
0x36f: {  	v15 =	vsel vm7, $0xFF61B1E6, v15;
	v18 =	vsel vm7, $0x1, v5;
	(v2sf) =	vpush v17, $0xF;
	s20 =	sadd.s32 s20, s5  }
0x370: {  	[tilespmem:s21+$0x0] =	vst v15;
	s21 =	sadd.s32 $0x10, s21;
	(xrf0) =	vadd.scan.msk.s32 $0xffff, v18  }
0x371: {  	v15 =	vld [tilespmem:s21+$0x0]  }
0x372: {  	s4 =	sadd.s32 $0xFFFFFFFF, s4  }
.Ltmp83:
0x373: {  	_ = 	snop;
	(pc) =	sbr.rel .LBB2_99-.Ltmp83, $1  }
0x374: {  	_ =	sdelay $0x3  }
.LBB2_87:
.Ltmp84:
0x375: {  	(pc) =	sbr.rel .LBB2_99-.Ltmp84, $2  }
0x376: {  	_ =	sdelay $0x2  }
0x377: {  	s20 =	simm.s32 $0x0;
	s21 =	simm.s32 $0x8000  }
.LBB2_89:
.Ltmp85:
0x378: {  	(pc) =	sbr.rel .LBB2_99-.Ltmp85, $2  }
0x379: {  	_ =	sdelay $0x2  }
0x37a: {  	s20 =	simm.s32 $0x0;
	s21 =	simm.s32 $0x8000  }
.LBB2_91:
.Ltmp86:
0x37b: {  	(pc) =	sbr.rel .LBB2_99-.Ltmp86, $2  }
0x37c: {  	_ =	sdelay $0x2  }
0x37d: {  	s20 =	simm.s32 $0x0;
	s21 =	simm.s32 $0x8000  }
.LBB2_93:
.Ltmp87:
0x37e: {  	_ = 	snop;
	(pc) =	sbr.rel .LBB2_99-.Ltmp87, $2  }
0x37f: {  	_ =	sdelay $0x2  }
0x380: {  	s20 =	simm.s32 $0x0;
	v15 =	vmov v14  }
.LBB2_95:
.Ltmp88:
0x381: {  	_ = 	snop;
	(pc) =	sbr.rel .LBB2_99-.Ltmp88, $2  }
0x382: {  	_ =	sdelay $0x2  }
0x383: {  	s20 =	simm.s32 $0x0;
	v15 =	vmov v16  }
.LBB2_97:
.Ltmp89:
0x384: {  	(pc) =	sbr.rel .LBB2_99-.Ltmp89, $2  }
0x385: {  	_ =	sdelay $0x2  }
0x386: {  	s20 =	simm.s32 $0x0  }
.LBB2_102:
0x387: {  	_ =	sfence.sel $0x180000  }
0x388: {  	[bflag:$0x0] =	sbarrier.arrive $0xFFFF  }
0x389: {  	_ =	strace $0x90000047  }
0x38a: {  	s0 =	stileid.u32;
	[bflag:$0x2] =	sbarrier.arrive $0xFFFF  }
0x38b: {  	p0 =	sne.s32 s0, $0x0;
	s0 =	rddreg [dreg:$0x3]  }
0x38c: {  	s0 =	sadd.s32 @!p0 $0x100000, s0  }
0x38d: {  	[sflag:s0] =	ssyncadd.tile.s32 @!p0 $0x1;
	_ =	shalt  }
.Lfunc_end2:
_tile_overlayer_lowered:
.L_overlay_start_2:
0x38e: {  	(tag) =	ssettag $0x2  }
0x38f: {  	s0 =	rddreg [dreg:$0x0];
	s2 =	stileid.u32  }
0x390: {  	s1 =	rddreg [dreg:$0x1];
	p0 =	sne.s32 s2, $0x0  }
0x391: {  	s3 =	rddreg [dreg:$0x2];
	[bflag:$0x3] =	sbarrier.arrive $0xFFFF;
	s2 =	simm.s32 @!p0 $0x1C01  }
0x392: {  	[timem:s3], [sflag:s2] =	dma.local @!p0 [hbm:s0], s1  }
0x393: {  	s0 =	simm.s32 @!p0 $0x1  }
0x394: {  	_ =	swait.ge @!p0 [sflag:s0], s1  }
0x395: {  	s1 =	ssub.s32 @!p0 $0x0, s1;
	[sflag:s0] =	ssyncset.done @!p0 $0x0  }
0x396: {  	[sflag:s0] =	ssyncadd.s32 @!p0 s1  }
0x397: {  	[bflag:$0x3] =	sbarrier.arrive $0xFFFF  }
0x398: {  	_ =	shalt  }

// kernel: kernel.8.cloned.1.call-start
scs
__scs_entry_jumppad:
0x0: {  	(pc) =	sbr.rel $0x88, $3  }
0x1: {  	(tag) =	ssettag $0x0;
	lr =	simm.s32 $0x1  }
0x2: {  	[smem:$0x3F9F] =	sst lr;
	_ =	strace $0xD0000000  }
0x3: {  	_ = 	snop  }
0x4: {  	_ = 	snop  }
0x5: {  	_ = 	snop  }
0x6: {  	_ = 	snop  }
0x7: {  	_ = 	snop  }
__scs_overlays_trampoline_lowered:
0x8: {  	[smem:$0x3FAE] =	sst s0  }
0x9: {  	[smem:$0x3FAF] =	sst s1  }
0xa: {  	[smem:$0x3FB0] =	sst s2  }
0xb: {  	[smem:$0x3FB1] =	sst s3  }
0xc: {  	[smem:$0x3FB2] =	sst s4  }
0xd: {  	[smem:$0x3FB3] =	sst s5  }
0xe: {  	[smem:$0x3FB4] =	sst s6  }
0xf: {  	[smem:$0x3FB5] =	sst s7  }
0x10: {  	[smem:$0x3FB6] =	sst s8  }
0x11: {  	[smem:$0x3FB7] =	sst s9;
	s0 =	simm.s32 @!p0 $0x0  }
0x12: {  	s1 =	sld [smem:$0x3F9D];
	s0 =	simm.s32 @p0 $0x1  }
0x13: {  	[smem:$0x3FB8] =	sst s0;
	s0 =	simm.s32 @!p1 $0x0  }
0x14: {  	s2 =	sld [smem:$0x3F9C];
	s0 =	simm.s32 @p1 $0x1  }
0x15: {  	[smem:$0x3FB9] =	sst s0;
	s0 =	simm.s32 @!p2 $0x0  }
0x16: {  	s3 =	sld [smem:$0x3FDB];
	s0 =	simm.s32 @p2 $0x1  }
0x17: {  	s4 =	simm.s32 $0x1BF5;
	[smem:$0x3FBB] =	sst s0  }
0x18: {  	s0 =	sld [smem:$0x3F9E];
	_ =	swait.ge [sflag:s4], $0x0  }
0x19: {  	s7 =	sld [smem:$0x3F9F]  }
0x1a: {  	s8 =	sadd.s32 $0xFFFFE003, lr  }
0x1b: {  	s9 =	sadd.s32 $0xFFFFFEF7, lr;
	s5 =	simm.s32 $0xFFFFFFFF;
	p2 =	slt.u32 s8, $0xFFFFF086  }
0x1c: {  	p1 =	slt.u32 s9, $0xF7A;
	s5 =	simm.s32 @!p2 $0x0  }
0x1d: {  	s5 =	simm.s32 @p1 $0x1;
	p0 =	seq.s32 s7, s2  }
0x1e: {  	s7 =	smul.u32 @!p0 $0xF7A, s2;
	p2 =	seq.s32 @!p0 s5, $0x0  }
0x1f: {  	s9 =	smul.u32 $0xF7A, s1;
	s8 =	simm.s32 @!p0 $0x1BF5;
	p2 =	por !p2, p0  }
0x20: {  	[sflag:s8] =	ssyncset.s32 @!p0 $0xFFFFF086;
	s6 =	sadd.s32 @!p0 s3, s7;
	s7 =	simm.s32 @!p0 $0x108  }
0x21: {  	s3 =	sadd.s32 s3, s9;
	s6 =	sadd.s32 @!p0 $0x88, s6;
	s7 =	simm.s32 @p2 $0x1082  }
0x22: {  	[simem:s7], [sflag:s8] =	dma.local @!p0 [hbm:s6], $0xF7A  }
0x23: {  	s9 =	sor.u32 $0xD0000000, s2;
	s6 =	simm.s32 $0x108;
	_ =	swait.ge @!p0 [sflag:s8], $0x0  }
0x24: {  	s3 =	sadd.s32 $0x88, s3;
	s6 =	simm.s32 @!p1 $0x1082;
	[sflag:s4] =	ssyncset.s32 $0xFFFFF086  }
0x25: {  	[simem:s6], [sflag:s4] =	dma.local [hbm:s3], $0xF7A  }
0x26: {  	[smem:$0x3F9F] =	sst s1;
	(tag) =	ssettag s2;
	_ =	strace s9  }
0x27: {  	s1 =	sld [smem:$0x3FAF]  }
0x28: {  	s2 =	sld [smem:$0x3FB0]  }
0x29: {  	s4 =	sld [smem:$0x3FB2]  }
0x2a: {  	p0 =	seq.s32 s5, $0x0;
	s5 =	sld [smem:$0x3FB3]  }
0x2b: {  	s6 =	sld [smem:$0x3FB4]  }
0x2c: {  	s7 =	sld [smem:$0x3FB5]  }
0x2d: {  	s3 =	simm.s32 $0x108;
	s8 =	sld [smem:$0x3FB6]  }
0x2e: {  	s3 =	simm.s32 @!p0 $0x1082;
	s9 =	sld [smem:$0x3FB7]  }
0x2f: {  	lr =	sadd.s32 s0, s3;
	s0 =	sld [smem:$0x3FAE]  }
0x30: {  	s3 =	sld [smem:$0x3FB1]  }
0x31: {  	[smem:$0x3FBA] =	sst s10  }
0x32: {  	s10 =	sld [smem:$0x3FB8];
	_ =	sdelay $0x3  }
0x33: {  	p0 =	seq.s32 s10, $0x1;
	s10 =	sld [smem:$0x3FBA];
	_ =	sdelay $0x3  }
0x34: {  	[smem:$0x3FBA] =	sst s10  }
0x35: {  	s10 =	sld [smem:$0x3FB9];
	_ =	sdelay $0x3  }
0x36: {  	p1 =	seq.s32 s10, $0x1;
	s10 =	sld [smem:$0x3FBA];
	_ =	sdelay $0x3  }
0x37: {  	[smem:$0x3FBA] =	sst s10  }
0x38: {  	s10 =	sld [smem:$0x3FBB]  }
0x39: {  	_ = 	snop;
	(pc) =	sbr.ind lr, $3  }
0x3a: {  	_ = 	snop  }
0x3b: {  	_ = 	snop  }
0x3c: {  	p2 =	seq.s32 s10, $0x1;
	s10 =	sld [smem:$0x3FBA]  }
0x3d: {  	_ =	shalt  }
0x3e: {  	_ =	shalt  }
0x3f: {  	_ =	shalt  }
0x40: {  	_ =	shalt  }
0x41: {  	_ =	shalt  }
0x42: {  	_ =	shalt  }
0x43: {  	_ =	shalt  }
0x44: {  	_ =	shalt  }
0x45: {  	_ =	shalt  }
0x46: {  	_ =	shalt  }
0x47: {  	_ =	shalt  }
0x48: {  	_ =	shalt  }
0x49: {  	_ =	shalt  }
0x4a: {  	_ =	shalt  }
0x4b: {  	_ =	shalt  }
0x4c: {  	_ =	shalt  }
0x4d: {  	_ =	shalt  }
0x4e: {  	_ =	shalt  }
0x4f: {  	_ =	shalt  }
0x50: {  	_ =	shalt  }
0x51: {  	_ =	shalt  }
0x52: {  	_ =	shalt  }
0x53: {  	_ =	shalt  }
0x54: {  	_ =	shalt  }
0x55: {  	_ =	shalt  }
0x56: {  	_ =	shalt  }
0x57: {  	_ =	shalt  }
0x58: {  	_ =	shalt  }
0x59: {  	_ =	shalt  }
0x5a: {  	_ =	shalt  }
0x5b: {  	_ =	shalt  }
0x5c: {  	_ =	shalt  }
0x5d: {  	_ =	shalt  }
0x5e: {  	_ =	shalt  }
0x5f: {  	_ =	shalt  }
0x60: {  	_ =	shalt  }
0x61: {  	_ =	shalt  }
0x62: {  	_ =	shalt  }
0x63: {  	_ =	shalt  }
0x64: {  	_ =	shalt  }
0x65: {  	_ =	shalt  }
0x66: {  	_ =	shalt  }
0x67: {  	_ =	shalt  }
0x68: {  	_ =	shalt  }
0x69: {  	_ =	shalt  }
0x6a: {  	_ =	shalt  }
0x6b: {  	_ =	shalt  }
0x6c: {  	_ =	shalt  }
0x6d: {  	_ =	shalt  }
0x6e: {  	_ =	shalt  }
0x6f: {  	_ =	shalt  }
0x70: {  	_ =	shalt  }
0x71: {  	_ =	shalt  }
0x72: {  	_ =	shalt  }
0x73: {  	_ =	shalt  }
0x74: {  	_ =	shalt  }
0x75: {  	_ =	shalt  }
0x76: {  	_ =	shalt  }
0x77: {  	_ =	shalt  }
0x78: {  	_ =	shalt  }
0x79: {  	_ =	shalt  }
0x7a: {  	_ =	shalt  }
0x7b: {  	_ =	shalt  }
0x7c: {  	_ =	shalt  }
0x7d: {  	_ =	shalt  }
0x7e: {  	_ =	shalt  }
0x7f: {  	_ =	shalt  }
0x80: {  	_ =	shalt  }
0x81: {  	_ =	shalt  }
0x82: {  	_ =	shalt  }
0x83: {  	_ =	shalt  }
0x84: {  	_ =	shalt  }
0x85: {  	_ =	shalt  }
0x86: {  	_ =	shalt  }
0x87: {  	_ =	shalt  }
.Lfunc_end0:
.L_simem_size_0:
called_computation.1_lowered:
.L_overlay_start_0:
0x88: {  	s2 =	sld [smem:$0x3FD9]  }
0x89: {  	s3 =	sld [smem:$0x3FFE];
	_ =	sdelay $0x1  }
0x8a: {  	s1 =	srdreg.scid  }
0x8b: {  	s0 =	sand.u32 $0x1, s1  }
0x8c: {  	s17 =	sshll.u32 s0, $0xA;
	s2 =	sadd.s32 s3, s2  }
0x8d: {  	s2 =	sadd.s32 s2, s17  }
0x8e: {  	[smem:$0x3FC6] =	sst s2  }
0x8f: {  	_ = 	snop  }
0x90: {  	s2 =	sld [smem:$0x3FC9];
	(tm) =	ssettm $0x1  }
0x91: {  	s18 =	sld [smem:$0x3FFB];
	_ =	sdelay $0x3  }
0x92: {  	_ =	strace s18  }
0x93: {  	s3 =	sld [smem:$0x3FFC];
	_ =	sdelay $0x3  }
0x94: {  	_ =	strace s3  }
0x95: {  	s3 =	sld [smem:$0x3FFD];
	_ =	sdelay $0x3  }
0x96: {  	_ =	strace s3  }
0x97: {  	_ =	strace $0x8FFFFFFF  }
0x98: {  	s19 =	sld [smem:$0x3FDB];
	_ =	sdelay $0x1  }
0x99: {  	s4 =	simm.s32 $_scs_section_size  }
0x9a: {  	s5 =	simm.s32 $_size__tile_overlayer_lowered;
	s6 =	simm.s32 $_tile_overlayer_lowered  }
0x9b: {  	s22 =	simm.s32 $0x1BFF;
	s21 =	sshll.u32 s6, $0x1;
	s3 =	sadd.s32 s4, s19  }
0x9c: {  	s7 =	simm.s32 $0x0;
	s20 =	sshll.u32 s5, $0x1;
	s5 =	sadd.s32 s21, s3  }
0x9d: {  	[timem:s7], [sflag:s22] =	dma.local [hbm:s5], s20  }
0x9e: {  	_ =	swait.ge [sflag:s22], s20  }
0x9f: {  	s4 =	ssub.s32 $0x0, s20;
	[sflag:s22] =	ssyncset.done $0x0  }
0xa0: {  	[sflag:s22] =	ssyncadd.s32 s4;
	_ =	sdelay $0x1  }
0xa1: {  	s23 =	simm.s32 $0x1B8B  }
0xa2: {  	_ =	swait.ge [sflag:s23], $0x1  }
0xa3: {  	[sflag:s23] =	ssyncset.done $0x0  }
0xa4: {  	s25 =	simm.s32 $0x1B8E;
	s24 =	sld [smem:$0x3FFE];
	[sflag:s23] =	ssyncadd.s32 $0xFFFFFFFF  }
0xa5: {  	s26 =	simm.s32 $execute0_lowered;
	[smem:$0x3FD2] =	sst s25  }
0xa6: {  	s5 =	sshll.u32 s26, $0x1;
	_ =	strace $0x80000049;
	[dreg:$0x1] =	wrdreg $0xFFFFFFFF  }
0xa7: {  	s28 =	simm.s32 $_size_execute0_lowered;
	s3 =	sadd.s32 s3, s5;
	[dreg:$0x0] =	wrdreg $0x0  }
0xa8: {  	s5 =	sshll.u32 s28, $0x1;
	[dreg:$0x2] =	wrdreg s3  }
0xa9: {  	[dreg:$0x3] =	wrdreg s5  }
0xaa: {  	[dreg:$0x4] =	wrdreg $0xC0  }
0xab: {  	_ =	task [dreg:s7], $0x5FFFF  }
0xac: {  	[dreg:$0x1] =	wrdreg $0xFFFFFFFF  }
0xad: {  	[dreg:$0x0] =	wrdreg $0x60  }
0xae: {  	[dreg:$0x2] =	wrdreg s2  }
0xaf: {  	[dreg:$0x3] =	wrdreg s24  }
0xb0: {  	[dreg:$0x4] =	wrdreg $0x9  }
0xb1: {  	_ =	task.clear_ibuf [dreg:s7], $0x5FFFF;
	_ =	strace $0x90000049  }
0xb2: {  	s29 =	simm.s32 $0x9;
	_ =	strace $0x8000004B  }
0xb3: {  	_ =	swait.ge [sflag:s29], $0x1  }
0xb4: {  	[sflag:s29] =	ssyncadd.s32 $0xFFFFFFFF  }
0xb5: {  	_ =	strace $0x9000004B  }
0xb6: {  	_ =	sfence  }
0xb7: {  	s30 =	sld [smem:$0x0];
	_ =	sdelay $0x2  }
0xb8: {  	s31 =	sshll.u32 s1, $0xD;
	s1 =	sshrl.u32 s1, $0x2  }
0xb9: {  	s3 =	sand.u32 $0x4000, s31;
	s1 =	sadd.s32 s1, s30  }
0xba: {  	s0 =	sor.u32 s3, s0;
	s1 =	sshll.u32 s1, $0x11  }
0xbb: {  	s0 =	sor.u32 s1, s0  }
0xbc: {  	s0 =	sadd.s32 $0x8F2B, s0  }
0xbd: {  	[sflag:s0] =	ssyncadd.remote.s32 $0x1  }
0xbe: {  	_ =	sfence.sel $0xFFFF  }
0xbf: {  	[dreg:$0x0] =	wrdreg $0xFFFFFFFF;
	(pc) =	sbr.abs _section_cstart, $3  }
0xc0: {  	[dreg:$0x1] =	wrdreg $0xFFFFFFFF  }
0xc1: {  	_ =	task.clear_ibuf [dreg:s7], $0x2FFFF;
	_ =	strace $0x9FFFFFFF  }
0xc2: {  	(tm) =	ssettm $0x7FFFFFFF  }
0xc3: {  	_ =	shalt  }
tec
execute0_lowered:
.L_overlay_start_1:
0x0: {  	(tag) =	ssettag $0x1  }
0x1: {  	s0 =	rddreg [dreg:$0x0];
	s1 =	simm.s32 $0x0  }
0x2: {  	[smem:$0x7FF] =	sst s1  }
0x3: {  	s4 =	rddreg [dreg:$0x1];
	v0 =	vimm.f32 $-3.000000010e+38;
	_ =	strace $0x8000004A  }
0x4: {  	(xrf0) =	vmax.scan.msk.f32 $0xffff, v0;
	_ =	sdelay $0x5  }
0x5: {  	s2 =	srdreg.scid;
	s24 =	stileid.u32;
	s17 =	simm.s32 $0x11080;
	v1, _, _ =	vpop (xrf0)  }
0x6: {  	s18 =	simm.s32 $0x80;
	s19 =	simm.s32 $0x400;
	s20 =	simm.s32 $0x11100;
	(v2sf) =	vpush v1, $0xF  }
0x7: {  	s21 =	simm.s32 $0x0;
	s5 =	sand.u32 $0x1, s2;
	s3 =	sadd.s32 $0x1400, s4  }
0x8: {  	s12 =	sadd.s32 $0x1800, s4;
	s25 =	sshll.u32 s24, $0x5;
	s11 =	sshll.u32 s24, $0x12  }
0x9: {  	s14 =	sshll.u32 s24, $0xB;
	s2 =	sshll.u32 s5, $0x4;
	s6 =	ssub.s32 $0x2, s5  }
0xa: {  	s10 =	sshll.u32 s5, $0x9;
	s7 =	sadd.s32 s2, s4;
	s8 =	sshrl.u32 s6, $0x1  }
0xb: {  	s5 =	sor.u32 s10, s11;
	s26 =	sor.u32 s10, s14;
	s28 =	sor.u32 $0x80, s10  }
0xc: {  	s15 =	sor.u32 $0x100, s10;
	s10 =	sor.u32 $0x180, s10;
	s13 =	ssub.s32 s6, s8  }
0xd: {  	s4 =	sadd.s32 s25, s7;
	s5 =	sshrl.u32 s5, $0x3;
	s6 =	sshrl.u32 s26, $0x3  }
0xe: {  	s29 =	sor.u32 s11, s28;
	s7 =	sor.u32 s14, s28;
	s16 =	sor.u32 s11, s15  }
0xf: {  	s15 =	sor.u32 s14, s15;
	s11 =	sor.u32 s11, s10;
	s14 =	sor.u32 s14, s10  }
0x10: {  	s4 =	sadd.s32 $0x1600, s4;
	s5 =	sadd.s32 s0, s5;
	s6 =	sadd.s32 s12, s6  }
0x11: {  	s8 =	sshrl.u32 s29, $0x3;
	s9 =	sshrl.u32 s7, $0x3;
	s30 =	sshrl.u32 s16, $0x3  }
.Ltmp0:
0x12: {  	s15 =	sshrl.u32 s15, $0x3;
	s11 =	sshrl.u32 s11, $0x3;
	(pc) =	sbr.rel .LBB2_1-.Ltmp0, $4  }
0x13: {  	s14 =	sshrl.u32 s14, $0x3;
	s13 =	smax.u32 s13, $0x1;
	s16 =	simm.s32 $0x1  }
0x14: {  	s7 =	sadd.s32 s0, s8;
	s8 =	sadd.s32 s12, s9;
	s9 =	sadd.s32 s0, s30  }
0x15: {  	v2 =	vimm.f32 $0.0e+00;
	v3 =	vlaneseq.u32;
	v4 =	vimm.s32 $0x1;
	s10 =	sadd.s32 s12, s15;
	s11 =	sadd.s32 s0, s11;
	s31 =	spop (v2sf)  }
0x16: {  	v5 =	vimm.s32 $0x2;
	v6 =	vimm.s32 $0x3;
	s12 =	sadd.s32 s12, s14;
	s15 =	simm.s32 $0x10080;
	v1 =	vimm.s32 $0x0;
	s14 =	smul.f32 s31, s31  }
.LBB2_127:
0x17: {  	s21 =	sadd.s32 $0x1, s21  }
0x18: {  	p0 =	sne.s32 s21, s13  }
.Ltmp1:
0x19: {  	_ = 	snop;
	(pc) =	sbr.rel @!p0 .LBB2_128-.Ltmp1, $4  }
0x1a: {  	[hbm4b:s12+s18] =	stream.strided.scatter [tilespmem:s20], [sflag:$0x1], $0x100, s19, s18, $0x38;
	[tilespmem:$0x11200] =	vst v63  }
0x1b: {  	_ =	swait.ge [sflag:s16], $0x100  }
0x1c: {  	[sflag:s16] =	ssyncset.done $0x0  }
0x1d: {  	[sflag:s16] =	ssyncadd.s32 $0xFFFFFF00  }
.LBB2_1:
0x1e: {  	[tilespmem:s15], [sflag:$0x1] =	stream.linear.gather [hbm4b:s3+s1], $0x1000, $0x38;
	[tilespmem:$0x11200] =	vst v63  }
0x1f: {  	_ =	swait.ge [sflag:s16], $0x1000  }
0x20: {  	[sflag:s16] =	ssyncset.done $0x0  }
0x21: {  	[sflag:s16] =	ssyncadd.s32 $0xFFFFF000  }
0x22: {  	[tilespmem:s17], [sflag:$0x1] =	stream.linear.gather [hbm4b:s4+s1], $0x80, $0x38;
	[tilespmem:$0x11200] =	vst v63  }
0x23: {  	_ =	swait.ge [sflag:s16], $0x80  }
0x24: {  	[sflag:s16] =	ssyncset.done $0x0  }
0x25: {  	s22 =	simm.s32 $0x0;
	[sflag:s16] =	ssyncadd.s32 $0xFFFFFF80  }
0x26: {  	s0 =	simm.s32 $0x200;
	v8 =	vimm.s32 $0x1;
	v9 =	vld [tilespmem:s22+$0x10080]  }
.LBB2_2:
0x27: {  	p0 =	sne.s32 s0, $0x3E00  }
.Ltmp2:
0x28: {  	_ = 	snop;
	(pc) =	sbr.rel @p0 .LBB2_2-.Ltmp2, $3  }
0x29: {  	_ =	sdelay $0x1  }
0x2a: {  	s22 =	sshra.s32 s0, $0x2;
	s0 =	sadd.s32 $0x200, s0;
	vm0 =	vgt.s32 v8, v9  }
0x2b: {  	v8 =	vsel vm0, v8, v9;
	v9 =	vld [tilespmem:s22+$0x10080]  }
0x2c: {  	s24 =	simm.s32 $0x0  }
0x2d: {  	[tilespmem:s24], [sflag:$0x1] =	stream.strided.gather [hbm4b:s5+s18], $0x8000, s19, s18, $0x38;
	[tilespmem:$0x11200] =	vst v63  }
0x2e: {  	_ =	swait.ge [sflag:s16], $0x8000  }
0x2f: {  	[sflag:s16] =	ssyncset.done $0x0  }
0x30: {  	[sflag:s16] =	ssyncadd.s32 $0xFFFF8000  }
0x31: {  	v7 =	vld.msk [tilespmem:s17+$0x0], $0xffff;
	_ =	sdelay $0x4  }
0x32: {  	(xrf0) =	vmax.scan.msk.f32 $0xffff, v7;
	_ =	sdelay $0x5  }
0x33: {  	v7, _, _ =	vpop (xrf0)  }
0x34: {  	(v2sf) =	vpush v7, $0xF;
	_ =	sdelay $0xc  }
0x35: {  	s0 =	simm.s32 $0x0  }
0x36: {  	v10 =	vld [tilespmem:s0+$0x0]  }
0x37: {  	s23 =	spop (v2sf)  }
0x38: {  	s31 =	sadd.f32 $-1.031250000e+00, s23;
	_ =	sdelay $0x1  }
0x39: {  	v7 =	vmov s31  }
0x3a: {  	vm0 =	vgt.f32 v10, v7  }
0x3b: {  	v11 =	vsel vm0, $0x1, v1  }
0x3c: {  	(xrf0) =	vadd.scan.msk.s32 $0xffff, v11;
	_ =	sdelay $0x5  }
0x3d: {  	v11, _, _ =	vpop (xrf0)  }
0x3e: {  	vm1 =	vgt.s32 v8, v9;
	(v2sf) =	vpush v11, $0xF  }
0x3f: {  	s22 =	simm.s32 $0x80;
	v8 =	vsel vm1, v8, v9;
	s0 =	simm.s32 $0x10;
	[tilespmem:s24+$0x8000] =	vst.msk vm0, v10  }
.LBB2_4:
0x40: {  	p0 =	sne.s32 s22, $0x1FFC0;
	v9 =	vld [tilespmem:s0+$0x0];
	_ =	sdelay $0x4  }
0x41: {  	vm0 =	vgt.f32 v9, v7  }
0x42: {  	v10 =	vsel vm0, $0x1, v1  }
0x43: {  	(xrf0) =	vadd.scan.msk.s32 $0xffff, v10;
	_ =	sdelay $0x3  }
.Ltmp3:
0x44: {  	(pc) =	sbr.rel @p0 .LBB2_4-.Ltmp3, $4  }
0x45: {  	_ = 	snop  }
0x46: {  	v10, _, _ =	vpop (xrf0);
	s0 =	spop (v2sf)  }
0x47: {  	(v2sf) =	vpush v10, $0xF;
	s24 =	sadd.s32 s24, s0  }
0x48: {  	s0 =	sshra.s32 s22, $0x2;
	s22 =	sadd.s32 $0x40, s22;
	[tilespmem:s24+$0x8000] =	vst.msk vm0, v9  }
0x49: {  	v9 =	vld [tilespmem:s0+$0x0];
	_ =	sdelay $0x4  }
0x4a: {  	vm0 =	vgt.f32 v9, v7  }
0x4b: {  	v7 =	vsel vm0, $0x1, v1  }
0x4c: {  	(xrf0) =	vadd.scan.msk.s32 $0xffff, v7;
	v7 =	vxor.u32 $0x80000000, v8  }
0x4d: {  	(xrf0) =	vmax.scan.msk.u32 $0xffff, v7;
	_ =	sdelay $0x4  }
0x4e: {  	v7, _, _ =	vpop (xrf0)  }
0x4f: {  	(v2sf) =	vpush v7, $0xF;
	v7, _, _ =	vpop (xrf0)  }
0x50: {  	(v2sf) =	vpush v7, $0xF;
	_ =	sdelay $0xc  }
0x51: {  	s31 =	spop (v2sf)  }
0x52: {  	s25 =	spop (v2sf)  }
0x53: {  	s22 =	spop (v2sf)  }
0x54: {  	s22 =	sxor.u32 $0x80000000, s22  }
0x55: {  	s0 =	sadd.s32 s24, s31;
	p0 =	slt.s32 s22, $0x100  }
0x56: {  	s25 =	sadd.s32 s0, s25;
	s22 =	simm.s32 @!p0 $0x100  }
0x57: {  	p0 =	sge.s32 s25, s22  }
.Ltmp4:
0x58: {  	_ = 	snop;
	(pc) =	sbr.rel @p0 .LBB2_9-.Ltmp4, $3  }
0x59: {  	_ =	sdelay $0x1  }
0x5a: {  	[tilespmem:s0+$0x8000] =	vst.msk vm0, v9  }
0x5b: {  	s24 =	simm.f32 $1.031250000e+00;
	[tilespmem:s25+$0x8000] =	vst v0  }
.LBB2_6:
0x5c: {  	p0 =	slt.f32 s24, $1.600000000e+01  }
0x5d: {  	s0 =	simm.f32 $1.500000000e+00  }
0x5e: {  	s25 =	simm.s32 $0x0;
	s0 =	simm.s32 @!p0 $0x43800000  }
0x5f: {  	v8 =	vld [tilespmem:s25+$0x0];
	s24 =	smul.f32 s0, s24;
	_ =	sdelay $0x1  }
0x60: {  	s0 =	ssub.f32 s23, s24;
	_ =	sdelay $0x1  }
0x61: {  	v7 =	vmov s0  }
0x62: {  	vm0 =	vgt.f32 v8, v7  }
0x63: {  	v9 =	vsel vm0, $0x1, v1  }
0x64: {  	(xrf0) =	vadd.scan.msk.s32 $0xffff, v9;
	_ =	sdelay $0x5  }
0x65: {  	v9, _, _ =	vpop (xrf0)  }
0x66: {  	s25 =	simm.s32 $0x0;
	(v2sf) =	vpush v9, $0xF  }
0x67: {  	s26 =	simm.s32 $0x80;
	s0 =	simm.s32 $0x10;
	[tilespmem:s25+$0x8000] =	vst.msk vm0, v8  }
.LBB2_7:
0x68: {  	p0 =	sne.s32 s26, $0x1FFC0;
	v8 =	vld [tilespmem:s0+$0x0];
	_ =	sdelay $0x4  }
0x69: {  	vm0 =	vgt.f32 v8, v7  }
0x6a: {  	v9 =	vsel vm0, $0x1, v1  }
0x6b: {  	(xrf0) =	vadd.scan.msk.s32 $0xffff, v9;
	_ =	sdelay $0x3  }
.Ltmp5:
0x6c: {  	(pc) =	sbr.rel @p0 .LBB2_7-.Ltmp5, $4  }
0x6d: {  	_ = 	snop  }
0x6e: {  	v9, _, _ =	vpop (xrf0);
	s0 =	spop (v2sf)  }
0x6f: {  	(v2sf) =	vpush v9, $0xF;
	s25 =	sadd.s32 s25, s0  }
0x70: {  	s0 =	sshra.s32 s26, $0x2;
	s26 =	sadd.s32 $0x40, s26;
	[tilespmem:s25+$0x8000] =	vst.msk vm0, v8  }
0x71: {  	v8 =	vld [tilespmem:s0+$0x0];
	_ =	sdelay $0x4  }
0x72: {  	vm0 =	vgt.f32 v8, v7  }
0x73: {  	v7 =	vsel vm0, $0x1, v1  }
0x74: {  	(xrf0) =	vadd.scan.msk.s32 $0xffff, v7;
	_ =	sdelay $0x5  }
0x75: {  	v7, _, _ =	vpop (xrf0)  }
0x76: {  	(v2sf) =	vpush v7, $0xF;
	_ =	sdelay $0xd  }
0x77: {  	s30 =	spop (v2sf)  }
0x78: {  	s0 =	sadd.s32 s25, s30;
	s31 =	spop (v2sf)  }
0x79: {  	s25 =	sadd.s32 s0, s31  }
0x7a: {  	p0 =	slt.s32 s25, s22  }
.Ltmp6:
0x7b: {  	_ = 	snop;
	(pc) =	sbr.rel @p0 .LBB2_6-.Ltmp6, $3  }
0x7c: {  	_ =	sdelay $0x1  }
0x7d: {  	[tilespmem:s0+$0x8000] =	vst.msk vm0, v8  }
0x7e: {  	[tilespmem:s25+$0x8000] =	vst v0  }
.LBB2_9:
0x7f: {  	[tilespmem:$0x11100] =	vst v2  }
0x80: {  	[tilespmem:$0x11110] =	vst v2  }
0x81: {  	[tilespmem:$0x11120] =	vst v2  }
0x82: {  	[tilespmem:$0x11130] =	vst v2  }
0x83: {  	[tilespmem:$0x11140] =	vst v2  }
0x84: {  	[tilespmem:$0x11150] =	vst v2  }
0x85: {  	[tilespmem:$0x11160] =	vst v2  }
0x86: {  	[tilespmem:$0x11170] =	vst v2  }
0x87: {  	[tilespmem:$0x11180] =	vst v2  }
0x88: {  	[tilespmem:$0x11190] =	vst v2  }
0x89: {  	[tilespmem:$0x111A0] =	vst v2;
	s0 =	sadd.s32 $0xF, s25  }
.Ltmp7:
0x8a: {  	[tilespmem:$0x111B0] =	vst v2;
	s23 =	sshra.s32 s0, $0x4;
	(pc) =	sbr.rel .LBB2_10-.Ltmp7, $4  }
0x8b: {  	[tilespmem:$0x111C0] =	vst v2;
	p0 =	slt.s32 s23, $0x1  }
0x8c: {  	[tilespmem:$0x111D0] =	vst v2;
	s0 =	simm.s32 @!p0 $0x0  }
0x8d: {  	[tilespmem:$0x111E0] =	vst v2;
	s0 =	simm.s32 @p0 $0x1  }
0x8e: {  	[tilespmem:$0x111F0] =	vst v2;
	s25 =	simm.s32 $0x0;
	s24 =	simm.f32 $0.0e+00;
	[smem:$0x7FD] =	sst s0  }
.LBB2_11:
0x8f: {  	_ = 	snop  }
0x90: {  	s26 =	smov.u32 s25;
	s29 =	simm.s32 $0x0;
	s28 =	smov.u32 s14  }
.LBB2_33:
0x91: {  	p0 =	slt.s32 s26, s22  }
.Ltmp8:
0x92: {  	s0 =	scvt.s32.f32 s29;
	(pc) =	sbr.rel @!p0 .LBB2_34-.Ltmp8, $3  }
0x93: {  	_ = 	snop  }
0x94: {  	s0 =	smul.f32 s0, s28;
	_ =	sdelay $0x1  }
0x95: {  	s25 =	smov.u32 s26;
	s24 =	sadd.f32 s0, s24  }
.LBB2_10:
0x96: {  	s0 =	sld [smem:$0x7FD];
	_ =	sdelay $0x2  }
0x97: {  	p0 =	seq.s32 s0, $0x1  }
.Ltmp9:
0x98: {  	_ = 	snop;
	(pc) =	sbr.rel @p0 .LBB2_11-.Ltmp9, $1  }
0x99: {  	_ =	sdelay $0x3  }
0x9a: {  	p0 =	sne.s32 s23, $0x1  }
.Ltmp10:
0x9b: {  	_ = 	snop;
	(pc) =	sbr.rel @!p0 .LBB2_14-.Ltmp10, $3  }
0x9c: {  	_ =	sdelay $0x1  }
0x9d: {  	s26 =	simm.s32 $0x8000  }
0x9e: {  	v7 =	vimm.f32 $-3.000000010e+38;
	s0 =	sadd.s32 $0xFFFFFFFF, s23;
	s28 =	simm.s32 $0x8000;
	v8 =	vld [tilespmem:s26+$0x0]  }
.LBB2_13:
0x9f: {  	p1 =	sne.s32 s0, $0x1  }
.Ltmp11:
0xa0: {  	_ = 	snop;
	(pc) =	sbr.rel @p1 .LBB2_13-.Ltmp11, $3  }
0xa1: {  	_ =	sdelay $0x1  }
0xa2: {  	s0 =	sadd.s32 $0xFFFFFFFF, s0;
	s28 =	sadd.s32 $0x10, s28;
	v7 =	vmax.f32 v7, v8  }
0xa3: {  	v8 =	vld [tilespmem:s28+$0x0]  }
.LBB2_14:
0xa4: {  	_ =	sdelay $0x3  }
0xa5: {  	v7 =	vmax.f32 v7, v8  }
0xa6: {  	(xrf0) =	vmax.scan.msk.f32 $0xffff, v7;
	_ =	sdelay $0x5  }
0xa7: {  	v7, _, _ =	vpop (xrf0)  }
0xa8: {  	(v2sf) =	vpush v7, $0xF;
	_ =	sdelay $0xa  }
.Ltmp12:
0xa9: {  	_ = 	snop;
	(pc) =	sbr.rel @!p0 .LBB2_15-.Ltmp12, $4  }
0xaa: {  	_ = 	snop  }
0xab: {  	s29 =	simm.s32 $0x0;
	s0 =	sadd.s32 $0xFFFFFFFF, s23;
	p1 =	por $0x0, $0x0  }
0xac: {  	p2 =	por $0x0, $0x0;
	p3 =	por $0x0, $0x0;
	p4 =	por $0x0, $0x0  }
0xad: {  	p5 =	por $0x0, $0x0;
	p6 =	por $0x0, $0x0;
	v7 =	vbroadcast v7, $0xF;
	s28 =	spop (v2sf)  }
0xae: {  	p0 =	sne.s32 s0, $0x1  }
.Ltmp13:
0xaf: {  	_ = 	snop;
	(pc) =	sbr.rel @!p0 .LBB2_17-.Ltmp13, $2  }
0xb0: {  	_ =	sdelay $0x2  }
0xb1: {  	s0 =	sadd.s32 $0xFFFFFFFF, s0;
	p1 =	por $0x1, $0x1  }
0xb2: {  	p0 =	sne.s32 s0, $0x1  }
.Ltmp14:
0xb3: {  	_ = 	snop;
	(pc) =	sbr.rel @!p0 .LBB2_19-.Ltmp14, $2  }
0xb4: {  	_ =	sdelay $0x2  }
0xb5: {  	s0 =	sadd.s32 $0xFFFFFFFF, s0;
	p2 =	por $0x1, $0x1  }
0xb6: {  	p0 =	sne.s32 s0, $0x1  }
.Ltmp15:
0xb7: {  	_ = 	snop;
	(pc) =	sbr.rel @!p0 .LBB2_21-.Ltmp15, $2  }
0xb8: {  	_ =	sdelay $0x2  }
0xb9: {  	v9 =	vld [tilespmem:s26+$0x0];
	s0 =	sadd.s32 $0xFFFFFFFF, s0;
	p3 =	por $0x1, $0x1  }
0xba: {  	_ =	sdelay $0x1  }
0xbb: {  	p0 =	sne.s32 s0, $0x1  }
.Ltmp16:
0xbc: {  	_ = 	snop;
	(pc) =	sbr.rel @!p0 .LBB2_23-.Ltmp16, $4  }
0xbd: {  	vm0 =	veq.f32 v9, v7  }
0xbe: {  	v8 =	vsel vm0, $0xFF61B1E6, v9  }
0xbf: {  	s31 =	simm.s32 $0x8010;
	v9 =	vsel vm0, $0x1, v1;
	[tilespmem:s26+$0x0] =	vst v8  }
0xc0: {  	s0 =	sadd.s32 $0xFFFFFFFF, s0;
	p4 =	por $0x1, $0x1;
	(xrf0) =	vadd.scan.msk.s32 $0xffff, v9;
	v8 =	vld [tilespmem:s31+$0x0]  }
0xc1: {  	_ =	sdelay $0x3  }
0xc2: {  	vm0 =	veq.f32 v8, v7  }
0xc3: {  	v9 =	vsel vm0, $0xFF61B1E6, v8;
	_ =	sdelay $0x2  }
0xc4: {  	[tilespmem:s31+$0x0] =	vst v9;
	v9, _, _ =	vpop (xrf0)  }
0xc5: {  	(v2sf) =	vpush v9, $0xF;
	_ =	sdelay $0x5  }
0xc6: {  	p0 =	sne.s32 s0, $0x1  }
.Ltmp17:
0xc7: {  	_ = 	snop;
	(pc) =	sbr.rel @!p0 .LBB2_25-.Ltmp17, $3  }
0xc8: {  	_ =	sdelay $0x1  }
0xc9: {  	v10 =	vsel vm0, $0x1, v1;
	s31 =	simm.s32 $0x8020  }
0xca: {  	s0 =	sadd.s32 $0xFFFFFFFF, s0;
	p5 =	por $0x1, $0x1;
	(xrf0) =	vadd.scan.msk.s32 $0xffff, v10;
	v10 =	vld [tilespmem:s31+$0x0]  }
0xcb: {  	_ =	sdelay $0x3  }
0xcc: {  	vm0 =	veq.f32 v10, v7  }
0xcd: {  	v9 =	vsel vm0, $0xFF61B1E6, v10;
	_ =	sdelay $0x2  }
0xce: {  	[tilespmem:s31+$0x0] =	vst v9;
	v9, _, _ =	vpop (xrf0)  }
0xcf: {  	(v2sf) =	vpush v9, $0xF;
	_ =	sdelay $0x1  }
0xd0: {  	p0 =	sne.s32 s0, $0x1  }
.Ltmp18:
0xd1: {  	_ = 	snop;
	(pc) =	sbr.rel @!p0 .LBB2_27-.Ltmp18, $4  }
0xd2: {  	v11 =	vsel vm0, $0x1, v1  }
0xd3: {  	s31 =	simm.s32 $0x8030;
	(xrf0) =	vadd.scan.msk.s32 $0xffff, v11  }
0xd4: {  	v9 =	vld [tilespmem:s31+$0x0]  }
0xd5: {  	s0 =	sadd.s32 $0xFFFFFFFF, s0;
	p6 =	por $0x1, $0x1;
	s30 =	simm.s32 $0x0  }
.LBB2_28:
0xd6: {  	p0 =	sne.s32 s0, $0x1;
	_ =	sdelay $0x2  }
.Ltmp19:
0xd7: {  	vm0 =	veq.f32 v9, v7;
	v11, _, _ =	vpop (xrf0);
	s2 =	spop (v2sf);
	(pc) =	sbr.rel @p0 .LBB2_28-.Ltmp19, $4  }
0xd8: {  	v9 =	vsel vm0, $0xFF61B1E6, v9;
	v12 =	vsel vm0, $0x1, v1;
	(v2sf) =	vpush v11, $0xF;
	s30 =	sadd.s32 s30, s2  }
0xd9: {  	[tilespmem:s31+$0x0] =	vst v9;
	s31 =	sadd.s32 $0x10, s31;
	(xrf0) =	vadd.scan.msk.s32 $0xffff, v12  }
0xda: {  	v9 =	vld [tilespmem:s31+$0x0]  }
0xdb: {  	s0 =	sadd.s32 $0xFFFFFFFF, s0  }
.LBB2_29:
0xdc: {  	_ =	sdelay $0x2  }
0xdd: {  	vm0 =	veq.f32 @p3 v9, v7  }
0xde: {  	s0 =	sadd.s32 @p3 $0x10, s31;
	s2 =	simm.s32 $0x8000;
	v9 =	vsel @p3 vm0, $0xFF61B1E6, v9  }
0xdf: {  	s2 =	smov.u32 @p3 s0;
	[tilespmem:s31+$0x0] =	vst @p3 v9  }
0xe0: {  	v9 =	vld @p2 [tilespmem:s2+$0x0];
	_ =	sdelay $0x4  }
0xe1: {  	v9 =	vpsel p2, v9, v10  }
0xe2: {  	vm1 =	veq.f32 @p2 v9, v7  }
0xe3: {  	s0 =	sadd.s32 @p2 $0x10, s2;
	s31 =	simm.s32 $0x8000;
	v9 =	vsel @p2 vm1, $0xFF61B1E6, v9  }
0xe4: {  	s31 =	smov.u32 @p2 s0;
	[tilespmem:s2+$0x0] =	vst @p2 v9  }
0xe5: {  	v9 =	vld @p1 [tilespmem:s31+$0x0];
	_ =	sdelay $0x4  }
0xe6: {  	v8 =	vpsel p1, v9, v8  }
0xe7: {  	vm2 =	veq.f32 @p1 v8, v7  }
0xe8: {  	s0 =	sadd.s32 @p1 $0x10, s31;
	v8 =	vsel @p1 vm2, $0xFF61B1E6, v8  }
0xe9: {  	s26 =	smov.u32 @p1 s0;
	[tilespmem:s31+$0x0] =	vst @p1 v8  }
0xea: {  	v8 =	vsel @p3 vm0, $0x1, v1;
	v63 =	vld [tilespmem:s26+$0x0]  }
0xeb: {  	(xrf0) =	vadd.scan.msk.s32 @p3 $0xffff, v8  }
0xec: {  	v8 =	vsel @p2 vm1, $0x1, v1  }
0xed: {  	(xrf0) =	vadd.scan.msk.s32 @p2 $0xffff, v8  }
0xee: {  	v8 =	vsel @p1 vm2, $0x1, v1  }
0xef: {  	v10, _, _ =	vpop @p4 (xrf0);
	(xrf0) =	vadd.scan.msk.s32 @p1 $0xffff, v8;
	vm15 =	veq.f32 v63, v7  }
0xf0: {  	(v2sf) =	vpush @p4 v10, $0xF;
	v7 =	vsel vm15, $0x1, v1  }
0xf1: {  	v8, _, _ =	vpop @p3 (xrf0);
	(xrf0) =	vadd.scan.msk.s32 $0xffff, v7  }
0xf2: {  	(v2sf) =	vpush @p3 v8, $0xF  }
0xf3: {  	v7, _, _ =	vpop @p2 (xrf0)  }
0xf4: {  	(v2sf) =	vpush @p2 v7, $0xF  }
0xf5: {  	v7, _, _ =	vpop @p1 (xrf0)  }
0xf6: {  	(v2sf) =	vpush @p1 v7, $0xF  }
0xf7: {  	v7, _, _ =	vpop (xrf0)  }
0xf8: {  	(v2sf) =	vpush v7, $0xF;
	_ =	sdelay $0x2  }
0xf9: {  	s0 =	spop @p6 (v2sf)  }
0xfa: {  	s0 =	sadd.s32 @p6 s30, s0;
	s2 =	simm.s32 $0x0  }
0xfb: {  	s30 =	spop @p5 (v2sf);
	s2 =	smov.u32 @p6 s0  }
0xfc: {  	s0 =	sadd.s32 @p5 s2, s30;
	s2 =	simm.s32 $0x0  }
0xfd: {  	s2 =	smov.u32 @p5 s0;
	s30 =	spop @p4 (v2sf)  }
0xfe: {  	s0 =	sadd.s32 @p4 s2, s30;
	s2 =	simm.s32 $0x0  }
0xff: {  	s2 =	smov.u32 @p4 s0;
	s30 =	spop @p3 (v2sf)  }
0x100: {  	s0 =	sadd.s32 @p3 s2, s30;
	s2 =	simm.s32 $0x0  }
0x101: {  	s2 =	smov.u32 @p3 s0;
	s30 =	spop @p2 (v2sf)  }
0x102: {  	s0 =	sadd.s32 @p2 s2, s30;
	s2 =	simm.s32 $0x0  }
0x103: {  	s2 =	smov.u32 @p2 s0;
	s0 =	spop @p1 (v2sf)  }
0x104: {  	s0 =	sadd.s32 @p1 s2, s0  }
0x105: {  	s29 =	smov.u32 @p1 s0;
	s31 =	spop (v2sf)  }
0x106: {  	s29 =	sadd.s32 s29, s31  }
0x107: {  	s0 =	sadd.s32 $0xF, s29  }
0x108: {  	s0 =	sshra.s32 s0, $0x4  }
0x109: {  	p0 =	slt.s32 s0, $0x1  }
.Ltmp20:
0x10a: {  	_ = 	snop;
	(pc) =	sbr.rel @p0 .LBB2_33-.Ltmp20, $3  }
0x10b: {  	_ =	sdelay $0x1  }
0x10c: {  	v7 =	vsel vm15, $0xFF61B1E6, v63  }
0x10d: {  	s28 =	smul.f32 s28, s28;
	[tilespmem:s26+$0x0] =	vst v7;
	s26 =	sadd.s32 s25, s29  }
0x10e: {  	v7 =	vmov s25  }
0x10f: {  	v7 =	vsub.s32 $0x1, v7  }
0x110: {  	v7 =	vbroadcast v7, $0x0  }
0x111: {  	v8 =	vadd.s32 s25, v3;
	p0 =	slt.s32 s26, s22;
	s2 =	smov.u32 s22  }
0x112: {  	s2 =	smov.u32 @p0 s26;
	p0 =	sne.s32 s0, $0x1;
	v9 =	vadd.s32 v8, v7  }
.Ltmp21:
0x113: {  	v12 =	vcvt.s32.f32 v9;
	v9 =	vmov s2;
	(pc) =	sbr.rel @!p0 .LBB2_32-.Ltmp21, $4  }
0x114: {  	vm0 =	vlt.s32 v8, v9  }
0x115: {  	v10 =	vmov s28  }
0x116: {  	v12 =	vmul.f32 v12, v10  }
0x117: {  	v11 =	vmov s24;
	s25 =	sadd.s32 $0x10, s25;
	s0 =	sadd.s32 $0xFFFFFFFF, s0  }
.LBB2_31:
0x118: {  	v13 =	vadd.s32 s25, v3;
	p0 =	sne.s32 s0, $0x1;
	s0 =	sadd.s32 $0xFFFFFFFF, s0;
	v12 =	vadd.f32 v12, v11  }
.Ltmp22:
0x119: {  	v14 =	vadd.s32 v13, v7;
	(pc) =	sbr.rel @p0 .LBB2_31-.Ltmp22, $3  }
0x11a: {  	v14 =	vcvt.s32.f32 v14;
	[tilespmem:v8+s20+$0x0] =	vst.idx.msk vm0, v12;
	vm0 =	vlt.s32 v13, v9;
	v8 =	vmov v13;
	_ =	sdelay $0x1  }
0x11b: {  	v12 =	vmul.f32 v14, v10  }
0x11c: {  	s25 =	sadd.s32 $0x10, s25  }
.LBB2_32:
0x11d: {  	_ = 	snop  }
.Ltmp23:
0x11e: {  	_ = 	snop;
	(pc) =	sbr.rel .LBB2_33-.Ltmp23, $3  }
0x11f: {  	_ = 	snop  }
0x120: {  	v7 =	vadd.f32 v12, v11;
	_ =	sdelay $0x1  }
0x121: {  	[tilespmem:v8+s20+$0x0] =	vst.idx.msk vm0, v7  }
.LBB2_15:
.Ltmp24:
0x122: {  	(pc) =	sbr.rel .LBB2_29-.Ltmp24, $2  }
0x123: {  	_ =	sdelay $0x2  }
0x124: {  	s30 =	simm.s32 $0x0;
	s31 =	simm.s32 $0x8000  }
.LBB2_17:
.Ltmp25:
0x125: {  	(pc) =	sbr.rel .LBB2_29-.Ltmp25, $2  }
0x126: {  	_ =	sdelay $0x2  }
0x127: {  	s30 =	simm.s32 $0x0;
	s31 =	simm.s32 $0x8000  }
.LBB2_19:
.Ltmp26:
0x128: {  	(pc) =	sbr.rel .LBB2_29-.Ltmp26, $2  }
0x129: {  	_ =	sdelay $0x2  }
0x12a: {  	s30 =	simm.s32 $0x0;
	s31 =	simm.s32 $0x8000  }
.LBB2_21:
.Ltmp27:
0x12b: {  	(pc) =	sbr.rel .LBB2_29-.Ltmp27, $2  }
0x12c: {  	_ =	sdelay $0x2  }
0x12d: {  	s30 =	simm.s32 $0x0;
	s31 =	simm.s32 $0x8000  }
.LBB2_23:
.Ltmp28:
0x12e: {  	_ = 	snop;
	(pc) =	sbr.rel .LBB2_29-.Ltmp28, $2  }
0x12f: {  	_ =	sdelay $0x2  }
0x130: {  	s30 =	simm.s32 $0x0;
	v9 =	vmov v8  }
.LBB2_25:
.Ltmp29:
0x131: {  	_ = 	snop;
	(pc) =	sbr.rel .LBB2_29-.Ltmp29, $2  }
0x132: {  	_ =	sdelay $0x2  }
0x133: {  	s30 =	simm.s32 $0x0;
	v9 =	vmov v10  }
.LBB2_27:
.Ltmp30:
0x134: {  	(pc) =	sbr.rel .LBB2_29-.Ltmp30, $2  }
0x135: {  	_ =	sdelay $0x2  }
0x136: {  	s30 =	simm.s32 $0x0  }
.LBB2_34:
0x137: {  	[hbm4b:s6+s18] =	stream.strided.scatter [tilespmem:s20], [sflag:$0x1], $0x100, s19, s18, $0x38;
	[tilespmem:$0x11200] =	vst v63  }
0x138: {  	_ =	swait.ge [sflag:s16], $0x100  }
0x139: {  	[sflag:s16] =	ssyncset.done $0x0  }
0x13a: {  	s24 =	simm.s32 $0x0;
	[sflag:s16] =	ssyncadd.s32 $0xFFFFFF00  }
0x13b: {  	[tilespmem:s24], [sflag:$0x1] =	stream.strided.gather [hbm4b:s7+s18], $0x8000, s19, s18, $0x38;
	[tilespmem:$0x11200] =	vst v63  }
0x13c: {  	_ =	swait.ge [sflag:s16], $0x8000  }
0x13d: {  	[sflag:s16] =	ssyncset.done $0x0  }
0x13e: {  	[sflag:s16] =	ssyncadd.s32 $0xFFFF8000  }
0x13f: {  	v7 =	vld.idx.msk [tilespmem:v4+s17+$0x0], $0xffff;
	_ =	sdelay $0x4  }
0x140: {  	(xrf0) =	vmax.scan.msk.f32 $0xffff, v7;
	_ =	sdelay $0x5  }
0x141: {  	v7, _, _ =	vpop (xrf0)  }
0x142: {  	(v2sf) =	vpush v7, $0xF;
	_ =	sdelay $0xc  }
0x143: {  	s0 =	simm.s32 $0x0  }
0x144: {  	v8 =	vld [tilespmem:s0+$0x0]  }
0x145: {  	s23 =	spop (v2sf)  }
0x146: {  	s31 =	sadd.f32 $-1.031250000e+00, s23;
	_ =	sdelay $0x1  }
0x147: {  	v7 =	vmov s31  }
0x148: {  	vm0 =	vgt.f32 v8, v7  }
0x149: {  	v9 =	vsel vm0, $0x1, v1  }
0x14a: {  	(xrf0) =	vadd.scan.msk.s32 $0xffff, v9;
	_ =	sdelay $0x5  }
0x14b: {  	v9, _, _ =	vpop (xrf0)  }
0x14c: {  	(v2sf) =	vpush v9, $0xF  }
0x14d: {  	s25 =	simm.s32 $0x80;
	s0 =	simm.s32 $0x10;
	[tilespmem:s24+$0x8000] =	vst.msk vm0, v8  }
.LBB2_35:
0x14e: {  	p0 =	sne.s32 s25, $0x1FFC0;
	v8 =	vld [tilespmem:s0+$0x0];
	_ =	sdelay $0x4  }
0x14f: {  	vm0 =	vgt.f32 v8, v7  }
0x150: {  	v9 =	vsel vm0, $0x1, v1  }
0x151: {  	(xrf0) =	vadd.scan.msk.s32 $0xffff, v9;
	_ =	sdelay $0x3  }
.Ltmp31:
0x152: {  	(pc) =	sbr.rel @p0 .LBB2_35-.Ltmp31, $4  }
0x153: {  	_ = 	snop  }
0x154: {  	v9, _, _ =	vpop (xrf0);
	s0 =	spop (v2sf)  }
0x155: {  	(v2sf) =	vpush v9, $0xF;
	s24 =	sadd.s32 s24, s0  }
0x156: {  	s0 =	sshra.s32 s25, $0x2;
	s25 =	sadd.s32 $0x40, s25;
	[tilespmem:s24+$0x8000] =	vst.msk vm0, v8  }
0x157: {  	v8 =	vld [tilespmem:s0+$0x0];
	_ =	sdelay $0x4  }
0x158: {  	vm0 =	vgt.f32 v8, v7  }
0x159: {  	v7 =	vsel vm0, $0x1, v1  }
0x15a: {  	(xrf0) =	vadd.scan.msk.s32 $0xffff, v7;
	_ =	sdelay $0x5  }
0x15b: {  	v7, _, _ =	vpop (xrf0)  }
0x15c: {  	(v2sf) =	vpush v7, $0xF;
	_ =	sdelay $0xd  }
0x15d: {  	s30 =	spop (v2sf)  }
0x15e: {  	s2 =	sadd.s32 s24, s30;
	s31 =	spop (v2sf)  }
0x15f: {  	s0 =	sadd.s32 s2, s31  }
0x160: {  	p0 =	sge.s32 s0, s22  }
.Ltmp32:
0x161: {  	_ = 	snop;
	(pc) =	sbr.rel @p0 .LBB2_40-.Ltmp32, $3  }
0x162: {  	_ =	sdelay $0x1  }
0x163: {  	[tilespmem:s2+$0x8000] =	vst.msk vm0, v8  }
0x164: {  	s24 =	simm.f32 $1.031250000e+00;
	[tilespmem:s0+$0x8000] =	vst v0  }
.LBB2_37:
0x165: {  	p0 =	slt.f32 s24, $1.600000000e+01  }
0x166: {  	s0 =	simm.f32 $1.500000000e+00  }
0x167: {  	s2 =	simm.s32 $0x0;
	s0 =	simm.s32 @!p0 $0x43800000  }
0x168: {  	v8 =	vld [tilespmem:s2+$0x0];
	s24 =	smul.f32 s0, s24;
	_ =	sdelay $0x1  }
0x169: {  	s0 =	ssub.f32 s23, s24;
	_ =	sdelay $0x1  }
0x16a: {  	v7 =	vmov s0  }
0x16b: {  	vm0 =	vgt.f32 v8, v7  }
0x16c: {  	v9 =	vsel vm0, $0x1, v1  }
0x16d: {  	(xrf0) =	vadd.scan.msk.s32 $0xffff, v9;
	_ =	sdelay $0x5  }
0x16e: {  	v9, _, _ =	vpop (xrf0)  }
0x16f: {  	s25 =	simm.s32 $0x0;
	(v2sf) =	vpush v9, $0xF  }
0x170: {  	s26 =	simm.s32 $0x80;
	s0 =	simm.s32 $0x10;
	[tilespmem:s25+$0x8000] =	vst.msk vm0, v8  }
.LBB2_38:
0x171: {  	p0 =	sne.s32 s26, $0x1FFC0;
	v8 =	vld [tilespmem:s0+$0x0];
	_ =	sdelay $0x4  }
0x172: {  	vm0 =	vgt.f32 v8, v7  }
0x173: {  	v9 =	vsel vm0, $0x1, v1  }
0x174: {  	(xrf0) =	vadd.scan.msk.s32 $0xffff, v9;
	_ =	sdelay $0x3  }
.Ltmp33:
0x175: {  	(pc) =	sbr.rel @p0 .LBB2_38-.Ltmp33, $4  }
0x176: {  	_ = 	snop  }
0x177: {  	v9, _, _ =	vpop (xrf0);
	s0 =	spop (v2sf)  }
0x178: {  	(v2sf) =	vpush v9, $0xF;
	s25 =	sadd.s32 s25, s0  }
0x179: {  	s0 =	sshra.s32 s26, $0x2;
	s26 =	sadd.s32 $0x40, s26;
	[tilespmem:s25+$0x8000] =	vst.msk vm0, v8  }
0x17a: {  	v8 =	vld [tilespmem:s0+$0x0];
	_ =	sdelay $0x4  }
0x17b: {  	vm0 =	vgt.f32 v8, v7  }
0x17c: {  	v7 =	vsel vm0, $0x1, v1  }
0x17d: {  	(xrf0) =	vadd.scan.msk.s32 $0xffff, v7;
	_ =	sdelay $0x5  }
0x17e: {  	v7, _, _ =	vpop (xrf0)  }
0x17f: {  	(v2sf) =	vpush v7, $0xF;
	_ =	sdelay $0xd  }
0x180: {  	s30 =	spop (v2sf)  }
0x181: {  	s2 =	sadd.s32 s25, s30;
	s31 =	spop (v2sf)  }
0x182: {  	s0 =	sadd.s32 s2, s31  }
0x183: {  	p0 =	slt.s32 s0, s22  }
.Ltmp34:
0x184: {  	_ = 	snop;
	(pc) =	sbr.rel @p0 .LBB2_37-.Ltmp34, $3  }
0x185: {  	_ =	sdelay $0x1  }
0x186: {  	[tilespmem:s2+$0x8000] =	vst.msk vm0, v8  }
0x187: {  	[tilespmem:s0+$0x8000] =	vst v0  }
.LBB2_40:
0x188: {  	[tilespmem:$0x11100] =	vst v2  }
0x189: {  	[tilespmem:$0x11110] =	vst v2  }
0x18a: {  	[tilespmem:$0x11120] =	vst v2  }
0x18b: {  	[tilespmem:$0x11130] =	vst v2  }
0x18c: {  	[tilespmem:$0x11140] =	vst v2  }
0x18d: {  	[tilespmem:$0x11150] =	vst v2  }
0x18e: {  	[tilespmem:$0x11160] =	vst v2  }
0x18f: {  	[tilespmem:$0x11170] =	vst v2  }
0x190: {  	[tilespmem:$0x11180] =	vst v2  }
0x191: {  	[tilespmem:$0x11190] =	vst v2  }
0x192: {  	[tilespmem:$0x111A0] =	vst v2;
	s0 =	sadd.s32 $0xF, s0  }
.Ltmp35:
0x193: {  	[tilespmem:$0x111B0] =	vst v2;
	s23 =	sshra.s32 s0, $0x4;
	(pc) =	sbr.rel .LBB2_41-.Ltmp35, $4  }
0x194: {  	[tilespmem:$0x111C0] =	vst v2;
	p0 =	slt.s32 s23, $0x1  }
0x195: {  	[tilespmem:$0x111D0] =	vst v2;
	s0 =	simm.s32 @!p0 $0x0  }
0x196: {  	[tilespmem:$0x111E0] =	vst v2;
	s0 =	simm.s32 @p0 $0x1  }
0x197: {  	[tilespmem:$0x111F0] =	vst v2;
	s25 =	simm.s32 $0x0;
	s24 =	simm.f32 $0.0e+00;
	[smem:$0x7FC] =	sst s0  }
.LBB2_42:
0x198: {  	_ = 	snop  }
0x199: {  	s26 =	smov.u32 s25;
	s29 =	simm.s32 $0x0;
	s28 =	smov.u32 s14  }
.LBB2_64:
0x19a: {  	p0 =	slt.s32 s26, s22  }
.Ltmp36:
0x19b: {  	s0 =	scvt.s32.f32 s29;
	(pc) =	sbr.rel @!p0 .LBB2_65-.Ltmp36, $3  }
0x19c: {  	_ = 	snop  }
0x19d: {  	s0 =	smul.f32 s0, s28;
	_ =	sdelay $0x1  }
0x19e: {  	s25 =	smov.u32 s26;
	s24 =	sadd.f32 s0, s24  }
.LBB2_41:
0x19f: {  	s0 =	sld [smem:$0x7FC];
	_ =	sdelay $0x2  }
0x1a0: {  	p0 =	seq.s32 s0, $0x1  }
.Ltmp37:
0x1a1: {  	_ = 	snop;
	(pc) =	sbr.rel @p0 .LBB2_42-.Ltmp37, $1  }
0x1a2: {  	_ =	sdelay $0x3  }
0x1a3: {  	p0 =	sne.s32 s23, $0x1  }
.Ltmp38:
0x1a4: {  	_ = 	snop;
	(pc) =	sbr.rel @!p0 .LBB2_45-.Ltmp38, $3  }
0x1a5: {  	_ =	sdelay $0x1  }
0x1a6: {  	s26 =	simm.s32 $0x8000  }
0x1a7: {  	v7 =	vimm.f32 $-3.000000010e+38;
	s0 =	sadd.s32 $0xFFFFFFFF, s23;
	s28 =	simm.s32 $0x8000;
	v8 =	vld [tilespmem:s26+$0x0]  }
.LBB2_44:
0x1a8: {  	p1 =	sne.s32 s0, $0x1  }
.Ltmp39:
0x1a9: {  	_ = 	snop;
	(pc) =	sbr.rel @p1 .LBB2_44-.Ltmp39, $3  }
0x1aa: {  	_ =	sdelay $0x1  }
0x1ab: {  	s0 =	sadd.s32 $0xFFFFFFFF, s0;
	s28 =	sadd.s32 $0x10, s28;
	v7 =	vmax.f32 v7, v8  }
0x1ac: {  	v8 =	vld [tilespmem:s28+$0x0]  }
.LBB2_45:
0x1ad: {  	_ =	sdelay $0x3  }
0x1ae: {  	v7 =	vmax.f32 v7, v8  }
0x1af: {  	(xrf0) =	vmax.scan.msk.f32 $0xffff, v7;
	_ =	sdelay $0x5  }
0x1b0: {  	v7, _, _ =	vpop (xrf0)  }
0x1b1: {  	(v2sf) =	vpush v7, $0xF;
	_ =	sdelay $0xa  }
.Ltmp40:
0x1b2: {  	_ = 	snop;
	(pc) =	sbr.rel @!p0 .LBB2_46-.Ltmp40, $4  }
0x1b3: {  	_ = 	snop  }
0x1b4: {  	s29 =	simm.s32 $0x0;
	s0 =	sadd.s32 $0xFFFFFFFF, s23;
	p1 =	por $0x0, $0x0  }
0x1b5: {  	p2 =	por $0x0, $0x0;
	p3 =	por $0x0, $0x0;
	p4 =	por $0x0, $0x0  }
0x1b6: {  	p5 =	por $0x0, $0x0;
	p6 =	por $0x0, $0x0;
	v7 =	vbroadcast v7, $0xF;
	s28 =	spop (v2sf)  }
0x1b7: {  	p0 =	sne.s32 s0, $0x1  }
.Ltmp41:
0x1b8: {  	_ = 	snop;
	(pc) =	sbr.rel @!p0 .LBB2_48-.Ltmp41, $2  }
0x1b9: {  	_ =	sdelay $0x2  }
0x1ba: {  	s0 =	sadd.s32 $0xFFFFFFFF, s0;
	p1 =	por $0x1, $0x1  }
0x1bb: {  	p0 =	sne.s32 s0, $0x1  }
.Ltmp42:
0x1bc: {  	_ = 	snop;
	(pc) =	sbr.rel @!p0 .LBB2_50-.Ltmp42, $2  }
0x1bd: {  	_ =	sdelay $0x2  }
0x1be: {  	s0 =	sadd.s32 $0xFFFFFFFF, s0;
	p2 =	por $0x1, $0x1  }
0x1bf: {  	p0 =	sne.s32 s0, $0x1  }
.Ltmp43:
0x1c0: {  	_ = 	snop;
	(pc) =	sbr.rel @!p0 .LBB2_52-.Ltmp43, $2  }
0x1c1: {  	_ =	sdelay $0x2  }
0x1c2: {  	v9 =	vld [tilespmem:s26+$0x0];
	s0 =	sadd.s32 $0xFFFFFFFF, s0;
	p3 =	por $0x1, $0x1  }
0x1c3: {  	_ =	sdelay $0x1  }
0x1c4: {  	p0 =	sne.s32 s0, $0x1  }
.Ltmp44:
0x1c5: {  	_ = 	snop;
	(pc) =	sbr.rel @!p0 .LBB2_54-.Ltmp44, $4  }
0x1c6: {  	vm0 =	veq.f32 v9, v7  }
0x1c7: {  	v8 =	vsel vm0, $0xFF61B1E6, v9  }
0x1c8: {  	s31 =	simm.s32 $0x8010;
	v9 =	vsel vm0, $0x1, v1;
	[tilespmem:s26+$0x0] =	vst v8  }
0x1c9: {  	s0 =	sadd.s32 $0xFFFFFFFF, s0;
	p4 =	por $0x1, $0x1;
	(xrf0) =	vadd.scan.msk.s32 $0xffff, v9;
	v8 =	vld [tilespmem:s31+$0x0]  }
0x1ca: {  	_ =	sdelay $0x3  }
0x1cb: {  	vm0 =	veq.f32 v8, v7  }
0x1cc: {  	v9 =	vsel vm0, $0xFF61B1E6, v8;
	_ =	sdelay $0x2  }
0x1cd: {  	[tilespmem:s31+$0x0] =	vst v9;
	v9, _, _ =	vpop (xrf0)  }
0x1ce: {  	(v2sf) =	vpush v9, $0xF;
	_ =	sdelay $0x5  }
0x1cf: {  	p0 =	sne.s32 s0, $0x1  }
.Ltmp45:
0x1d0: {  	_ = 	snop;
	(pc) =	sbr.rel @!p0 .LBB2_56-.Ltmp45, $3  }
0x1d1: {  	_ =	sdelay $0x1  }
0x1d2: {  	v10 =	vsel vm0, $0x1, v1;
	s31 =	simm.s32 $0x8020  }
0x1d3: {  	s0 =	sadd.s32 $0xFFFFFFFF, s0;
	p5 =	por $0x1, $0x1;
	(xrf0) =	vadd.scan.msk.s32 $0xffff, v10;
	v10 =	vld [tilespmem:s31+$0x0]  }
0x1d4: {  	_ =	sdelay $0x3  }
0x1d5: {  	vm0 =	veq.f32 v10, v7  }
0x1d6: {  	v9 =	vsel vm0, $0xFF61B1E6, v10;
	_ =	sdelay $0x2  }
0x1d7: {  	[tilespmem:s31+$0x0] =	vst v9;
	v9, _, _ =	vpop (xrf0)  }
0x1d8: {  	(v2sf) =	vpush v9, $0xF;
	_ =	sdelay $0x1  }
0x1d9: {  	p0 =	sne.s32 s0, $0x1  }
.Ltmp46:
0x1da: {  	_ = 	snop;
	(pc) =	sbr.rel @!p0 .LBB2_58-.Ltmp46, $4  }
0x1db: {  	v11 =	vsel vm0, $0x1, v1  }
0x1dc: {  	s31 =	simm.s32 $0x8030;
	(xrf0) =	vadd.scan.msk.s32 $0xffff, v11  }
0x1dd: {  	v9 =	vld [tilespmem:s31+$0x0]  }
0x1de: {  	s0 =	sadd.s32 $0xFFFFFFFF, s0;
	p6 =	por $0x1, $0x1;
	s30 =	simm.s32 $0x0  }
.LBB2_59:
0x1df: {  	p0 =	sne.s32 s0, $0x1;
	_ =	sdelay $0x2  }
.Ltmp47:
0x1e0: {  	vm0 =	veq.f32 v9, v7;
	v11, _, _ =	vpop (xrf0);
	s2 =	spop (v2sf);
	(pc) =	sbr.rel @p0 .LBB2_59-.Ltmp47, $4  }
0x1e1: {  	v9 =	vsel vm0, $0xFF61B1E6, v9;
	v12 =	vsel vm0, $0x1, v1;
	(v2sf) =	vpush v11, $0xF;
	s30 =	sadd.s32 s30, s2  }
0x1e2: {  	[tilespmem:s31+$0x0] =	vst v9;
	s31 =	sadd.s32 $0x10, s31;
	(xrf0) =	vadd.scan.msk.s32 $0xffff, v12  }
0x1e3: {  	v9 =	vld [tilespmem:s31+$0x0]  }
0x1e4: {  	s0 =	sadd.s32 $0xFFFFFFFF, s0  }
.LBB2_60:
0x1e5: {  	_ =	sdelay $0x2  }
0x1e6: {  	vm0 =	veq.f32 @p3 v9, v7  }
0x1e7: {  	s0 =	sadd.s32 @p3 $0x10, s31;
	s2 =	simm.s32 $0x8000;
	v9 =	vsel @p3 vm0, $0xFF61B1E6, v9  }
0x1e8: {  	s2 =	smov.u32 @p3 s0;
	[tilespmem:s31+$0x0] =	vst @p3 v9  }
0x1e9: {  	v9 =	vld @p2 [tilespmem:s2+$0x0];
	_ =	sdelay $0x4  }
0x1ea: {  	v9 =	vpsel p2, v9, v10  }
0x1eb: {  	vm1 =	veq.f32 @p2 v9, v7  }
0x1ec: {  	s0 =	sadd.s32 @p2 $0x10, s2;
	s31 =	simm.s32 $0x8000;
	v9 =	vsel @p2 vm1, $0xFF61B1E6, v9  }
0x1ed: {  	s31 =	smov.u32 @p2 s0;
	[tilespmem:s2+$0x0] =	vst @p2 v9  }
0x1ee: {  	v9 =	vld @p1 [tilespmem:s31+$0x0];
	_ =	sdelay $0x4  }
0x1ef: {  	v8 =	vpsel p1, v9, v8  }
0x1f0: {  	vm2 =	veq.f32 @p1 v8, v7  }
0x1f1: {  	s0 =	sadd.s32 @p1 $0x10, s31;
	v8 =	vsel @p1 vm2, $0xFF61B1E6, v8  }
0x1f2: {  	s26 =	smov.u32 @p1 s0;
	[tilespmem:s31+$0x0] =	vst @p1 v8  }
0x1f3: {  	v8 =	vsel @p3 vm0, $0x1, v1;
	v63 =	vld [tilespmem:s26+$0x0]  }
0x1f4: {  	(xrf0) =	vadd.scan.msk.s32 @p3 $0xffff, v8  }
0x1f5: {  	v8 =	vsel @p2 vm1, $0x1, v1  }
0x1f6: {  	(xrf0) =	vadd.scan.msk.s32 @p2 $0xffff, v8  }
0x1f7: {  	v8 =	vsel @p1 vm2, $0x1, v1  }
0x1f8: {  	v10, _, _ =	vpop @p4 (xrf0);
	(xrf0) =	vadd.scan.msk.s32 @p1 $0xffff, v8;
	vm15 =	veq.f32 v63, v7  }
0x1f9: {  	(v2sf) =	vpush @p4 v10, $0xF;
	v7 =	vsel vm15, $0x1, v1  }
0x1fa: {  	v8, _, _ =	vpop @p3 (xrf0);
	(xrf0) =	vadd.scan.msk.s32 $0xffff, v7  }
0x1fb: {  	(v2sf) =	vpush @p3 v8, $0xF  }
0x1fc: {  	v7, _, _ =	vpop @p2 (xrf0)  }
0x1fd: {  	(v2sf) =	vpush @p2 v7, $0xF  }
0x1fe: {  	v7, _, _ =	vpop @p1 (xrf0)  }
0x1ff: {  	(v2sf) =	vpush @p1 v7, $0xF  }
0x200: {  	v7, _, _ =	vpop (xrf0)  }
0x201: {  	(v2sf) =	vpush v7, $0xF;
	_ =	sdelay $0x2  }
0x202: {  	s0 =	spop @p6 (v2sf)  }
0x203: {  	s0 =	sadd.s32 @p6 s30, s0;
	s2 =	simm.s32 $0x0  }
0x204: {  	s30 =	spop @p5 (v2sf);
	s2 =	smov.u32 @p6 s0  }
0x205: {  	s0 =	sadd.s32 @p5 s2, s30;
	s2 =	simm.s32 $0x0  }
0x206: {  	s2 =	smov.u32 @p5 s0;
	s30 =	spop @p4 (v2sf)  }
0x207: {  	s0 =	sadd.s32 @p4 s2, s30;
	s2 =	simm.s32 $0x0  }
0x208: {  	s2 =	smov.u32 @p4 s0;
	s30 =	spop @p3 (v2sf)  }
0x209: {  	s0 =	sadd.s32 @p3 s2, s30;
	s2 =	simm.s32 $0x0  }
0x20a: {  	s2 =	smov.u32 @p3 s0;
	s30 =	spop @p2 (v2sf)  }
0x20b: {  	s0 =	sadd.s32 @p2 s2, s30;
	s2 =	simm.s32 $0x0  }
0x20c: {  	s2 =	smov.u32 @p2 s0;
	s0 =	spop @p1 (v2sf)  }
0x20d: {  	s0 =	sadd.s32 @p1 s2, s0  }
0x20e: {  	s29 =	smov.u32 @p1 s0;
	s31 =	spop (v2sf)  }
0x20f: {  	s29 =	sadd.s32 s29, s31  }
0x210: {  	s0 =	sadd.s32 $0xF, s29  }
0x211: {  	s0 =	sshra.s32 s0, $0x4  }
0x212: {  	p0 =	slt.s32 s0, $0x1  }
.Ltmp48:
0x213: {  	_ = 	snop;
	(pc) =	sbr.rel @p0 .LBB2_64-.Ltmp48, $3  }
0x214: {  	_ =	sdelay $0x1  }
0x215: {  	v7 =	vsel vm15, $0xFF61B1E6, v63  }
0x216: {  	s28 =	smul.f32 s28, s28;
	[tilespmem:s26+$0x0] =	vst v7;
	s26 =	sadd.s32 s25, s29  }
0x217: {  	v7 =	vmov s25  }
0x218: {  	v7 =	vsub.s32 $0x1, v7  }
0x219: {  	v7 =	vbroadcast v7, $0x0  }
0x21a: {  	v8 =	vadd.s32 s25, v3;
	p0 =	slt.s32 s26, s22;
	s2 =	smov.u32 s22  }
0x21b: {  	s2 =	smov.u32 @p0 s26;
	p0 =	sne.s32 s0, $0x1;
	v9 =	vadd.s32 v8, v7  }
.Ltmp49:
0x21c: {  	v12 =	vcvt.s32.f32 v9;
	v9 =	vmov s2;
	(pc) =	sbr.rel @!p0 .LBB2_63-.Ltmp49, $4  }
0x21d: {  	vm0 =	vlt.s32 v8, v9  }
0x21e: {  	v10 =	vmov s28  }
0x21f: {  	v12 =	vmul.f32 v12, v10  }
0x220: {  	v11 =	vmov s24;
	s25 =	sadd.s32 $0x10, s25;
	s0 =	sadd.s32 $0xFFFFFFFF, s0  }
.LBB2_62:
0x221: {  	v13 =	vadd.s32 s25, v3;
	p0 =	sne.s32 s0, $0x1;
	s0 =	sadd.s32 $0xFFFFFFFF, s0;
	v12 =	vadd.f32 v12, v11  }
.Ltmp50:
0x222: {  	v14 =	vadd.s32 v13, v7;
	(pc) =	sbr.rel @p0 .LBB2_62-.Ltmp50, $3  }
0x223: {  	v14 =	vcvt.s32.f32 v14;
	[tilespmem:v8+s20+$0x0] =	vst.idx.msk vm0, v12;
	vm0 =	vlt.s32 v13, v9;
	v8 =	vmov v13;
	_ =	sdelay $0x1  }
0x224: {  	v12 =	vmul.f32 v14, v10  }
0x225: {  	s25 =	sadd.s32 $0x10, s25  }
.LBB2_63:
0x226: {  	_ = 	snop  }
.Ltmp51:
0x227: {  	_ = 	snop;
	(pc) =	sbr.rel .LBB2_64-.Ltmp51, $3  }
0x228: {  	_ = 	snop  }
0x229: {  	v7 =	vadd.f32 v12, v11;
	_ =	sdelay $0x1  }
0x22a: {  	[tilespmem:v8+s20+$0x0] =	vst.idx.msk vm0, v7  }
.LBB2_46:
.Ltmp52:
0x22b: {  	(pc) =	sbr.rel .LBB2_60-.Ltmp52, $2  }
0x22c: {  	_ =	sdelay $0x2  }
0x22d: {  	s30 =	simm.s32 $0x0;
	s31 =	simm.s32 $0x8000  }
.LBB2_48:
.Ltmp53:
0x22e: {  	(pc) =	sbr.rel .LBB2_60-.Ltmp53, $2  }
0x22f: {  	_ =	sdelay $0x2  }
0x230: {  	s30 =	simm.s32 $0x0;
	s31 =	simm.s32 $0x8000  }
.LBB2_50:
.Ltmp54:
0x231: {  	(pc) =	sbr.rel .LBB2_60-.Ltmp54, $2  }
0x232: {  	_ =	sdelay $0x2  }
0x233: {  	s30 =	simm.s32 $0x0;
	s31 =	simm.s32 $0x8000  }
.LBB2_52:
.Ltmp55:
0x234: {  	(pc) =	sbr.rel .LBB2_60-.Ltmp55, $2  }
0x235: {  	_ =	sdelay $0x2  }
0x236: {  	s30 =	simm.s32 $0x0;
	s31 =	simm.s32 $0x8000  }
.LBB2_54:
.Ltmp56:
0x237: {  	_ = 	snop;
	(pc) =	sbr.rel .LBB2_60-.Ltmp56, $2  }
0x238: {  	_ =	sdelay $0x2  }
0x239: {  	s30 =	simm.s32 $0x0;
	v9 =	vmov v8  }
.LBB2_56:
.Ltmp57:
0x23a: {  	_ = 	snop;
	(pc) =	sbr.rel .LBB2_60-.Ltmp57, $2  }
0x23b: {  	_ =	sdelay $0x2  }
0x23c: {  	s30 =	simm.s32 $0x0;
	v9 =	vmov v10  }
.LBB2_58:
.Ltmp58:
0x23d: {  	(pc) =	sbr.rel .LBB2_60-.Ltmp58, $2  }
0x23e: {  	_ =	sdelay $0x2  }
0x23f: {  	s30 =	simm.s32 $0x0  }
.LBB2_65:
0x240: {  	[hbm4b:s8+s18] =	stream.strided.scatter [tilespmem:s20], [sflag:$0x1], $0x100, s19, s18, $0x38;
	[tilespmem:$0x11200] =	vst v63  }
0x241: {  	_ =	swait.ge [sflag:s16], $0x100  }
0x242: {  	[sflag:s16] =	ssyncset.done $0x0  }
0x243: {  	s24 =	simm.s32 $0x0;
	[sflag:s16] =	ssyncadd.s32 $0xFFFFFF00  }
0x244: {  	[tilespmem:s24], [sflag:$0x1] =	stream.strided.gather [hbm4b:s9+s18], $0x8000, s19, s18, $0x38;
	[tilespmem:$0x11200] =	vst v63  }
0x245: {  	_ =	swait.ge [sflag:s16], $0x8000  }
0x246: {  	[sflag:s16] =	ssyncset.done $0x0  }
0x247: {  	[sflag:s16] =	ssyncadd.s32 $0xFFFF8000  }
0x248: {  	v7 =	vld.idx.msk [tilespmem:v5+s17+$0x0], $0xffff;
	_ =	sdelay $0x4  }
0x249: {  	(xrf0) =	vmax.scan.msk.f32 $0xffff, v7;
	_ =	sdelay $0x5  }
0x24a: {  	v7, _, _ =	vpop (xrf0)  }
0x24b: {  	(v2sf) =	vpush v7, $0xF;
	_ =	sdelay $0xc  }
0x24c: {  	s0 =	simm.s32 $0x0  }
0x24d: {  	v8 =	vld [tilespmem:s0+$0x0]  }
0x24e: {  	s23 =	spop (v2sf)  }
0x24f: {  	s31 =	sadd.f32 $-1.031250000e+00, s23;
	_ =	sdelay $0x1  }
0x250: {  	v7 =	vmov s31  }
0x251: {  	vm0 =	vgt.f32 v8, v7  }
0x252: {  	v9 =	vsel vm0, $0x1, v1  }
0x253: {  	(xrf0) =	vadd.scan.msk.s32 $0xffff, v9;
	_ =	sdelay $0x5  }
0x254: {  	v9, _, _ =	vpop (xrf0)  }
0x255: {  	(v2sf) =	vpush v9, $0xF  }
0x256: {  	s25 =	simm.s32 $0x80;
	s0 =	simm.s32 $0x10;
	[tilespmem:s24+$0x8000] =	vst.msk vm0, v8  }
.LBB2_66:
0x257: {  	p0 =	sne.s32 s25, $0x1FFC0;
	v8 =	vld [tilespmem:s0+$0x0];
	_ =	sdelay $0x4  }
0x258: {  	vm0 =	vgt.f32 v8, v7  }
0x259: {  	v9 =	vsel vm0, $0x1, v1  }
0x25a: {  	(xrf0) =	vadd.scan.msk.s32 $0xffff, v9;
	_ =	sdelay $0x3  }
.Ltmp59:
0x25b: {  	(pc) =	sbr.rel @p0 .LBB2_66-.Ltmp59, $4  }
0x25c: {  	_ = 	snop  }
0x25d: {  	v9, _, _ =	vpop (xrf0);
	s0 =	spop (v2sf)  }
0x25e: {  	(v2sf) =	vpush v9, $0xF;
	s24 =	sadd.s32 s24, s0  }
0x25f: {  	s0 =	sshra.s32 s25, $0x2;
	s25 =	sadd.s32 $0x40, s25;
	[tilespmem:s24+$0x8000] =	vst.msk vm0, v8  }
0x260: {  	v8 =	vld [tilespmem:s0+$0x0];
	_ =	sdelay $0x4  }
0x261: {  	vm0 =	vgt.f32 v8, v7  }
0x262: {  	v7 =	vsel vm0, $0x1, v1  }
0x263: {  	(xrf0) =	vadd.scan.msk.s32 $0xffff, v7;
	_ =	sdelay $0x5  }
0x264: {  	v7, _, _ =	vpop (xrf0)  }
0x265: {  	(v2sf) =	vpush v7, $0xF;
	_ =	sdelay $0xd  }
0x266: {  	s30 =	spop (v2sf)  }
0x267: {  	s2 =	sadd.s32 s24, s30;
	s31 =	spop (v2sf)  }
0x268: {  	s0 =	sadd.s32 s2, s31  }
0x269: {  	p0 =	sge.s32 s0, s22  }
.Ltmp60:
0x26a: {  	_ = 	snop;
	(pc) =	sbr.rel @p0 .LBB2_71-.Ltmp60, $3  }
0x26b: {  	_ =	sdelay $0x1  }
0x26c: {  	[tilespmem:s2+$0x8000] =	vst.msk vm0, v8  }
0x26d: {  	s24 =	simm.f32 $1.031250000e+00;
	[tilespmem:s0+$0x8000] =	vst v0  }
.LBB2_68:
0x26e: {  	p0 =	slt.f32 s24, $1.600000000e+01  }
0x26f: {  	s0 =	simm.f32 $1.500000000e+00  }
0x270: {  	s2 =	simm.s32 $0x0;
	s0 =	simm.s32 @!p0 $0x43800000  }
0x271: {  	v8 =	vld [tilespmem:s2+$0x0];
	s24 =	smul.f32 s0, s24;
	_ =	sdelay $0x1  }
0x272: {  	s0 =	ssub.f32 s23, s24;
	_ =	sdelay $0x1  }
0x273: {  	v7 =	vmov s0  }
0x274: {  	vm0 =	vgt.f32 v8, v7  }
0x275: {  	v9 =	vsel vm0, $0x1, v1  }
0x276: {  	(xrf0) =	vadd.scan.msk.s32 $0xffff, v9;
	_ =	sdelay $0x5  }
0x277: {  	v9, _, _ =	vpop (xrf0)  }
0x278: {  	s25 =	simm.s32 $0x0;
	(v2sf) =	vpush v9, $0xF  }
0x279: {  	s26 =	simm.s32 $0x80;
	s0 =	simm.s32 $0x10;
	[tilespmem:s25+$0x8000] =	vst.msk vm0, v8  }
.LBB2_69:
0x27a: {  	p0 =	sne.s32 s26, $0x1FFC0;
	v8 =	vld [tilespmem:s0+$0x0];
	_ =	sdelay $0x4  }
0x27b: {  	vm0 =	vgt.f32 v8, v7  }
0x27c: {  	v9 =	vsel vm0, $0x1, v1  }
0x27d: {  	(xrf0) =	vadd.scan.msk.s32 $0xffff, v9;
	_ =	sdelay $0x3  }
.Ltmp61:
0x27e: {  	(pc) =	sbr.rel @p0 .LBB2_69-.Ltmp61, $4  }
0x27f: {  	_ = 	snop  }
0x280: {  	v9, _, _ =	vpop (xrf0);
	s0 =	spop (v2sf)  }
0x281: {  	(v2sf) =	vpush v9, $0xF;
	s25 =	sadd.s32 s25, s0  }
0x282: {  	s0 =	sshra.s32 s26, $0x2;
	s26 =	sadd.s32 $0x40, s26;
	[tilespmem:s25+$0x8000] =	vst.msk vm0, v8  }
0x283: {  	v8 =	vld [tilespmem:s0+$0x0];
	_ =	sdelay $0x4  }
0x284: {  	vm0 =	vgt.f32 v8, v7  }
0x285: {  	v7 =	vsel vm0, $0x1, v1  }
0x286: {  	(xrf0) =	vadd.scan.msk.s32 $0xffff, v7;
	_ =	sdelay $0x5  }
0x287: {  	v7, _, _ =	vpop (xrf0)  }
0x288: {  	(v2sf) =	vpush v7, $0xF;
	_ =	sdelay $0xd  }
0x289: {  	s30 =	spop (v2sf)  }
0x28a: {  	s2 =	sadd.s32 s25, s30;
	s31 =	spop (v2sf)  }
0x28b: {  	s0 =	sadd.s32 s2, s31  }
0x28c: {  	p0 =	slt.s32 s0, s22  }
.Ltmp62:
0x28d: {  	_ = 	snop;
	(pc) =	sbr.rel @p0 .LBB2_68-.Ltmp62, $3  }
0x28e: {  	_ =	sdelay $0x1  }
0x28f: {  	[tilespmem:s2+$0x8000] =	vst.msk vm0, v8  }
0x290: {  	[tilespmem:s0+$0x8000] =	vst v0  }
.LBB2_71:
0x291: {  	[tilespmem:$0x11100] =	vst v2  }
0x292: {  	[tilespmem:$0x11110] =	vst v2  }
0x293: {  	[tilespmem:$0x11120] =	vst v2  }
0x294: {  	[tilespmem:$0x11130] =	vst v2  }
0x295: {  	[tilespmem:$0x11140] =	vst v2  }
0x296: {  	[tilespmem:$0x11150] =	vst v2  }
0x297: {  	[tilespmem:$0x11160] =	vst v2  }
0x298: {  	[tilespmem:$0x11170] =	vst v2  }
0x299: {  	[tilespmem:$0x11180] =	vst v2  }
0x29a: {  	[tilespmem:$0x11190] =	vst v2  }
0x29b: {  	[tilespmem:$0x111A0] =	vst v2;
	s0 =	sadd.s32 $0xF, s0  }
.Ltmp63:
0x29c: {  	[tilespmem:$0x111B0] =	vst v2;
	s23 =	sshra.s32 s0, $0x4;
	(pc) =	sbr.rel .LBB2_72-.Ltmp63, $4  }
0x29d: {  	[tilespmem:$0x111C0] =	vst v2;
	p0 =	slt.s32 s23, $0x1  }
0x29e: {  	[tilespmem:$0x111D0] =	vst v2;
	s0 =	simm.s32 @!p0 $0x0  }
0x29f: {  	[tilespmem:$0x111E0] =	vst v2;
	s0 =	simm.s32 @p0 $0x1  }
0x2a0: {  	[tilespmem:$0x111F0] =	vst v2;
	s25 =	simm.s32 $0x0;
	s24 =	simm.f32 $0.0e+00;
	[smem:$0x7FB] =	sst s0  }
.LBB2_73:
0x2a1: {  	_ = 	snop  }
0x2a2: {  	s26 =	smov.u32 s25;
	s29 =	simm.s32 $0x0;
	s28 =	smov.u32 s14  }
.LBB2_95:
0x2a3: {  	p0 =	slt.s32 s26, s22  }
.Ltmp64:
0x2a4: {  	s0 =	scvt.s32.f32 s29;
	(pc) =	sbr.rel @!p0 .LBB2_96-.Ltmp64, $3  }
0x2a5: {  	_ = 	snop  }
0x2a6: {  	s0 =	smul.f32 s0, s28;
	_ =	sdelay $0x1  }
0x2a7: {  	s25 =	smov.u32 s26;
	s24 =	sadd.f32 s0, s24  }
.LBB2_72:
0x2a8: {  	s0 =	sld [smem:$0x7FB];
	_ =	sdelay $0x2  }
0x2a9: {  	p0 =	seq.s32 s0, $0x1  }
.Ltmp65:
0x2aa: {  	_ = 	snop;
	(pc) =	sbr.rel @p0 .LBB2_73-.Ltmp65, $1  }
0x2ab: {  	_ =	sdelay $0x3  }
0x2ac: {  	p0 =	sne.s32 s23, $0x1  }
.Ltmp66:
0x2ad: {  	_ = 	snop;
	(pc) =	sbr.rel @!p0 .LBB2_76-.Ltmp66, $3  }
0x2ae: {  	_ =	sdelay $0x1  }
0x2af: {  	s26 =	simm.s32 $0x8000  }
0x2b0: {  	v7 =	vimm.f32 $-3.000000010e+38;
	s0 =	sadd.s32 $0xFFFFFFFF, s23;
	s28 =	simm.s32 $0x8000;
	v8 =	vld [tilespmem:s26+$0x0]  }
.LBB2_75:
0x2b1: {  	p1 =	sne.s32 s0, $0x1  }
.Ltmp67:
0x2b2: {  	_ = 	snop;
	(pc) =	sbr.rel @p1 .LBB2_75-.Ltmp67, $3  }
0x2b3: {  	_ =	sdelay $0x1  }
0x2b4: {  	s0 =	sadd.s32 $0xFFFFFFFF, s0;
	s28 =	sadd.s32 $0x10, s28;
	v7 =	vmax.f32 v7, v8  }
0x2b5: {  	v8 =	vld [tilespmem:s28+$0x0]  }
.LBB2_76:
0x2b6: {  	_ =	sdelay $0x3  }
0x2b7: {  	v7 =	vmax.f32 v7, v8  }
0x2b8: {  	(xrf0) =	vmax.scan.msk.f32 $0xffff, v7;
	_ =	sdelay $0x5  }
0x2b9: {  	v7, _, _ =	vpop (xrf0)  }
0x2ba: {  	(v2sf) =	vpush v7, $0xF;
	_ =	sdelay $0xa  }
.Ltmp68:
0x2bb: {  	_ = 	snop;
	(pc) =	sbr.rel @!p0 .LBB2_77-.Ltmp68, $4  }
0x2bc: {  	_ = 	snop  }
0x2bd: {  	s29 =	simm.s32 $0x0;
	s0 =	sadd.s32 $0xFFFFFFFF, s23;
	p1 =	por $0x0, $0x0  }
0x2be: {  	p2 =	por $0x0, $0x0;
	p3 =	por $0x0, $0x0;
	p4 =	por $0x0, $0x0  }
0x2bf: {  	p5 =	por $0x0, $0x0;
	p6 =	por $0x0, $0x0;
	v7 =	vbroadcast v7, $0xF;
	s28 =	spop (v2sf)  }
0x2c0: {  	p0 =	sne.s32 s0, $0x1  }
.Ltmp69:
0x2c1: {  	_ = 	snop;
	(pc) =	sbr.rel @!p0 .LBB2_79-.Ltmp69, $2  }
0x2c2: {  	_ =	sdelay $0x2  }
0x2c3: {  	s0 =	sadd.s32 $0xFFFFFFFF, s0;
	p1 =	por $0x1, $0x1  }
0x2c4: {  	p0 =	sne.s32 s0, $0x1  }
.Ltmp70:
0x2c5: {  	_ = 	snop;
	(pc) =	sbr.rel @!p0 .LBB2_81-.Ltmp70, $2  }
0x2c6: {  	_ =	sdelay $0x2  }
0x2c7: {  	s0 =	sadd.s32 $0xFFFFFFFF, s0;
	p2 =	por $0x1, $0x1  }
0x2c8: {  	p0 =	sne.s32 s0, $0x1  }
.Ltmp71:
0x2c9: {  	_ = 	snop;
	(pc) =	sbr.rel @!p0 .LBB2_83-.Ltmp71, $2  }
0x2ca: {  	_ =	sdelay $0x2  }
0x2cb: {  	v9 =	vld [tilespmem:s26+$0x0];
	s0 =	sadd.s32 $0xFFFFFFFF, s0;
	p3 =	por $0x1, $0x1  }
0x2cc: {  	_ =	sdelay $0x1  }
0x2cd: {  	p0 =	sne.s32 s0, $0x1  }
.Ltmp72:
0x2ce: {  	_ = 	snop;
	(pc) =	sbr.rel @!p0 .LBB2_85-.Ltmp72, $4  }
0x2cf: {  	vm0 =	veq.f32 v9, v7  }
0x2d0: {  	v8 =	vsel vm0, $0xFF61B1E6, v9  }
0x2d1: {  	s31 =	simm.s32 $0x8010;
	v9 =	vsel vm0, $0x1, v1;
	[tilespmem:s26+$0x0] =	vst v8  }
0x2d2: {  	s0 =	sadd.s32 $0xFFFFFFFF, s0;
	p4 =	por $0x1, $0x1;
	(xrf0) =	vadd.scan.msk.s32 $0xffff, v9;
	v8 =	vld [tilespmem:s31+$0x0]  }
0x2d3: {  	_ =	sdelay $0x3  }
0x2d4: {  	vm0 =	veq.f32 v8, v7  }
0x2d5: {  	v9 =	vsel vm0, $0xFF61B1E6, v8;
	_ =	sdelay $0x2  }
0x2d6: {  	[tilespmem:s31+$0x0] =	vst v9;
	v9, _, _ =	vpop (xrf0)  }
0x2d7: {  	(v2sf) =	vpush v9, $0xF;
	_ =	sdelay $0x5  }
0x2d8: {  	p0 =	sne.s32 s0, $0x1  }
.Ltmp73:
0x2d9: {  	_ = 	snop;
	(pc) =	sbr.rel @!p0 .LBB2_87-.Ltmp73, $3  }
0x2da: {  	_ =	sdelay $0x1  }
0x2db: {  	v10 =	vsel vm0, $0x1, v1;
	s31 =	simm.s32 $0x8020  }
0x2dc: {  	s0 =	sadd.s32 $0xFFFFFFFF, s0;
	p5 =	por $0x1, $0x1;
	(xrf0) =	vadd.scan.msk.s32 $0xffff, v10;
	v10 =	vld [tilespmem:s31+$0x0]  }
0x2dd: {  	_ =	sdelay $0x3  }
0x2de: {  	vm0 =	veq.f32 v10, v7  }
0x2df: {  	v9 =	vsel vm0, $0xFF61B1E6, v10;
	_ =	sdelay $0x2  }
0x2e0: {  	[tilespmem:s31+$0x0] =	vst v9;
	v9, _, _ =	vpop (xrf0)  }
0x2e1: {  	(v2sf) =	vpush v9, $0xF;
	_ =	sdelay $0x1  }
0x2e2: {  	p0 =	sne.s32 s0, $0x1  }
.Ltmp74:
0x2e3: {  	_ = 	snop;
	(pc) =	sbr.rel @!p0 .LBB2_89-.Ltmp74, $4  }
0x2e4: {  	v11 =	vsel vm0, $0x1, v1  }
0x2e5: {  	s31 =	simm.s32 $0x8030;
	(xrf0) =	vadd.scan.msk.s32 $0xffff, v11  }
0x2e6: {  	v9 =	vld [tilespmem:s31+$0x0]  }
0x2e7: {  	s0 =	sadd.s32 $0xFFFFFFFF, s0;
	p6 =	por $0x1, $0x1;
	s30 =	simm.s32 $0x0  }
.LBB2_90:
0x2e8: {  	p0 =	sne.s32 s0, $0x1;
	_ =	sdelay $0x2  }
.Ltmp75:
0x2e9: {  	vm0 =	veq.f32 v9, v7;
	v11, _, _ =	vpop (xrf0);
	s2 =	spop (v2sf);
	(pc) =	sbr.rel @p0 .LBB2_90-.Ltmp75, $4  }
0x2ea: {  	v9 =	vsel vm0, $0xFF61B1E6, v9;
	v12 =	vsel vm0, $0x1, v1;
	(v2sf) =	vpush v11, $0xF;
	s30 =	sadd.s32 s30, s2  }
0x2eb: {  	[tilespmem:s31+$0x0] =	vst v9;
	s31 =	sadd.s32 $0x10, s31;
	(xrf0) =	vadd.scan.msk.s32 $0xffff, v12  }
0x2ec: {  	v9 =	vld [tilespmem:s31+$0x0]  }
0x2ed: {  	s0 =	sadd.s32 $0xFFFFFFFF, s0  }
.LBB2_91:
0x2ee: {  	_ =	sdelay $0x2  }
0x2ef: {  	vm0 =	veq.f32 @p3 v9, v7  }
0x2f0: {  	s0 =	sadd.s32 @p3 $0x10, s31;
	s2 =	simm.s32 $0x8000;
	v9 =	vsel @p3 vm0, $0xFF61B1E6, v9  }
0x2f1: {  	s2 =	smov.u32 @p3 s0;
	[tilespmem:s31+$0x0] =	vst @p3 v9  }
0x2f2: {  	v9 =	vld @p2 [tilespmem:s2+$0x0];
	_ =	sdelay $0x4  }
0x2f3: {  	v9 =	vpsel p2, v9, v10  }
0x2f4: {  	vm1 =	veq.f32 @p2 v9, v7  }
0x2f5: {  	s0 =	sadd.s32 @p2 $0x10, s2;
	s31 =	simm.s32 $0x8000;
	v9 =	vsel @p2 vm1, $0xFF61B1E6, v9  }
0x2f6: {  	s31 =	smov.u32 @p2 s0;
	[tilespmem:s2+$0x0] =	vst @p2 v9  }
0x2f7: {  	v9 =	vld @p1 [tilespmem:s31+$0x0];
	_ =	sdelay $0x4  }
0x2f8: {  	v8 =	vpsel p1, v9, v8  }
0x2f9: {  	vm2 =	veq.f32 @p1 v8, v7  }
0x2fa: {  	s0 =	sadd.s32 @p1 $0x10, s31;
	v8 =	vsel @p1 vm2, $0xFF61B1E6, v8  }
0x2fb: {  	s26 =	smov.u32 @p1 s0;
	[tilespmem:s31+$0x0] =	vst @p1 v8  }
0x2fc: {  	v8 =	vsel @p3 vm0, $0x1, v1;
	v63 =	vld [tilespmem:s26+$0x0]  }
0x2fd: {  	(xrf0) =	vadd.scan.msk.s32 @p3 $0xffff, v8  }
0x2fe: {  	v8 =	vsel @p2 vm1, $0x1, v1  }
0x2ff: {  	(xrf0) =	vadd.scan.msk.s32 @p2 $0xffff, v8  }
0x300: {  	v8 =	vsel @p1 vm2, $0x1, v1  }
0x301: {  	v10, _, _ =	vpop @p4 (xrf0);
	(xrf0) =	vadd.scan.msk.s32 @p1 $0xffff, v8;
	vm15 =	veq.f32 v63, v7  }
0x302: {  	(v2sf) =	vpush @p4 v10, $0xF;
	v7 =	vsel vm15, $0x1, v1  }
0x303: {  	v8, _, _ =	vpop @p3 (xrf0);
	(xrf0) =	vadd.scan.msk.s32 $0xffff, v7  }
0x304: {  	(v2sf) =	vpush @p3 v8, $0xF  }
0x305: {  	v7, _, _ =	vpop @p2 (xrf0)  }
0x306: {  	(v2sf) =	vpush @p2 v7, $0xF  }
0x307: {  	v7, _, _ =	vpop @p1 (xrf0)  }
0x308: {  	(v2sf) =	vpush @p1 v7, $0xF  }
0x309: {  	v7, _, _ =	vpop (xrf0)  }
0x30a: {  	(v2sf) =	vpush v7, $0xF;
	_ =	sdelay $0x2  }
0x30b: {  	s0 =	spop @p6 (v2sf)  }
0x30c: {  	s0 =	sadd.s32 @p6 s30, s0;
	s2 =	simm.s32 $0x0  }
0x30d: {  	s30 =	spop @p5 (v2sf);
	s2 =	smov.u32 @p6 s0  }
0x30e: {  	s0 =	sadd.s32 @p5 s2, s30;
	s2 =	simm.s32 $0x0  }
0x30f: {  	s2 =	smov.u32 @p5 s0;
	s30 =	spop @p4 (v2sf)  }
0x310: {  	s0 =	sadd.s32 @p4 s2, s30;
	s2 =	simm.s32 $0x0  }
0x311: {  	s2 =	smov.u32 @p4 s0;
	s30 =	spop @p3 (v2sf)  }
0x312: {  	s0 =	sadd.s32 @p3 s2, s30;
	s2 =	simm.s32 $0x0  }
0x313: {  	s2 =	smov.u32 @p3 s0;
	s30 =	spop @p2 (v2sf)  }
0x314: {  	s0 =	sadd.s32 @p2 s2, s30;
	s2 =	simm.s32 $0x0  }
0x315: {  	s2 =	smov.u32 @p2 s0;
	s0 =	spop @p1 (v2sf)  }
0x316: {  	s0 =	sadd.s32 @p1 s2, s0  }
0x317: {  	s29 =	smov.u32 @p1 s0;
	s31 =	spop (v2sf)  }
0x318: {  	s29 =	sadd.s32 s29, s31  }
0x319: {  	s0 =	sadd.s32 $0xF, s29  }
0x31a: {  	s0 =	sshra.s32 s0, $0x4  }
0x31b: {  	p0 =	slt.s32 s0, $0x1  }
.Ltmp76:
0x31c: {  	_ = 	snop;
	(pc) =	sbr.rel @p0 .LBB2_95-.Ltmp76, $3  }
0x31d: {  	_ =	sdelay $0x1  }
0x31e: {  	v7 =	vsel vm15, $0xFF61B1E6, v63  }
0x31f: {  	s28 =	smul.f32 s28, s28;
	[tilespmem:s26+$0x0] =	vst v7;
	s26 =	sadd.s32 s25, s29  }
0x320: {  	v7 =	vmov s25  }
0x321: {  	v7 =	vsub.s32 $0x1, v7  }
0x322: {  	v7 =	vbroadcast v7, $0x0  }
0x323: {  	v8 =	vadd.s32 s25, v3;
	p0 =	slt.s32 s26, s22;
	s2 =	smov.u32 s22  }
0x324: {  	s2 =	smov.u32 @p0 s26;
	p0 =	sne.s32 s0, $0x1;
	v9 =	vadd.s32 v8, v7  }
.Ltmp77:
0x325: {  	v12 =	vcvt.s32.f32 v9;
	v9 =	vmov s2;
	(pc) =	sbr.rel @!p0 .LBB2_94-.Ltmp77, $4  }
0x326: {  	vm0 =	vlt.s32 v8, v9  }
0x327: {  	v10 =	vmov s28  }
0x328: {  	v12 =	vmul.f32 v12, v10  }
0x329: {  	v11 =	vmov s24;
	s25 =	sadd.s32 $0x10, s25;
	s0 =	sadd.s32 $0xFFFFFFFF, s0  }
.LBB2_93:
0x32a: {  	v13 =	vadd.s32 s25, v3;
	p0 =	sne.s32 s0, $0x1;
	s0 =	sadd.s32 $0xFFFFFFFF, s0;
	v12 =	vadd.f32 v12, v11  }
.Ltmp78:
0x32b: {  	v14 =	vadd.s32 v13, v7;
	(pc) =	sbr.rel @p0 .LBB2_93-.Ltmp78, $3  }
0x32c: {  	v14 =	vcvt.s32.f32 v14;
	[tilespmem:v8+s20+$0x0] =	vst.idx.msk vm0, v12;
	vm0 =	vlt.s32 v13, v9;
	v8 =	vmov v13;
	_ =	sdelay $0x1  }
0x32d: {  	v12 =	vmul.f32 v14, v10  }
0x32e: {  	s25 =	sadd.s32 $0x10, s25  }
.LBB2_94:
0x32f: {  	_ = 	snop  }
.Ltmp79:
0x330: {  	_ = 	snop;
	(pc) =	sbr.rel .LBB2_95-.Ltmp79, $3  }
0x331: {  	_ = 	snop  }
0x332: {  	v7 =	vadd.f32 v12, v11;
	_ =	sdelay $0x1  }
0x333: {  	[tilespmem:v8+s20+$0x0] =	vst.idx.msk vm0, v7  }
.LBB2_77:
.Ltmp80:
0x334: {  	(pc) =	sbr.rel .LBB2_91-.Ltmp80, $2  }
0x335: {  	_ =	sdelay $0x2  }
0x336: {  	s30 =	simm.s32 $0x0;
	s31 =	simm.s32 $0x8000  }
.LBB2_79:
.Ltmp81:
0x337: {  	(pc) =	sbr.rel .LBB2_91-.Ltmp81, $2  }
0x338: {  	_ =	sdelay $0x2  }
0x339: {  	s30 =	simm.s32 $0x0;
	s31 =	simm.s32 $0x8000  }
.LBB2_81:
.Ltmp82:
0x33a: {  	(pc) =	sbr.rel .LBB2_91-.Ltmp82, $2  }
0x33b: {  	_ =	sdelay $0x2  }
0x33c: {  	s30 =	simm.s32 $0x0;
	s31 =	simm.s32 $0x8000  }
.LBB2_83:
.Ltmp83:
0x33d: {  	(pc) =	sbr.rel .LBB2_91-.Ltmp83, $2  }
0x33e: {  	_ =	sdelay $0x2  }
0x33f: {  	s30 =	simm.s32 $0x0;
	s31 =	simm.s32 $0x8000  }
.LBB2_85:
.Ltmp84:
0x340: {  	_ = 	snop;
	(pc) =	sbr.rel .LBB2_91-.Ltmp84, $2  }
0x341: {  	_ =	sdelay $0x2  }
0x342: {  	s30 =	simm.s32 $0x0;
	v9 =	vmov v8  }
.LBB2_87:
.Ltmp85:
0x343: {  	_ = 	snop;
	(pc) =	sbr.rel .LBB2_91-.Ltmp85, $2  }
0x344: {  	_ =	sdelay $0x2  }
0x345: {  	s30 =	simm.s32 $0x0;
	v9 =	vmov v10  }
.LBB2_89:
.Ltmp86:
0x346: {  	(pc) =	sbr.rel .LBB2_91-.Ltmp86, $2  }
0x347: {  	_ =	sdelay $0x2  }
0x348: {  	s30 =	simm.s32 $0x0  }
.LBB2_96:
0x349: {  	[hbm4b:s10+s18] =	stream.strided.scatter [tilespmem:s20], [sflag:$0x1], $0x100, s19, s18, $0x38;
	[tilespmem:$0x11200] =	vst v63  }
0x34a: {  	_ =	swait.ge [sflag:s16], $0x100  }
0x34b: {  	[sflag:s16] =	ssyncset.done $0x0  }
0x34c: {  	s24 =	simm.s32 $0x0;
	[sflag:s16] =	ssyncadd.s32 $0xFFFFFF00  }
0x34d: {  	[tilespmem:s24], [sflag:$0x1] =	stream.strided.gather [hbm4b:s11+s18], $0x8000, s19, s18, $0x38;
	[tilespmem:$0x11200] =	vst v63  }
0x34e: {  	_ =	swait.ge [sflag:s16], $0x8000  }
0x34f: {  	[sflag:s16] =	ssyncset.done $0x0  }
0x350: {  	[sflag:s16] =	ssyncadd.s32 $0xFFFF8000  }
0x351: {  	v7 =	vld.idx.msk [tilespmem:v6+s17+$0x0], $0xffff;
	_ =	sdelay $0x4  }
0x352: {  	(xrf0) =	vmax.scan.msk.f32 $0xffff, v7;
	_ =	sdelay $0x5  }
0x353: {  	v7, _, _ =	vpop (xrf0)  }
0x354: {  	(v2sf) =	vpush v7, $0xF;
	_ =	sdelay $0xc  }
0x355: {  	s0 =	simm.s32 $0x0  }
0x356: {  	v8 =	vld [tilespmem:s0+$0x0]  }
0x357: {  	s23 =	spop (v2sf)  }
0x358: {  	s31 =	sadd.f32 $-1.031250000e+00, s23;
	_ =	sdelay $0x1  }
0x359: {  	v7 =	vmov s31  }
0x35a: {  	vm0 =	vgt.f32 v8, v7  }
0x35b: {  	v9 =	vsel vm0, $0x1, v1  }
0x35c: {  	(xrf0) =	vadd.scan.msk.s32 $0xffff, v9;
	_ =	sdelay $0x5  }
0x35d: {  	v9, _, _ =	vpop (xrf0)  }
0x35e: {  	(v2sf) =	vpush v9, $0xF  }
0x35f: {  	s25 =	simm.s32 $0x80;
	s0 =	simm.s32 $0x10;
	[tilespmem:s24+$0x8000] =	vst.msk vm0, v8  }
.LBB2_97:
0x360: {  	p0 =	sne.s32 s25, $0x1FFC0;
	v8 =	vld [tilespmem:s0+$0x0];
	_ =	sdelay $0x4  }
0x361: {  	vm0 =	vgt.f32 v8, v7  }
0x362: {  	v9 =	vsel vm0, $0x1, v1  }
0x363: {  	(xrf0) =	vadd.scan.msk.s32 $0xffff, v9;
	_ =	sdelay $0x3  }
.Ltmp87:
0x364: {  	(pc) =	sbr.rel @p0 .LBB2_97-.Ltmp87, $4  }
0x365: {  	_ = 	snop  }
0x366: {  	v9, _, _ =	vpop (xrf0);
	s0 =	spop (v2sf)  }
0x367: {  	(v2sf) =	vpush v9, $0xF;
	s24 =	sadd.s32 s24, s0  }
0x368: {  	s0 =	sshra.s32 s25, $0x2;
	s25 =	sadd.s32 $0x40, s25;
	[tilespmem:s24+$0x8000] =	vst.msk vm0, v8  }
0x369: {  	v8 =	vld [tilespmem:s0+$0x0];
	_ =	sdelay $0x4  }
0x36a: {  	vm0 =	vgt.f32 v8, v7  }
0x36b: {  	v7 =	vsel vm0, $0x1, v1  }
0x36c: {  	(xrf0) =	vadd.scan.msk.s32 $0xffff, v7;
	_ =	sdelay $0x5  }
0x36d: {  	v7, _, _ =	vpop (xrf0)  }
0x36e: {  	(v2sf) =	vpush v7, $0xF;
	_ =	sdelay $0xd  }
0x36f: {  	s30 =	spop (v2sf)  }
0x370: {  	s2 =	sadd.s32 s24, s30;
	s31 =	spop (v2sf)  }
0x371: {  	s0 =	sadd.s32 s2, s31  }
0x372: {  	p0 =	sge.s32 s0, s22  }
.Ltmp88:
0x373: {  	_ = 	snop;
	(pc) =	sbr.rel @p0 .LBB2_102-.Ltmp88, $3  }
0x374: {  	_ =	sdelay $0x1  }
0x375: {  	[tilespmem:s2+$0x8000] =	vst.msk vm0, v8  }
0x376: {  	s24 =	simm.f32 $1.031250000e+00;
	[tilespmem:s0+$0x8000] =	vst v0  }
.LBB2_99:
0x377: {  	p0 =	slt.f32 s24, $1.600000000e+01  }
0x378: {  	s0 =	simm.f32 $1.500000000e+00  }
0x379: {  	s2 =	simm.s32 $0x0;
	s0 =	simm.s32 @!p0 $0x43800000  }
0x37a: {  	v8 =	vld [tilespmem:s2+$0x0];
	s24 =	smul.f32 s0, s24;
	_ =	sdelay $0x1  }
0x37b: {  	s0 =	ssub.f32 s23, s24;
	_ =	sdelay $0x1  }
0x37c: {  	v7 =	vmov s0  }
0x37d: {  	vm0 =	vgt.f32 v8, v7  }
0x37e: {  	v9 =	vsel vm0, $0x1, v1  }
0x37f: {  	(xrf0) =	vadd.scan.msk.s32 $0xffff, v9;
	_ =	sdelay $0x5  }
0x380: {  	v9, _, _ =	vpop (xrf0)  }
0x381: {  	s25 =	simm.s32 $0x0;
	(v2sf) =	vpush v9, $0xF  }
0x382: {  	s26 =	simm.s32 $0x80;
	s0 =	simm.s32 $0x10;
	[tilespmem:s25+$0x8000] =	vst.msk vm0, v8  }
.LBB2_100:
0x383: {  	p0 =	sne.s32 s26, $0x1FFC0;
	v8 =	vld [tilespmem:s0+$0x0];
	_ =	sdelay $0x4  }
0x384: {  	vm0 =	vgt.f32 v8, v7  }
0x385: {  	v9 =	vsel vm0, $0x1, v1  }
0x386: {  	(xrf0) =	vadd.scan.msk.s32 $0xffff, v9;
	_ =	sdelay $0x3  }
.Ltmp89:
0x387: {  	(pc) =	sbr.rel @p0 .LBB2_100-.Ltmp89, $4  }
0x388: {  	_ = 	snop  }
0x389: {  	v9, _, _ =	vpop (xrf0);
	s0 =	spop (v2sf)  }
0x38a: {  	(v2sf) =	vpush v9, $0xF;
	s25 =	sadd.s32 s25, s0  }
0x38b: {  	s0 =	sshra.s32 s26, $0x2;
	s26 =	sadd.s32 $0x40, s26;
	[tilespmem:s25+$0x8000] =	vst.msk vm0, v8  }
0x38c: {  	v8 =	vld [tilespmem:s0+$0x0];
	_ =	sdelay $0x4  }
0x38d: {  	vm0 =	vgt.f32 v8, v7  }
0x38e: {  	v7 =	vsel vm0, $0x1, v1  }
0x38f: {  	(xrf0) =	vadd.scan.msk.s32 $0xffff, v7;
	_ =	sdelay $0x5  }
0x390: {  	v7, _, _ =	vpop (xrf0)  }
0x391: {  	(v2sf) =	vpush v7, $0xF;
	_ =	sdelay $0xd  }
0x392: {  	s30 =	spop (v2sf)  }
0x393: {  	s2 =	sadd.s32 s25, s30;
	s31 =	spop (v2sf)  }
0x394: {  	s0 =	sadd.s32 s2, s31  }
0x395: {  	p0 =	slt.s32 s0, s22  }
.Ltmp90:
0x396: {  	_ = 	snop;
	(pc) =	sbr.rel @p0 .LBB2_99-.Ltmp90, $3  }
0x397: {  	_ =	sdelay $0x1  }
0x398: {  	[tilespmem:s2+$0x8000] =	vst.msk vm0, v8  }
0x399: {  	[tilespmem:s0+$0x8000] =	vst v0  }
.LBB2_102:
0x39a: {  	[tilespmem:$0x11100] =	vst v2  }
0x39b: {  	[tilespmem:$0x11110] =	vst v2  }
0x39c: {  	[tilespmem:$0x11120] =	vst v2  }
0x39d: {  	[tilespmem:$0x11130] =	vst v2  }
0x39e: {  	[tilespmem:$0x11140] =	vst v2  }
0x39f: {  	[tilespmem:$0x11150] =	vst v2  }
0x3a0: {  	[tilespmem:$0x11160] =	vst v2  }
0x3a1: {  	[tilespmem:$0x11170] =	vst v2  }
0x3a2: {  	[tilespmem:$0x11180] =	vst v2  }
0x3a3: {  	[tilespmem:$0x11190] =	vst v2  }
0x3a4: {  	[tilespmem:$0x111A0] =	vst v2;
	s0 =	sadd.s32 $0xF, s0  }
.Ltmp91:
0x3a5: {  	[tilespmem:$0x111B0] =	vst v2;
	s23 =	sshra.s32 s0, $0x4;
	(pc) =	sbr.rel .LBB2_103-.Ltmp91, $4  }
0x3a6: {  	[tilespmem:$0x111C0] =	vst v2;
	p0 =	slt.s32 s23, $0x1  }
0x3a7: {  	[tilespmem:$0x111D0] =	vst v2;
	s0 =	simm.s32 @!p0 $0x0  }
0x3a8: {  	[tilespmem:$0x111E0] =	vst v2;
	s0 =	simm.s32 @p0 $0x1  }
0x3a9: {  	[tilespmem:$0x111F0] =	vst v2;
	s25 =	simm.s32 $0x0;
	s24 =	simm.f32 $0.0e+00;
	[smem:$0x7FA] =	sst s0  }
.LBB2_104:
0x3aa: {  	_ = 	snop  }
0x3ab: {  	s26 =	smov.u32 s25;
	s29 =	simm.s32 $0x0;
	s28 =	smov.u32 s14  }
.LBB2_126:
0x3ac: {  	p0 =	slt.s32 s26, s22  }
.Ltmp92:
0x3ad: {  	s0 =	scvt.s32.f32 s29;
	(pc) =	sbr.rel @!p0 .LBB2_127-.Ltmp92, $3  }
0x3ae: {  	_ = 	snop  }
0x3af: {  	s0 =	smul.f32 s0, s28;
	_ =	sdelay $0x1  }
0x3b0: {  	s25 =	smov.u32 s26;
	s24 =	sadd.f32 s0, s24  }
.LBB2_103:
0x3b1: {  	s0 =	sld [smem:$0x7FA];
	_ =	sdelay $0x2  }
0x3b2: {  	p0 =	seq.s32 s0, $0x1  }
.Ltmp93:
0x3b3: {  	_ = 	snop;
	(pc) =	sbr.rel @p0 .LBB2_104-.Ltmp93, $1  }
0x3b4: {  	_ =	sdelay $0x3  }
0x3b5: {  	p0 =	sne.s32 s23, $0x1  }
.Ltmp94:
0x3b6: {  	_ = 	snop;
	(pc) =	sbr.rel @!p0 .LBB2_107-.Ltmp94, $3  }
0x3b7: {  	_ =	sdelay $0x1  }
0x3b8: {  	s26 =	simm.s32 $0x8000  }
0x3b9: {  	v7 =	vimm.f32 $-3.000000010e+38;
	s0 =	sadd.s32 $0xFFFFFFFF, s23;
	s28 =	simm.s32 $0x8000;
	v8 =	vld [tilespmem:s26+$0x0]  }
.LBB2_106:
0x3ba: {  	p1 =	sne.s32 s0, $0x1  }
.Ltmp95:
0x3bb: {  	_ = 	snop;
	(pc) =	sbr.rel @p1 .LBB2_106-.Ltmp95, $3  }
0x3bc: {  	_ =	sdelay $0x1  }
0x3bd: {  	s0 =	sadd.s32 $0xFFFFFFFF, s0;
	s28 =	sadd.s32 $0x10, s28;
	v7 =	vmax.f32 v7, v8  }
0x3be: {  	v8 =	vld [tilespmem:s28+$0x0]  }
.LBB2_107:
0x3bf: {  	_ =	sdelay $0x3  }
0x3c0: {  	v7 =	vmax.f32 v7, v8  }
0x3c1: {  	(xrf0) =	vmax.scan.msk.f32 $0xffff, v7;
	_ =	sdelay $0x5  }
0x3c2: {  	v7, _, _ =	vpop (xrf0)  }
0x3c3: {  	(v2sf) =	vpush v7, $0xF;
	_ =	sdelay $0xa  }
.Ltmp96:
0x3c4: {  	_ = 	snop;
	(pc) =	sbr.rel @!p0 .LBB2_108-.Ltmp96, $4  }
0x3c5: {  	_ = 	snop  }
0x3c6: {  	s29 =	simm.s32 $0x0;
	s0 =	sadd.s32 $0xFFFFFFFF, s23;
	p1 =	por $0x0, $0x0  }
0x3c7: {  	p2 =	por $0x0, $0x0;
	p3 =	por $0x0, $0x0;
	p4 =	por $0x0, $0x0  }
0x3c8: {  	p5 =	por $0x0, $0x0;
	p6 =	por $0x0, $0x0;
	v7 =	vbroadcast v7, $0xF;
	s28 =	spop (v2sf)  }
0x3c9: {  	p0 =	sne.s32 s0, $0x1  }
.Ltmp97:
0x3ca: {  	_ = 	snop;
	(pc) =	sbr.rel @!p0 .LBB2_110-.Ltmp97, $2  }
0x3cb: {  	_ =	sdelay $0x2  }
0x3cc: {  	s0 =	sadd.s32 $0xFFFFFFFF, s0;
	p1 =	por $0x1, $0x1  }
0x3cd: {  	p0 =	sne.s32 s0, $0x1  }
.Ltmp98:
0x3ce: {  	_ = 	snop;
	(pc) =	sbr.rel @!p0 .LBB2_112-.Ltmp98, $2  }
0x3cf: {  	_ =	sdelay $0x2  }
0x3d0: {  	s0 =	sadd.s32 $0xFFFFFFFF, s0;
	p2 =	por $0x1, $0x1  }
0x3d1: {  	p0 =	sne.s32 s0, $0x1  }
.Ltmp99:
0x3d2: {  	_ = 	snop;
	(pc) =	sbr.rel @!p0 .LBB2_114-.Ltmp99, $2  }
0x3d3: {  	_ =	sdelay $0x2  }
0x3d4: {  	v9 =	vld [tilespmem:s26+$0x0];
	s0 =	sadd.s32 $0xFFFFFFFF, s0;
	p3 =	por $0x1, $0x1  }
0x3d5: {  	_ =	sdelay $0x1  }
0x3d6: {  	p0 =	sne.s32 s0, $0x1  }
.Ltmp100:
0x3d7: {  	_ = 	snop;
	(pc) =	sbr.rel @!p0 .LBB2_116-.Ltmp100, $4  }
0x3d8: {  	vm0 =	veq.f32 v9, v7  }
0x3d9: {  	v8 =	vsel vm0, $0xFF61B1E6, v9  }
0x3da: {  	s31 =	simm.s32 $0x8010;
	v9 =	vsel vm0, $0x1, v1;
	[tilespmem:s26+$0x0] =	vst v8  }
0x3db: {  	s0 =	sadd.s32 $0xFFFFFFFF, s0;
	p4 =	por $0x1, $0x1;
	(xrf0) =	vadd.scan.msk.s32 $0xffff, v9;
	v8 =	vld [tilespmem:s31+$0x0]  }
0x3dc: {  	_ =	sdelay $0x3  }
0x3dd: {  	vm0 =	veq.f32 v8, v7  }
0x3de: {  	v9 =	vsel vm0, $0xFF61B1E6, v8;
	_ =	sdelay $0x2  }
0x3df: {  	[tilespmem:s31+$0x0] =	vst v9;
	v9, _, _ =	vpop (xrf0)  }
0x3e0: {  	(v2sf) =	vpush v9, $0xF;
	_ =	sdelay $0x5  }
0x3e1: {  	p0 =	sne.s32 s0, $0x1  }
.Ltmp101:
0x3e2: {  	_ = 	snop;
	(pc) =	sbr.rel @!p0 .LBB2_118-.Ltmp101, $3  }
0x3e3: {  	_ =	sdelay $0x1  }
0x3e4: {  	v10 =	vsel vm0, $0x1, v1;
	s31 =	simm.s32 $0x8020  }
0x3e5: {  	s0 =	sadd.s32 $0xFFFFFFFF, s0;
	p5 =	por $0x1, $0x1;
	(xrf0) =	vadd.scan.msk.s32 $0xffff, v10;
	v10 =	vld [tilespmem:s31+$0x0]  }
0x3e6: {  	_ =	sdelay $0x3  }
0x3e7: {  	vm0 =	veq.f32 v10, v7  }
0x3e8: {  	v9 =	vsel vm0, $0xFF61B1E6, v10;
	_ =	sdelay $0x2  }
0x3e9: {  	[tilespmem:s31+$0x0] =	vst v9;
	v9, _, _ =	vpop (xrf0)  }
0x3ea: {  	(v2sf) =	vpush v9, $0xF;
	_ =	sdelay $0x1  }
0x3eb: {  	p0 =	sne.s32 s0, $0x1  }
.Ltmp102:
0x3ec: {  	_ = 	snop;
	(pc) =	sbr.rel @!p0 .LBB2_120-.Ltmp102, $4  }
0x3ed: {  	v11 =	vsel vm0, $0x1, v1  }
0x3ee: {  	s31 =	simm.s32 $0x8030;
	(xrf0) =	vadd.scan.msk.s32 $0xffff, v11  }
0x3ef: {  	v9 =	vld [tilespmem:s31+$0x0]  }
0x3f0: {  	s0 =	sadd.s32 $0xFFFFFFFF, s0;
	p6 =	por $0x1, $0x1;
	s30 =	simm.s32 $0x0  }
.LBB2_121:
0x3f1: {  	p0 =	sne.s32 s0, $0x1;
	_ =	sdelay $0x2  }
.Ltmp103:
0x3f2: {  	vm0 =	veq.f32 v9, v7;
	v11, _, _ =	vpop (xrf0);
	s2 =	spop (v2sf);
	(pc) =	sbr.rel @p0 .LBB2_121-.Ltmp103, $4  }
0x3f3: {  	v9 =	vsel vm0, $0xFF61B1E6, v9;
	v12 =	vsel vm0, $0x1, v1;
	(v2sf) =	vpush v11, $0xF;
	s30 =	sadd.s32 s30, s2  }
0x3f4: {  	[tilespmem:s31+$0x0] =	vst v9;
	s31 =	sadd.s32 $0x10, s31;
	(xrf0) =	vadd.scan.msk.s32 $0xffff, v12  }
0x3f5: {  	v9 =	vld [tilespmem:s31+$0x0]  }
0x3f6: {  	s0 =	sadd.s32 $0xFFFFFFFF, s0  }
.LBB2_122:
0x3f7: {  	_ =	sdelay $0x2  }
0x3f8: {  	vm0 =	veq.f32 @p3 v9, v7  }
0x3f9: {  	s0 =	sadd.s32 @p3 $0x10, s31;
	s2 =	simm.s32 $0x8000;
	v9 =	vsel @p3 vm0, $0xFF61B1E6, v9  }
0x3fa: {  	s2 =	smov.u32 @p3 s0;
	[tilespmem:s31+$0x0] =	vst @p3 v9  }
0x3fb: {  	v9 =	vld @p2 [tilespmem:s2+$0x0];
	_ =	sdelay $0x4  }
0x3fc: {  	v9 =	vpsel p2, v9, v10  }
0x3fd: {  	vm1 =	veq.f32 @p2 v9, v7  }
0x3fe: {  	s0 =	sadd.s32 @p2 $0x10, s2;
	s31 =	simm.s32 $0x8000;
	v9 =	vsel @p2 vm1, $0xFF61B1E6, v9  }
0x3ff: {  	s31 =	smov.u32 @p2 s0;
	[tilespmem:s2+$0x0] =	vst @p2 v9  }
0x400: {  	v9 =	vld @p1 [tilespmem:s31+$0x0];
	_ =	sdelay $0x4  }
0x401: {  	v8 =	vpsel p1, v9, v8  }
0x402: {  	vm2 =	veq.f32 @p1 v8, v7  }
0x403: {  	s0 =	sadd.s32 @p1 $0x10, s31;
	v8 =	vsel @p1 vm2, $0xFF61B1E6, v8  }
0x404: {  	s26 =	smov.u32 @p1 s0;
	[tilespmem:s31+$0x0] =	vst @p1 v8  }
0x405: {  	v8 =	vsel @p3 vm0, $0x1, v1;
	v63 =	vld [tilespmem:s26+$0x0]  }
0x406: {  	(xrf0) =	vadd.scan.msk.s32 @p3 $0xffff, v8  }
0x407: {  	v8 =	vsel @p2 vm1, $0x1, v1  }
0x408: {  	(xrf0) =	vadd.scan.msk.s32 @p2 $0xffff, v8  }
0x409: {  	v8 =	vsel @p1 vm2, $0x1, v1  }
0x40a: {  	v10, _, _ =	vpop @p4 (xrf0);
	(xrf0) =	vadd.scan.msk.s32 @p1 $0xffff, v8;
	vm15 =	veq.f32 v63, v7  }
0x40b: {  	(v2sf) =	vpush @p4 v10, $0xF;
	v7 =	vsel vm15, $0x1, v1  }
0x40c: {  	v8, _, _ =	vpop @p3 (xrf0);
	(xrf0) =	vadd.scan.msk.s32 $0xffff, v7  }
0x40d: {  	(v2sf) =	vpush @p3 v8, $0xF  }
0x40e: {  	v7, _, _ =	vpop @p2 (xrf0)  }
0x40f: {  	(v2sf) =	vpush @p2 v7, $0xF  }
0x410: {  	v7, _, _ =	vpop @p1 (xrf0)  }
0x411: {  	(v2sf) =	vpush @p1 v7, $0xF  }
0x412: {  	v7, _, _ =	vpop (xrf0)  }
0x413: {  	(v2sf) =	vpush v7, $0xF;
	_ =	sdelay $0x2  }
0x414: {  	s0 =	spop @p6 (v2sf)  }
0x415: {  	s0 =	sadd.s32 @p6 s30, s0;
	s2 =	simm.s32 $0x0  }
0x416: {  	s30 =	spop @p5 (v2sf);
	s2 =	smov.u32 @p6 s0  }
0x417: {  	s0 =	sadd.s32 @p5 s2, s30;
	s2 =	simm.s32 $0x0  }
0x418: {  	s2 =	smov.u32 @p5 s0;
	s30 =	spop @p4 (v2sf)  }
0x419: {  	s0 =	sadd.s32 @p4 s2, s30;
	s2 =	simm.s32 $0x0  }
0x41a: {  	s2 =	smov.u32 @p4 s0;
	s30 =	spop @p3 (v2sf)  }
0x41b: {  	s0 =	sadd.s32 @p3 s2, s30;
	s2 =	simm.s32 $0x0  }
0x41c: {  	s2 =	smov.u32 @p3 s0;
	s30 =	spop @p2 (v2sf)  }
0x41d: {  	s0 =	sadd.s32 @p2 s2, s30;
	s2 =	simm.s32 $0x0  }
0x41e: {  	s2 =	smov.u32 @p2 s0;
	s0 =	spop @p1 (v2sf)  }
0x41f: {  	s0 =	sadd.s32 @p1 s2, s0  }
0x420: {  	s29 =	smov.u32 @p1 s0;
	s31 =	spop (v2sf)  }
0x421: {  	s29 =	sadd.s32 s29, s31  }
0x422: {  	s0 =	sadd.s32 $0xF, s29  }
0x423: {  	s0 =	sshra.s32 s0, $0x4  }
0x424: {  	p0 =	slt.s32 s0, $0x1  }
.Ltmp104:
0x425: {  	_ = 	snop;
	(pc) =	sbr.rel @p0 .LBB2_126-.Ltmp104, $3  }
0x426: {  	_ =	sdelay $0x1  }
0x427: {  	v7 =	vsel vm15, $0xFF61B1E6, v63  }
0x428: {  	s28 =	smul.f32 s28, s28;
	[tilespmem:s26+$0x0] =	vst v7;
	s26 =	sadd.s32 s25, s29  }
0x429: {  	v7 =	vmov s25  }
0x42a: {  	v7 =	vsub.s32 $0x1, v7  }
0x42b: {  	v7 =	vbroadcast v7, $0x0  }
0x42c: {  	v8 =	vadd.s32 s25, v3;
	p0 =	slt.s32 s26, s22;
	s2 =	smov.u32 s22  }
0x42d: {  	s2 =	smov.u32 @p0 s26;
	p0 =	sne.s32 s0, $0x1;
	v9 =	vadd.s32 v8, v7  }
.Ltmp105:
0x42e: {  	v12 =	vcvt.s32.f32 v9;
	v9 =	vmov s2;
	(pc) =	sbr.rel @!p0 .LBB2_125-.Ltmp105, $4  }
0x42f: {  	vm0 =	vlt.s32 v8, v9  }
0x430: {  	v10 =	vmov s28  }
0x431: {  	v12 =	vmul.f32 v12, v10  }
0x432: {  	v11 =	vmov s24;
	s25 =	sadd.s32 $0x10, s25;
	s0 =	sadd.s32 $0xFFFFFFFF, s0  }
.LBB2_124:
0x433: {  	v13 =	vadd.s32 s25, v3;
	p0 =	sne.s32 s0, $0x1;
	s0 =	sadd.s32 $0xFFFFFFFF, s0;
	v12 =	vadd.f32 v12, v11  }
.Ltmp106:
0x434: {  	v14 =	vadd.s32 v13, v7;
	(pc) =	sbr.rel @p0 .LBB2_124-.Ltmp106, $3  }
0x435: {  	v14 =	vcvt.s32.f32 v14;
	[tilespmem:v8+s20+$0x0] =	vst.idx.msk vm0, v12;
	vm0 =	vlt.s32 v13, v9;
	v8 =	vmov v13;
	_ =	sdelay $0x1  }
0x436: {  	v12 =	vmul.f32 v14, v10  }
0x437: {  	s25 =	sadd.s32 $0x10, s25  }
.LBB2_125:
0x438: {  	_ = 	snop  }
.Ltmp107:
0x439: {  	_ = 	snop;
	(pc) =	sbr.rel .LBB2_126-.Ltmp107, $3  }
0x43a: {  	_ = 	snop  }
0x43b: {  	v7 =	vadd.f32 v12, v11;
	_ =	sdelay $0x1  }
0x43c: {  	[tilespmem:v8+s20+$0x0] =	vst.idx.msk vm0, v7  }
.LBB2_108:
.Ltmp108:
0x43d: {  	(pc) =	sbr.rel .LBB2_122-.Ltmp108, $2  }
0x43e: {  	_ =	sdelay $0x2  }
0x43f: {  	s30 =	simm.s32 $0x0;
	s31 =	simm.s32 $0x8000  }
.LBB2_110:
.Ltmp109:
0x440: {  	(pc) =	sbr.rel .LBB2_122-.Ltmp109, $2  }
0x441: {  	_ =	sdelay $0x2  }
0x442: {  	s30 =	simm.s32 $0x0;
	s31 =	simm.s32 $0x8000  }
.LBB2_112:
.Ltmp110:
0x443: {  	(pc) =	sbr.rel .LBB2_122-.Ltmp110, $2  }
0x444: {  	_ =	sdelay $0x2  }
0x445: {  	s30 =	simm.s32 $0x0;
	s31 =	simm.s32 $0x8000  }
.LBB2_114:
.Ltmp111:
0x446: {  	(pc) =	sbr.rel .LBB2_122-.Ltmp111, $2  }
0x447: {  	_ =	sdelay $0x2  }
0x448: {  	s30 =	simm.s32 $0x0;
	s31 =	simm.s32 $0x8000  }
.LBB2_116:
.Ltmp112:
0x449: {  	_ = 	snop;
	(pc) =	sbr.rel .LBB2_122-.Ltmp112, $2  }
0x44a: {  	_ =	sdelay $0x2  }
0x44b: {  	s30 =	simm.s32 $0x0;
	v9 =	vmov v8  }
.LBB2_118:
.Ltmp113:
0x44c: {  	_ = 	snop;
	(pc) =	sbr.rel .LBB2_122-.Ltmp113, $2  }
0x44d: {  	_ =	sdelay $0x2  }
0x44e: {  	s30 =	simm.s32 $0x0;
	v9 =	vmov v10  }
.LBB2_120:
.Ltmp114:
0x44f: {  	(pc) =	sbr.rel .LBB2_122-.Ltmp114, $2  }
0x450: {  	_ =	sdelay $0x2  }
0x451: {  	s30 =	simm.s32 $0x0  }
.LBB2_128:
0x452: {  	_ =	sfence.sel $0x180000  }
0x453: {  	[bflag:$0x0] =	sbarrier.arrive $0xFFFF  }
0x454: {  	_ =	strace $0x9000004A  }
0x455: {  	s0 =	stileid.u32;
	[bflag:$0x2] =	sbarrier.arrive $0xFFFF  }
0x456: {  	p0 =	sne.s32 s0, $0x0;
	s0 =	rddreg [dreg:$0x2]  }
0x457: {  	s0 =	sadd.s32 @!p0 $0x100000, s0  }
0x458: {  	[sflag:s0] =	ssyncadd.tile.s32 @!p0 $0x1;
	_ =	shalt  }
.Lfunc_end2:
_tile_overlayer_lowered:
.L_overlay_start_2:
0x459: {  	(tag) =	ssettag $0x2  }
0x45a: {  	s0 =	rddreg [dreg:$0x0];
	s2 =	stileid.u32  }
0x45b: {  	s1 =	rddreg [dreg:$0x1];
	p0 =	sne.s32 s2, $0x0  }
0x45c: {  	s3 =	rddreg [dreg:$0x2];
	[bflag:$0x3] =	sbarrier.arrive $0xFFFF;
	s2 =	simm.s32 @!p0 $0x1C01  }
0x45d: {  	[timem:s3], [sflag:s2] =	dma.local @!p0 [hbm:s0], s1  }
0x45e: {  	s0 =	simm.s32 @!p0 $0x1  }
0x45f: {  	_ =	swait.ge @!p0 [sflag:s0], s1  }
0x460: {  	s1 =	ssub.s32 @!p0 $0x0, s1;
	[sflag:s0] =	ssyncset.done @!p0 $0x0  }
0x461: {  	[sflag:s0] =	ssyncadd.s32 @!p0 s1  }
0x462: {  	[bflag:$0x3] =	sbarrier.arrive $0xFFFF  }
0x463: {  	_ =	shalt  }

</sc_bundles>
